<compile_context>
chip_gen: v7x
topology: tpu7x:2x2x1
jax: 0.10.2.dev20260603
libtpu: 0.0.44.dev20260713+nightly
codegen_flags: <defaults>
</compile_context>

<pallas_src>
import functools

import jax
import jax.numpy as jnp
from jax import lax
from jax.experimental import pallas as pl
from jax.experimental.pallas import tpu as pltpu
from jax.experimental.pallas import tpu_sc as plsc

N = 10000
F = 128
H = 64
C = 40
NC, NS, L = 2, 16, 16
NW = NC * NS
K = 128
SINK = 10008
N_ACC = 10016
ZROWS = N_ACC // NS
OROWS = 624
TAIL = N - NS * OROWS
BN = 1000


def _mesh():
    return plsc.VectorSubcoreMesh(core_axis_name="c", subcore_axis_name="s")


_SC_PARAMS = pltpu.CompilerParams(use_tc_tiling_on_sc=False)


@functools.lru_cache(maxsize=None)
def _make_deg(CH1, CH2):
    @functools.partial(
        pl.kernel,
        out_type=(jax.ShapeDtypeStruct((NC * N, L), jnp.float32),
                  jax.ShapeDtypeStruct((NC * N, L), jnp.float32)),
        mesh=_mesh(),
        scratch_types=[
            pltpu.VMEM((CH1, K), jnp.int32),
            pltpu.VMEM((CH2, K), jnp.int32),
            pltpu.VMEM((K, L), jnp.float32),
            pltpu.VMEM_SHARED((N_ACC, L), jnp.float32),
            pltpu.VMEM_SHARED((N_ACC, L), jnp.float32),
        ],
        compiler_params=_SC_PARAMS,
    )
    def deg_kernel(col1_hbm, col2_hbm, ones_hbm, z_hbm,
                   out1, out2, idx1_v, idx2_v, ones_v, acc1, acc2):
        c = lax.axis_index("c")
        s = lax.axis_index("s")
        t = c * NS + s
        pltpu.sync_copy(ones_hbm, ones_v)
        pltpu.sync_copy(col1_hbm.at[pl.ds(t * CH1, CH1)], idx1_v)
        pltpu.sync_copy(col2_hbm.at[pl.ds(t * CH2, CH2)], idx2_v)
        pltpu.sync_copy(z_hbm, acc1.at[pl.ds(s * ZROWS, ZROWS)])
        pltpu.sync_copy(z_hbm, acc2.at[pl.ds(s * ZROWS, ZROWS)])
        plsc.subcore_barrier()

        def body1(i, carry):
            pltpu.sync_copy(ones_v, acc1.at[idx1_v.at[i]], add=True)
            return carry

        lax.fori_loop(0, CH1, body1, 0)

        def body2(i, carry):
            pltpu.sync_copy(ones_v, acc2.at[idx2_v.at[i]], add=True)
            return carry

        lax.fori_loop(0, CH2, body2, 0)
        plsc.subcore_barrier()
        dst = pl.ds((c * N + s * OROWS), OROWS)
        pltpu.sync_copy(acc1.at[pl.ds(s * OROWS, OROWS)], out1.at[dst])
        pltpu.sync_copy(acc2.at[pl.ds(s * OROWS, OROWS)], out2.at[dst])

        @pl.when(s == NS - 1)
        def _tail():
            dst2 = pl.ds(c * N + NS * OROWS, TAIL)
            src2 = pl.ds(NS * OROWS, TAIL)
            pltpu.sync_copy(acc1.at[src2], out1.at[dst2])
            pltpu.sync_copy(acc2.at[src2], out2.at[dst2])

    return deg_kernel


@functools.lru_cache(maxsize=None)
def _make_spmm(S, D, CH0):
    CH1 = S - CH0
    single = CH1 == 0
    assert CH0 % 3 == 0 and CH1 % 3 == 0 and CH0 >= 3
    assert single or CH1 >= 3
    nparts = 1 if single else NC

    @functools.partial(
        pl.kernel,
        out_type=jax.ShapeDtypeStruct((nparts * N, D), jnp.float32),
        mesh=_mesh(),
        scratch_types=[
            [pltpu.VMEM((2, K), jnp.int32) for _ in range(3)],
            [pltpu.VMEM((K, D), jnp.float32) for _ in range(3)],
            pltpu.VMEM_SHARED((N_ACC, D), jnp.float32),
            [pltpu.SemaphoreType.DMA for _ in range(3)],
        ],
        compiler_params=_SC_PARAMS,
    )
    def spmm_kernel(ec_hbm, g_hbm, z_hbm,
                    out, ib, buf, acc, sem):
        c = lax.axis_index("c")
        s = lax.axis_index("s")
        mych = jnp.where(c == 0, CH0, CH1)
        base = jnp.where(c == 0, s * CH0, NS * CH0 + s * CH1)

        def idxload(i, k):
            pltpu.sync_copy(ec_hbm.at[base + i], ib[k])

        def gather(k):
            pltpu.async_copy(g_hbm.at[ib[k].at[1]], buf[k], sem[k])

        def scatter(k):
            pltpu.make_async_copy(g_hbm.at[ib[k].at[1]], buf[k],
                                  sem[k]).wait()
            pltpu.sync_copy(buf[k], acc.at[ib[k].at[0]], add=True)

        def work():
            pltpu.sync_copy(z_hbm, acc.at[pl.ds(s * ZROWS, ZROWS)])
            plsc.subcore_barrier()

            idxload(0, 0)
            gather(0)
            idxload(1, 1)
            gather(1)

            def body(j, carry):
                i0 = 3 * j
                idxload(i0 + 2, 2)
                gather(2)
                scatter(0)
                idxload(i0 + 3, 0)
                gather(0)
                scatter(1)
                idxload(i0 + 4, 1)
                gather(1)
                scatter(2)
                return carry

            lax.fori_loop(0, mych // 3 - 1, body, 0)
            idxload(mych - 1, 2)
            gather(2)
            scatter(0)
            scatter(1)
            scatter(2)

        def drain():
            plsc.subcore_barrier()
            pltpu.sync_copy(acc.at[pl.ds(s * OROWS, OROWS)],
                            out.at[pl.ds((c * N + s * OROWS), OROWS)])

            @pl.when(s == NS - 1)
            def _tail():
                pltpu.sync_copy(acc.at[pl.ds(NS * OROWS, TAIL)],
                                out.at[pl.ds(c * N + NS * OROWS, TAIL)])

        if single:
            def all_work():
                work()
                drain()
            pl.when(c == 0)(all_work)
        else:
            work()
            drain()

    return spmm_kernel


def _splits(e, frac):
    s = 3 * (-(-e // (NS * K * 3)))
    ch0 = 3 * int(round(s * frac / 3))
    ch0 = min(max(ch0, 3), s)
    return s, ch0


def _pad_spmm(ei, S):
    e = ei.shape[1]
    pad = NS * S * K - e
    rowp = jnp.concatenate([ei[0], jnp.full((pad,), SINK, jnp.int32)])
    colp = jnp.concatenate([ei[1], jnp.zeros((pad,), jnp.int32)])
    return jnp.stack([rowp.reshape(NS * S, K), colp.reshape(NS * S, K)],
                     axis=1)


def _pad_deg(ei, CH):
    e = ei.shape[1]
    pad = NW * CH * K - e
    cold = jnp.concatenate([ei[1], jnp.full((pad,), SINK, jnp.int32)])
    return cold.reshape(NW * CH, K)


def _dis(d_ref):
    return lax.rsqrt(d_ref[0, :, 0] + d_ref[1, :, 0] + 1.0)


def _tc1(x, W1, b1, dp1, dp2):
    def body(x_ref, w_ref, b_ref, d1_ref, d2_ref, h_ref, g1_ref, g2_ref):
        hb = lax.dot_general(x_ref[...], w_ref[...], (((1,), (1,)), ((), ())),
                             preferred_element_type=jnp.float32)
        hb = jnp.maximum(hb + b_ref[...], 0.0)
        i1 = _dis(d1_ref)
        i2 = _dis(d2_ref)
        h_ref[...] = hb
        g1_ref[...] = hb * i1[:, None]
        g2_ref[...] = hb * i2[:, None]

    return pl.pallas_call(
        body,
        grid=(N // BN,),
        in_specs=[
            pl.BlockSpec((BN, F), lambda i: (i, 0)),
            pl.BlockSpec((H, F), lambda i: (0, 0)),
            pl.BlockSpec((1, H), lambda i: (0, 0)),
            pl.BlockSpec((NC, BN, L), lambda i: (0, i, 0)),
            pl.BlockSpec((NC, BN, L), lambda i: (0, i, 0)),
        ],
        out_specs=[pl.BlockSpec((BN, H), lambda i: (i, 0))] * 3,
        out_shape=[jax.ShapeDtypeStruct((N, H), jnp.float32)] * 3,
    )(x, W1, b1.reshape(1, H), dp1, dp2)


def _tc2(s1p, s2p, g1, g2, dp1, dp2):
    p1, p2 = s1p.shape[0], s2p.shape[0]

    def body(s1_ref, s2_ref, g1_ref, g2_ref, d1_ref, d2_ref,
             r1_ref, g1b_ref, g2b_ref):
        i1 = _dis(d1_ref)
        i2 = _dis(d2_ref)
        a = (jnp.sum(s1_ref[...], axis=0) + g1_ref[...]) * i1[:, None]
        b = (jnp.sum(s2_ref[...], axis=0) + g2_ref[...]) * i2[:, None]
        r1 = jnp.concatenate([a, b], axis=1)
        r1_ref[...] = r1
        g1b_ref[...] = r1 * i1[:, None]
        g2b_ref[...] = r1 * i2[:, None]

    return pl.pallas_call(
        body,
        grid=(N // BN,),
        in_specs=[
            pl.BlockSpec((p1, BN, H), lambda i: (0, i, 0)),
            pl.BlockSpec((p2, BN, H), lambda i: (0, i, 0)),
            pl.BlockSpec((BN, H), lambda i: (i, 0)),
            pl.BlockSpec((BN, H), lambda i: (i, 0)),
            pl.BlockSpec((NC, BN, L), lambda i: (0, i, 0)),
            pl.BlockSpec((NC, BN, L), lambda i: (0, i, 0)),
        ],
        out_specs=[pl.BlockSpec((BN, 2 * H), lambda i: (i, 0))] * 3,
        out_shape=[jax.ShapeDtypeStruct((N, 2 * H), jnp.float32)] * 3,
    )(s1p, s2p, g1, g2, dp1, dp2)


def _tc3(h, R1, s1q, s2q, g1b, g2b, dp1, dp2, W2, b2):
    p1, p2 = s1q.shape[0], s2q.shape[0]

    def body(h_ref, r1_ref, s1_ref, s2_ref, g1_ref, g2_ref,
             d1_ref, d2_ref, w_ref, b_ref, o_ref):
        i1 = _dis(d1_ref)
        i2 = _dis(d2_ref)
        r2a = (jnp.sum(s1_ref[...], axis=0) + g1_ref[...]) * i1[:, None]
        r2b = (jnp.sum(s2_ref[...], axis=0) + g2_ref[...]) * i2[:, None]
        fh = jnp.concatenate([h_ref[...], r1_ref[...], r2a, r2b], axis=1)
        logits = lax.dot_general(fh, w_ref[...], (((1,), (1,)), ((), ())),
                                 preferred_element_type=jnp.float32)
        logits = logits + b_ref[...]
        m = jnp.max(logits, axis=1, keepdims=True)
        z = logits - m
        lse = jnp.log(jnp.sum(jnp.exp(z), axis=1, keepdims=True))
        o_ref[...] = z - lse

    return pl.pallas_call(
        body,
        grid=(N // BN,),
        in_specs=[
            pl.BlockSpec((BN, H), lambda i: (i, 0)),
            pl.BlockSpec((BN, 2 * H), lambda i: (i, 0)),
            pl.BlockSpec((p1, BN, 2 * H), lambda i: (0, i, 0)),
            pl.BlockSpec((p2, BN, 2 * H), lambda i: (0, i, 0)),
            pl.BlockSpec((BN, 2 * H), lambda i: (i, 0)),
            pl.BlockSpec((BN, 2 * H), lambda i: (i, 0)),
            pl.BlockSpec((NC, BN, L), lambda i: (0, i, 0)),
            pl.BlockSpec((NC, BN, L), lambda i: (0, i, 0)),
            pl.BlockSpec((C, 7 * H), lambda i: (0, 0)),
            pl.BlockSpec((1, C), lambda i: (0, 0)),
        ],
        out_specs=pl.BlockSpec((BN, C), lambda i: (i, 0)),
        out_shape=jax.ShapeDtypeStruct((N, C), jnp.float32),
    )(h, R1, s1q, s2q, g1b, g2b, dp1, dp2, W2, b2.reshape(1, C))


def kernel(x, edge_index, edge_index2, W1, b1, W2, b2):
    e1 = edge_index.shape[1]
    e2 = edge_index2.shape[1]
    s1, ch01 = _splits(e1, 1.0)
    s2, ch02 = _splits(e2, 0.69)
    ch01b = ch01
    _, ch02b = _splits(e2, 0.72)
    chd1 = -(-e1 // (NW * K))
    chd2 = -(-e2 // (NW * K))
    ec1 = _pad_spmm(edge_index, s1)
    ec2 = _pad_spmm(edge_index2, s2)
    col1d = _pad_deg(edge_index, chd1)
    col2d = _pad_deg(edge_index2, chd2)

    ones16 = jnp.ones((K, L), jnp.float32)
    z16 = jnp.zeros((ZROWS, L), jnp.float32)
    zH = jnp.zeros((ZROWS, H), jnp.float32)
    z2H = jnp.zeros((ZROWS, 2 * H), jnp.float32)

    dp1f, dp2f = _make_deg(chd1, chd2)(col1d, col2d, ones16, z16)
    dp1 = dp1f.reshape(NC, N, L)
    dp2 = dp2f.reshape(NC, N, L)

    h, g1, g2 = _tc1(x, W1, b1, dp1, dp2)

    p1 = 1 if ch01 == s1 else NC
    p1b = 1 if ch01b == s1 else NC
    p2 = 1 if ch02 == s2 else NC
    p2b = 1 if ch02b == s2 else NC
    spmm1 = _make_spmm(s1, H, ch01)
    spmm2 = _make_spmm(s2, H, ch02)
    s1p = spmm1(ec1, g1, zH).reshape(p1, N, H)
    s2p = spmm2(ec2, g2, zH).reshape(p2, N, H)

    R1, g1b, g2b = _tc2(s1p, s2p, g1, g2, dp1, dp2)

    spmm1b = _make_spmm(s1, 2 * H, ch01b)
    spmm2b = _make_spmm(s2, 2 * H, ch02b)
    s1q = spmm1b(ec1, g1b, z2H).reshape(p1b, N, 2 * H)
    s2q = spmm2b(ec2, g2b, z2H).reshape(p2b, N, 2 * H)

    return _tc3(h, R1, s1q, s2q, g1b, g2b, dp1, dp2, W2, b2)

# --- scband reference (transcript-rebuilt; emitter-appended) ---
"""Pipeline reference for scband-h2-gcn-65472481460995 (READ-ONLY COPY).

The authoritative reference and input builder live on the scoring server;
editing this copy changes nothing except your own understanding.
"""

import jax, jax.numpy as jnp
import numpy as np

N = 10000
NUM_FEATURES = 128
NUM_HIDDEN = 64
NUM_CLASSES = 40
E1 = 320000
E2 = 640000


def setup_inputs(seed: int = 0) -> dict:
    key = jax.random.key(seed)
    ks = jax.random.split(key, 8)
    x = jax.random.normal(ks[0], (N, NUM_FEATURES), dtype=jnp.float32)
    edge_index = jax.random.randint(ks[1], (2, E1), 0, N, dtype=jnp.int32)
    edge_index2 = jax.random.randint(ks[2], (2, E2), 0, N, dtype=jnp.int32)
    W1 = jax.random.normal(ks[3], (NUM_HIDDEN, NUM_FEATURES), dtype=jnp.float32) * 0.05
    b1 = jnp.zeros((NUM_HIDDEN,), dtype=jnp.float32)
    W2 = jax.random.normal(ks[4], (NUM_CLASSES, 7 * NUM_HIDDEN), dtype=jnp.float32) * 0.05
    b2 = jnp.zeros((NUM_CLASSES,), dtype=jnp.float32)
    return {"x": x, "edge_index": edge_index, "edge_index2": edge_index2,
            "W1": W1, "b1": b1, "W2": W2, "b2": b2}


def gcn_norm(edge_index, num_nodes):
    # add self loops, then symmetric D^-1/2 (A+I) D^-1/2 edge weights
    loops = jnp.arange(num_nodes, dtype=edge_index.dtype)
    row = jnp.concatenate([edge_index[0], loops])
    col = jnp.concatenate([edge_index[1], loops])
    deg = jnp.zeros((num_nodes,), jnp.float32).at[col].add(1.0)
    dis = jnp.where(deg > 0.0, jax.lax.rsqrt(jnp.maximum(deg, 1e-12)), 0.0)
    w = dis[row] * dis[col]
    return row, col, w


def spmm(row, col, w, h, num_nodes):
    # sparse (num_nodes x num_nodes) @ dense h : gather rows by col, scatter-add to row
    gathered = w[:, None] * h[col]
    return jnp.zeros((num_nodes, h.shape[1]), h.dtype).at[row].add(gathered)


def reference(x, edge_index, edge_index2, W1, b1, W2, b2):
    num_nodes = x.shape[0]
    r1, c1, wn1 = gcn_norm(edge_index, num_nodes)
    r2, c2, wn2 = gcn_norm(edge_index2, num_nodes)
    h = jax.nn.relu(x @ W1.T + b1)
    first_hop_h = spmm(r1, c1, wn1, h, num_nodes)
    second_hop_h = spmm(r2, c2, wn2, h, num_nodes)
    R1 = jnp.concatenate([first_hop_h, second_hop_h], axis=1)
    first_hop_h2 = spmm(r1, c1, wn1, R1, num_nodes)
    second_hop_h2 = spmm(r2, c2, wn2, R1, num_nodes)
    R2 = jnp.concatenate([first_hop_h2, second_hop_h2], axis=1)
    final_h = jnp.concatenate([h, R1, R2], axis=1)
    # dropout is identity in eval mode
    logits = final_h @ W2.T + b2
    return jax.nn.log_softmax(logits, axis=1)

if __name__ == "__main__":
    import jax
    _d = setup_inputs()
    print(jax.jit(kernel)(*tuple(_d.values())))

</pallas_src>

<mosaic_0001>
#map = affine_map<(d0, d1) -> (0, 0, 0)>
#map1 = affine_map<(d0, d1) -> (0, 0)>
module attributes {stable_mosaic.version = 14 : i64} {
  func.func @spmm_kernel(%arg0: i32, %arg1: i32, %arg2: memref<2544x2x128xi32, #tpu.memory_space<hbm>>, %arg3: memref<10000x128xf32, #tpu.memory_space<hbm>>, %arg4: memref<626x128xf32, #tpu.memory_space<hbm>>, %arg5: memref<10000x128xf32, #tpu.memory_space<hbm>>, %arg6: memref<2x128xi32, #tpu.memory_space<vmem>>, %arg7: memref<2x128xi32, #tpu.memory_space<vmem>>, %arg8: memref<2x128xi32, #tpu.memory_space<vmem>>, %arg9: memref<128x128xf32, #tpu.memory_space<vmem>>, %arg10: memref<128x128xf32, #tpu.memory_space<vmem>>, %arg11: memref<128x128xf32, #tpu.memory_space<vmem>>, %arg12: memref<10016x128xf32, #tpu.memory_space<vmem_shared>>, %arg13: memref<!tpu.dma_semaphore, #tpu.memory_space<semaphore_mem>>, %arg14: memref<!tpu.dma_semaphore, #tpu.memory_space<semaphore_mem>>, %arg15: memref<!tpu.dma_semaphore, #tpu.memory_space<semaphore_mem>>) attributes {dimension_semantics = [#tpu.dimension_semantics<core_parallel>, #tpu.dimension_semantics<subcore_parallel>], iteration_bounds = array<i64: 2, 16>, scalar_prefetch = 0 : i64, scratch_operands = 10 : i64, tpu.core_type = #tpu.core_type<sc_vector_subcore>, window_params = [{transform_indices = #map}, {transform_indices = #map1}, {transform_indices = #map1}, {transform_indices = #map1}]} {
    %eq3A = arith.constant 0 : i32
    %eq3A_0 = arith.cmpi eq, %arg0, %eq3A : i32
    %jit3A = arith.constant 159 : i32
    %jit3A_1 = arith.constant 0 : i32
    %select_n3A = arith.select %eq3A_0, %jit3A, %jit3A_1 : i32
    %eq3A_2 = arith.constant 0 : i32
    %eq3A_3 = arith.cmpi eq, %arg0, %eq3A_2 : i32
    %mul3A = arith.constant 159 : i32
    %mul3A_4 = arith.muli %arg1, %mul3A : i32
    %mul3A_5 = arith.constant 0 : i32
    %mul3A_6 = arith.muli %arg1, %mul3A_5 : i32
    %add3A = arith.constant 2544 : i32
    %add3A_7 = arith.addi %add3A, %mul3A_6 : i32
    %select_n3A_8 = arith.select %eq3A_3, %mul3A_4, %add3A_7 : i32
    %eq3A_9 = arith.constant 0 : i32
    %eq3A_10 = arith.cmpi eq, %arg0, %eq3A_9 : i32
    %convert_element_type3A = arith.extui %eq3A_10 : i1 to i32
    %cond3A = arith.constant 0 : i32
    %cond3A_11 = arith.cmpi ne, %convert_element_type3A, %cond3A : i32
    scf.if %cond3A_11 {
      %mul3A_12 = arith.constant 626 : i32
      %mul3A_13 = arith.muli %arg1, %mul3A_12 : i32
      "tpu.region"() ({
        %run_scoped3A_105 = tpu.sem_alloc : memref<!tpu.dma_semaphore, #tpu.memory_space<semaphore_mem>>
        %dma_start3A_106 = arith.constant 0 : i32
        %dma_start3A_107 = tpu.memref_slice %arg12[%mul3A_13, %dma_start3A_106] : memref<10016x128xf32, #tpu.memory_space<vmem_shared>> -> memref<626x128xf32, #tpu.memory_space<vmem_shared>>
        tpu.enqueue_dma source(%arg4 : memref<626x128xf32, #tpu.memory_space<hbm>>) target(%dma_start3A_107 : memref<626x128xf32, #tpu.memory_space<vmem_shared>>) target_semaphore(%run_scoped3A_105 : memref<!tpu.dma_semaphore, #tpu.memory_space<semaphore_mem>>)
        %dma_wait3A_108 = arith.constant 0 : i32
        %dma_wait3A_109 = tpu.memref_slice %arg12[%mul3A_13, %dma_wait3A_108] : memref<10016x128xf32, #tpu.memory_space<vmem_shared>> -> memref<626x128xf32, #tpu.memory_space<vmem_shared>>
        tpu.wait_dma2 semaphore(%run_scoped3A_105 : memref<!tpu.dma_semaphore, #tpu.memory_space<semaphore_mem>>) src(%arg4 : memref<626x128xf32, #tpu.memory_space<hbm>>) dst(%dma_wait3A_109 : memref<626x128xf32, #tpu.memory_space<vmem_shared>>)
        tpu.yield
      }) : () -> ()
      %barrier3A = arith.constant 0 : index
      tpu.barrier barrier_id(%barrier3A)
      %add3A_14 = arith.constant 0 : i32
      %add3A_15 = arith.addi %select_n3A_8, %add3A_14 : i32
      "tpu.region"() ({
        %run_scoped3A_105 = tpu.sem_alloc : memref<!tpu.dma_semaphore, #tpu.memory_space<semaphore_mem>>
        %dma_start3A_106 = arith.constant 0 : i32
        %dma_start3A_107 = arith.constant 0 : i32
        %dma_start3A_108 = tpu.memref_slice %arg2[%add3A_15, %dma_start3A_106, %dma_start3A_107] : memref<2544x2x128xi32, #tpu.memory_space<hbm>> -> memref<1x2x128xi32, #tpu.memory_space<hbm>>
        %dma_start3A_109 = tpu.memref_squeeze %dma_start3A_108 : memref<1x2x128xi32, #tpu.memory_space<hbm>> -> memref<2x128xi32, #tpu.memory_space<hbm>>
        %dma_start3A_110 = arith.constant 0 : i32
        %dma_start3A_111 = arith.constant 0 : i32
        %dma_start3A_112 = tpu.memref_slice %arg2[%add3A_15, %dma_start3A_110, %dma_start3A_111] : memref<2544x2x128xi32, #tpu.memory_space<hbm>> -> memref<1x2x128xi32, #tpu.memory_space<hbm>>
        %dma_start3A_113 = tpu.memref_squeeze %dma_start3A_112 : memref<1x2x128xi32, #tpu.memory_space<hbm>> -> memref<2x128xi32, #tpu.memory_space<hbm>>
        tpu.enqueue_dma source(%dma_start3A_113 : memref<2x128xi32, #tpu.memory_space<hbm>>) target(%arg6 : memref<2x128xi32, #tpu.memory_space<vmem>>) target_semaphore(%run_scoped3A_105 : memref<!tpu.dma_semaphore, #tpu.memory_space<semaphore_mem>>)
        %dma_wait3A_114 = arith.constant 0 : i32
        %dma_wait3A_115 = arith.constant 0 : i32
        %dma_wait3A_116 = tpu.memref_slice %arg2[%add3A_15, %dma_wait3A_114, %dma_wait3A_115] : memref<2544x2x128xi32, #tpu.memory_space<hbm>> -> memref<1x2x128xi32, #tpu.memory_space<hbm>>
        %dma_wait3A_117 = tpu.memref_squeeze %dma_wait3A_116 : memref<1x2x128xi32, #tpu.memory_space<hbm>> -> memref<2x128xi32, #tpu.memory_space<hbm>>
        %dma_wait3A_118 = arith.constant 0 : i32
        %dma_wait3A_119 = arith.constant 0 : i32
        %dma_wait3A_120 = tpu.memref_slice %arg2[%add3A_15, %dma_wait3A_118, %dma_wait3A_119] : memref<2544x2x128xi32, #tpu.memory_space<hbm>> -> memref<1x2x128xi32, #tpu.memory_space<hbm>>
        %dma_wait3A_121 = tpu.memref_squeeze %dma_wait3A_120 : memref<1x2x128xi32, #tpu.memory_space<hbm>> -> memref<2x128xi32, #tpu.memory_space<hbm>>
        tpu.wait_dma2 semaphore(%run_scoped3A_105 : memref<!tpu.dma_semaphore, #tpu.memory_space<semaphore_mem>>) src(%dma_wait3A_121 : memref<2x128xi32, #tpu.memory_space<hbm>>) dst(%arg6 : memref<2x128xi32, #tpu.memory_space<vmem>>)
        tpu.yield
      }) : () -> ()
      %dma_start3A = arith.constant 1 : i32
      %dma_start3A_16 = arith.constant 0 : i32
      %dma_start3A_17 = tpu.memref_slice %arg6[%dma_start3A, %dma_start3A_16] : memref<2x128xi32, #tpu.memory_space<vmem>> -> memref<1x128xi32, #tpu.memory_space<vmem>>
      %dma_start3A_18 = tpu.memref_squeeze %dma_start3A_17 : memref<1x128xi32, #tpu.memory_space<vmem>> -> memref<128xi32, #tpu.memory_space<vmem>>
      %dma_start3A_19 = arith.constant 0 : i32
      %dma_start3A_20 = arith.constant 0 : i32
      %dma_start3A_21 = tpu.memref_slice %arg3[%dma_start3A_19, %dma_start3A_20] : memref<10000x128xf32, #tpu.memory_space<hbm>> -> memref<10000x128xf32, #tpu.memory_space<hbm>>
      tpu.enqueue_indirect_dma source(%dma_start3A_21 : memref<10000x128xf32, #tpu.memory_space<hbm>>) target(%arg9 : memref<128x128xf32, #tpu.memory_space<vmem>>) offsets(%dma_start3A_18 : memref<128xi32, #tpu.memory_space<vmem>>) semaphore(%arg13 : memref<!tpu.dma_semaphore, #tpu.memory_space<semaphore_mem>>)
      %add3A_22 = arith.constant 1 : i32
      %add3A_23 = arith.addi %select_n3A_8, %add3A_22 : i32
      "tpu.region"() ({
        %run_scoped3A_105 = tpu.sem_alloc : memref<!tpu.dma_semaphore, #tpu.memory_space<semaphore_mem>>
        %dma_start3A_106 = arith.constant 0 : i32
        %dma_start3A_107 = arith.constant 0 : i32
        %dma_start3A_108 = tpu.memref_slice %arg2[%add3A_23, %dma_start3A_106, %dma_start3A_107] : memref<2544x2x128xi32, #tpu.memory_space<hbm>> -> memref<1x2x128xi32, #tpu.memory_space<hbm>>
        %dma_start3A_109 = tpu.memref_squeeze %dma_start3A_108 : memref<1x2x128xi32, #tpu.memory_space<hbm>> -> memref<2x128xi32, #tpu.memory_space<hbm>>
        %dma_start3A_110 = arith.constant 0 : i32
        %dma_start3A_111 = arith.constant 0 : i32
        %dma_start3A_112 = tpu.memref_slice %arg2[%add3A_23, %dma_start3A_110, %dma_start3A_111] : memref<2544x2x128xi32, #tpu.memory_space<hbm>> -> memref<1x2x128xi32, #tpu.memory_space<hbm>>
        %dma_start3A_113 = tpu.memref_squeeze %dma_start3A_112 : memref<1x2x128xi32, #tpu.memory_space<hbm>> -> memref<2x128xi32, #tpu.memory_space<hbm>>
        tpu.enqueue_dma source(%dma_start3A_113 : memref<2x128xi32, #tpu.memory_space<hbm>>) target(%arg7 : memref<2x128xi32, #tpu.memory_space<vmem>>) target_semaphore(%run_scoped3A_105 : memref<!tpu.dma_semaphore, #tpu.memory_space<semaphore_mem>>)
        %dma_wait3A_114 = arith.constant 0 : i32
        %dma_wait3A_115 = arith.constant 0 : i32
        %dma_wait3A_116 = tpu.memref_slice %arg2[%add3A_23, %dma_wait3A_114, %dma_wait3A_115] : memref<2544x2x128xi32, #tpu.memory_space<hbm>> -> memref<1x2x128xi32, #tpu.memory_space<hbm>>
        %dma_wait3A_117 = tpu.memref_squeeze %dma_wait3A_116 : memref<1x2x128xi32, #tpu.memory_space<hbm>> -> memref<2x128xi32, #tpu.memory_space<hbm>>
        %dma_wait3A_118 = arith.constant 0 : i32
        %dma_wait3A_119 = arith.constant 0 : i32
        %dma_wait3A_120 = tpu.memref_slice %arg2[%add3A_23, %dma_wait3A_118, %dma_wait3A_119] : memref<2544x2x128xi32, #tpu.memory_space<hbm>> -> memref<1x2x128xi32, #tpu.memory_space<hbm>>
        %dma_wait3A_121 = tpu.memref_squeeze %dma_wait3A_120 : memref<1x2x128xi32, #tpu.memory_space<hbm>> -> memref<2x128xi32, #tpu.memory_space<hbm>>
        tpu.wait_dma2 semaphore(%run_scoped3A_105 : memref<!tpu.dma_semaphore, #tpu.memory_space<semaphore_mem>>) src(%dma_wait3A_121 : memref<2x128xi32, #tpu.memory_space<hbm>>) dst(%arg7 : memref<2x128xi32, #tpu.memory_space<vmem>>)
        tpu.yield
      }) : () -> ()
      %dma_start3A_24 = arith.constant 1 : i32
      %dma_start3A_25 = arith.constant 0 : i32
      %dma_start3A_26 = tpu.memref_slice %arg7[%dma_start3A_24, %dma_start3A_25] : memref<2x128xi32, #tpu.memory_space<vmem>> -> memref<1x128xi32, #tpu.memory_space<vmem>>
      %dma_start3A_27 = tpu.memref_squeeze %dma_start3A_26 : memref<1x128xi32, #tpu.memory_space<vmem>> -> memref<128xi32, #tpu.memory_space<vmem>>
      %dma_start3A_28 = arith.constant 0 : i32
      %dma_start3A_29 = arith.constant 0 : i32
      %dma_start3A_30 = tpu.memref_slice %arg3[%dma_start3A_28, %dma_start3A_29] : memref<10000x128xf32, #tpu.memory_space<hbm>> -> memref<10000x128xf32, #tpu.memory_space<hbm>>
      tpu.enqueue_indirect_dma source(%dma_start3A_30 : memref<10000x128xf32, #tpu.memory_space<hbm>>) target(%arg10 : memref<128x128xf32, #tpu.memory_space<vmem>>) offsets(%dma_start3A_27 : memref<128xi32, #tpu.memory_space<vmem>>) semaphore(%arg14 : memref<!tpu.dma_semaphore, #tpu.memory_space<semaphore_mem>>)
      %jit3A_31 = arith.constant 3 : i32
      %div3A = arith.divsi %select_n3A, %jit3A_31 : i32
      %sign3A = arith.constant 0 : i32
      %sign3A_32 = arith.cmpi sgt, %select_n3A, %sign3A : i32
      %sign3A_33 = arith.extui %sign3A_32 : i1 to i32
      %sign3A_34 = arith.constant 0 : i32
      %sign3A_35 = arith.cmpi slt, %select_n3A, %sign3A_34 : i32
      %sign3A_36 = arith.extui %sign3A_35 : i1 to i32
      %sign3A_37 = arith.subi %sign3A_33, %sign3A_36 : i32
      %sign3A_38 = arith.constant 0 : i32
      %sign3A_39 = arith.cmpi sgt, %jit3A_31, %sign3A_38 : i32
      %sign3A_40 = arith.extui %sign3A_39 : i1 to i32
      %sign3A_41 = arith.constant 0 : i32
      %sign3A_42 = arith.cmpi slt, %jit3A_31, %sign3A_41 : i32
      %sign3A_43 = arith.extui %sign3A_42 : i1 to i32
      %sign3A_44 = arith.subi %sign3A_40, %sign3A_43 : i32
      %ne3A = arith.cmpi ne, %sign3A_37, %sign3A_44 : i32
      %rem3A = arith.remsi %select_n3A, %jit3A_31 : i32
      %ne3A_45 = arith.constant 0 : i32
      %ne3A_46 = arith.cmpi ne, %rem3A, %ne3A_45 : i32
      %and3A = arith.andi %ne3A, %ne3A_46 : i1
      %sub3A = arith.constant 1 : i32
      %sub3A_47 = arith.subi %div3A, %sub3A : i32
      %select_n3A_48 = arith.select %and3A, %sub3A_47, %div3A : i32
      %sub3A_49 = arith.constant 1 : i32
      %sub3A_50 = arith.subi %select_n3A_48, %sub3A_49 : i32
      %while3A = arith.constant 0 : i32
      %while3A_51 = arith.constant 0 : i32
      %while3A_52 = arith.subi %sub3A_50, %while3A_51 : i32
      %while3A_53 = arith.addi %while3A_51, %while3A_52 : i32
      %while3A_54 = arith.constant 1 : i32
      %while3A_55 = arith.divsi %while3A_52, %while3A_54 : i32
      %while3A_56 = arith.muli %while3A_55, %while3A_54 : i32
      %while3A_57 = arith.addi %while3A_51, %while3A_56 : i32
      %while3A_58 = arith.constant 1 : i32
      scf.for %while3A_105 = %while3A_51 to %while3A_57 step %while3A_58  : i32 {
        %mul3A_106 = arith.constant 3 : i32
        %mul3A_107 = arith.muli %mul3A_106, %while3A_105 : i32
        %add3A_108 = arith.constant 2 : i32
        %add3A_109 = arith.addi %mul3A_107, %add3A_108 : i32
        %add3A_110 = arith.addi %select_n3A_8, %add3A_109 : i32
        "tpu.region"() ({
          %run_scoped3A_162 = tpu.sem_alloc : memref<!tpu.dma_semaphore, #tpu.memory_space<semaphore_mem>>
          %dma_start3A_163 = arith.constant 0 : i32
          %dma_start3A_164 = arith.constant 0 : i32
          %dma_start3A_165 = tpu.memref_slice %arg2[%add3A_110, %dma_start3A_163, %dma_start3A_164] : memref<2544x2x128xi32, #tpu.memory_space<hbm>> -> memref<1x2x128xi32, #tpu.memory_space<hbm>>
          %dma_start3A_166 = tpu.memref_squeeze %dma_start3A_165 : memref<1x2x128xi32, #tpu.memory_space<hbm>> -> memref<2x128xi32, #tpu.memory_space<hbm>>
          %dma_start3A_167 = arith.constant 0 : i32
          %dma_start3A_168 = arith.constant 0 : i32
          %dma_start3A_169 = tpu.memref_slice %arg2[%add3A_110, %dma_start3A_167, %dma_start3A_168] : memref<2544x2x128xi32, #tpu.memory_space<hbm>> -> memref<1x2x128xi32, #tpu.memory_space<hbm>>
          %dma_start3A_170 = tpu.memref_squeeze %dma_start3A_169 : memref<1x2x128xi32, #tpu.memory_space<hbm>> -> memref<2x128xi32, #tpu.memory_space<hbm>>
          tpu.enqueue_dma source(%dma_start3A_170 : memref<2x128xi32, #tpu.memory_space<hbm>>) target(%arg8 : memref<2x128xi32, #tpu.memory_space<vmem>>) target_semaphore(%run_scoped3A_162 : memref<!tpu.dma_semaphore, #tpu.memory_space<semaphore_mem>>)
          %dma_wait3A_171 = arith.constant 0 : i32
          %dma_wait3A_172 = arith.constant 0 : i32
          %dma_wait3A_173 = tpu.memref_slice %arg2[%add3A_110, %dma_wait3A_171, %dma_wait3A_172] : memref<2544x2x128xi32, #tpu.memory_space<hbm>> -> memref<1x2x128xi32, #tpu.memory_space<hbm>>
          %dma_wait3A_174 = tpu.memref_squeeze %dma_wait3A_173 : memref<1x2x128xi32, #tpu.memory_space<hbm>> -> memref<2x128xi32, #tpu.memory_space<hbm>>
          %dma_wait3A_175 = arith.constant 0 : i32
          %dma_wait3A_176 = arith.constant 0 : i32
          %dma_wait3A_177 = tpu.memref_slice %arg2[%add3A_110, %dma_wait3A_175, %dma_wait3A_176] : memref<2544x2x128xi32, #tpu.memory_space<hbm>> -> memref<1x2x128xi32, #tpu.memory_space<hbm>>
          %dma_wait3A_178 = tpu.memref_squeeze %dma_wait3A_177 : memref<1x2x128xi32, #tpu.memory_space<hbm>> -> memref<2x128xi32, #tpu.memory_space<hbm>>
          tpu.wait_dma2 semaphore(%run_scoped3A_162 : memref<!tpu.dma_semaphore, #tpu.memory_space<semaphore_mem>>) src(%dma_wait3A_178 : memref<2x128xi32, #tpu.memory_space<hbm>>) dst(%arg8 : memref<2x128xi32, #tpu.memory_space<vmem>>)
          tpu.yield
        }) : () -> ()
        %dma_start3A_111 = arith.constant 1 : i32
        %dma_start3A_112 = arith.constant 0 : i32
        %dma_start3A_113 = tpu.memref_slice %arg8[%dma_start3A_111, %dma_start3A_112] : memref<2x128xi32, #tpu.memory_space<vmem>> -> memref<1x128xi32, #tpu.memory_space<vmem>>
        %dma_start3A_114 = tpu.memref_squeeze %dma_start3A_113 : memref<1x128xi32, #tpu.memory_space<vmem>> -> memref<128xi32, #tpu.memory_space<vmem>>
        %dma_start3A_115 = arith.constant 0 : i32
        %dma_start3A_116 = arith.constant 0 : i32
        %dma_start3A_117 = tpu.memref_slice %arg3[%dma_start3A_115, %dma_start3A_116] : memref<10000x128xf32, #tpu.memory_space<hbm>> -> memref<10000x128xf32, #tpu.memory_space<hbm>>
        tpu.enqueue_indirect_dma source(%dma_start3A_117 : memref<10000x128xf32, #tpu.memory_space<hbm>>) target(%arg11 : memref<128x128xf32, #tpu.memory_space<vmem>>) offsets(%dma_start3A_114 : memref<128xi32, #tpu.memory_space<vmem>>) semaphore(%arg15 : memref<!tpu.dma_semaphore, #tpu.memory_space<semaphore_mem>>)
        %dma_wait3A_118 = arith.constant 1 : i32
        %dma_wait3A_119 = arith.constant 0 : i32
        %dma_wait3A_120 = tpu.memref_slice %arg6[%dma_wait3A_118, %dma_wait3A_119] : memref<2x128xi32, #tpu.memory_space<vmem>> -> memref<1x128xi32, #tpu.memory_space<vmem>>
        %dma_wait3A_121 = tpu.memref_squeeze %dma_wait3A_120 : memref<1x128xi32, #tpu.memory_space<vmem>> -> memref<128xi32, #tpu.memory_space<vmem>>
        %dma_wait3A_122 = arith.constant 0 : i32
        %dma_wait3A_123 = arith.constant 0 : i32
        %dma_wait3A_124 = tpu.memref_slice %arg3[%dma_wait3A_122, %dma_wait3A_123] : memref<10000x128xf32, #tpu.memory_space<hbm>> -> memref<10000x128xf32, #tpu.memory_space<hbm>>
        tpu.wait_indirect_dma semaphore(%arg13 : memref<!tpu.dma_semaphore, #tpu.memory_space<semaphore_mem>>) src(%dma_wait3A_124 : memref<10000x128xf32, #tpu.memory_space<hbm>>) dst(%arg9 : memref<128x128xf32, #tpu.memory_space<vmem>>)
        %run_scoped3A_125 = arith.constant 0 : i32
        "tpu.region"() ({
          %run_scoped3A_162 = tpu.sem_alloc : memref<!tpu.dma_semaphore, #tpu.memory_space<semaphore_mem>>
          %dma_start3A_163 = arith.constant 0 : i32
          %dma_start3A_164 = tpu.memref_slice %arg6[%run_scoped3A_125, %dma_start3A_163] : memref<2x128xi32, #tpu.memory_space<vmem>> -> memref<1x128xi32, #tpu.memory_space<vmem>>
          %dma_start3A_165 = tpu.memref_squeeze %dma_start3A_164 : memref<1x128xi32, #tpu.memory_space<vmem>> -> memref<128xi32, #tpu.memory_space<vmem>>
          %dma_start3A_166 = arith.constant 0 : i32
          %dma_start3A_167 = arith.constant 0 : i32
          %dma_start3A_168 = tpu.memref_slice %arg12[%dma_start3A_166, %dma_start3A_167] : memref<10016x128xf32, #tpu.memory_space<vmem_shared>> -> memref<10016x128xf32, #tpu.memory_space<vmem_shared>>
          tpu.enqueue_indirect_dma source(%arg9 : memref<128x128xf32, #tpu.memory_space<vmem>>) target(%dma_start3A_168 : memref<10016x128xf32, #tpu.memory_space<vmem_shared>>) offsets(%dma_start3A_165 : memref<128xi32, #tpu.memory_space<vmem>>) semaphore(%run_scoped3A_162 : memref<!tpu.dma_semaphore, #tpu.memory_space<semaphore_mem>>) {add = true}
          %dma_wait3A_169 = arith.constant 0 : i32
          %dma_wait3A_170 = tpu.memref_slice %arg6[%run_scoped3A_125, %dma_wait3A_169] : memref<2x128xi32, #tpu.memory_space<vmem>> -> memref<1x128xi32, #tpu.memory_space<vmem>>
          %dma_wait3A_171 = tpu.memref_squeeze %dma_wait3A_170 : memref<1x128xi32, #tpu.memory_space<vmem>> -> memref<128xi32, #tpu.memory_space<vmem>>
          %dma_wait3A_172 = arith.constant 0 : i32
          %dma_wait3A_173 = arith.constant 0 : i32
          %dma_wait3A_174 = tpu.memref_slice %arg12[%dma_wait3A_172, %dma_wait3A_173] : memref<10016x128xf32, #tpu.memory_space<vmem_shared>> -> memref<10016x128xf32, #tpu.memory_space<vmem_shared>>
          tpu.wait_indirect_dma semaphore(%run_scoped3A_162 : memref<!tpu.dma_semaphore, #tpu.memory_space<semaphore_mem>>) src(%arg9 : memref<128x128xf32, #tpu.memory_space<vmem>>) dst(%dma_wait3A_174 : memref<10016x128xf32, #tpu.memory_space<vmem_shared>>)
          tpu.yield
        }) : () -> ()
        %add3A_126 = arith.constant 3 : i32
        %add3A_127 = arith.addi %mul3A_107, %add3A_126 : i32
        %add3A_128 = arith.addi %select_n3A_8, %add3A_127 : i32
        "tpu.region"() ({
          %run_scoped3A_162 = tpu.sem_alloc : memref<!tpu.dma_semaphore, #tpu.memory_space<semaphore_mem>>
          %dma_start3A_163 = arith.constant 0 : i32
          %dma_start3A_164 = arith.constant 0 : i32
          %dma_start3A_165 = tpu.memref_slice %arg2[%add3A_128, %dma_start3A_163, %dma_start3A_164] : memref<2544x2x128xi32, #tpu.memory_space<hbm>> -> memref<1x2x128xi32, #tpu.memory_space<hbm>>
          %dma_start3A_166 = tpu.memref_squeeze %dma_start3A_165 : memref<1x2x128xi32, #tpu.memory_space<hbm>> -> memref<2x128xi32, #tpu.memory_space<hbm>>
          %dma_start3A_167 = arith.constant 0 : i32
          %dma_start3A_168 = arith.constant 0 : i32
          %dma_start3A_169 = tpu.memref_slice %arg2[%add3A_128, %dma_start3A_167, %dma_start3A_168] : memref<2544x2x128xi32, #tpu.memory_space<hbm>> -> memref<1x2x128xi32, #tpu.memory_space<hbm>>
          %dma_start3A_170 = tpu.memref_squeeze %dma_start3A_169 : memref<1x2x128xi32, #tpu.memory_space<hbm>> -> memref<2x128xi32, #tpu.memory_space<hbm>>
          tpu.enqueue_dma source(%dma_start3A_170 : memref<2x128xi32, #tpu.memory_space<hbm>>) target(%arg6 : memref<2x128xi32, #tpu.memory_space<vmem>>) target_semaphore(%run_scoped3A_162 : memref<!tpu.dma_semaphore, #tpu.memory_space<semaphore_mem>>)
          %dma_wait3A_171 = arith.constant 0 : i32
          %dma_wait3A_172 = arith.constant 0 : i32
          %dma_wait3A_173 = tpu.memref_slice %arg2[%add3A_128, %dma_wait3A_171, %dma_wait3A_172] : memref<2544x2x128xi32, #tpu.memory_space<hbm>> -> memref<1x2x128xi32, #tpu.memory_space<hbm>>
          %dma_wait3A_174 = tpu.memref_squeeze %dma_wait3A_173 : memref<1x2x128xi32, #tpu.memory_space<hbm>> -> memref<2x128xi32, #tpu.memory_space<hbm>>
          %dma_wait3A_175 = arith.constant 0 : i32
          %dma_wait3A_176 = arith.constant 0 : i32
          %dma_wait3A_177 = tpu.memref_slice %arg2[%add3A_128, %dma_wait3A_175, %dma_wait3A_176] : memref<2544x2x128xi32, #tpu.memory_space<hbm>> -> memref<1x2x128xi32, #tpu.memory_space<hbm>>
          %dma_wait3A_178 = tpu.memref_squeeze %dma_wait3A_177 : memref<1x2x128xi32, #tpu.memory_space<hbm>> -> memref<2x128xi32, #tpu.memory_space<hbm>>
          tpu.wait_dma2 semaphore(%run_scoped3A_162 : memref<!tpu.dma_semaphore, #tpu.memory_space<semaphore_mem>>) src(%dma_wait3A_178 : memref<2x128xi32, #tpu.memory_space<hbm>>) dst(%arg6 : memref<2x128xi32, #tpu.memory_space<vmem>>)
          tpu.yield
        }) : () -> ()
        %dma_start3A_129 = arith.constant 1 : i32
        %dma_start3A_130 = arith.constant 0 : i32
        %dma_start3A_131 = tpu.memref_slice %arg6[%dma_start3A_129, %dma_start3A_130] : memref<2x128xi32, #tpu.memory_space<vmem>> -> memref<1x128xi32, #tpu.memory_space<vmem>>
        %dma_start3A_132 = tpu.memref_squeeze %dma_start3A_131 : memref<1x128xi32, #tpu.memory_space<vmem>> -> memref<128xi32, #tpu.memory_space<vmem>>
        %dma_start3A_133 = arith.constant 0 : i32
        %dma_start3A_134 = arith.constant 0 : i32
        %dma_start3A_135 = tpu.memref_slice %arg3[%dma_start3A_133, %dma_start3A_134] : memref<10000x128xf32, #tpu.memory_space<hbm>> -> memref<10000x128xf32, #tpu.memory_space<hbm>>
        tpu.enqueue_indirect_dma source(%dma_start3A_135 : memref<10000x128xf32, #tpu.memory_space<hbm>>) target(%arg9 : memref<128x128xf32, #tpu.memory_space<vmem>>) offsets(%dma_start3A_132 : memref<128xi32, #tpu.memory_space<vmem>>) semaphore(%arg13 : memref<!tpu.dma_semaphore, #tpu.memory_space<semaphore_mem>>)
        %dma_wait3A_136 = arith.constant 1 : i32
        %dma_wait3A_137 = arith.constant 0 : i32
        %dma_wait3A_138 = tpu.memref_slice %arg7[%dma_wait3A_136, %dma_wait3A_137] : memref<2x128xi32, #tpu.memory_space<vmem>> -> memref<1x128xi32, #tpu.memory_space<vmem>>
        %dma_wait3A_139 = tpu.memref_squeeze %dma_wait3A_138 : memref<1x128xi32, #tpu.memory_space<vmem>> -> memref<128xi32, #tpu.memory_space<vmem>>
        %dma_wait3A_140 = arith.constant 0 : i32
        %dma_wait3A_141 = arith.constant 0 : i32
        %dma_wait3A_142 = tpu.memref_slice %arg3[%dma_wait3A_140, %dma_wait3A_141] : memref<10000x128xf32, #tpu.memory_space<hbm>> -> memref<10000x128xf32, #tpu.memory_space<hbm>>
        tpu.wait_indirect_dma semaphore(%arg14 : memref<!tpu.dma_semaphore, #tpu.memory_space<semaphore_mem>>) src(%dma_wait3A_142 : memref<10000x128xf32, #tpu.memory_space<hbm>>) dst(%arg10 : memref<128x128xf32, #tpu.memory_space<vmem>>)
        %run_scoped3A_143 = arith.constant 0 : i32
        "tpu.region"() ({
          %run_scoped3A_162 = tpu.sem_alloc : memref<!tpu.dma_semaphore, #tpu.memory_space<semaphore_mem>>
          %dma_start3A_163 = arith.constant 0 : i32
          %dma_start3A_164 = tpu.memref_slice %arg7[%run_scoped3A_143, %dma_start3A_163] : memref<2x128xi32, #tpu.memory_space<vmem>> -> memref<1x128xi32, #tpu.memory_space<vmem>>
          %dma_start3A_165 = tpu.memref_squeeze %dma_start3A_164 : memref<1x128xi32, #tpu.memory_space<vmem>> -> memref<128xi32, #tpu.memory_space<vmem>>
          %dma_start3A_166 = arith.constant 0 : i32
          %dma_start3A_167 = arith.constant 0 : i32
          %dma_start3A_168 = tpu.memref_slice %arg12[%dma_start3A_166, %dma_start3A_167] : memref<10016x128xf32, #tpu.memory_space<vmem_shared>> -> memref<10016x128xf32, #tpu.memory_space<vmem_shared>>
          tpu.enqueue_indirect_dma source(%arg10 : memref<128x128xf32, #tpu.memory_space<vmem>>) target(%dma_start3A_168 : memref<10016x128xf32, #tpu.memory_space<vmem_shared>>) offsets(%dma_start3A_165 : memref<128xi32, #tpu.memory_space<vmem>>) semaphore(%run_scoped3A_162 : memref<!tpu.dma_semaphore, #tpu.memory_space<semaphore_mem>>) {add = true}
          %dma_wait3A_169 = arith.constant 0 : i32
          %dma_wait3A_170 = tpu.memref_slice %arg7[%run_scoped3A_143, %dma_wait3A_169] : memref<2x128xi32, #tpu.memory_space<vmem>> -> memref<1x128xi32, #tpu.memory_space<vmem>>
          %dma_wait3A_171 = tpu.memref_squeeze %dma_wait3A_170 : memref<1x128xi32, #tpu.memory_space<vmem>> -> memref<128xi32, #tpu.memory_space<vmem>>
          %dma_wait3A_172 = arith.constant 0 : i32
          %dma_wait3A_173 = arith.constant 0 : i32
          %dma_wait3A_174 = tpu.memref_slice %arg12[%dma_wait3A_172, %dma_wait3A_173] : memref<10016x128xf32, #tpu.memory_space<vmem_shared>> -> memref<10016x128xf32, #tpu.memory_space<vmem_shared>>
          tpu.wait_indirect_dma semaphore(%run_scoped3A_162 : memref<!tpu.dma_semaphore, #tpu.memory_space<semaphore_mem>>) src(%arg10 : memref<128x128xf32, #tpu.memory_space<vmem>>) dst(%dma_wait3A_174 : memref<10016x128xf32, #tpu.memory_space<vmem_shared>>)
          tpu.yield
        }) : () -> ()
        %add3A_144 = arith.constant 4 : i32
        %add3A_145 = arith.addi %mul3A_107, %add3A_144 : i32
        %add3A_146 = arith.addi %select_n3A_8, %add3A_145 : i32
        "tpu.region"() ({
          %run_scoped3A_162 = tpu.sem_alloc : memref<!tpu.dma_semaphore, #tpu.memory_space<semaphore_mem>>
          %dma_start3A_163 = arith.constant 0 : i32
          %dma_start3A_164 = arith.constant 0 : i32
          %dma_start3A_165 = tpu.memref_slice %arg2[%add3A_146, %dma_start3A_163, %dma_start3A_164] : memref<2544x2x128xi32, #tpu.memory_space<hbm>> -> memref<1x2x128xi32, #tpu.memory_space<hbm>>
          %dma_start3A_166 = tpu.memref_squeeze %dma_start3A_165 : memref<1x2x128xi32, #tpu.memory_space<hbm>> -> memref<2x128xi32, #tpu.memory_space<hbm>>
          %dma_start3A_167 = arith.constant 0 : i32
          %dma_start3A_168 = arith.constant 0 : i32
          %dma_start3A_169 = tpu.memref_slice %arg2[%add3A_146, %dma_start3A_167, %dma_start3A_168] : memref<2544x2x128xi32, #tpu.memory_space<hbm>> -> memref<1x2x128xi32, #tpu.memory_space<hbm>>
          %dma_start3A_170 = tpu.memref_squeeze %dma_start3A_169 : memref<1x2x128xi32, #tpu.memory_space<hbm>> -> memref<2x128xi32, #tpu.memory_space<hbm>>
          tpu.enqueue_dma source(%dma_start3A_170 : memref<2x128xi32, #tpu.memory_space<hbm>>) target(%arg7 : memref<2x128xi32, #tpu.memory_space<vmem>>) target_semaphore(%run_scoped3A_162 : memref<!tpu.dma_semaphore, #tpu.memory_space<semaphore_mem>>)
          %dma_wait3A_171 = arith.constant 0 : i32
          %dma_wait3A_172 = arith.constant 0 : i32
          %dma_wait3A_173 = tpu.memref_slice %arg2[%add3A_146, %dma_wait3A_171, %dma_wait3A_172] : memref<2544x2x128xi32, #tpu.memory_space<hbm>> -> memref<1x2x128xi32, #tpu.memory_space<hbm>>
          %dma_wait3A_174 = tpu.memref_squeeze %dma_wait3A_173 : memref<1x2x128xi32, #tpu.memory_space<hbm>> -> memref<2x128xi32, #tpu.memory_space<hbm>>
          %dma_wait3A_175 = arith.constant 0 : i32
          %dma_wait3A_176 = arith.constant 0 : i32
          %dma_wait3A_177 = tpu.memref_slice %arg2[%add3A_146, %dma_wait3A_175, %dma_wait3A_176] : memref<2544x2x128xi32, #tpu.memory_space<hbm>> -> memref<1x2x128xi32, #tpu.memory_space<hbm>>
          %dma_wait3A_178 = tpu.memref_squeeze %dma_wait3A_177 : memref<1x2x128xi32, #tpu.memory_space<hbm>> -> memref<2x128xi32, #tpu.memory_space<hbm>>
          tpu.wait_dma2 semaphore(%run_scoped3A_162 : memref<!tpu.dma_semaphore, #tpu.memory_space<semaphore_mem>>) src(%dma_wait3A_178 : memref<2x128xi32, #tpu.memory_space<hbm>>) dst(%arg7 : memref<2x128xi32, #tpu.memory_space<vmem>>)
          tpu.yield
        }) : () -> ()
        %dma_start3A_147 = arith.constant 1 : i32
        %dma_start3A_148 = arith.constant 0 : i32
        %dma_start3A_149 = tpu.memref_slice %arg7[%dma_start3A_147, %dma_start3A_148] : memref<2x128xi32, #tpu.memory_space<vmem>> -> memref<1x128xi32, #tpu.memory_space<vmem>>
        %dma_start3A_150 = tpu.memref_squeeze %dma_start3A_149 : memref<1x128xi32, #tpu.memory_space<vmem>> -> memref<128xi32, #tpu.memory_space<vmem>>
        %dma_start3A_151 = arith.constant 0 : i32
        %dma_start3A_152 = arith.constant 0 : i32
        %dma_start3A_153 = tpu.memref_slice %arg3[%dma_start3A_151, %dma_start3A_152] : memref<10000x128xf32, #tpu.memory_space<hbm>> -> memref<10000x128xf32, #tpu.memory_space<hbm>>
        tpu.enqueue_indirect_dma source(%dma_start3A_153 : memref<10000x128xf32, #tpu.memory_space<hbm>>) target(%arg10 : memref<128x128xf32, #tpu.memory_space<vmem>>) offsets(%dma_start3A_150 : memref<128xi32, #tpu.memory_space<vmem>>) semaphore(%arg14 : memref<!tpu.dma_semaphore, #tpu.memory_space<semaphore_mem>>)
        %dma_wait3A_154 = arith.constant 1 : i32
        %dma_wait3A_155 = arith.constant 0 : i32
        %dma_wait3A_156 = tpu.memref_slice %arg8[%dma_wait3A_154, %dma_wait3A_155] : memref<2x128xi32, #tpu.memory_space<vmem>> -> memref<1x128xi32, #tpu.memory_space<vmem>>
        %dma_wait3A_157 = tpu.memref_squeeze %dma_wait3A_156 : memref<1x128xi32, #tpu.memory_space<vmem>> -> memref<128xi32, #tpu.memory_space<vmem>>
        %dma_wait3A_158 = arith.constant 0 : i32
        %dma_wait3A_159 = arith.constant 0 : i32
        %dma_wait3A_160 = tpu.memref_slice %arg3[%dma_wait3A_158, %dma_wait3A_159] : memref<10000x128xf32, #tpu.memory_space<hbm>> -> memref<10000x128xf32, #tpu.memory_space<hbm>>
        tpu.wait_indirect_dma semaphore(%arg15 : memref<!tpu.dma_semaphore, #tpu.memory_space<semaphore_mem>>) src(%dma_wait3A_160 : memref<10000x128xf32, #tpu.memory_space<hbm>>) dst(%arg11 : memref<128x128xf32, #tpu.memory_space<vmem>>)
        %run_scoped3A_161 = arith.constant 0 : i32
        "tpu.region"() ({
          %run_scoped3A_162 = tpu.sem_alloc : memref<!tpu.dma_semaphore, #tpu.memory_space<semaphore_mem>>
          %dma_start3A_163 = arith.constant 0 : i32
          %dma_start3A_164 = tpu.memref_slice %arg8[%run_scoped3A_161, %dma_start3A_163] : memref<2x128xi32, #tpu.memory_space<vmem>> -> memref<1x128xi32, #tpu.memory_space<vmem>>
          %dma_start3A_165 = tpu.memref_squeeze %dma_start3A_164 : memref<1x128xi32, #tpu.memory_space<vmem>> -> memref<128xi32, #tpu.memory_space<vmem>>
          %dma_start3A_166 = arith.constant 0 : i32
          %dma_start3A_167 = arith.constant 0 : i32
          %dma_start3A_168 = tpu.memref_slice %arg12[%dma_start3A_166, %dma_start3A_167] : memref<10016x128xf32, #tpu.memory_space<vmem_shared>> -> memref<10016x128xf32, #tpu.memory_space<vmem_shared>>
          tpu.enqueue_indirect_dma source(%arg11 : memref<128x128xf32, #tpu.memory_space<vmem>>) target(%dma_start3A_168 : memref<10016x128xf32, #tpu.memory_space<vmem_shared>>) offsets(%dma_start3A_165 : memref<128xi32, #tpu.memory_space<vmem>>) semaphore(%run_scoped3A_162 : memref<!tpu.dma_semaphore, #tpu.memory_space<semaphore_mem>>) {add = true}
          %dma_wait3A_169 = arith.constant 0 : i32
          %dma_wait3A_170 = tpu.memref_slice %arg8[%run_scoped3A_161, %dma_wait3A_169] : memref<2x128xi32, #tpu.memory_space<vmem>> -> memref<1x128xi32, #tpu.memory_space<vmem>>
          %dma_wait3A_171 = tpu.memref_squeeze %dma_wait3A_170 : memref<1x128xi32, #tpu.memory_space<vmem>> -> memref<128xi32, #tpu.memory_space<vmem>>
          %dma_wait3A_172 = arith.constant 0 : i32
          %dma_wait3A_173 = arith.constant 0 : i32
          %dma_wait3A_174 = tpu.memref_slice %arg12[%dma_wait3A_172, %dma_wait3A_173] : memref<10016x128xf32, #tpu.memory_space<vmem_shared>> -> memref<10016x128xf32, #tpu.memory_space<vmem_shared>>
          tpu.wait_indirect_dma semaphore(%run_scoped3A_162 : memref<!tpu.dma_semaphore, #tpu.memory_space<semaphore_mem>>) src(%arg11 : memref<128x128xf32, #tpu.memory_space<vmem>>) dst(%dma_wait3A_174 : memref<10016x128xf32, #tpu.memory_space<vmem_shared>>)
          tpu.yield
        }) : () -> ()
      }
      %while3A_59 = arith.constant 1 : i32
      scf.for %while3A_105 = %while3A_57 to %while3A_53 step %while3A_59  : i32 {
        %mul3A_106 = arith.constant 3 : i32
        %mul3A_107 = arith.muli %mul3A_106, %while3A_105 : i32
        %add3A_108 = arith.constant 2 : i32
        %add3A_109 = arith.addi %mul3A_107, %add3A_108 : i32
        %add3A_110 = arith.addi %select_n3A_8, %add3A_109 : i32
        "tpu.region"() ({
          %run_scoped3A_162 = tpu.sem_alloc : memref<!tpu.dma_semaphore, #tpu.memory_space<semaphore_mem>>
          %dma_start3A_163 = arith.constant 0 : i32
          %dma_start3A_164 = arith.constant 0 : i32
          %dma_start3A_165 = tpu.memref_slice %arg2[%add3A_110, %dma_start3A_163, %dma_start3A_164] : memref<2544x2x128xi32, #tpu.memory_space<hbm>> -> memref<1x2x128xi32, #tpu.memory_space<hbm>>
          %dma_start3A_166 = tpu.memref_squeeze %dma_start3A_165 : memref<1x2x128xi32, #tpu.memory_space<hbm>> -> memref<2x128xi32, #tpu.memory_space<hbm>>
          %dma_start3A_167 = arith.constant 0 : i32
          %dma_start3A_168 = arith.constant 0 : i32
          %dma_start3A_169 = tpu.memref_slice %arg2[%add3A_110, %dma_start3A_167, %dma_start3A_168] : memref<2544x2x128xi32, #tpu.memory_space<hbm>> -> memref<1x2x128xi32, #tpu.memory_space<hbm>>
          %dma_start3A_170 = tpu.memref_squeeze %dma_start3A_169 : memref<1x2x128xi32, #tpu.memory_space<hbm>> -> memref<2x128xi32, #tpu.memory_space<hbm>>
          tpu.enqueue_dma source(%dma_start3A_170 : memref<2x128xi32, #tpu.memory_space<hbm>>) target(%arg8 : memref<2x128xi32, #tpu.memory_space<vmem>>) target_semaphore(%run_scoped3A_162 : memref<!tpu.dma_semaphore, #tpu.memory_space<semaphore_mem>>)
          %dma_wait3A_171 = arith.constant 0 : i32
          %dma_wait3A_172 = arith.constant 0 : i32
          %dma_wait3A_173 = tpu.memref_slice %arg2[%add3A_110, %dma_wait3A_171, %dma_wait3A_172] : memref<2544x2x128xi32, #tpu.memory_space<hbm>> -> memref<1x2x128xi32, #tpu.memory_space<hbm>>
          %dma_wait3A_174 = tpu.memref_squeeze %dma_wait3A_173 : memref<1x2x128xi32, #tpu.memory_space<hbm>> -> memref<2x128xi32, #tpu.memory_space<hbm>>
          %dma_wait3A_175 = arith.constant 0 : i32
          %dma_wait3A_176 = arith.constant 0 : i32
          %dma_wait3A_177 = tpu.memref_slice %arg2[%add3A_110, %dma_wait3A_175, %dma_wait3A_176] : memref<2544x2x128xi32, #tpu.memory_space<hbm>> -> memref<1x2x128xi32, #tpu.memory_space<hbm>>
          %dma_wait3A_178 = tpu.memref_squeeze %dma_wait3A_177 : memref<1x2x128xi32, #tpu.memory_space<hbm>> -> memref<2x128xi32, #tpu.memory_space<hbm>>
          tpu.wait_dma2 semaphore(%run_scoped3A_162 : memref<!tpu.dma_semaphore, #tpu.memory_space<semaphore_mem>>) src(%dma_wait3A_178 : memref<2x128xi32, #tpu.memory_space<hbm>>) dst(%arg8 : memref<2x128xi32, #tpu.memory_space<vmem>>)
          tpu.yield
        }) : () -> ()
        %dma_start3A_111 = arith.constant 1 : i32
        %dma_start3A_112 = arith.constant 0 : i32
        %dma_start3A_113 = tpu.memref_slice %arg8[%dma_start3A_111, %dma_start3A_112] : memref<2x128xi32, #tpu.memory_space<vmem>> -> memref<1x128xi32, #tpu.memory_space<vmem>>
        %dma_start3A_114 = tpu.memref_squeeze %dma_start3A_113 : memref<1x128xi32, #tpu.memory_space<vmem>> -> memref<128xi32, #tpu.memory_space<vmem>>
        %dma_start3A_115 = arith.constant 0 : i32
        %dma_start3A_116 = arith.constant 0 : i32
        %dma_start3A_117 = tpu.memref_slice %arg3[%dma_start3A_115, %dma_start3A_116] : memref<10000x128xf32, #tpu.memory_space<hbm>> -> memref<10000x128xf32, #tpu.memory_space<hbm>>
        tpu.enqueue_indirect_dma source(%dma_start3A_117 : memref<10000x128xf32, #tpu.memory_space<hbm>>) target(%arg11 : memref<128x128xf32, #tpu.memory_space<vmem>>) offsets(%dma_start3A_114 : memref<128xi32, #tpu.memory_space<vmem>>) semaphore(%arg15 : memref<!tpu.dma_semaphore, #tpu.memory_space<semaphore_mem>>)
        %dma_wait3A_118 = arith.constant 1 : i32
        %dma_wait3A_119 = arith.constant 0 : i32
        %dma_wait3A_120 = tpu.memref_slice %arg6[%dma_wait3A_118, %dma_wait3A_119] : memref<2x128xi32, #tpu.memory_space<vmem>> -> memref<1x128xi32, #tpu.memory_space<vmem>>
        %dma_wait3A_121 = tpu.memref_squeeze %dma_wait3A_120 : memref<1x128xi32, #tpu.memory_space<vmem>> -> memref<128xi32, #tpu.memory_space<vmem>>
        %dma_wait3A_122 = arith.constant 0 : i32
        %dma_wait3A_123 = arith.constant 0 : i32
        %dma_wait3A_124 = tpu.memref_slice %arg3[%dma_wait3A_122, %dma_wait3A_123] : memref<10000x128xf32, #tpu.memory_space<hbm>> -> memref<10000x128xf32, #tpu.memory_space<hbm>>
        tpu.wait_indirect_dma semaphore(%arg13 : memref<!tpu.dma_semaphore, #tpu.memory_space<semaphore_mem>>) src(%dma_wait3A_124 : memref<10000x128xf32, #tpu.memory_space<hbm>>) dst(%arg9 : memref<128x128xf32, #tpu.memory_space<vmem>>)
        %run_scoped3A_125 = arith.constant 0 : i32
        "tpu.region"() ({
          %run_scoped3A_162 = tpu.sem_alloc : memref<!tpu.dma_semaphore, #tpu.memory_space<semaphore_mem>>
          %dma_start3A_163 = arith.constant 0 : i32
          %dma_start3A_164 = tpu.memref_slice %arg6[%run_scoped3A_125, %dma_start3A_163] : memref<2x128xi32, #tpu.memory_space<vmem>> -> memref<1x128xi32, #tpu.memory_space<vmem>>
          %dma_start3A_165 = tpu.memref_squeeze %dma_start3A_164 : memref<1x128xi32, #tpu.memory_space<vmem>> -> memref<128xi32, #tpu.memory_space<vmem>>
          %dma_start3A_166 = arith.constant 0 : i32
          %dma_start3A_167 = arith.constant 0 : i32
          %dma_start3A_168 = tpu.memref_slice %arg12[%dma_start3A_166, %dma_start3A_167] : memref<10016x128xf32, #tpu.memory_space<vmem_shared>> -> memref<10016x128xf32, #tpu.memory_space<vmem_shared>>
          tpu.enqueue_indirect_dma source(%arg9 : memref<128x128xf32, #tpu.memory_space<vmem>>) target(%dma_start3A_168 : memref<10016x128xf32, #tpu.memory_space<vmem_shared>>) offsets(%dma_start3A_165 : memref<128xi32, #tpu.memory_space<vmem>>) semaphore(%run_scoped3A_162 : memref<!tpu.dma_semaphore, #tpu.memory_space<semaphore_mem>>) {add = true}
          %dma_wait3A_169 = arith.constant 0 : i32
          %dma_wait3A_170 = tpu.memref_slice %arg6[%run_scoped3A_125, %dma_wait3A_169] : memref<2x128xi32, #tpu.memory_space<vmem>> -> memref<1x128xi32, #tpu.memory_space<vmem>>
          %dma_wait3A_171 = tpu.memref_squeeze %dma_wait3A_170 : memref<1x128xi32, #tpu.memory_space<vmem>> -> memref<128xi32, #tpu.memory_space<vmem>>
          %dma_wait3A_172 = arith.constant 0 : i32
          %dma_wait3A_173 = arith.constant 0 : i32
          %dma_wait3A_174 = tpu.memref_slice %arg12[%dma_wait3A_172, %dma_wait3A_173] : memref<10016x128xf32, #tpu.memory_space<vmem_shared>> -> memref<10016x128xf32, #tpu.memory_space<vmem_shared>>
          tpu.wait_indirect_dma semaphore(%run_scoped3A_162 : memref<!tpu.dma_semaphore, #tpu.memory_space<semaphore_mem>>) src(%arg9 : memref<128x128xf32, #tpu.memory_space<vmem>>) dst(%dma_wait3A_174 : memref<10016x128xf32, #tpu.memory_space<vmem_shared>>)
          tpu.yield
        }) : () -> ()
        %add3A_126 = arith.constant 3 : i32
        %add3A_127 = arith.addi %mul3A_107, %add3A_126 : i32
        %add3A_128 = arith.addi %select_n3A_8, %add3A_127 : i32
        "tpu.region"() ({
          %run_scoped3A_162 = tpu.sem_alloc : memref<!tpu.dma_semaphore, #tpu.memory_space<semaphore_mem>>
          %dma_start3A_163 = arith.constant 0 : i32
          %dma_start3A_164 = arith.constant 0 : i32
          %dma_start3A_165 = tpu.memref_slice %arg2[%add3A_128, %dma_start3A_163, %dma_start3A_164] : memref<2544x2x128xi32, #tpu.memory_space<hbm>> -> memref<1x2x128xi32, #tpu.memory_space<hbm>>
          %dma_start3A_166 = tpu.memref_squeeze %dma_start3A_165 : memref<1x2x128xi32, #tpu.memory_space<hbm>> -> memref<2x128xi32, #tpu.memory_space<hbm>>
          %dma_start3A_167 = arith.constant 0 : i32
          %dma_start3A_168 = arith.constant 0 : i32
          %dma_start3A_169 = tpu.memref_slice %arg2[%add3A_128, %dma_start3A_167, %dma_start3A_168] : memref<2544x2x128xi32, #tpu.memory_space<hbm>> -> memref<1x2x128xi32, #tpu.memory_space<hbm>>
          %dma_start3A_170 = tpu.memref_squeeze %dma_start3A_169 : memref<1x2x128xi32, #tpu.memory_space<hbm>> -> memref<2x128xi32, #tpu.memory_space<hbm>>
          tpu.enqueue_dma source(%dma_start3A_170 : memref<2x128xi32, #tpu.memory_space<hbm>>) target(%arg6 : memref<2x128xi32, #tpu.memory_space<vmem>>) target_semaphore(%run_scoped3A_162 : memref<!tpu.dma_semaphore, #tpu.memory_space<semaphore_mem>>)
          %dma_wait3A_171 = arith.constant 0 : i32
          %dma_wait3A_172 = arith.constant 0 : i32
          %dma_wait3A_173 = tpu.memref_slice %arg2[%add3A_128, %dma_wait3A_171, %dma_wait3A_172] : memref<2544x2x128xi32, #tpu.memory_space<hbm>> -> memref<1x2x128xi32, #tpu.memory_space<hbm>>
          %dma_wait3A_174 = tpu.memref_squeeze %dma_wait3A_173 : memref<1x2x128xi32, #tpu.memory_space<hbm>> -> memref<2x128xi32, #tpu.memory_space<hbm>>
          %dma_wait3A_175 = arith.constant 0 : i32
          %dma_wait3A_176 = arith.constant 0 : i32
          %dma_wait3A_177 = tpu.memref_slice %arg2[%add3A_128, %dma_wait3A_175, %dma_wait3A_176] : memref<2544x2x128xi32, #tpu.memory_space<hbm>> -> memref<1x2x128xi32, #tpu.memory_space<hbm>>
          %dma_wait3A_178 = tpu.memref_squeeze %dma_wait3A_177 : memref<1x2x128xi32, #tpu.memory_space<hbm>> -> memref<2x128xi32, #tpu.memory_space<hbm>>
          tpu.wait_dma2 semaphore(%run_scoped3A_162 : memref<!tpu.dma_semaphore, #tpu.memory_space<semaphore_mem>>) src(%dma_wait3A_178 : memref<2x128xi32, #tpu.memory_space<hbm>>) dst(%arg6 : memref<2x128xi32, #tpu.memory_space<vmem>>)
          tpu.yield
        }) : () -> ()
        %dma_start3A_129 = arith.constant 1 : i32
        %dma_start3A_130 = arith.constant 0 : i32
        %dma_start3A_131 = tpu.memref_slice %arg6[%dma_start3A_129, %dma_start3A_130] : memref<2x128xi32, #tpu.memory_space<vmem>> -> memref<1x128xi32, #tpu.memory_space<vmem>>
        %dma_start3A_132 = tpu.memref_squeeze %dma_start3A_131 : memref<1x128xi32, #tpu.memory_space<vmem>> -> memref<128xi32, #tpu.memory_space<vmem>>
        %dma_start3A_133 = arith.constant 0 : i32
        %dma_start3A_134 = arith.constant 0 : i32
        %dma_start3A_135 = tpu.memref_slice %arg3[%dma_start3A_133, %dma_start3A_134] : memref<10000x128xf32, #tpu.memory_space<hbm>> -> memref<10000x128xf32, #tpu.memory_space<hbm>>
        tpu.enqueue_indirect_dma source(%dma_start3A_135 : memref<10000x128xf32, #tpu.memory_space<hbm>>) target(%arg9 : memref<128x128xf32, #tpu.memory_space<vmem>>) offsets(%dma_start3A_132 : memref<128xi32, #tpu.memory_space<vmem>>) semaphore(%arg13 : memref<!tpu.dma_semaphore, #tpu.memory_space<semaphore_mem>>)
        %dma_wait3A_136 = arith.constant 1 : i32
        %dma_wait3A_137 = arith.constant 0 : i32
        %dma_wait3A_138 = tpu.memref_slice %arg7[%dma_wait3A_136, %dma_wait3A_137] : memref<2x128xi32, #tpu.memory_space<vmem>> -> memref<1x128xi32, #tpu.memory_space<vmem>>
        %dma_wait3A_139 = tpu.memref_squeeze %dma_wait3A_138 : memref<1x128xi32, #tpu.memory_space<vmem>> -> memref<128xi32, #tpu.memory_space<vmem>>
        %dma_wait3A_140 = arith.constant 0 : i32
        %dma_wait3A_141 = arith.constant 0 : i32
        %dma_wait3A_142 = tpu.memref_slice %arg3[%dma_wait3A_140, %dma_wait3A_141] : memref<10000x128xf32, #tpu.memory_space<hbm>> -> memref<10000x128xf32, #tpu.memory_space<hbm>>
        tpu.wait_indirect_dma semaphore(%arg14 : memref<!tpu.dma_semaphore, #tpu.memory_space<semaphore_mem>>) src(%dma_wait3A_142 : memref<10000x128xf32, #tpu.memory_space<hbm>>) dst(%arg10 : memref<128x128xf32, #tpu.memory_space<vmem>>)
        %run_scoped3A_143 = arith.constant 0 : i32
        "tpu.region"() ({
          %run_scoped3A_162 = tpu.sem_alloc : memref<!tpu.dma_semaphore, #tpu.memory_space<semaphore_mem>>
          %dma_start3A_163 = arith.constant 0 : i32
          %dma_start3A_164 = tpu.memref_slice %arg7[%run_scoped3A_143, %dma_start3A_163] : memref<2x128xi32, #tpu.memory_space<vmem>> -> memref<1x128xi32, #tpu.memory_space<vmem>>
          %dma_start3A_165 = tpu.memref_squeeze %dma_start3A_164 : memref<1x128xi32, #tpu.memory_space<vmem>> -> memref<128xi32, #tpu.memory_space<vmem>>
          %dma_start3A_166 = arith.constant 0 : i32
          %dma_start3A_167 = arith.constant 0 : i32
          %dma_start3A_168 = tpu.memref_slice %arg12[%dma_start3A_166, %dma_start3A_167] : memref<10016x128xf32, #tpu.memory_space<vmem_shared>> -> memref<10016x128xf32, #tpu.memory_space<vmem_shared>>
          tpu.enqueue_indirect_dma source(%arg10 : memref<128x128xf32, #tpu.memory_space<vmem>>) target(%dma_start3A_168 : memref<10016x128xf32, #tpu.memory_space<vmem_shared>>) offsets(%dma_start3A_165 : memref<128xi32, #tpu.memory_space<vmem>>) semaphore(%run_scoped3A_162 : memref<!tpu.dma_semaphore, #tpu.memory_space<semaphore_mem>>) {add = true}
          %dma_wait3A_169 = arith.constant 0 : i32
          %dma_wait3A_170 = tpu.memref_slice %arg7[%run_scoped3A_143, %dma_wait3A_169] : memref<2x128xi32, #tpu.memory_space<vmem>> -> memref<1x128xi32, #tpu.memory_space<vmem>>
          %dma_wait3A_171 = tpu.memref_squeeze %dma_wait3A_170 : memref<1x128xi32, #tpu.memory_space<vmem>> -> memref<128xi32, #tpu.memory_space<vmem>>
          %dma_wait3A_172 = arith.constant 0 : i32
          %dma_wait3A_173 = arith.constant 0 : i32
          %dma_wait3A_174 = tpu.memref_slice %arg12[%dma_wait3A_172, %dma_wait3A_173] : memref<10016x128xf32, #tpu.memory_space<vmem_shared>> -> memref<10016x128xf32, #tpu.memory_space<vmem_shared>>
          tpu.wait_indirect_dma semaphore(%run_scoped3A_162 : memref<!tpu.dma_semaphore, #tpu.memory_space<semaphore_mem>>) src(%arg10 : memref<128x128xf32, #tpu.memory_space<vmem>>) dst(%dma_wait3A_174 : memref<10016x128xf32, #tpu.memory_space<vmem_shared>>)
          tpu.yield
        }) : () -> ()
        %add3A_144 = arith.constant 4 : i32
        %add3A_145 = arith.addi %mul3A_107, %add3A_144 : i32
        %add3A_146 = arith.addi %select_n3A_8, %add3A_145 : i32
        "tpu.region"() ({
          %run_scoped3A_162 = tpu.sem_alloc : memref<!tpu.dma_semaphore, #tpu.memory_space<semaphore_mem>>
          %dma_start3A_163 = arith.constant 0 : i32
          %dma_start3A_164 = arith.constant 0 : i32
          %dma_start3A_165 = tpu.memref_slice %arg2[%add3A_146, %dma_start3A_163, %dma_start3A_164] : memref<2544x2x128xi32, #tpu.memory_space<hbm>> -> memref<1x2x128xi32, #tpu.memory_space<hbm>>
          %dma_start3A_166 = tpu.memref_squeeze %dma_start3A_165 : memref<1x2x128xi32, #tpu.memory_space<hbm>> -> memref<2x128xi32, #tpu.memory_space<hbm>>
          %dma_start3A_167 = arith.constant 0 : i32
          %dma_start3A_168 = arith.constant 0 : i32
          %dma_start3A_169 = tpu.memref_slice %arg2[%add3A_146, %dma_start3A_167, %dma_start3A_168] : memref<2544x2x128xi32, #tpu.memory_space<hbm>> -> memref<1x2x128xi32, #tpu.memory_space<hbm>>
          %dma_start3A_170 = tpu.memref_squeeze %dma_start3A_169 : memref<1x2x128xi32, #tpu.memory_space<hbm>> -> memref<2x128xi32, #tpu.memory_space<hbm>>
          tpu.enqueue_dma source(%dma_start3A_170 : memref<2x128xi32, #tpu.memory_space<hbm>>) target(%arg7 : memref<2x128xi32, #tpu.memory_space<vmem>>) target_semaphore(%run_scoped3A_162 : memref<!tpu.dma_semaphore, #tpu.memory_space<semaphore_mem>>)
          %dma_wait3A_171 = arith.constant 0 : i32
          %dma_wait3A_172 = arith.constant 0 : i32
          %dma_wait3A_173 = tpu.memref_slice %arg2[%add3A_146, %dma_wait3A_171, %dma_wait3A_172] : memref<2544x2x128xi32, #tpu.memory_space<hbm>> -> memref<1x2x128xi32, #tpu.memory_space<hbm>>
          %dma_wait3A_174 = tpu.memref_squeeze %dma_wait3A_173 : memref<1x2x128xi32, #tpu.memory_space<hbm>> -> memref<2x128xi32, #tpu.memory_space<hbm>>
          %dma_wait3A_175 = arith.constant 0 : i32
          %dma_wait3A_176 = arith.constant 0 : i32
          %dma_wait3A_177 = tpu.memref_slice %arg2[%add3A_146, %dma_wait3A_175, %dma_wait3A_176] : memref<2544x2x128xi32, #tpu.memory_space<hbm>> -> memref<1x2x128xi32, #tpu.memory_space<hbm>>
          %dma_wait3A_178 = tpu.memref_squeeze %dma_wait3A_177 : memref<1x2x128xi32, #tpu.memory_space<hbm>> -> memref<2x128xi32, #tpu.memory_space<hbm>>
          tpu.wait_dma2 semaphore(%run_scoped3A_162 : memref<!tpu.dma_semaphore, #tpu.memory_space<semaphore_mem>>) src(%dma_wait3A_178 : memref<2x128xi32, #tpu.memory_space<hbm>>) dst(%arg7 : memref<2x128xi32, #tpu.memory_space<vmem>>)
          tpu.yield
        }) : () -> ()
        %dma_start3A_147 = arith.constant 1 : i32
        %dma_start3A_148 = arith.constant 0 : i32
        %dma_start3A_149 = tpu.memref_slice %arg7[%dma_start3A_147, %dma_start3A_148] : memref<2x128xi32, #tpu.memory_space<vmem>> -> memref<1x128xi32, #tpu.memory_space<vmem>>
        %dma_start3A_150 = tpu.memref_squeeze %dma_start3A_149 : memref<1x128xi32, #tpu.memory_space<vmem>> -> memref<128xi32, #tpu.memory_space<vmem>>
        %dma_start3A_151 = arith.constant 0 : i32
        %dma_start3A_152 = arith.constant 0 : i32
        %dma_start3A_153 = tpu.memref_slice %arg3[%dma_start3A_151, %dma_start3A_152] : memref<10000x128xf32, #tpu.memory_space<hbm>> -> memref<10000x128xf32, #tpu.memory_space<hbm>>
        tpu.enqueue_indirect_dma source(%dma_start3A_153 : memref<10000x128xf32, #tpu.memory_space<hbm>>) target(%arg10 : memref<128x128xf32, #tpu.memory_space<vmem>>) offsets(%dma_start3A_150 : memref<128xi32, #tpu.memory_space<vmem>>) semaphore(%arg14 : memref<!tpu.dma_semaphore, #tpu.memory_space<semaphore_mem>>)
        %dma_wait3A_154 = arith.constant 1 : i32
        %dma_wait3A_155 = arith.constant 0 : i32
        %dma_wait3A_156 = tpu.memref_slice %arg8[%dma_wait3A_154, %dma_wait3A_155] : memref<2x128xi32, #tpu.memory_space<vmem>> -> memref<1x128xi32, #tpu.memory_space<vmem>>
        %dma_wait3A_157 = tpu.memref_squeeze %dma_wait3A_156 : memref<1x128xi32, #tpu.memory_space<vmem>> -> memref<128xi32, #tpu.memory_space<vmem>>
        %dma_wait3A_158 = arith.constant 0 : i32
        %dma_wait3A_159 = arith.constant 0 : i32
        %dma_wait3A_160 = tpu.memref_slice %arg3[%dma_wait3A_158, %dma_wait3A_159] : memref<10000x128xf32, #tpu.memory_space<hbm>> -> memref<10000x128xf32, #tpu.memory_space<hbm>>
        tpu.wait_indirect_dma semaphore(%arg15 : memref<!tpu.dma_semaphore, #tpu.memory_space<semaphore_mem>>) src(%dma_wait3A_160 : memref<10000x128xf32, #tpu.memory_space<hbm>>) dst(%arg11 : memref<128x128xf32, #tpu.memory_space<vmem>>)
        %run_scoped3A_161 = arith.constant 0 : i32
        "tpu.region"() ({
          %run_scoped3A_162 = tpu.sem_alloc : memref<!tpu.dma_semaphore, #tpu.memory_space<semaphore_mem>>
          %dma_start3A_163 = arith.constant 0 : i32
          %dma_start3A_164 = tpu.memref_slice %arg8[%run_scoped3A_161, %dma_start3A_163] : memref<2x128xi32, #tpu.memory_space<vmem>> -> memref<1x128xi32, #tpu.memory_space<vmem>>
          %dma_start3A_165 = tpu.memref_squeeze %dma_start3A_164 : memref<1x128xi32, #tpu.memory_space<vmem>> -> memref<128xi32, #tpu.memory_space<vmem>>
          %dma_start3A_166 = arith.constant 0 : i32
          %dma_start3A_167 = arith.constant 0 : i32
          %dma_start3A_168 = tpu.memref_slice %arg12[%dma_start3A_166, %dma_start3A_167] : memref<10016x128xf32, #tpu.memory_space<vmem_shared>> -> memref<10016x128xf32, #tpu.memory_space<vmem_shared>>
          tpu.enqueue_indirect_dma source(%arg11 : memref<128x128xf32, #tpu.memory_space<vmem>>) target(%dma_start3A_168 : memref<10016x128xf32, #tpu.memory_space<vmem_shared>>) offsets(%dma_start3A_165 : memref<128xi32, #tpu.memory_space<vmem>>) semaphore(%run_scoped3A_162 : memref<!tpu.dma_semaphore, #tpu.memory_space<semaphore_mem>>) {add = true}
          %dma_wait3A_169 = arith.constant 0 : i32
          %dma_wait3A_170 = tpu.memref_slice %arg8[%run_scoped3A_161, %dma_wait3A_169] : memref<2x128xi32, #tpu.memory_space<vmem>> -> memref<1x128xi32, #tpu.memory_space<vmem>>
          %dma_wait3A_171 = tpu.memref_squeeze %dma_wait3A_170 : memref<1x128xi32, #tpu.memory_space<vmem>> -> memref<128xi32, #tpu.memory_space<vmem>>
          %dma_wait3A_172 = arith.constant 0 : i32
          %dma_wait3A_173 = arith.constant 0 : i32
          %dma_wait3A_174 = tpu.memref_slice %arg12[%dma_wait3A_172, %dma_wait3A_173] : memref<10016x128xf32, #tpu.memory_space<vmem_shared>> -> memref<10016x128xf32, #tpu.memory_space<vmem_shared>>
          tpu.wait_indirect_dma semaphore(%run_scoped3A_162 : memref<!tpu.dma_semaphore, #tpu.memory_space<semaphore_mem>>) src(%arg11 : memref<128x128xf32, #tpu.memory_space<vmem>>) dst(%dma_wait3A_174 : memref<10016x128xf32, #tpu.memory_space<vmem_shared>>)
          tpu.yield
        }) : () -> ()
      }
      %sub3A_60 = arith.constant 1 : i32
      %sub3A_61 = arith.subi %select_n3A, %sub3A_60 : i32
      %add3A_62 = arith.addi %select_n3A_8, %sub3A_61 : i32
      "tpu.region"() ({
        %run_scoped3A_105 = tpu.sem_alloc : memref<!tpu.dma_semaphore, #tpu.memory_space<semaphore_mem>>
        %dma_start3A_106 = arith.constant 0 : i32
        %dma_start3A_107 = arith.constant 0 : i32
        %dma_start3A_108 = tpu.memref_slice %arg2[%add3A_62, %dma_start3A_106, %dma_start3A_107] : memref<2544x2x128xi32, #tpu.memory_space<hbm>> -> memref<1x2x128xi32, #tpu.memory_space<hbm>>
        %dma_start3A_109 = tpu.memref_squeeze %dma_start3A_108 : memref<1x2x128xi32, #tpu.memory_space<hbm>> -> memref<2x128xi32, #tpu.memory_space<hbm>>
        %dma_start3A_110 = arith.constant 0 : i32
        %dma_start3A_111 = arith.constant 0 : i32
        %dma_start3A_112 = tpu.memref_slice %arg2[%add3A_62, %dma_start3A_110, %dma_start3A_111] : memref<2544x2x128xi32, #tpu.memory_space<hbm>> -> memref<1x2x128xi32, #tpu.memory_space<hbm>>
        %dma_start3A_113 = tpu.memref_squeeze %dma_start3A_112 : memref<1x2x128xi32, #tpu.memory_space<hbm>> -> memref<2x128xi32, #tpu.memory_space<hbm>>
        tpu.enqueue_dma source(%dma_start3A_113 : memref<2x128xi32, #tpu.memory_space<hbm>>) target(%arg8 : memref<2x128xi32, #tpu.memory_space<vmem>>) target_semaphore(%run_scoped3A_105 : memref<!tpu.dma_semaphore, #tpu.memory_space<semaphore_mem>>)
        %dma_wait3A_114 = arith.constant 0 : i32
        %dma_wait3A_115 = arith.constant 0 : i32
        %dma_wait3A_116 = tpu.memref_slice %arg2[%add3A_62, %dma_wait3A_114, %dma_wait3A_115] : memref<2544x2x128xi32, #tpu.memory_space<hbm>> -> memref<1x2x128xi32, #tpu.memory_space<hbm>>
        %dma_wait3A_117 = tpu.memref_squeeze %dma_wait3A_116 : memref<1x2x128xi32, #tpu.memory_space<hbm>> -> memref<2x128xi32, #tpu.memory_space<hbm>>
        %dma_wait3A_118 = arith.constant 0 : i32
        %dma_wait3A_119 = arith.constant 0 : i32
        %dma_wait3A_120 = tpu.memref_slice %arg2[%add3A_62, %dma_wait3A_118, %dma_wait3A_119] : memref<2544x2x128xi32, #tpu.memory_space<hbm>> -> memref<1x2x128xi32, #tpu.memory_space<hbm>>
        %dma_wait3A_121 = tpu.memref_squeeze %dma_wait3A_120 : memref<1x2x128xi32, #tpu.memory_space<hbm>> -> memref<2x128xi32, #tpu.memory_space<hbm>>
        tpu.wait_dma2 semaphore(%run_scoped3A_105 : memref<!tpu.dma_semaphore, #tpu.memory_space<semaphore_mem>>) src(%dma_wait3A_121 : memref<2x128xi32, #tpu.memory_space<hbm>>) dst(%arg8 : memref<2x128xi32, #tpu.memory_space<vmem>>)
        tpu.yield
      }) : () -> ()
      %dma_start3A_63 = arith.constant 1 : i32
      %dma_start3A_64 = arith.constant 0 : i32
      %dma_start3A_65 = tpu.memref_slice %arg8[%dma_start3A_63, %dma_start3A_64] : memref<2x128xi32, #tpu.memory_space<vmem>> -> memref<1x128xi32, #tpu.memory_space<vmem>>
      %dma_start3A_66 = tpu.memref_squeeze %dma_start3A_65 : memref<1x128xi32, #tpu.memory_space<vmem>> -> memref<128xi32, #tpu.memory_space<vmem>>
      %dma_start3A_67 = arith.constant 0 : i32
      %dma_start3A_68 = arith.constant 0 : i32
      %dma_start3A_69 = tpu.memref_slice %arg3[%dma_start3A_67, %dma_start3A_68] : memref<10000x128xf32, #tpu.memory_space<hbm>> -> memref<10000x128xf32, #tpu.memory_space<hbm>>
      tpu.enqueue_indirect_dma source(%dma_start3A_69 : memref<10000x128xf32, #tpu.memory_space<hbm>>) target(%arg11 : memref<128x128xf32, #tpu.memory_space<vmem>>) offsets(%dma_start3A_66 : memref<128xi32, #tpu.memory_space<vmem>>) semaphore(%arg15 : memref<!tpu.dma_semaphore, #tpu.memory_space<semaphore_mem>>)
      %dma_wait3A = arith.constant 1 : i32
      %dma_wait3A_70 = arith.constant 0 : i32
      %dma_wait3A_71 = tpu.memref_slice %arg6[%dma_wait3A, %dma_wait3A_70] : memref<2x128xi32, #tpu.memory_space<vmem>> -> memref<1x128xi32, #tpu.memory_space<vmem>>
      %dma_wait3A_72 = tpu.memref_squeeze %dma_wait3A_71 : memref<1x128xi32, #tpu.memory_space<vmem>> -> memref<128xi32, #tpu.memory_space<vmem>>
      %dma_wait3A_73 = arith.constant 0 : i32
      %dma_wait3A_74 = arith.constant 0 : i32
      %dma_wait3A_75 = tpu.memref_slice %arg3[%dma_wait3A_73, %dma_wait3A_74] : memref<10000x128xf32, #tpu.memory_space<hbm>> -> memref<10000x128xf32, #tpu.memory_space<hbm>>
      tpu.wait_indirect_dma semaphore(%arg13 : memref<!tpu.dma_semaphore, #tpu.memory_space<semaphore_mem>>) src(%dma_wait3A_75 : memref<10000x128xf32, #tpu.memory_space<hbm>>) dst(%arg9 : memref<128x128xf32, #tpu.memory_space<vmem>>)
      %run_scoped3A = arith.constant 0 : i32
      "tpu.region"() ({
        %run_scoped3A_105 = tpu.sem_alloc : memref<!tpu.dma_semaphore, #tpu.memory_space<semaphore_mem>>
        %dma_start3A_106 = arith.constant 0 : i32
        %dma_start3A_107 = tpu.memref_slice %arg6[%run_scoped3A, %dma_start3A_106] : memref<2x128xi32, #tpu.memory_space<vmem>> -> memref<1x128xi32, #tpu.memory_space<vmem>>
        %dma_start3A_108 = tpu.memref_squeeze %dma_start3A_107 : memref<1x128xi32, #tpu.memory_space<vmem>> -> memref<128xi32, #tpu.memory_space<vmem>>
        %dma_start3A_109 = arith.constant 0 : i32
        %dma_start3A_110 = arith.constant 0 : i32
        %dma_start3A_111 = tpu.memref_slice %arg12[%dma_start3A_109, %dma_start3A_110] : memref<10016x128xf32, #tpu.memory_space<vmem_shared>> -> memref<10016x128xf32, #tpu.memory_space<vmem_shared>>
        tpu.enqueue_indirect_dma source(%arg9 : memref<128x128xf32, #tpu.memory_space<vmem>>) target(%dma_start3A_111 : memref<10016x128xf32, #tpu.memory_space<vmem_shared>>) offsets(%dma_start3A_108 : memref<128xi32, #tpu.memory_space<vmem>>) semaphore(%run_scoped3A_105 : memref<!tpu.dma_semaphore, #tpu.memory_space<semaphore_mem>>) {add = true}
        %dma_wait3A_112 = arith.constant 0 : i32
        %dma_wait3A_113 = tpu.memref_slice %arg6[%run_scoped3A, %dma_wait3A_112] : memref<2x128xi32, #tpu.memory_space<vmem>> -> memref<1x128xi32, #tpu.memory_space<vmem>>
        %dma_wait3A_114 = tpu.memref_squeeze %dma_wait3A_113 : memref<1x128xi32, #tpu.memory_space<vmem>> -> memref<128xi32, #tpu.memory_space<vmem>>
        %dma_wait3A_115 = arith.constant 0 : i32
        %dma_wait3A_116 = arith.constant 0 : i32
        %dma_wait3A_117 = tpu.memref_slice %arg12[%dma_wait3A_115, %dma_wait3A_116] : memref<10016x128xf32, #tpu.memory_space<vmem_shared>> -> memref<10016x128xf32, #tpu.memory_space<vmem_shared>>
        tpu.wait_indirect_dma semaphore(%run_scoped3A_105 : memref<!tpu.dma_semaphore, #tpu.memory_space<semaphore_mem>>) src(%arg9 : memref<128x128xf32, #tpu.memory_space<vmem>>) dst(%dma_wait3A_117 : memref<10016x128xf32, #tpu.memory_space<vmem_shared>>)
        tpu.yield
      }) : () -> ()
      %dma_wait3A_76 = arith.constant 1 : i32
      %dma_wait3A_77 = arith.constant 0 : i32
      %dma_wait3A_78 = tpu.memref_slice %arg7[%dma_wait3A_76, %dma_wait3A_77] : memref<2x128xi32, #tpu.memory_space<vmem>> -> memref<1x128xi32, #tpu.memory_space<vmem>>
      %dma_wait3A_79 = tpu.memref_squeeze %dma_wait3A_78 : memref<1x128xi32, #tpu.memory_space<vmem>> -> memref<128xi32, #tpu.memory_space<vmem>>
      %dma_wait3A_80 = arith.constant 0 : i32
      %dma_wait3A_81 = arith.constant 0 : i32
      %dma_wait3A_82 = tpu.memref_slice %arg3[%dma_wait3A_80, %dma_wait3A_81] : memref<10000x128xf32, #tpu.memory_space<hbm>> -> memref<10000x128xf32, #tpu.memory_space<hbm>>
      tpu.wait_indirect_dma semaphore(%arg14 : memref<!tpu.dma_semaphore, #tpu.memory_space<semaphore_mem>>) src(%dma_wait3A_82 : memref<10000x128xf32, #tpu.memory_space<hbm>>) dst(%arg10 : memref<128x128xf32, #tpu.memory_space<vmem>>)
      %run_scoped3A_83 = arith.constant 0 : i32
      "tpu.region"() ({
        %run_scoped3A_105 = tpu.sem_alloc : memref<!tpu.dma_semaphore, #tpu.memory_space<semaphore_mem>>
        %dma_start3A_106 = arith.constant 0 : i32
        %dma_start3A_107 = tpu.memref_slice %arg7[%run_scoped3A_83, %dma_start3A_106] : memref<2x128xi32, #tpu.memory_space<vmem>> -> memref<1x128xi32, #tpu.memory_space<vmem>>
        %dma_start3A_108 = tpu.memref_squeeze %dma_start3A_107 : memref<1x128xi32, #tpu.memory_space<vmem>> -> memref<128xi32, #tpu.memory_space<vmem>>
        %dma_start3A_109 = arith.constant 0 : i32
        %dma_start3A_110 = arith.constant 0 : i32
        %dma_start3A_111 = tpu.memref_slice %arg12[%dma_start3A_109, %dma_start3A_110] : memref<10016x128xf32, #tpu.memory_space<vmem_shared>> -> memref<10016x128xf32, #tpu.memory_space<vmem_shared>>
        tpu.enqueue_indirect_dma source(%arg10 : memref<128x128xf32, #tpu.memory_space<vmem>>) target(%dma_start3A_111 : memref<10016x128xf32, #tpu.memory_space<vmem_shared>>) offsets(%dma_start3A_108 : memref<128xi32, #tpu.memory_space<vmem>>) semaphore(%run_scoped3A_105 : memref<!tpu.dma_semaphore, #tpu.memory_space<semaphore_mem>>) {add = true}
        %dma_wait3A_112 = arith.constant 0 : i32
        %dma_wait3A_113 = tpu.memref_slice %arg7[%run_scoped3A_83, %dma_wait3A_112] : memref<2x128xi32, #tpu.memory_space<vmem>> -> memref<1x128xi32, #tpu.memory_space<vmem>>
        %dma_wait3A_114 = tpu.memref_squeeze %dma_wait3A_113 : memref<1x128xi32, #tpu.memory_space<vmem>> -> memref<128xi32, #tpu.memory_space<vmem>>
        %dma_wait3A_115 = arith.constant 0 : i32
        %dma_wait3A_116 = arith.constant 0 : i32
        %dma_wait3A_117 = tpu.memref_slice %arg12[%dma_wait3A_115, %dma_wait3A_116] : memref<10016x128xf32, #tpu.memory_space<vmem_shared>> -> memref<10016x128xf32, #tpu.memory_space<vmem_shared>>
        tpu.wait_indirect_dma semaphore(%run_scoped3A_105 : memref<!tpu.dma_semaphore, #tpu.memory_space<semaphore_mem>>) src(%arg10 : memref<128x128xf32, #tpu.memory_space<vmem>>) dst(%dma_wait3A_117 : memref<10016x128xf32, #tpu.memory_space<vmem_shared>>)
        tpu.yield
      }) : () -> ()
      %dma_wait3A_84 = arith.constant 1 : i32
      %dma_wait3A_85 = arith.constant 0 : i32
      %dma_wait3A_86 = tpu.memref_slice %arg8[%dma_wait3A_84, %dma_wait3A_85] : memref<2x128xi32, #tpu.memory_space<vmem>> -> memref<1x128xi32, #tpu.memory_space<vmem>>
      %dma_wait3A_87 = tpu.memref_squeeze %dma_wait3A_86 : memref<1x128xi32, #tpu.memory_space<vmem>> -> memref<128xi32, #tpu.memory_space<vmem>>
      %dma_wait3A_88 = arith.constant 0 : i32
      %dma_wait3A_89 = arith.constant 0 : i32
      %dma_wait3A_90 = tpu.memref_slice %arg3[%dma_wait3A_88, %dma_wait3A_89] : memref<10000x128xf32, #tpu.memory_space<hbm>> -> memref<10000x128xf32, #tpu.memory_space<hbm>>
      tpu.wait_indirect_dma semaphore(%arg15 : memref<!tpu.dma_semaphore, #tpu.memory_space<semaphore_mem>>) src(%dma_wait3A_90 : memref<10000x128xf32, #tpu.memory_space<hbm>>) dst(%arg11 : memref<128x128xf32, #tpu.memory_space<vmem>>)
      %run_scoped3A_91 = arith.constant 0 : i32
      "tpu.region"() ({
        %run_scoped3A_105 = tpu.sem_alloc : memref<!tpu.dma_semaphore, #tpu.memory_space<semaphore_mem>>
        %dma_start3A_106 = arith.constant 0 : i32
        %dma_start3A_107 = tpu.memref_slice %arg8[%run_scoped3A_91, %dma_start3A_106] : memref<2x128xi32, #tpu.memory_space<vmem>> -> memref<1x128xi32, #tpu.memory_space<vmem>>
        %dma_start3A_108 = tpu.memref_squeeze %dma_start3A_107 : memref<1x128xi32, #tpu.memory_space<vmem>> -> memref<128xi32, #tpu.memory_space<vmem>>
        %dma_start3A_109 = arith.constant 0 : i32
        %dma_start3A_110 = arith.constant 0 : i32
        %dma_start3A_111 = tpu.memref_slice %arg12[%dma_start3A_109, %dma_start3A_110] : memref<10016x128xf32, #tpu.memory_space<vmem_shared>> -> memref<10016x128xf32, #tpu.memory_space<vmem_shared>>
        tpu.enqueue_indirect_dma source(%arg11 : memref<128x128xf32, #tpu.memory_space<vmem>>) target(%dma_start3A_111 : memref<10016x128xf32, #tpu.memory_space<vmem_shared>>) offsets(%dma_start3A_108 : memref<128xi32, #tpu.memory_space<vmem>>) semaphore(%run_scoped3A_105 : memref<!tpu.dma_semaphore, #tpu.memory_space<semaphore_mem>>) {add = true}
        %dma_wait3A_112 = arith.constant 0 : i32
        %dma_wait3A_113 = tpu.memref_slice %arg8[%run_scoped3A_91, %dma_wait3A_112] : memref<2x128xi32, #tpu.memory_space<vmem>> -> memref<1x128xi32, #tpu.memory_space<vmem>>
        %dma_wait3A_114 = tpu.memref_squeeze %dma_wait3A_113 : memref<1x128xi32, #tpu.memory_space<vmem>> -> memref<128xi32, #tpu.memory_space<vmem>>
        %dma_wait3A_115 = arith.constant 0 : i32
        %dma_wait3A_116 = arith.constant 0 : i32
        %dma_wait3A_117 = tpu.memref_slice %arg12[%dma_wait3A_115, %dma_wait3A_116] : memref<10016x128xf32, #tpu.memory_space<vmem_shared>> -> memref<10016x128xf32, #tpu.memory_space<vmem_shared>>
        tpu.wait_indirect_dma semaphore(%run_scoped3A_105 : memref<!tpu.dma_semaphore, #tpu.memory_space<semaphore_mem>>) src(%arg11 : memref<128x128xf32, #tpu.memory_space<vmem>>) dst(%dma_wait3A_117 : memref<10016x128xf32, #tpu.memory_space<vmem_shared>>)
        tpu.yield
      }) : () -> ()
      %barrier3A_92 = arith.constant 0 : index
      tpu.barrier barrier_id(%barrier3A_92)
      %mul3A_93 = arith.constant 624 : i32
      %mul3A_94 = arith.muli %arg1, %mul3A_93 : i32
      %mul3A_95 = arith.constant 10000 : i32
      %mul3A_96 = arith.muli %arg0, %mul3A_95 : i32
      %mul3A_97 = arith.constant 624 : i32
      %mul3A_98 = arith.muli %arg1, %mul3A_97 : i32
      %add3A_99 = arith.addi %mul3A_96, %mul3A_98 : i32
      "tpu.region"() ({
        %run_scoped3A_105 = tpu.sem_alloc : memref<!tpu.dma_semaphore, #tpu.memory_space<semaphore_mem>>
        %dma_start3A_106 = arith.constant 0 : i32
        %dma_start3A_107 = tpu.memref_slice %arg5[%add3A_99, %dma_start3A_106] : memref<10000x128xf32, #tpu.memory_space<hbm>> -> memref<624x128xf32, #tpu.memory_space<hbm>>
        %dma_start3A_108 = arith.constant 0 : i32
        %dma_start3A_109 = tpu.memref_slice %arg12[%mul3A_94, %dma_start3A_108] : memref<10016x128xf32, #tpu.memory_space<vmem_shared>> -> memref<624x128xf32, #tpu.memory_space<vmem_shared>>
        tpu.enqueue_dma source(%dma_start3A_109 : memref<624x128xf32, #tpu.memory_space<vmem_shared>>) target(%dma_start3A_107 : memref<624x128xf32, #tpu.memory_space<hbm>>) target_semaphore(%run_scoped3A_105 : memref<!tpu.dma_semaphore, #tpu.memory_space<semaphore_mem>>)
        %dma_wait3A_110 = arith.constant 0 : i32
        %dma_wait3A_111 = tpu.memref_slice %arg5[%add3A_99, %dma_wait3A_110] : memref<10000x128xf32, #tpu.memory_space<hbm>> -> memref<624x128xf32, #tpu.memory_space<hbm>>
        %dma_wait3A_112 = arith.constant 0 : i32
        %dma_wait3A_113 = tpu.memref_slice %arg12[%mul3A_94, %dma_wait3A_112] : memref<10016x128xf32, #tpu.memory_space<vmem_shared>> -> memref<624x128xf32, #tpu.memory_space<vmem_shared>>
        tpu.wait_dma2 semaphore(%run_scoped3A_105 : memref<!tpu.dma_semaphore, #tpu.memory_space<semaphore_mem>>) src(%dma_wait3A_113 : memref<624x128xf32, #tpu.memory_space<vmem_shared>>) dst(%dma_wait3A_111 : memref<624x128xf32, #tpu.memory_space<hbm>>)
        tpu.yield
      }) : () -> ()
      %eq3A_100 = arith.constant 15 : i32
      %eq3A_101 = arith.cmpi eq, %arg1, %eq3A_100 : i32
      %convert_element_type3A_102 = arith.extui %eq3A_101 : i1 to i32
      %cond3A_103 = arith.constant 0 : i32
      %cond3A_104 = arith.cmpi ne, %convert_element_type3A_102, %cond3A_103 : i32
      scf.if %cond3A_104 {
        %mul3A_105 = arith.constant 10000 : i32
        %mul3A_106 = arith.muli %arg0, %mul3A_105 : i32
        %add3A_107 = arith.constant 9984 : i32
        %add3A_108 = arith.addi %mul3A_106, %add3A_107 : i32
        "tpu.region"() ({
          %run_scoped3A_109 = tpu.sem_alloc : memref<!tpu.dma_semaphore, #tpu.memory_space<semaphore_mem>>
          %dma_start3A_110 = arith.constant 0 : i32
          %dma_start3A_111 = tpu.memref_slice %arg5[%add3A_108, %dma_start3A_110] : memref<10000x128xf32, #tpu.memory_space<hbm>> -> memref<16x128xf32, #tpu.memory_space<hbm>>
          %dma_start3A_112 = arith.constant 9984 : i32
          %dma_start3A_113 = arith.constant 0 : i32
          %dma_start3A_114 = tpu.memref_slice %arg12[%dma_start3A_112, %dma_start3A_113] : memref<10016x128xf32, #tpu.memory_space<vmem_shared>> -> memref<16x128xf32, #tpu.memory_space<vmem_shared>>
          tpu.enqueue_dma source(%dma_start3A_114 : memref<16x128xf32, #tpu.memory_space<vmem_shared>>) target(%dma_start3A_111 : memref<16x128xf32, #tpu.memory_space<hbm>>) target_semaphore(%run_scoped3A_109 : memref<!tpu.dma_semaphore, #tpu.memory_space<semaphore_mem>>)
          %dma_wait3A_115 = arith.constant 0 : i32
          %dma_wait3A_116 = tpu.memref_slice %arg5[%add3A_108, %dma_wait3A_115] : memref<10000x128xf32, #tpu.memory_space<hbm>> -> memref<16x128xf32, #tpu.memory_space<hbm>>
          %dma_wait3A_117 = arith.constant 9984 : i32
          %dma_wait3A_118 = arith.constant 0 : i32
          %dma_wait3A_119 = tpu.memref_slice %arg12[%dma_wait3A_117, %dma_wait3A_118] : memref<10016x128xf32, #tpu.memory_space<vmem_shared>> -> memref<16x128xf32, #tpu.memory_space<vmem_shared>>
          tpu.wait_dma2 semaphore(%run_scoped3A_109 : memref<!tpu.dma_semaphore, #tpu.memory_space<semaphore_mem>>) src(%dma_wait3A_119 : memref<16x128xf32, #tpu.memory_space<vmem_shared>>) dst(%dma_wait3A_116 : memref<16x128xf32, #tpu.memory_space<hbm>>)
          tpu.yield
        }) : () -> ()
      } else {
      }
    } else {
    }
    return
  }
}

#map = affine_map<(d0, d1) -> (0, 0)>
module attributes {stable_mosaic.version = 14 : i64} {
  func.func @deg_kernel(%arg0: i32, %arg1: i32, %arg2: memref<2528x128xi32, #tpu.memory_space<hbm>>, %arg3: memref<5024x128xi32, #tpu.memory_space<hbm>>, %arg4: memref<128x16xf32, #tpu.memory_space<hbm>>, %arg5: memref<626x16xf32, #tpu.memory_space<hbm>>, %arg6: memref<20000x16xf32, #tpu.memory_space<hbm>>, %arg7: memref<20000x16xf32, #tpu.memory_space<hbm>>, %arg8: memref<79x128xi32, #tpu.memory_space<vmem>>, %arg9: memref<157x128xi32, #tpu.memory_space<vmem>>, %arg10: memref<128x16xf32, #tpu.memory_space<vmem>>, %arg11: memref<10016x16xf32, #tpu.memory_space<vmem_shared>>, %arg12: memref<10016x16xf32, #tpu.memory_space<vmem_shared>>) attributes {dimension_semantics = [#tpu.dimension_semantics<core_parallel>, #tpu.dimension_semantics<subcore_parallel>], iteration_bounds = array<i64: 2, 16>, scalar_prefetch = 0 : i64, scratch_operands = 5 : i64, tpu.core_type = #tpu.core_type<sc_vector_subcore>, window_params = [{transform_indices = #map}, {transform_indices = #map}, {transform_indices = #map}, {transform_indices = #map}, {transform_indices = #map}, {transform_indices = #map}]} {
    %mul3A = arith.constant 16 : i32
    %mul3A_0 = arith.muli %arg0, %mul3A : i32
    %add3A = arith.addi %mul3A_0, %arg1 : i32
    "tpu.region"() ({
      %run_scoped3A = tpu.sem_alloc : memref<!tpu.dma_semaphore, #tpu.memory_space<semaphore_mem>>
      tpu.enqueue_dma source(%arg4 : memref<128x16xf32, #tpu.memory_space<hbm>>) target(%arg10 : memref<128x16xf32, #tpu.memory_space<vmem>>) target_semaphore(%run_scoped3A : memref<!tpu.dma_semaphore, #tpu.memory_space<semaphore_mem>>)
      tpu.wait_dma2 semaphore(%run_scoped3A : memref<!tpu.dma_semaphore, #tpu.memory_space<semaphore_mem>>) src(%arg4 : memref<128x16xf32, #tpu.memory_space<hbm>>) dst(%arg10 : memref<128x16xf32, #tpu.memory_space<vmem>>)
      tpu.yield
    }) : () -> ()
    %mul3A_1 = arith.constant 79 : i32
    %mul3A_2 = arith.muli %add3A, %mul3A_1 : i32
    "tpu.region"() ({
      %run_scoped3A = tpu.sem_alloc : memref<!tpu.dma_semaphore, #tpu.memory_space<semaphore_mem>>
      %dma_start3A = arith.constant 0 : i32
      %dma_start3A_32 = tpu.memref_slice %arg2[%mul3A_2, %dma_start3A] : memref<2528x128xi32, #tpu.memory_space<hbm>> -> memref<79x128xi32, #tpu.memory_space<hbm>>
      %dma_start3A_33 = arith.constant 0 : i32
      %dma_start3A_34 = tpu.memref_slice %arg2[%mul3A_2, %dma_start3A_33] : memref<2528x128xi32, #tpu.memory_space<hbm>> -> memref<79x128xi32, #tpu.memory_space<hbm>>
      tpu.enqueue_dma source(%dma_start3A_34 : memref<79x128xi32, #tpu.memory_space<hbm>>) target(%arg8 : memref<79x128xi32, #tpu.memory_space<vmem>>) target_semaphore(%run_scoped3A : memref<!tpu.dma_semaphore, #tpu.memory_space<semaphore_mem>>)
      %dma_wait3A = arith.constant 0 : i32
      %dma_wait3A_35 = tpu.memref_slice %arg2[%mul3A_2, %dma_wait3A] : memref<2528x128xi32, #tpu.memory_space<hbm>> -> memref<79x128xi32, #tpu.memory_space<hbm>>
      %dma_wait3A_36 = arith.constant 0 : i32
      %dma_wait3A_37 = tpu.memref_slice %arg2[%mul3A_2, %dma_wait3A_36] : memref<2528x128xi32, #tpu.memory_space<hbm>> -> memref<79x128xi32, #tpu.memory_space<hbm>>
      tpu.wait_dma2 semaphore(%run_scoped3A : memref<!tpu.dma_semaphore, #tpu.memory_space<semaphore_mem>>) src(%dma_wait3A_37 : memref<79x128xi32, #tpu.memory_space<hbm>>) dst(%arg8 : memref<79x128xi32, #tpu.memory_space<vmem>>)
      tpu.yield
    }) : () -> ()
    %mul3A_3 = arith.constant 157 : i32
    %mul3A_4 = arith.muli %add3A, %mul3A_3 : i32
    "tpu.region"() ({
      %run_scoped3A = tpu.sem_alloc : memref<!tpu.dma_semaphore, #tpu.memory_space<semaphore_mem>>
      %dma_start3A = arith.constant 0 : i32
      %dma_start3A_32 = tpu.memref_slice %arg3[%mul3A_4, %dma_start3A] : memref<5024x128xi32, #tpu.memory_space<hbm>> -> memref<157x128xi32, #tpu.memory_space<hbm>>
      %dma_start3A_33 = arith.constant 0 : i32
      %dma_start3A_34 = tpu.memref_slice %arg3[%mul3A_4, %dma_start3A_33] : memref<5024x128xi32, #tpu.memory_space<hbm>> -> memref<157x128xi32, #tpu.memory_space<hbm>>
      tpu.enqueue_dma source(%dma_start3A_34 : memref<157x128xi32, #tpu.memory_space<hbm>>) target(%arg9 : memref<157x128xi32, #tpu.memory_space<vmem>>) target_semaphore(%run_scoped3A : memref<!tpu.dma_semaphore, #tpu.memory_space<semaphore_mem>>)
      %dma_wait3A = arith.constant 0 : i32
      %dma_wait3A_35 = tpu.memref_slice %arg3[%mul3A_4, %dma_wait3A] : memref<5024x128xi32, #tpu.memory_space<hbm>> -> memref<157x128xi32, #tpu.memory_space<hbm>>
      %dma_wait3A_36 = arith.constant 0 : i32
      %dma_wait3A_37 = tpu.memref_slice %arg3[%mul3A_4, %dma_wait3A_36] : memref<5024x128xi32, #tpu.memory_space<hbm>> -> memref<157x128xi32, #tpu.memory_space<hbm>>
      tpu.wait_dma2 semaphore(%run_scoped3A : memref<!tpu.dma_semaphore, #tpu.memory_space<semaphore_mem>>) src(%dma_wait3A_37 : memref<157x128xi32, #tpu.memory_space<hbm>>) dst(%arg9 : memref<157x128xi32, #tpu.memory_space<vmem>>)
      tpu.yield
    }) : () -> ()
    %mul3A_5 = arith.constant 626 : i32
    %mul3A_6 = arith.muli %arg1, %mul3A_5 : i32
    "tpu.region"() ({
      %run_scoped3A = tpu.sem_alloc : memref<!tpu.dma_semaphore, #tpu.memory_space<semaphore_mem>>
      %dma_start3A = arith.constant 0 : i32
      %dma_start3A_32 = tpu.memref_slice %arg11[%mul3A_6, %dma_start3A] : memref<10016x16xf32, #tpu.memory_space<vmem_shared>> -> memref<626x16xf32, #tpu.memory_space<vmem_shared>>
      tpu.enqueue_dma source(%arg5 : memref<626x16xf32, #tpu.memory_space<hbm>>) target(%dma_start3A_32 : memref<626x16xf32, #tpu.memory_space<vmem_shared>>) target_semaphore(%run_scoped3A : memref<!tpu.dma_semaphore, #tpu.memory_space<semaphore_mem>>)
      %dma_wait3A = arith.constant 0 : i32
      %dma_wait3A_33 = tpu.memref_slice %arg11[%mul3A_6, %dma_wait3A] : memref<10016x16xf32, #tpu.memory_space<vmem_shared>> -> memref<626x16xf32, #tpu.memory_space<vmem_shared>>
      tpu.wait_dma2 semaphore(%run_scoped3A : memref<!tpu.dma_semaphore, #tpu.memory_space<semaphore_mem>>) src(%arg5 : memref<626x16xf32, #tpu.memory_space<hbm>>) dst(%dma_wait3A_33 : memref<626x16xf32, #tpu.memory_space<vmem_shared>>)
      tpu.yield
    }) : () -> ()
    %mul3A_7 = arith.constant 626 : i32
    %mul3A_8 = arith.muli %arg1, %mul3A_7 : i32
    "tpu.region"() ({
      %run_scoped3A = tpu.sem_alloc : memref<!tpu.dma_semaphore, #tpu.memory_space<semaphore_mem>>
      %dma_start3A = arith.constant 0 : i32
      %dma_start3A_32 = tpu.memref_slice %arg12[%mul3A_8, %dma_start3A] : memref<10016x16xf32, #tpu.memory_space<vmem_shared>> -> memref<626x16xf32, #tpu.memory_space<vmem_shared>>
      tpu.enqueue_dma source(%arg5 : memref<626x16xf32, #tpu.memory_space<hbm>>) target(%dma_start3A_32 : memref<626x16xf32, #tpu.memory_space<vmem_shared>>) target_semaphore(%run_scoped3A : memref<!tpu.dma_semaphore, #tpu.memory_space<semaphore_mem>>)
      %dma_wait3A = arith.constant 0 : i32
      %dma_wait3A_33 = tpu.memref_slice %arg12[%mul3A_8, %dma_wait3A] : memref<10016x16xf32, #tpu.memory_space<vmem_shared>> -> memref<626x16xf32, #tpu.memory_space<vmem_shared>>
      tpu.wait_dma2 semaphore(%run_scoped3A : memref<!tpu.dma_semaphore, #tpu.memory_space<semaphore_mem>>) src(%arg5 : memref<626x16xf32, #tpu.memory_space<hbm>>) dst(%dma_wait3A_33 : memref<626x16xf32, #tpu.memory_space<vmem_shared>>)
      tpu.yield
    }) : () -> ()
    %barrier3A = arith.constant 0 : index
    tpu.barrier barrier_id(%barrier3A)
    %scan3A = arith.constant 0 : i32
    %scan3A_9 = arith.constant 0 : i32
    %scan3A_10 = arith.constant 79 : i32
    %scan3A_11 = arith.addi %scan3A_9, %scan3A_10 : i32
    %scan3A_12 = arith.constant 1 : i32
    scf.for %scan3A_32 = %scan3A_9 to %scan3A_11 step %scan3A_12  : i32 {
      "tpu.region"() ({
        %run_scoped3A = tpu.sem_alloc : memref<!tpu.dma_semaphore, #tpu.memory_space<semaphore_mem>>
        %dma_start3A = arith.constant 0 : i32
        %dma_start3A_33 = tpu.memref_slice %arg8[%scan3A_32, %dma_start3A] : memref<79x128xi32, #tpu.memory_space<vmem>> -> memref<1x128xi32, #tpu.memory_space<vmem>>
        %dma_start3A_34 = tpu.memref_squeeze %dma_start3A_33 : memref<1x128xi32, #tpu.memory_space<vmem>> -> memref<128xi32, #tpu.memory_space<vmem>>
        %dma_start3A_35 = arith.constant 0 : i32
        %dma_start3A_36 = arith.constant 0 : i32
        %dma_start3A_37 = tpu.memref_slice %arg11[%dma_start3A_35, %dma_start3A_36] : memref<10016x16xf32, #tpu.memory_space<vmem_shared>> -> memref<10016x16xf32, #tpu.memory_space<vmem_shared>>
        tpu.enqueue_indirect_dma source(%arg10 : memref<128x16xf32, #tpu.memory_space<vmem>>) target(%dma_start3A_37 : memref<10016x16xf32, #tpu.memory_space<vmem_shared>>) offsets(%dma_start3A_34 : memref<128xi32, #tpu.memory_space<vmem>>) semaphore(%run_scoped3A : memref<!tpu.dma_semaphore, #tpu.memory_space<semaphore_mem>>) {add = true}
        %dma_wait3A = arith.constant 0 : i32
        %dma_wait3A_38 = tpu.memref_slice %arg8[%scan3A_32, %dma_wait3A] : memref<79x128xi32, #tpu.memory_space<vmem>> -> memref<1x128xi32, #tpu.memory_space<vmem>>
        %dma_wait3A_39 = tpu.memref_squeeze %dma_wait3A_38 : memref<1x128xi32, #tpu.memory_space<vmem>> -> memref<128xi32, #tpu.memory_space<vmem>>
        %dma_wait3A_40 = arith.constant 0 : i32
        %dma_wait3A_41 = arith.constant 0 : i32
        %dma_wait3A_42 = tpu.memref_slice %arg11[%dma_wait3A_40, %dma_wait3A_41] : memref<10016x16xf32, #tpu.memory_space<vmem_shared>> -> memref<10016x16xf32, #tpu.memory_space<vmem_shared>>
        tpu.wait_indirect_dma semaphore(%run_scoped3A : memref<!tpu.dma_semaphore, #tpu.memory_space<semaphore_mem>>) src(%arg10 : memref<128x16xf32, #tpu.memory_space<vmem>>) dst(%dma_wait3A_42 : memref<10016x16xf32, #tpu.memory_space<vmem_shared>>)
        tpu.yield
      }) : () -> ()
    }
    %scan3A_13 = arith.constant 79 : i32
    %scan3A_14 = arith.constant 0 : i32
    %scan3A_15 = arith.constant 0 : i32
    %scan3A_16 = arith.constant 157 : i32
    %scan3A_17 = arith.addi %scan3A_15, %scan3A_16 : i32
    %scan3A_18 = arith.constant 1 : i32
    scf.for %scan3A_32 = %scan3A_15 to %scan3A_17 step %scan3A_18  : i32 {
      "tpu.region"() ({
        %run_scoped3A = tpu.sem_alloc : memref<!tpu.dma_semaphore, #tpu.memory_space<semaphore_mem>>
        %dma_start3A = arith.constant 0 : i32
        %dma_start3A_33 = tpu.memref_slice %arg9[%scan3A_32, %dma_start3A] : memref<157x128xi32, #tpu.memory_space<vmem>> -> memref<1x128xi32, #tpu.memory_space<vmem>>
        %dma_start3A_34 = tpu.memref_squeeze %dma_start3A_33 : memref<1x128xi32, #tpu.memory_space<vmem>> -> memref<128xi32, #tpu.memory_space<vmem>>
        %dma_start3A_35 = arith.constant 0 : i32
        %dma_start3A_36 = arith.constant 0 : i32
        %dma_start3A_37 = tpu.memref_slice %arg12[%dma_start3A_35, %dma_start3A_36] : memref<10016x16xf32, #tpu.memory_space<vmem_shared>> -> memref<10016x16xf32, #tpu.memory_space<vmem_shared>>
        tpu.enqueue_indirect_dma source(%arg10 : memref<128x16xf32, #tpu.memory_space<vmem>>) target(%dma_start3A_37 : memref<10016x16xf32, #tpu.memory_space<vmem_shared>>) offsets(%dma_start3A_34 : memref<128xi32, #tpu.memory_space<vmem>>) semaphore(%run_scoped3A : memref<!tpu.dma_semaphore, #tpu.memory_space<semaphore_mem>>) {add = true}
        %dma_wait3A = arith.constant 0 : i32
        %dma_wait3A_38 = tpu.memref_slice %arg9[%scan3A_32, %dma_wait3A] : memref<157x128xi32, #tpu.memory_space<vmem>> -> memref<1x128xi32, #tpu.memory_space<vmem>>
        %dma_wait3A_39 = tpu.memref_squeeze %dma_wait3A_38 : memref<1x128xi32, #tpu.memory_space<vmem>> -> memref<128xi32, #tpu.memory_space<vmem>>
        %dma_wait3A_40 = arith.constant 0 : i32
        %dma_wait3A_41 = arith.constant 0 : i32
        %dma_wait3A_42 = tpu.memref_slice %arg12[%dma_wait3A_40, %dma_wait3A_41] : memref<10016x16xf32, #tpu.memory_space<vmem_shared>> -> memref<10016x16xf32, #tpu.memory_space<vmem_shared>>
        tpu.wait_indirect_dma semaphore(%run_scoped3A : memref<!tpu.dma_semaphore, #tpu.memory_space<semaphore_mem>>) src(%arg10 : memref<128x16xf32, #tpu.memory_space<vmem>>) dst(%dma_wait3A_42 : memref<10016x16xf32, #tpu.memory_space<vmem_shared>>)
        tpu.yield
      }) : () -> ()
    }
    %scan3A_19 = arith.constant 157 : i32
    %barrier3A_20 = arith.constant 0 : index
    tpu.barrier barrier_id(%barrier3A_20)
    %mul3A_21 = arith.constant 10000 : i32
    %mul3A_22 = arith.muli %arg0, %mul3A_21 : i32
    %mul3A_23 = arith.constant 624 : i32
    %mul3A_24 = arith.muli %arg1, %mul3A_23 : i32
    %add3A_25 = arith.addi %mul3A_22, %mul3A_24 : i32
    %mul3A_26 = arith.constant 624 : i32
    %mul3A_27 = arith.muli %arg1, %mul3A_26 : i32
    "tpu.region"() ({
      %run_scoped3A = tpu.sem_alloc : memref<!tpu.dma_semaphore, #tpu.memory_space<semaphore_mem>>
      %dma_start3A = arith.constant 0 : i32
      %dma_start3A_32 = tpu.memref_slice %arg6[%add3A_25, %dma_start3A] : memref<20000x16xf32, #tpu.memory_space<hbm>> -> memref<624x16xf32, #tpu.memory_space<hbm>>
      %dma_start3A_33 = arith.constant 0 : i32
      %dma_start3A_34 = tpu.memref_slice %arg11[%mul3A_27, %dma_start3A_33] : memref<10016x16xf32, #tpu.memory_space<vmem_shared>> -> memref<624x16xf32, #tpu.memory_space<vmem_shared>>
      tpu.enqueue_dma source(%dma_start3A_34 : memref<624x16xf32, #tpu.memory_space<vmem_shared>>) target(%dma_start3A_32 : memref<624x16xf32, #tpu.memory_space<hbm>>) target_semaphore(%run_scoped3A : memref<!tpu.dma_semaphore, #tpu.memory_space<semaphore_mem>>)
      %dma_wait3A = arith.constant 0 : i32
      %dma_wait3A_35 = tpu.memref_slice %arg6[%add3A_25, %dma_wait3A] : memref<20000x16xf32, #tpu.memory_space<hbm>> -> memref<624x16xf32, #tpu.memory_space<hbm>>
      %dma_wait3A_36 = arith.constant 0 : i32
      %dma_wait3A_37 = tpu.memref_slice %arg11[%mul3A_27, %dma_wait3A_36] : memref<10016x16xf32, #tpu.memory_space<vmem_shared>> -> memref<624x16xf32, #tpu.memory_space<vmem_shared>>
      tpu.wait_dma2 semaphore(%run_scoped3A : memref<!tpu.dma_semaphore, #tpu.memory_space<semaphore_mem>>) src(%dma_wait3A_37 : memref<624x16xf32, #tpu.memory_space<vmem_shared>>) dst(%dma_wait3A_35 : memref<624x16xf32, #tpu.memory_space<hbm>>)
      tpu.yield
    }) : () -> ()
    %mul3A_28 = arith.constant 624 : i32
    %mul3A_29 = arith.muli %arg1, %mul3A_28 : i32
    "tpu.region"() ({
      %run_scoped3A = tpu.sem_alloc : memref<!tpu.dma_semaphore, #tpu.memory_space<semaphore_mem>>
      %dma_start3A = arith.constant 0 : i32
      %dma_start3A_32 = tpu.memref_slice %arg7[%add3A_25, %dma_start3A] : memref<20000x16xf32, #tpu.memory_space<hbm>> -> memref<624x16xf32, #tpu.memory_space<hbm>>
      %dma_start3A_33 = arith.constant 0 : i32
      %dma_start3A_34 = tpu.memref_slice %arg12[%mul3A_29, %dma_start3A_33] : memref<10016x16xf32, #tpu.memory_space<vmem_shared>> -> memref<624x16xf32, #tpu.memory_space<vmem_shared>>
      tpu.enqueue_dma source(%dma_start3A_34 : memref<624x16xf32, #tpu.memory_space<vmem_shared>>) target(%dma_start3A_32 : memref<624x16xf32, #tpu.memory_space<hbm>>) target_semaphore(%run_scoped3A : memref<!tpu.dma_semaphore, #tpu.memory_space<semaphore_mem>>)
      %dma_wait3A = arith.constant 0 : i32
      %dma_wait3A_35 = tpu.memref_slice %arg7[%add3A_25, %dma_wait3A] : memref<20000x16xf32, #tpu.memory_space<hbm>> -> memref<624x16xf32, #tpu.memory_space<hbm>>
      %dma_wait3A_36 = arith.constant 0 : i32
      %dma_wait3A_37 = tpu.memref_slice %arg12[%mul3A_29, %dma_wait3A_36] : memref<10016x16xf32, #tpu.memory_space<vmem_shared>> -> memref<624x16xf32, #tpu.memory_space<vmem_shared>>
      tpu.wait_dma2 semaphore(%run_scoped3A : memref<!tpu.dma_semaphore, #tpu.memory_space<semaphore_mem>>) src(%dma_wait3A_37 : memref<624x16xf32, #tpu.memory_space<vmem_shared>>) dst(%dma_wait3A_35 : memref<624x16xf32, #tpu.memory_space<hbm>>)
      tpu.yield
    }) : () -> ()
    %eq3A = arith.constant 15 : i32
    %eq3A_30 = arith.cmpi eq, %arg1, %eq3A : i32
    %convert_element_type3A = arith.extui %eq3A_30 : i1 to i32
    %cond3A = arith.constant 0 : i32
    %cond3A_31 = arith.cmpi ne, %convert_element_type3A, %cond3A : i32
    scf.if %cond3A_31 {
      %mul3A_32 = arith.constant 10000 : i32
      %mul3A_33 = arith.muli %arg0, %mul3A_32 : i32
      %add3A_34 = arith.constant 9984 : i32
      %add3A_35 = arith.addi %mul3A_33, %add3A_34 : i32
      "tpu.region"() ({
        %run_scoped3A = tpu.sem_alloc : memref<!tpu.dma_semaphore, #tpu.memory_space<semaphore_mem>>
        %dma_start3A = arith.constant 0 : i32
        %dma_start3A_36 = tpu.memref_slice %arg6[%add3A_35, %dma_start3A] : memref<20000x16xf32, #tpu.memory_space<hbm>> -> memref<16x16xf32, #tpu.memory_space<hbm>>
        %dma_start3A_37 = arith.constant 9984 : i32
        %dma_start3A_38 = arith.constant 0 : i32
        %dma_start3A_39 = tpu.memref_slice %arg11[%dma_start3A_37, %dma_start3A_38] : memref<10016x16xf32, #tpu.memory_space<vmem_shared>> -> memref<16x16xf32, #tpu.memory_space<vmem_shared>>
        tpu.enqueue_dma source(%dma_start3A_39 : memref<16x16xf32, #tpu.memory_space<vmem_shared>>) target(%dma_start3A_36 : memref<16x16xf32, #tpu.memory_space<hbm>>) target_semaphore(%run_scoped3A : memref<!tpu.dma_semaphore, #tpu.memory_space<semaphore_mem>>)
        %dma_wait3A = arith.constant 0 : i32
        %dma_wait3A_40 = tpu.memref_slice %arg6[%add3A_35, %dma_wait3A] : memref<20000x16xf32, #tpu.memory_space<hbm>> -> memref<16x16xf32, #tpu.memory_space<hbm>>
        %dma_wait3A_41 = arith.constant 9984 : i32
        %dma_wait3A_42 = arith.constant 0 : i32
        %dma_wait3A_43 = tpu.memref_slice %arg11[%dma_wait3A_41, %dma_wait3A_42] : memref<10016x16xf32, #tpu.memory_space<vmem_shared>> -> memref<16x16xf32, #tpu.memory_space<vmem_shared>>
        tpu.wait_dma2 semaphore(%run_scoped3A : memref<!tpu.dma_semaphore, #tpu.memory_space<semaphore_mem>>) src(%dma_wait3A_43 : memref<16x16xf32, #tpu.memory_space<vmem_shared>>) dst(%dma_wait3A_40 : memref<16x16xf32, #tpu.memory_space<hbm>>)
        tpu.yield
      }) : () -> ()
      "tpu.region"() ({
        %run_scoped3A = tpu.sem_alloc : memref<!tpu.dma_semaphore, #tpu.memory_space<semaphore_mem>>
        %dma_start3A = arith.constant 0 : i32
        %dma_start3A_36 = tpu.memref_slice %arg7[%add3A_35, %dma_start3A] : memref<20000x16xf32, #tpu.memory_space<hbm>> -> memref<16x16xf32, #tpu.memory_space<hbm>>
        %dma_start3A_37 = arith.constant 9984 : i32
        %dma_start3A_38 = arith.constant 0 : i32
        %dma_start3A_39 = tpu.memref_slice %arg12[%dma_start3A_37, %dma_start3A_38] : memref<10016x16xf32, #tpu.memory_space<vmem_shared>> -> memref<16x16xf32, #tpu.memory_space<vmem_shared>>
        tpu.enqueue_dma source(%dma_start3A_39 : memref<16x16xf32, #tpu.memory_space<vmem_shared>>) target(%dma_start3A_36 : memref<16x16xf32, #tpu.memory_space<hbm>>) target_semaphore(%run_scoped3A : memref<!tpu.dma_semaphore, #tpu.memory_space<semaphore_mem>>)
        %dma_wait3A = arith.constant 0 : i32
        %dma_wait3A_40 = tpu.memref_slice %arg7[%add3A_35, %dma_wait3A] : memref<20000x16xf32, #tpu.memory_space<hbm>> -> memref<16x16xf32, #tpu.memory_space<hbm>>
        %dma_wait3A_41 = arith.constant 9984 : i32
        %dma_wait3A_42 = arith.constant 0 : i32
        %dma_wait3A_43 = tpu.memref_slice %arg12[%dma_wait3A_41, %dma_wait3A_42] : memref<10016x16xf32, #tpu.memory_space<vmem_shared>> -> memref<16x16xf32, #tpu.memory_space<vmem_shared>>
        tpu.wait_dma2 semaphore(%run_scoped3A : memref<!tpu.dma_semaphore, #tpu.memory_space<semaphore_mem>>) src(%dma_wait3A_43 : memref<16x16xf32, #tpu.memory_space<vmem_shared>>) dst(%dma_wait3A_40 : memref<16x16xf32, #tpu.memory_space<hbm>>)
        tpu.yield
      }) : () -> ()
    } else {
    }
    return
  }
}

#map = affine_map<(d0, d1) -> (0, 0, 0)>
#map1 = affine_map<(d0, d1) -> (0, 0)>
module attributes {stable_mosaic.version = 14 : i64} {
  func.func @spmm_kernel(%arg0: i32, %arg1: i32, %arg2: memref<2544x2x128xi32, #tpu.memory_space<hbm>>, %arg3: memref<10000x64xf32, #tpu.memory_space<hbm>>, %arg4: memref<626x64xf32, #tpu.memory_space<hbm>>, %arg5: memref<10000x64xf32, #tpu.memory_space<hbm>>, %arg6: memref<2x128xi32, #tpu.memory_space<vmem>>, %arg7: memref<2x128xi32, #tpu.memory_space<vmem>>, %arg8: memref<2x128xi32, #tpu.memory_space<vmem>>, %arg9: memref<128x64xf32, #tpu.memory_space<vmem>>, %arg10: memref<128x64xf32, #tpu.memory_space<vmem>>, %arg11: memref<128x64xf32, #tpu.memory_space<vmem>>, %arg12: memref<10016x64xf32, #tpu.memory_space<vmem_shared>>, %arg13: memref<!tpu.dma_semaphore, #tpu.memory_space<semaphore_mem>>, %arg14: memref<!tpu.dma_semaphore, #tpu.memory_space<semaphore_mem>>, %arg15: memref<!tpu.dma_semaphore, #tpu.memory_space<semaphore_mem>>) attributes {dimension_semantics = [#tpu.dimension_semantics<core_parallel>, #tpu.dimension_semantics<subcore_parallel>], iteration_bounds = array<i64: 2, 16>, scalar_prefetch = 0 : i64, scratch_operands = 10 : i64, tpu.core_type = #tpu.core_type<sc_vector_subcore>, window_params = [{transform_indices = #map}, {transform_indices = #map1}, {transform_indices = #map1}, {transform_indices = #map1}]} {
    %eq3A = arith.constant 0 : i32
    %eq3A_0 = arith.cmpi eq, %arg0, %eq3A : i32
    %jit3A = arith.constant 159 : i32
    %jit3A_1 = arith.constant 0 : i32
    %select_n3A = arith.select %eq3A_0, %jit3A, %jit3A_1 : i32
    %eq3A_2 = arith.constant 0 : i32
    %eq3A_3 = arith.cmpi eq, %arg0, %eq3A_2 : i32
    %mul3A = arith.constant 159 : i32
    %mul3A_4 = arith.muli %arg1, %mul3A : i32
    %mul3A_5 = arith.constant 0 : i32
    %mul3A_6 = arith.muli %arg1, %mul3A_5 : i32
    %add3A = arith.constant 2544 : i32
    %add3A_7 = arith.addi %add3A, %mul3A_6 : i32
    %select_n3A_8 = arith.select %eq3A_3, %mul3A_4, %add3A_7 : i32
    %eq3A_9 = arith.constant 0 : i32
    %eq3A_10 = arith.cmpi eq, %arg0, %eq3A_9 : i32
    %convert_element_type3A = arith.extui %eq3A_10 : i1 to i32
    %cond3A = arith.constant 0 : i32
    %cond3A_11 = arith.cmpi ne, %convert_element_type3A, %cond3A : i32
    scf.if %cond3A_11 {
      %mul3A_12 = arith.constant 626 : i32
      %mul3A_13 = arith.muli %arg1, %mul3A_12 : i32
      "tpu.region"() ({
        %run_scoped3A_105 = tpu.sem_alloc : memref<!tpu.dma_semaphore, #tpu.memory_space<semaphore_mem>>
        %dma_start3A_106 = arith.constant 0 : i32
        %dma_start3A_107 = tpu.memref_slice %arg12[%mul3A_13, %dma_start3A_106] : memref<10016x64xf32, #tpu.memory_space<vmem_shared>> -> memref<626x64xf32, #tpu.memory_space<vmem_shared>>
        tpu.enqueue_dma source(%arg4 : memref<626x64xf32, #tpu.memory_space<hbm>>) target(%dma_start3A_107 : memref<626x64xf32, #tpu.memory_space<vmem_shared>>) target_semaphore(%run_scoped3A_105 : memref<!tpu.dma_semaphore, #tpu.memory_space<semaphore_mem>>)
        %dma_wait3A_108 = arith.constant 0 : i32
        %dma_wait3A_109 = tpu.memref_slice %arg12[%mul3A_13, %dma_wait3A_108] : memref<10016x64xf32, #tpu.memory_space<vmem_shared>> -> memref<626x64xf32, #tpu.memory_space<vmem_shared>>
        tpu.wait_dma2 semaphore(%run_scoped3A_105 : memref<!tpu.dma_semaphore, #tpu.memory_space<semaphore_mem>>) src(%arg4 : memref<626x64xf32, #tpu.memory_space<hbm>>) dst(%dma_wait3A_109 : memref<626x64xf32, #tpu.memory_space<vmem_shared>>)
        tpu.yield
      }) : () -> ()
      %barrier3A = arith.constant 0 : index
      tpu.barrier barrier_id(%barrier3A)
      %add3A_14 = arith.constant 0 : i32
      %add3A_15 = arith.addi %select_n3A_8, %add3A_14 : i32
      "tpu.region"() ({
        %run_scoped3A_105 = tpu.sem_alloc : memref<!tpu.dma_semaphore, #tpu.memory_space<semaphore_mem>>
        %dma_start3A_106 = arith.constant 0 : i32
        %dma_start3A_107 = arith.constant 0 : i32
        %dma_start3A_108 = tpu.memref_slice %arg2[%add3A_15, %dma_start3A_106, %dma_start3A_107] : memref<2544x2x128xi32, #tpu.memory_space<hbm>> -> memref<1x2x128xi32, #tpu.memory_space<hbm>>
        %dma_start3A_109 = tpu.memref_squeeze %dma_start3A_108 : memref<1x2x128xi32, #tpu.memory_space<hbm>> -> memref<2x128xi32, #tpu.memory_space<hbm>>
        %dma_start3A_110 = arith.constant 0 : i32
        %dma_start3A_111 = arith.constant 0 : i32
        %dma_start3A_112 = tpu.memref_slice %arg2[%add3A_15, %dma_start3A_110, %dma_start3A_111] : memref<2544x2x128xi32, #tpu.memory_space<hbm>> -> memref<1x2x128xi32, #tpu.memory_space<hbm>>
        %dma_start3A_113 = tpu.memref_squeeze %dma_start3A_112 : memref<1x2x128xi32, #tpu.memory_space<hbm>> -> memref<2x128xi32, #tpu.memory_space<hbm>>
        tpu.enqueue_dma source(%dma_start3A_113 : memref<2x128xi32, #tpu.memory_space<hbm>>) target(%arg6 : memref<2x128xi32, #tpu.memory_space<vmem>>) target_semaphore(%run_scoped3A_105 : memref<!tpu.dma_semaphore, #tpu.memory_space<semaphore_mem>>)
        %dma_wait3A_114 = arith.constant 0 : i32
        %dma_wait3A_115 = arith.constant 0 : i32
        %dma_wait3A_116 = tpu.memref_slice %arg2[%add3A_15, %dma_wait3A_114, %dma_wait3A_115] : memref<2544x2x128xi32, #tpu.memory_space<hbm>> -> memref<1x2x128xi32, #tpu.memory_space<hbm>>
        %dma_wait3A_117 = tpu.memref_squeeze %dma_wait3A_116 : memref<1x2x128xi32, #tpu.memory_space<hbm>> -> memref<2x128xi32, #tpu.memory_space<hbm>>
        %dma_wait3A_118 = arith.constant 0 : i32
        %dma_wait3A_119 = arith.constant 0 : i32
        %dma_wait3A_120 = tpu.memref_slice %arg2[%add3A_15, %dma_wait3A_118, %dma_wait3A_119] : memref<2544x2x128xi32, #tpu.memory_space<hbm>> -> memref<1x2x128xi32, #tpu.memory_space<hbm>>
        %dma_wait3A_121 = tpu.memref_squeeze %dma_wait3A_120 : memref<1x2x128xi32, #tpu.memory_space<hbm>> -> memref<2x128xi32, #tpu.memory_space<hbm>>
        tpu.wait_dma2 semaphore(%run_scoped3A_105 : memref<!tpu.dma_semaphore, #tpu.memory_space<semaphore_mem>>) src(%dma_wait3A_121 : memref<2x128xi32, #tpu.memory_space<hbm>>) dst(%arg6 : memref<2x128xi32, #tpu.memory_space<vmem>>)
        tpu.yield
      }) : () -> ()
      %dma_start3A = arith.constant 1 : i32
      %dma_start3A_16 = arith.constant 0 : i32
      %dma_start3A_17 = tpu.memref_slice %arg6[%dma_start3A, %dma_start3A_16] : memref<2x128xi32, #tpu.memory_space<vmem>> -> memref<1x128xi32, #tpu.memory_space<vmem>>
      %dma_start3A_18 = tpu.memref_squeeze %dma_start3A_17 : memref<1x128xi32, #tpu.memory_space<vmem>> -> memref<128xi32, #tpu.memory_space<vmem>>
      %dma_start3A_19 = arith.constant 0 : i32
      %dma_start3A_20 = arith.constant 0 : i32
      %dma_start3A_21 = tpu.memref_slice %arg3[%dma_start3A_19, %dma_start3A_20] : memref<10000x64xf32, #tpu.memory_space<hbm>> -> memref<10000x64xf32, #tpu.memory_space<hbm>>
      tpu.enqueue_indirect_dma source(%dma_start3A_21 : memref<10000x64xf32, #tpu.memory_space<hbm>>) target(%arg9 : memref<128x64xf32, #tpu.memory_space<vmem>>) offsets(%dma_start3A_18 : memref<128xi32, #tpu.memory_space<vmem>>) semaphore(%arg13 : memref<!tpu.dma_semaphore, #tpu.memory_space<semaphore_mem>>)
      %add3A_22 = arith.constant 1 : i32
      %add3A_23 = arith.addi %select_n3A_8, %add3A_22 : i32
      "tpu.region"() ({
        %run_scoped3A_105 = tpu.sem_alloc : memref<!tpu.dma_semaphore, #tpu.memory_space<semaphore_mem>>
        %dma_start3A_106 = arith.constant 0 : i32
        %dma_start3A_107 = arith.constant 0 : i32
        %dma_start3A_108 = tpu.memref_slice %arg2[%add3A_23, %dma_start3A_106, %dma_start3A_107] : memref<2544x2x128xi32, #tpu.memory_space<hbm>> -> memref<1x2x128xi32, #tpu.memory_space<hbm>>
        %dma_start3A_109 = tpu.memref_squeeze %dma_start3A_108 : memref<1x2x128xi32, #tpu.memory_space<hbm>> -> memref<2x128xi32, #tpu.memory_space<hbm>>
        %dma_start3A_110 = arith.constant 0 : i32
        %dma_start3A_111 = arith.constant 0 : i32
        %dma_start3A_112 = tpu.memref_slice %arg2[%add3A_23, %dma_start3A_110, %dma_start3A_111] : memref<2544x2x128xi32, #tpu.memory_space<hbm>> -> memref<1x2x128xi32, #tpu.memory_space<hbm>>
        %dma_start3A_113 = tpu.memref_squeeze %dma_start3A_112 : memref<1x2x128xi32, #tpu.memory_space<hbm>> -> memref<2x128xi32, #tpu.memory_space<hbm>>
        tpu.enqueue_dma source(%dma_start3A_113 : memref<2x128xi32, #tpu.memory_space<hbm>>) target(%arg7 : memref<2x128xi32, #tpu.memory_space<vmem>>) target_semaphore(%run_scoped3A_105 : memref<!tpu.dma_semaphore, #tpu.memory_space<semaphore_mem>>)
        %dma_wait3A_114 = arith.constant 0 : i32
        %dma_wait3A_115 = arith.constant 0 : i32
        %dma_wait3A_116 = tpu.memref_slice %arg2[%add3A_23, %dma_wait3A_114, %dma_wait3A_115] : memref<2544x2x128xi32, #tpu.memory_space<hbm>> -> memref<1x2x128xi32, #tpu.memory_space<hbm>>
        %dma_wait3A_117 = tpu.memref_squeeze %dma_wait3A_116 : memref<1x2x128xi32, #tpu.memory_space<hbm>> -> memref<2x128xi32, #tpu.memory_space<hbm>>
        %dma_wait3A_118 = arith.constant 0 : i32
        %dma_wait3A_119 = arith.constant 0 : i32
        %dma_wait3A_120 = tpu.memref_slice %arg2[%add3A_23, %dma_wait3A_118, %dma_wait3A_119] : memref<2544x2x128xi32, #tpu.memory_space<hbm>> -> memref<1x2x128xi32, #tpu.memory_space<hbm>>
        %dma_wait3A_121 = tpu.memref_squeeze %dma_wait3A_120 : memref<1x2x128xi32, #tpu.memory_space<hbm>> -> memref<2x128xi32, #tpu.memory_space<hbm>>
        tpu.wait_dma2 semaphore(%run_scoped3A_105 : memref<!tpu.dma_semaphore, #tpu.memory_space<semaphore_mem>>) src(%dma_wait3A_121 : memref<2x128xi32, #tpu.memory_space<hbm>>) dst(%arg7 : memref<2x128xi32, #tpu.memory_space<vmem>>)
        tpu.yield
      }) : () -> ()
      %dma_start3A_24 = arith.constant 1 : i32
      %dma_start3A_25 = arith.constant 0 : i32
      %dma_start3A_26 = tpu.memref_slice %arg7[%dma_start3A_24, %dma_start3A_25] : memref<2x128xi32, #tpu.memory_space<vmem>> -> memref<1x128xi32, #tpu.memory_space<vmem>>
      %dma_start3A_27 = tpu.memref_squeeze %dma_start3A_26 : memref<1x128xi32, #tpu.memory_space<vmem>> -> memref<128xi32, #tpu.memory_space<vmem>>
      %dma_start3A_28 = arith.constant 0 : i32
      %dma_start3A_29 = arith.constant 0 : i32
      %dma_start3A_30 = tpu.memref_slice %arg3[%dma_start3A_28, %dma_start3A_29] : memref<10000x64xf32, #tpu.memory_space<hbm>> -> memref<10000x64xf32, #tpu.memory_space<hbm>>
      tpu.enqueue_indirect_dma source(%dma_start3A_30 : memref<10000x64xf32, #tpu.memory_space<hbm>>) target(%arg10 : memref<128x64xf32, #tpu.memory_space<vmem>>) offsets(%dma_start3A_27 : memref<128xi32, #tpu.memory_space<vmem>>) semaphore(%arg14 : memref<!tpu.dma_semaphore, #tpu.memory_space<semaphore_mem>>)
      %jit3A_31 = arith.constant 3 : i32
      %div3A = arith.divsi %select_n3A, %jit3A_31 : i32
      %sign3A = arith.constant 0 : i32
      %sign3A_32 = arith.cmpi sgt, %select_n3A, %sign3A : i32
      %sign3A_33 = arith.extui %sign3A_32 : i1 to i32
      %sign3A_34 = arith.constant 0 : i32
      %sign3A_35 = arith.cmpi slt, %select_n3A, %sign3A_34 : i32
      %sign3A_36 = arith.extui %sign3A_35 : i1 to i32
      %sign3A_37 = arith.subi %sign3A_33, %sign3A_36 : i32
      %sign3A_38 = arith.constant 0 : i32
      %sign3A_39 = arith.cmpi sgt, %jit3A_31, %sign3A_38 : i32
      %sign3A_40 = arith.extui %sign3A_39 : i1 to i32
      %sign3A_41 = arith.constant 0 : i32
      %sign3A_42 = arith.cmpi slt, %jit3A_31, %sign3A_41 : i32
      %sign3A_43 = arith.extui %sign3A_42 : i1 to i32
      %sign3A_44 = arith.subi %sign3A_40, %sign3A_43 : i32
      %ne3A = arith.cmpi ne, %sign3A_37, %sign3A_44 : i32
      %rem3A = arith.remsi %select_n3A, %jit3A_31 : i32
      %ne3A_45 = arith.constant 0 : i32
      %ne3A_46 = arith.cmpi ne, %rem3A, %ne3A_45 : i32
      %and3A = arith.andi %ne3A, %ne3A_46 : i1
      %sub3A = arith.constant 1 : i32
      %sub3A_47 = arith.subi %div3A, %sub3A : i32
      %select_n3A_48 = arith.select %and3A, %sub3A_47, %div3A : i32
      %sub3A_49 = arith.constant 1 : i32
      %sub3A_50 = arith.subi %select_n3A_48, %sub3A_49 : i32
      %while3A = arith.constant 0 : i32
      %while3A_51 = arith.constant 0 : i32
      %while3A_52 = arith.subi %sub3A_50, %while3A_51 : i32
      %while3A_53 = arith.addi %while3A_51, %while3A_52 : i32
      %while3A_54 = arith.constant 1 : i32
      %while3A_55 = arith.divsi %while3A_52, %while3A_54 : i32
      %while3A_56 = arith.muli %while3A_55, %while3A_54 : i32
      %while3A_57 = arith.addi %while3A_51, %while3A_56 : i32
      %while3A_58 = arith.constant 1 : i32
      scf.for %while3A_105 = %while3A_51 to %while3A_57 step %while3A_58  : i32 {
        %mul3A_106 = arith.constant 3 : i32
        %mul3A_107 = arith.muli %mul3A_106, %while3A_105 : i32
        %add3A_108 = arith.constant 2 : i32
        %add3A_109 = arith.addi %mul3A_107, %add3A_108 : i32
        %add3A_110 = arith.addi %select_n3A_8, %add3A_109 : i32
        "tpu.region"() ({
          %run_scoped3A_162 = tpu.sem_alloc : memref<!tpu.dma_semaphore, #tpu.memory_space<semaphore_mem>>
          %dma_start3A_163 = arith.constant 0 : i32
          %dma_start3A_164 = arith.constant 0 : i32
          %dma_start3A_165 = tpu.memref_slice %arg2[%add3A_110, %dma_start3A_163, %dma_start3A_164] : memref<2544x2x128xi32, #tpu.memory_space<hbm>> -> memref<1x2x128xi32, #tpu.memory_space<hbm>>
          %dma_start3A_166 = tpu.memref_squeeze %dma_start3A_165 : memref<1x2x128xi32, #tpu.memory_space<hbm>> -> memref<2x128xi32, #tpu.memory_space<hbm>>
          %dma_start3A_167 = arith.constant 0 : i32
          %dma_start3A_168 = arith.constant 0 : i32
          %dma_start3A_169 = tpu.memref_slice %arg2[%add3A_110, %dma_start3A_167, %dma_start3A_168] : memref<2544x2x128xi32, #tpu.memory_space<hbm>> -> memref<1x2x128xi32, #tpu.memory_space<hbm>>
          %dma_start3A_170 = tpu.memref_squeeze %dma_start3A_169 : memref<1x2x128xi32, #tpu.memory_space<hbm>> -> memref<2x128xi32, #tpu.memory_space<hbm>>
          tpu.enqueue_dma source(%dma_start3A_170 : memref<2x128xi32, #tpu.memory_space<hbm>>) target(%arg8 : memref<2x128xi32, #tpu.memory_space<vmem>>) target_semaphore(%run_scoped3A_162 : memref<!tpu.dma_semaphore, #tpu.memory_space<semaphore_mem>>)
          %dma_wait3A_171 = arith.constant 0 : i32
          %dma_wait3A_172 = arith.constant 0 : i32
          %dma_wait3A_173 = tpu.memref_slice %arg2[%add3A_110, %dma_wait3A_171, %dma_wait3A_172] : memref<2544x2x128xi32, #tpu.memory_space<hbm>> -> memref<1x2x128xi32, #tpu.memory_space<hbm>>
          %dma_wait3A_174 = tpu.memref_squeeze %dma_wait3A_173 : memref<1x2x128xi32, #tpu.memory_space<hbm>> -> memref<2x128xi32, #tpu.memory_space<hbm>>
          %dma_wait3A_175 = arith.constant 0 : i32
          %dma_wait3A_176 = arith.constant 0 : i32
          %dma_wait3A_177 = tpu.memref_slice %arg2[%add3A_110, %dma_wait3A_175, %dma_wait3A_176] : memref<2544x2x128xi32, #tpu.memory_space<hbm>> -> memref<1x2x128xi32, #tpu.memory_space<hbm>>
          %dma_wait3A_178 = tpu.memref_squeeze %dma_wait3A_177 : memref<1x2x128xi32, #tpu.memory_space<hbm>> -> memref<2x128xi32, #tpu.memory_space<hbm>>
          tpu.wait_dma2 semaphore(%run_scoped3A_162 : memref<!tpu.dma_semaphore, #tpu.memory_space<semaphore_mem>>) src(%dma_wait3A_178 : memref<2x128xi32, #tpu.memory_space<hbm>>) dst(%arg8 : memref<2x128xi32, #tpu.memory_space<vmem>>)
          tpu.yield
        }) : () -> ()
        %dma_start3A_111 = arith.constant 1 : i32
        %dma_start3A_112 = arith.constant 0 : i32
        %dma_start3A_113 = tpu.memref_slice %arg8[%dma_start3A_111, %dma_start3A_112] : memref<2x128xi32, #tpu.memory_space<vmem>> -> memref<1x128xi32, #tpu.memory_space<vmem>>
        %dma_start3A_114 = tpu.memref_squeeze %dma_start3A_113 : memref<1x128xi32, #tpu.memory_space<vmem>> -> memref<128xi32, #tpu.memory_space<vmem>>
        %dma_start3A_115 = arith.constant 0 : i32
        %dma_start3A_116 = arith.constant 0 : i32
        %dma_start3A_117 = tpu.memref_slice %arg3[%dma_start3A_115, %dma_start3A_116] : memref<10000x64xf32, #tpu.memory_space<hbm>> -> memref<10000x64xf32, #tpu.memory_space<hbm>>
        tpu.enqueue_indirect_dma source(%dma_start3A_117 : memref<10000x64xf32, #tpu.memory_space<hbm>>) target(%arg11 : memref<128x64xf32, #tpu.memory_space<vmem>>) offsets(%dma_start3A_114 : memref<128xi32, #tpu.memory_space<vmem>>) semaphore(%arg15 : memref<!tpu.dma_semaphore, #tpu.memory_space<semaphore_mem>>)
        %dma_wait3A_118 = arith.constant 1 : i32
        %dma_wait3A_119 = arith.constant 0 : i32
        %dma_wait3A_120 = tpu.memref_slice %arg6[%dma_wait3A_118, %dma_wait3A_119] : memref<2x128xi32, #tpu.memory_space<vmem>> -> memref<1x128xi32, #tpu.memory_space<vmem>>
        %dma_wait3A_121 = tpu.memref_squeeze %dma_wait3A_120 : memref<1x128xi32, #tpu.memory_space<vmem>> -> memref<128xi32, #tpu.memory_space<vmem>>
        %dma_wait3A_122 = arith.constant 0 : i32
        %dma_wait3A_123 = arith.constant 0 : i32
        %dma_wait3A_124 = tpu.memref_slice %arg3[%dma_wait3A_122, %dma_wait3A_123] : memref<10000x64xf32, #tpu.memory_space<hbm>> -> memref<10000x64xf32, #tpu.memory_space<hbm>>
        tpu.wait_indirect_dma semaphore(%arg13 : memref<!tpu.dma_semaphore, #tpu.memory_space<semaphore_mem>>) src(%dma_wait3A_124 : memref<10000x64xf32, #tpu.memory_space<hbm>>) dst(%arg9 : memref<128x64xf32, #tpu.memory_space<vmem>>)
        %run_scoped3A_125 = arith.constant 0 : i32
        "tpu.region"() ({
          %run_scoped3A_162 = tpu.sem_alloc : memref<!tpu.dma_semaphore, #tpu.memory_space<semaphore_mem>>
          %dma_start3A_163 = arith.constant 0 : i32
          %dma_start3A_164 = tpu.memref_slice %arg6[%run_scoped3A_125, %dma_start3A_163] : memref<2x128xi32, #tpu.memory_space<vmem>> -> memref<1x128xi32, #tpu.memory_space<vmem>>
          %dma_start3A_165 = tpu.memref_squeeze %dma_start3A_164 : memref<1x128xi32, #tpu.memory_space<vmem>> -> memref<128xi32, #tpu.memory_space<vmem>>
          %dma_start3A_166 = arith.constant 0 : i32
          %dma_start3A_167 = arith.constant 0 : i32
          %dma_start3A_168 = tpu.memref_slice %arg12[%dma_start3A_166, %dma_start3A_167] : memref<10016x64xf32, #tpu.memory_space<vmem_shared>> -> memref<10016x64xf32, #tpu.memory_space<vmem_shared>>
          tpu.enqueue_indirect_dma source(%arg9 : memref<128x64xf32, #tpu.memory_space<vmem>>) target(%dma_start3A_168 : memref<10016x64xf32, #tpu.memory_space<vmem_shared>>) offsets(%dma_start3A_165 : memref<128xi32, #tpu.memory_space<vmem>>) semaphore(%run_scoped3A_162 : memref<!tpu.dma_semaphore, #tpu.memory_space<semaphore_mem>>) {add = true}
          %dma_wait3A_169 = arith.constant 0 : i32
          %dma_wait3A_170 = tpu.memref_slice %arg6[%run_scoped3A_125, %dma_wait3A_169] : memref<2x128xi32, #tpu.memory_space<vmem>> -> memref<1x128xi32, #tpu.memory_space<vmem>>
          %dma_wait3A_171 = tpu.memref_squeeze %dma_wait3A_170 : memref<1x128xi32, #tpu.memory_space<vmem>> -> memref<128xi32, #tpu.memory_space<vmem>>
          %dma_wait3A_172 = arith.constant 0 : i32
          %dma_wait3A_173 = arith.constant 0 : i32
          %dma_wait3A_174 = tpu.memref_slice %arg12[%dma_wait3A_172, %dma_wait3A_173] : memref<10016x64xf32, #tpu.memory_space<vmem_shared>> -> memref<10016x64xf32, #tpu.memory_space<vmem_shared>>
          tpu.wait_indirect_dma semaphore(%run_scoped3A_162 : memref<!tpu.dma_semaphore, #tpu.memory_space<semaphore_mem>>) src(%arg9 : memref<128x64xf32, #tpu.memory_space<vmem>>) dst(%dma_wait3A_174 : memref<10016x64xf32, #tpu.memory_space<vmem_shared>>)
          tpu.yield
        }) : () -> ()
        %add3A_126 = arith.constant 3 : i32
        %add3A_127 = arith.addi %mul3A_107, %add3A_126 : i32
        %add3A_128 = arith.addi %select_n3A_8, %add3A_127 : i32
        "tpu.region"() ({
          %run_scoped3A_162 = tpu.sem_alloc : memref<!tpu.dma_semaphore, #tpu.memory_space<semaphore_mem>>
          %dma_start3A_163 = arith.constant 0 : i32
          %dma_start3A_164 = arith.constant 0 : i32
          %dma_start3A_165 = tpu.memref_slice %arg2[%add3A_128, %dma_start3A_163, %dma_start3A_164] : memref<2544x2x128xi32, #tpu.memory_space<hbm>> -> memref<1x2x128xi32, #tpu.memory_space<hbm>>
          %dma_start3A_166 = tpu.memref_squeeze %dma_start3A_165 : memref<1x2x128xi32, #tpu.memory_space<hbm>> -> memref<2x128xi32, #tpu.memory_space<hbm>>
          %dma_start3A_167 = arith.constant 0 : i32
          %dma_start3A_168 = arith.constant 0 : i32
          %dma_start3A_169 = tpu.memref_slice %arg2[%add3A_128, %dma_start3A_167, %dma_start3A_168] : memref<2544x2x128xi32, #tpu.memory_space<hbm>> -> memref<1x2x128xi32, #tpu.memory_space<hbm>>
          %dma_start3A_170 = tpu.memref_squeeze %dma_start3A_169 : memref<1x2x128xi32, #tpu.memory_space<hbm>> -> memref<2x128xi32, #tpu.memory_space<hbm>>
          tpu.enqueue_dma source(%dma_start3A_170 : memref<2x128xi32, #tpu.memory_space<hbm>>) target(%arg6 : memref<2x128xi32, #tpu.memory_space<vmem>>) target_semaphore(%run_scoped3A_162 : memref<!tpu.dma_semaphore, #tpu.memory_space<semaphore_mem>>)
          %dma_wait3A_171 = arith.constant 0 : i32
          %dma_wait3A_172 = arith.constant 0 : i32
          %dma_wait3A_173 = tpu.memref_slice %arg2[%add3A_128, %dma_wait3A_171, %dma_wait3A_172] : memref<2544x2x128xi32, #tpu.memory_space<hbm>> -> memref<1x2x128xi32, #tpu.memory_space<hbm>>
          %dma_wait3A_174 = tpu.memref_squeeze %dma_wait3A_173 : memref<1x2x128xi32, #tpu.memory_space<hbm>> -> memref<2x128xi32, #tpu.memory_space<hbm>>
          %dma_wait3A_175 = arith.constant 0 : i32
          %dma_wait3A_176 = arith.constant 0 : i32
          %dma_wait3A_177 = tpu.memref_slice %arg2[%add3A_128, %dma_wait3A_175, %dma_wait3A_176] : memref<2544x2x128xi32, #tpu.memory_space<hbm>> -> memref<1x2x128xi32, #tpu.memory_space<hbm>>
          %dma_wait3A_178 = tpu.memref_squeeze %dma_wait3A_177 : memref<1x2x128xi32, #tpu.memory_space<hbm>> -> memref<2x128xi32, #tpu.memory_space<hbm>>
          tpu.wait_dma2 semaphore(%run_scoped3A_162 : memref<!tpu.dma_semaphore, #tpu.memory_space<semaphore_mem>>) src(%dma_wait3A_178 : memref<2x128xi32, #tpu.memory_space<hbm>>) dst(%arg6 : memref<2x128xi32, #tpu.memory_space<vmem>>)
          tpu.yield
        }) : () -> ()
        %dma_start3A_129 = arith.constant 1 : i32
        %dma_start3A_130 = arith.constant 0 : i32
        %dma_start3A_131 = tpu.memref_slice %arg6[%dma_start3A_129, %dma_start3A_130] : memref<2x128xi32, #tpu.memory_space<vmem>> -> memref<1x128xi32, #tpu.memory_space<vmem>>
        %dma_start3A_132 = tpu.memref_squeeze %dma_start3A_131 : memref<1x128xi32, #tpu.memory_space<vmem>> -> memref<128xi32, #tpu.memory_space<vmem>>
        %dma_start3A_133 = arith.constant 0 : i32
        %dma_start3A_134 = arith.constant 0 : i32
        %dma_start3A_135 = tpu.memref_slice %arg3[%dma_start3A_133, %dma_start3A_134] : memref<10000x64xf32, #tpu.memory_space<hbm>> -> memref<10000x64xf32, #tpu.memory_space<hbm>>
        tpu.enqueue_indirect_dma source(%dma_start3A_135 : memref<10000x64xf32, #tpu.memory_space<hbm>>) target(%arg9 : memref<128x64xf32, #tpu.memory_space<vmem>>) offsets(%dma_start3A_132 : memref<128xi32, #tpu.memory_space<vmem>>) semaphore(%arg13 : memref<!tpu.dma_semaphore, #tpu.memory_space<semaphore_mem>>)
        %dma_wait3A_136 = arith.constant 1 : i32
        %dma_wait3A_137 = arith.constant 0 : i32
        %dma_wait3A_138 = tpu.memref_slice %arg7[%dma_wait3A_136, %dma_wait3A_137] : memref<2x128xi32, #tpu.memory_space<vmem>> -> memref<1x128xi32, #tpu.memory_space<vmem>>
        %dma_wait3A_139 = tpu.memref_squeeze %dma_wait3A_138 : memref<1x128xi32, #tpu.memory_space<vmem>> -> memref<128xi32, #tpu.memory_space<vmem>>
        %dma_wait3A_140 = arith.constant 0 : i32
        %dma_wait3A_141 = arith.constant 0 : i32
        %dma_wait3A_142 = tpu.memref_slice %arg3[%dma_wait3A_140, %dma_wait3A_141] : memref<10000x64xf32, #tpu.memory_space<hbm>> -> memref<10000x64xf32, #tpu.memory_space<hbm>>
        tpu.wait_indirect_dma semaphore(%arg14 : memref<!tpu.dma_semaphore, #tpu.memory_space<semaphore_mem>>) src(%dma_wait3A_142 : memref<10000x64xf32, #tpu.memory_space<hbm>>) dst(%arg10 : memref<128x64xf32, #tpu.memory_space<vmem>>)
        %run_scoped3A_143 = arith.constant 0 : i32
        "tpu.region"() ({
          %run_scoped3A_162 = tpu.sem_alloc : memref<!tpu.dma_semaphore, #tpu.memory_space<semaphore_mem>>
          %dma_start3A_163 = arith.constant 0 : i32
          %dma_start3A_164 = tpu.memref_slice %arg7[%run_scoped3A_143, %dma_start3A_163] : memref<2x128xi32, #tpu.memory_space<vmem>> -> memref<1x128xi32, #tpu.memory_space<vmem>>
          %dma_start3A_165 = tpu.memref_squeeze %dma_start3A_164 : memref<1x128xi32, #tpu.memory_space<vmem>> -> memref<128xi32, #tpu.memory_space<vmem>>
          %dma_start3A_166 = arith.constant 0 : i32
          %dma_start3A_167 = arith.constant 0 : i32
          %dma_start3A_168 = tpu.memref_slice %arg12[%dma_start3A_166, %dma_start3A_167] : memref<10016x64xf32, #tpu.memory_space<vmem_shared>> -> memref<10016x64xf32, #tpu.memory_space<vmem_shared>>
          tpu.enqueue_indirect_dma source(%arg10 : memref<128x64xf32, #tpu.memory_space<vmem>>) target(%dma_start3A_168 : memref<10016x64xf32, #tpu.memory_space<vmem_shared>>) offsets(%dma_start3A_165 : memref<128xi32, #tpu.memory_space<vmem>>) semaphore(%run_scoped3A_162 : memref<!tpu.dma_semaphore, #tpu.memory_space<semaphore_mem>>) {add = true}
          %dma_wait3A_169 = arith.constant 0 : i32
          %dma_wait3A_170 = tpu.memref_slice %arg7[%run_scoped3A_143, %dma_wait3A_169] : memref<2x128xi32, #tpu.memory_space<vmem>> -> memref<1x128xi32, #tpu.memory_space<vmem>>
          %dma_wait3A_171 = tpu.memref_squeeze %dma_wait3A_170 : memref<1x128xi32, #tpu.memory_space<vmem>> -> memref<128xi32, #tpu.memory_space<vmem>>
          %dma_wait3A_172 = arith.constant 0 : i32
          %dma_wait3A_173 = arith.constant 0 : i32
          %dma_wait3A_174 = tpu.memref_slice %arg12[%dma_wait3A_172, %dma_wait3A_173] : memref<10016x64xf32, #tpu.memory_space<vmem_shared>> -> memref<10016x64xf32, #tpu.memory_space<vmem_shared>>
          tpu.wait_indirect_dma semaphore(%run_scoped3A_162 : memref<!tpu.dma_semaphore, #tpu.memory_space<semaphore_mem>>) src(%arg10 : memref<128x64xf32, #tpu.memory_space<vmem>>) dst(%dma_wait3A_174 : memref<10016x64xf32, #tpu.memory_space<vmem_shared>>)
          tpu.yield
        }) : () -> ()
        %add3A_144 = arith.constant 4 : i32
        %add3A_145 = arith.addi %mul3A_107, %add3A_144 : i32
        %add3A_146 = arith.addi %select_n3A_8, %add3A_145 : i32
        "tpu.region"() ({
          %run_scoped3A_162 = tpu.sem_alloc : memref<!tpu.dma_semaphore, #tpu.memory_space<semaphore_mem>>
          %dma_start3A_163 = arith.constant 0 : i32
          %dma_start3A_164 = arith.constant 0 : i32
          %dma_start3A_165 = tpu.memref_slice %arg2[%add3A_146, %dma_start3A_163, %dma_start3A_164] : memref<2544x2x128xi32, #tpu.memory_space<hbm>> -> memref<1x2x128xi32, #tpu.memory_space<hbm>>
          %dma_start3A_166 = tpu.memref_squeeze %dma_start3A_165 : memref<1x2x128xi32, #tpu.memory_space<hbm>> -> memref<2x128xi32, #tpu.memory_space<hbm>>
          %dma_start3A_167 = arith.constant 0 : i32
          %dma_start3A_168 = arith.constant 0 : i32
          %dma_start3A_169 = tpu.memref_slice %arg2[%add3A_146, %dma_start3A_167, %dma_start3A_168] : memref<2544x2x128xi32, #tpu.memory_space<hbm>> -> memref<1x2x128xi32, #tpu.memory_space<hbm>>
          %dma_start3A_170 = tpu.memref_squeeze %dma_start3A_169 : memref<1x2x128xi32, #tpu.memory_space<hbm>> -> memref<2x128xi32, #tpu.memory_space<hbm>>
          tpu.enqueue_dma source(%dma_start3A_170 : memref<2x128xi32, #tpu.memory_space<hbm>>) target(%arg7 : memref<2x128xi32, #tpu.memory_space<vmem>>) target_semaphore(%run_scoped3A_162 : memref<!tpu.dma_semaphore, #tpu.memory_space<semaphore_mem>>)
          %dma_wait3A_171 = arith.constant 0 : i32
          %dma_wait3A_172 = arith.constant 0 : i32
          %dma_wait3A_173 = tpu.memref_slice %arg2[%add3A_146, %dma_wait3A_171, %dma_wait3A_172] : memref<2544x2x128xi32, #tpu.memory_space<hbm>> -> memref<1x2x128xi32, #tpu.memory_space<hbm>>
          %dma_wait3A_174 = tpu.memref_squeeze %dma_wait3A_173 : memref<1x2x128xi32, #tpu.memory_space<hbm>> -> memref<2x128xi32, #tpu.memory_space<hbm>>
          %dma_wait3A_175 = arith.constant 0 : i32
          %dma_wait3A_176 = arith.constant 0 : i32
          %dma_wait3A_177 = tpu.memref_slice %arg2[%add3A_146, %dma_wait3A_175, %dma_wait3A_176] : memref<2544x2x128xi32, #tpu.memory_space<hbm>> -> memref<1x2x128xi32, #tpu.memory_space<hbm>>
          %dma_wait3A_178 = tpu.memref_squeeze %dma_wait3A_177 : memref<1x2x128xi32, #tpu.memory_space<hbm>> -> memref<2x128xi32, #tpu.memory_space<hbm>>
          tpu.wait_dma2 semaphore(%run_scoped3A_162 : memref<!tpu.dma_semaphore, #tpu.memory_space<semaphore_mem>>) src(%dma_wait3A_178 : memref<2x128xi32, #tpu.memory_space<hbm>>) dst(%arg7 : memref<2x128xi32, #tpu.memory_space<vmem>>)
          tpu.yield
        }) : () -> ()
        %dma_start3A_147 = arith.constant 1 : i32
        %dma_start3A_148 = arith.constant 0 : i32
        %dma_start3A_149 = tpu.memref_slice %arg7[%dma_start3A_147, %dma_start3A_148] : memref<2x128xi32, #tpu.memory_space<vmem>> -> memref<1x128xi32, #tpu.memory_space<vmem>>
        %dma_start3A_150 = tpu.memref_squeeze %dma_start3A_149 : memref<1x128xi32, #tpu.memory_space<vmem>> -> memref<128xi32, #tpu.memory_space<vmem>>
        %dma_start3A_151 = arith.constant 0 : i32
        %dma_start3A_152 = arith.constant 0 : i32
        %dma_start3A_153 = tpu.memref_slice %arg3[%dma_start3A_151, %dma_start3A_152] : memref<10000x64xf32, #tpu.memory_space<hbm>> -> memref<10000x64xf32, #tpu.memory_space<hbm>>
        tpu.enqueue_indirect_dma source(%dma_start3A_153 : memref<10000x64xf32, #tpu.memory_space<hbm>>) target(%arg10 : memref<128x64xf32, #tpu.memory_space<vmem>>) offsets(%dma_start3A_150 : memref<128xi32, #tpu.memory_space<vmem>>) semaphore(%arg14 : memref<!tpu.dma_semaphore, #tpu.memory_space<semaphore_mem>>)
        %dma_wait3A_154 = arith.constant 1 : i32
        %dma_wait3A_155 = arith.constant 0 : i32
        %dma_wait3A_156 = tpu.memref_slice %arg8[%dma_wait3A_154, %dma_wait3A_155] : memref<2x128xi32, #tpu.memory_space<vmem>> -> memref<1x128xi32, #tpu.memory_space<vmem>>
        %dma_wait3A_157 = tpu.memref_squeeze %dma_wait3A_156 : memref<1x128xi32, #tpu.memory_space<vmem>> -> memref<128xi32, #tpu.memory_space<vmem>>
        %dma_wait3A_158 = arith.constant 0 : i32
        %dma_wait3A_159 = arith.constant 0 : i32
        %dma_wait3A_160 = tpu.memref_slice %arg3[%dma_wait3A_158, %dma_wait3A_159] : memref<10000x64xf32, #tpu.memory_space<hbm>> -> memref<10000x64xf32, #tpu.memory_space<hbm>>
        tpu.wait_indirect_dma semaphore(%arg15 : memref<!tpu.dma_semaphore, #tpu.memory_space<semaphore_mem>>) src(%dma_wait3A_160 : memref<10000x64xf32, #tpu.memory_space<hbm>>) dst(%arg11 : memref<128x64xf32, #tpu.memory_space<vmem>>)
        %run_scoped3A_161 = arith.constant 0 : i32
        "tpu.region"() ({
          %run_scoped3A_162 = tpu.sem_alloc : memref<!tpu.dma_semaphore, #tpu.memory_space<semaphore_mem>>
          %dma_start3A_163 = arith.constant 0 : i32
          %dma_start3A_164 = tpu.memref_slice %arg8[%run_scoped3A_161, %dma_start3A_163] : memref<2x128xi32, #tpu.memory_space<vmem>> -> memref<1x128xi32, #tpu.memory_space<vmem>>
          %dma_start3A_165 = tpu.memref_squeeze %dma_start3A_164 : memref<1x128xi32, #tpu.memory_space<vmem>> -> memref<128xi32, #tpu.memory_space<vmem>>
          %dma_start3A_166 = arith.constant 0 : i32
          %dma_start3A_167 = arith.constant 0 : i32
          %dma_start3A_168 = tpu.memref_slice %arg12[%dma_start3A_166, %dma_start3A_167] : memref<10016x64xf32, #tpu.memory_space<vmem_shared>> -> memref<10016x64xf32, #tpu.memory_space<vmem_shared>>
          tpu.enqueue_indirect_dma source(%arg11 : memref<128x64xf32, #tpu.memory_space<vmem>>) target(%dma_start3A_168 : memref<10016x64xf32, #tpu.memory_space<vmem_shared>>) offsets(%dma_start3A_165 : memref<128xi32, #tpu.memory_space<vmem>>) semaphore(%run_scoped3A_162 : memref<!tpu.dma_semaphore, #tpu.memory_space<semaphore_mem>>) {add = true}
          %dma_wait3A_169 = arith.constant 0 : i32
          %dma_wait3A_170 = tpu.memref_slice %arg8[%run_scoped3A_161, %dma_wait3A_169] : memref<2x128xi32, #tpu.memory_space<vmem>> -> memref<1x128xi32, #tpu.memory_space<vmem>>
          %dma_wait3A_171 = tpu.memref_squeeze %dma_wait3A_170 : memref<1x128xi32, #tpu.memory_space<vmem>> -> memref<128xi32, #tpu.memory_space<vmem>>
          %dma_wait3A_172 = arith.constant 0 : i32
          %dma_wait3A_173 = arith.constant 0 : i32
          %dma_wait3A_174 = tpu.memref_slice %arg12[%dma_wait3A_172, %dma_wait3A_173] : memref<10016x64xf32, #tpu.memory_space<vmem_shared>> -> memref<10016x64xf32, #tpu.memory_space<vmem_shared>>
          tpu.wait_indirect_dma semaphore(%run_scoped3A_162 : memref<!tpu.dma_semaphore, #tpu.memory_space<semaphore_mem>>) src(%arg11 : memref<128x64xf32, #tpu.memory_space<vmem>>) dst(%dma_wait3A_174 : memref<10016x64xf32, #tpu.memory_space<vmem_shared>>)
          tpu.yield
        }) : () -> ()
      }
      %while3A_59 = arith.constant 1 : i32
      scf.for %while3A_105 = %while3A_57 to %while3A_53 step %while3A_59  : i32 {
        %mul3A_106 = arith.constant 3 : i32
        %mul3A_107 = arith.muli %mul3A_106, %while3A_105 : i32
        %add3A_108 = arith.constant 2 : i32
        %add3A_109 = arith.addi %mul3A_107, %add3A_108 : i32
        %add3A_110 = arith.addi %select_n3A_8, %add3A_109 : i32
        "tpu.region"() ({
          %run_scoped3A_162 = tpu.sem_alloc : memref<!tpu.dma_semaphore, #tpu.memory_space<semaphore_mem>>
          %dma_start3A_163 = arith.constant 0 : i32
          %dma_start3A_164 = arith.constant 0 : i32
          %dma_start3A_165 = tpu.memref_slice %arg2[%add3A_110, %dma_start3A_163, %dma_start3A_164] : memref<2544x2x128xi32, #tpu.memory_space<hbm>> -> memref<1x2x128xi32, #tpu.memory_space<hbm>>
          %dma_start3A_166 = tpu.memref_squeeze %dma_start3A_165 : memref<1x2x128xi32, #tpu.memory_space<hbm>> -> memref<2x128xi32, #tpu.memory_space<hbm>>
          %dma_start3A_167 = arith.constant 0 : i32
          %dma_start3A_168 = arith.constant 0 : i32
          %dma_start3A_169 = tpu.memref_slice %arg2[%add3A_110, %dma_start3A_167, %dma_start3A_168] : memref<2544x2x128xi32, #tpu.memory_space<hbm>> -> memref<1x2x128xi32, #tpu.memory_space<hbm>>
          %dma_start3A_170 = tpu.memref_squeeze %dma_start3A_169 : memref<1x2x128xi32, #tpu.memory_space<hbm>> -> memref<2x128xi32, #tpu.memory_space<hbm>>
          tpu.enqueue_dma source(%dma_start3A_170 : memref<2x128xi32, #tpu.memory_space<hbm>>) target(%arg8 : memref<2x128xi32, #tpu.memory_space<vmem>>) target_semaphore(%run_scoped3A_162 : memref<!tpu.dma_semaphore, #tpu.memory_space<semaphore_mem>>)
          %dma_wait3A_171 = arith.constant 0 : i32
          %dma_wait3A_172 = arith.constant 0 : i32
          %dma_wait3A_173 = tpu.memref_slice %arg2[%add3A_110, %dma_wait3A_171, %dma_wait3A_172] : memref<2544x2x128xi32, #tpu.memory_space<hbm>> -> memref<1x2x128xi32, #tpu.memory_space<hbm>>
          %dma_wait3A_174 = tpu.memref_squeeze %dma_wait3A_173 : memref<1x2x128xi32, #tpu.memory_space<hbm>> -> memref<2x128xi32, #tpu.memory_space<hbm>>
          %dma_wait3A_175 = arith.constant 0 : i32
          %dma_wait3A_176 = arith.constant 0 : i32
          %dma_wait3A_177 = tpu.memref_slice %arg2[%add3A_110, %dma_wait3A_175, %dma_wait3A_176] : memref<2544x2x128xi32, #tpu.memory_space<hbm>> -> memref<1x2x128xi32, #tpu.memory_space<hbm>>
          %dma_wait3A_178 = tpu.memref_squeeze %dma_wait3A_177 : memref<1x2x128xi32, #tpu.memory_space<hbm>> -> memref<2x128xi32, #tpu.memory_space<hbm>>
          tpu.wait_dma2 semaphore(%run_scoped3A_162 : memref<!tpu.dma_semaphore, #tpu.memory_space<semaphore_mem>>) src(%dma_wait3A_178 : memref<2x128xi32, #tpu.memory_space<hbm>>) dst(%arg8 : memref<2x128xi32, #tpu.memory_space<vmem>>)
          tpu.yield
        }) : () -> ()
        %dma_start3A_111 = arith.constant 1 : i32
        %dma_start3A_112 = arith.constant 0 : i32
        %dma_start3A_113 = tpu.memref_slice %arg8[%dma_start3A_111, %dma_start3A_112] : memref<2x128xi32, #tpu.memory_space<vmem>> -> memref<1x128xi32, #tpu.memory_space<vmem>>
        %dma_start3A_114 = tpu.memref_squeeze %dma_start3A_113 : memref<1x128xi32, #tpu.memory_space<vmem>> -> memref<128xi32, #tpu.memory_space<vmem>>
        %dma_start3A_115 = arith.constant 0 : i32
        %dma_start3A_116 = arith.constant 0 : i32
        %dma_start3A_117 = tpu.memref_slice %arg3[%dma_start3A_115, %dma_start3A_116] : memref<10000x64xf32, #tpu.memory_space<hbm>> -> memref<10000x64xf32, #tpu.memory_space<hbm>>
        tpu.enqueue_indirect_dma source(%dma_start3A_117 : memref<10000x64xf32, #tpu.memory_space<hbm>>) target(%arg11 : memref<128x64xf32, #tpu.memory_space<vmem>>) offsets(%dma_start3A_114 : memref<128xi32, #tpu.memory_space<vmem>>) semaphore(%arg15 : memref<!tpu.dma_semaphore, #tpu.memory_space<semaphore_mem>>)
        %dma_wait3A_118 = arith.constant 1 : i32
        %dma_wait3A_119 = arith.constant 0 : i32
        %dma_wait3A_120 = tpu.memref_slice %arg6[%dma_wait3A_118, %dma_wait3A_119] : memref<2x128xi32, #tpu.memory_space<vmem>> -> memref<1x128xi32, #tpu.memory_space<vmem>>
        %dma_wait3A_121 = tpu.memref_squeeze %dma_wait3A_120 : memref<1x128xi32, #tpu.memory_space<vmem>> -> memref<128xi32, #tpu.memory_space<vmem>>
        %dma_wait3A_122 = arith.constant 0 : i32
        %dma_wait3A_123 = arith.constant 0 : i32
        %dma_wait3A_124 = tpu.memref_slice %arg3[%dma_wait3A_122, %dma_wait3A_123] : memref<10000x64xf32, #tpu.memory_space<hbm>> -> memref<10000x64xf32, #tpu.memory_space<hbm>>
        tpu.wait_indirect_dma semaphore(%arg13 : memref<!tpu.dma_semaphore, #tpu.memory_space<semaphore_mem>>) src(%dma_wait3A_124 : memref<10000x64xf32, #tpu.memory_space<hbm>>) dst(%arg9 : memref<128x64xf32, #tpu.memory_space<vmem>>)
        %run_scoped3A_125 = arith.constant 0 : i32
        "tpu.region"() ({
          %run_scoped3A_162 = tpu.sem_alloc : memref<!tpu.dma_semaphore, #tpu.memory_space<semaphore_mem>>
          %dma_start3A_163 = arith.constant 0 : i32
          %dma_start3A_164 = tpu.memref_slice %arg6[%run_scoped3A_125, %dma_start3A_163] : memref<2x128xi32, #tpu.memory_space<vmem>> -> memref<1x128xi32, #tpu.memory_space<vmem>>
          %dma_start3A_165 = tpu.memref_squeeze %dma_start3A_164 : memref<1x128xi32, #tpu.memory_space<vmem>> -> memref<128xi32, #tpu.memory_space<vmem>>
          %dma_start3A_166 = arith.constant 0 : i32
          %dma_start3A_167 = arith.constant 0 : i32
          %dma_start3A_168 = tpu.memref_slice %arg12[%dma_start3A_166, %dma_start3A_167] : memref<10016x64xf32, #tpu.memory_space<vmem_shared>> -> memref<10016x64xf32, #tpu.memory_space<vmem_shared>>
          tpu.enqueue_indirect_dma source(%arg9 : memref<128x64xf32, #tpu.memory_space<vmem>>) target(%dma_start3A_168 : memref<10016x64xf32, #tpu.memory_space<vmem_shared>>) offsets(%dma_start3A_165 : memref<128xi32, #tpu.memory_space<vmem>>) semaphore(%run_scoped3A_162 : memref<!tpu.dma_semaphore, #tpu.memory_space<semaphore_mem>>) {add = true}
          %dma_wait3A_169 = arith.constant 0 : i32
          %dma_wait3A_170 = tpu.memref_slice %arg6[%run_scoped3A_125, %dma_wait3A_169] : memref<2x128xi32, #tpu.memory_space<vmem>> -> memref<1x128xi32, #tpu.memory_space<vmem>>
          %dma_wait3A_171 = tpu.memref_squeeze %dma_wait3A_170 : memref<1x128xi32, #tpu.memory_space<vmem>> -> memref<128xi32, #tpu.memory_space<vmem>>
          %dma_wait3A_172 = arith.constant 0 : i32
          %dma_wait3A_173 = arith.constant 0 : i32
          %dma_wait3A_174 = tpu.memref_slice %arg12[%dma_wait3A_172, %dma_wait3A_173] : memref<10016x64xf32, #tpu.memory_space<vmem_shared>> -> memref<10016x64xf32, #tpu.memory_space<vmem_shared>>
          tpu.wait_indirect_dma semaphore(%run_scoped3A_162 : memref<!tpu.dma_semaphore, #tpu.memory_space<semaphore_mem>>) src(%arg9 : memref<128x64xf32, #tpu.memory_space<vmem>>) dst(%dma_wait3A_174 : memref<10016x64xf32, #tpu.memory_space<vmem_shared>>)
          tpu.yield
        }) : () -> ()
        %add3A_126 = arith.constant 3 : i32
        %add3A_127 = arith.addi %mul3A_107, %add3A_126 : i32
        %add3A_128 = arith.addi %select_n3A_8, %add3A_127 : i32
        "tpu.region"() ({
          %run_scoped3A_162 = tpu.sem_alloc : memref<!tpu.dma_semaphore, #tpu.memory_space<semaphore_mem>>
          %dma_start3A_163 = arith.constant 0 : i32
          %dma_start3A_164 = arith.constant 0 : i32
          %dma_start3A_165 = tpu.memref_slice %arg2[%add3A_128, %dma_start3A_163, %dma_start3A_164] : memref<2544x2x128xi32, #tpu.memory_space<hbm>> -> memref<1x2x128xi32, #tpu.memory_space<hbm>>
          %dma_start3A_166 = tpu.memref_squeeze %dma_start3A_165 : memref<1x2x128xi32, #tpu.memory_space<hbm>> -> memref<2x128xi32, #tpu.memory_space<hbm>>
          %dma_start3A_167 = arith.constant 0 : i32
          %dma_start3A_168 = arith.constant 0 : i32
          %dma_start3A_169 = tpu.memref_slice %arg2[%add3A_128, %dma_start3A_167, %dma_start3A_168] : memref<2544x2x128xi32, #tpu.memory_space<hbm>> -> memref<1x2x128xi32, #tpu.memory_space<hbm>>
          %dma_start3A_170 = tpu.memref_squeeze %dma_start3A_169 : memref<1x2x128xi32, #tpu.memory_space<hbm>> -> memref<2x128xi32, #tpu.memory_space<hbm>>
          tpu.enqueue_dma source(%dma_start3A_170 : memref<2x128xi32, #tpu.memory_space<hbm>>) target(%arg6 : memref<2x128xi32, #tpu.memory_space<vmem>>) target_semaphore(%run_scoped3A_162 : memref<!tpu.dma_semaphore, #tpu.memory_space<semaphore_mem>>)
          %dma_wait3A_171 = arith.constant 0 : i32
          %dma_wait3A_172 = arith.constant 0 : i32
          %dma_wait3A_173 = tpu.memref_slice %arg2[%add3A_128, %dma_wait3A_171, %dma_wait3A_172] : memref<2544x2x128xi32, #tpu.memory_space<hbm>> -> memref<1x2x128xi32, #tpu.memory_space<hbm>>
          %dma_wait3A_174 = tpu.memref_squeeze %dma_wait3A_173 : memref<1x2x128xi32, #tpu.memory_space<hbm>> -> memref<2x128xi32, #tpu.memory_space<hbm>>
          %dma_wait3A_175 = arith.constant 0 : i32
          %dma_wait3A_176 = arith.constant 0 : i32
          %dma_wait3A_177 = tpu.memref_slice %arg2[%add3A_128, %dma_wait3A_175, %dma_wait3A_176] : memref<2544x2x128xi32, #tpu.memory_space<hbm>> -> memref<1x2x128xi32, #tpu.memory_space<hbm>>
          %dma_wait3A_178 = tpu.memref_squeeze %dma_wait3A_177 : memref<1x2x128xi32, #tpu.memory_space<hbm>> -> memref<2x128xi32, #tpu.memory_space<hbm>>
          tpu.wait_dma2 semaphore(%run_scoped3A_162 : memref<!tpu.dma_semaphore, #tpu.memory_space<semaphore_mem>>) src(%dma_wait3A_178 : memref<2x128xi32, #tpu.memory_space<hbm>>) dst(%arg6 : memref<2x128xi32, #tpu.memory_space<vmem>>)
          tpu.yield
        }) : () -> ()
        %dma_start3A_129 = arith.constant 1 : i32
        %dma_start3A_130 = arith.constant 0 : i32
        %dma_start3A_131 = tpu.memref_slice %arg6[%dma_start3A_129, %dma_start3A_130] : memref<2x128xi32, #tpu.memory_space<vmem>> -> memref<1x128xi32, #tpu.memory_space<vmem>>
        %dma_start3A_132 = tpu.memref_squeeze %dma_start3A_131 : memref<1x128xi32, #tpu.memory_space<vmem>> -> memref<128xi32, #tpu.memory_space<vmem>>
        %dma_start3A_133 = arith.constant 0 : i32
        %dma_start3A_134 = arith.constant 0 : i32
        %dma_start3A_135 = tpu.memref_slice %arg3[%dma_start3A_133, %dma_start3A_134] : memref<10000x64xf32, #tpu.memory_space<hbm>> -> memref<10000x64xf32, #tpu.memory_space<hbm>>
        tpu.enqueue_indirect_dma source(%dma_start3A_135 : memref<10000x64xf32, #tpu.memory_space<hbm>>) target(%arg9 : memref<128x64xf32, #tpu.memory_space<vmem>>) offsets(%dma_start3A_132 : memref<128xi32, #tpu.memory_space<vmem>>) semaphore(%arg13 : memref<!tpu.dma_semaphore, #tpu.memory_space<semaphore_mem>>)
        %dma_wait3A_136 = arith.constant 1 : i32
        %dma_wait3A_137 = arith.constant 0 : i32
        %dma_wait3A_138 = tpu.memref_slice %arg7[%dma_wait3A_136, %dma_wait3A_137] : memref<2x128xi32, #tpu.memory_space<vmem>> -> memref<1x128xi32, #tpu.memory_space<vmem>>
        %dma_wait3A_139 = tpu.memref_squeeze %dma_wait3A_138 : memref<1x128xi32, #tpu.memory_space<vmem>> -> memref<128xi32, #tpu.memory_space<vmem>>
        %dma_wait3A_140 = arith.constant 0 : i32
        %dma_wait3A_141 = arith.constant 0 : i32
        %dma_wait3A_142 = tpu.memref_slice %arg3[%dma_wait3A_140, %dma_wait3A_141] : memref<10000x64xf32, #tpu.memory_space<hbm>> -> memref<10000x64xf32, #tpu.memory_space<hbm>>
        tpu.wait_indirect_dma semaphore(%arg14 : memref<!tpu.dma_semaphore, #tpu.memory_space<semaphore_mem>>) src(%dma_wait3A_142 : memref<10000x64xf32, #tpu.memory_space<hbm>>) dst(%arg10 : memref<128x64xf32, #tpu.memory_space<vmem>>)
        %run_scoped3A_143 = arith.constant 0 : i32
        "tpu.region"() ({
          %run_scoped3A_162 = tpu.sem_alloc : memref<!tpu.dma_semaphore, #tpu.memory_space<semaphore_mem>>
          %dma_start3A_163 = arith.constant 0 : i32
          %dma_start3A_164 = tpu.memref_slice %arg7[%run_scoped3A_143, %dma_start3A_163] : memref<2x128xi32, #tpu.memory_space<vmem>> -> memref<1x128xi32, #tpu.memory_space<vmem>>
          %dma_start3A_165 = tpu.memref_squeeze %dma_start3A_164 : memref<1x128xi32, #tpu.memory_space<vmem>> -> memref<128xi32, #tpu.memory_space<vmem>>
          %dma_start3A_166 = arith.constant 0 : i32
          %dma_start3A_167 = arith.constant 0 : i32
          %dma_start3A_168 = tpu.memref_slice %arg12[%dma_start3A_166, %dma_start3A_167] : memref<10016x64xf32, #tpu.memory_space<vmem_shared>> -> memref<10016x64xf32, #tpu.memory_space<vmem_shared>>
          tpu.enqueue_indirect_dma source(%arg10 : memref<128x64xf32, #tpu.memory_space<vmem>>) target(%dma_start3A_168 : memref<10016x64xf32, #tpu.memory_space<vmem_shared>>) offsets(%dma_start3A_165 : memref<128xi32, #tpu.memory_space<vmem>>) semaphore(%run_scoped3A_162 : memref<!tpu.dma_semaphore, #tpu.memory_space<semaphore_mem>>) {add = true}
          %dma_wait3A_169 = arith.constant 0 : i32
          %dma_wait3A_170 = tpu.memref_slice %arg7[%run_scoped3A_143, %dma_wait3A_169] : memref<2x128xi32, #tpu.memory_space<vmem>> -> memref<1x128xi32, #tpu.memory_space<vmem>>
          %dma_wait3A_171 = tpu.memref_squeeze %dma_wait3A_170 : memref<1x128xi32, #tpu.memory_space<vmem>> -> memref<128xi32, #tpu.memory_space<vmem>>
          %dma_wait3A_172 = arith.constant 0 : i32
          %dma_wait3A_173 = arith.constant 0 : i32
          %dma_wait3A_174 = tpu.memref_slice %arg12[%dma_wait3A_172, %dma_wait3A_173] : memref<10016x64xf32, #tpu.memory_space<vmem_shared>> -> memref<10016x64xf32, #tpu.memory_space<vmem_shared>>
          tpu.wait_indirect_dma semaphore(%run_scoped3A_162 : memref<!tpu.dma_semaphore, #tpu.memory_space<semaphore_mem>>) src(%arg10 : memref<128x64xf32, #tpu.memory_space<vmem>>) dst(%dma_wait3A_174 : memref<10016x64xf32, #tpu.memory_space<vmem_shared>>)
          tpu.yield
        }) : () -> ()
        %add3A_144 = arith.constant 4 : i32
        %add3A_145 = arith.addi %mul3A_107, %add3A_144 : i32
        %add3A_146 = arith.addi %select_n3A_8, %add3A_145 : i32
        "tpu.region"() ({
          %run_scoped3A_162 = tpu.sem_alloc : memref<!tpu.dma_semaphore, #tpu.memory_space<semaphore_mem>>
          %dma_start3A_163 = arith.constant 0 : i32
          %dma_start3A_164 = arith.constant 0 : i32
          %dma_start3A_165 = tpu.memref_slice %arg2[%add3A_146, %dma_start3A_163, %dma_start3A_164] : memref<2544x2x128xi32, #tpu.memory_space<hbm>> -> memref<1x2x128xi32, #tpu.memory_space<hbm>>
          %dma_start3A_166 = tpu.memref_squeeze %dma_start3A_165 : memref<1x2x128xi32, #tpu.memory_space<hbm>> -> memref<2x128xi32, #tpu.memory_space<hbm>>
          %dma_start3A_167 = arith.constant 0 : i32
          %dma_start3A_168 = arith.constant 0 : i32
          %dma_start3A_169 = tpu.memref_slice %arg2[%add3A_146, %dma_start3A_167, %dma_start3A_168] : memref<2544x2x128xi32, #tpu.memory_space<hbm>> -> memref<1x2x128xi32, #tpu.memory_space<hbm>>
          %dma_start3A_170 = tpu.memref_squeeze %dma_start3A_169 : memref<1x2x128xi32, #tpu.memory_space<hbm>> -> memref<2x128xi32, #tpu.memory_space<hbm>>
          tpu.enqueue_dma source(%dma_start3A_170 : memref<2x128xi32, #tpu.memory_space<hbm>>) target(%arg7 : memref<2x128xi32, #tpu.memory_space<vmem>>) target_semaphore(%run_scoped3A_162 : memref<!tpu.dma_semaphore, #tpu.memory_space<semaphore_mem>>)
          %dma_wait3A_171 = arith.constant 0 : i32
          %dma_wait3A_172 = arith.constant 0 : i32
          %dma_wait3A_173 = tpu.memref_slice %arg2[%add3A_146, %dma_wait3A_171, %dma_wait3A_172] : memref<2544x2x128xi32, #tpu.memory_space<hbm>> -> memref<1x2x128xi32, #tpu.memory_space<hbm>>
          %dma_wait3A_174 = tpu.memref_squeeze %dma_wait3A_173 : memref<1x2x128xi32, #tpu.memory_space<hbm>> -> memref<2x128xi32, #tpu.memory_space<hbm>>
          %dma_wait3A_175 = arith.constant 0 : i32
          %dma_wait3A_176 = arith.constant 0 : i32
          %dma_wait3A_177 = tpu.memref_slice %arg2[%add3A_146, %dma_wait3A_175, %dma_wait3A_176] : memref<2544x2x128xi32, #tpu.memory_space<hbm>> -> memref<1x2x128xi32, #tpu.memory_space<hbm>>
          %dma_wait3A_178 = tpu.memref_squeeze %dma_wait3A_177 : memref<1x2x128xi32, #tpu.memory_space<hbm>> -> memref<2x128xi32, #tpu.memory_space<hbm>>
          tpu.wait_dma2 semaphore(%run_scoped3A_162 : memref<!tpu.dma_semaphore, #tpu.memory_space<semaphore_mem>>) src(%dma_wait3A_178 : memref<2x128xi32, #tpu.memory_space<hbm>>) dst(%arg7 : memref<2x128xi32, #tpu.memory_space<vmem>>)
          tpu.yield
        }) : () -> ()
        %dma_start3A_147 = arith.constant 1 : i32
        %dma_start3A_148 = arith.constant 0 : i32
        %dma_start3A_149 = tpu.memref_slice %arg7[%dma_start3A_147, %dma_start3A_148] : memref<2x128xi32, #tpu.memory_space<vmem>> -> memref<1x128xi32, #tpu.memory_space<vmem>>
        %dma_start3A_150 = tpu.memref_squeeze %dma_start3A_149 : memref<1x128xi32, #tpu.memory_space<vmem>> -> memref<128xi32, #tpu.memory_space<vmem>>
        %dma_start3A_151 = arith.constant 0 : i32
        %dma_start3A_152 = arith.constant 0 : i32
        %dma_start3A_153 = tpu.memref_slice %arg3[%dma_start3A_151, %dma_start3A_152] : memref<10000x64xf32, #tpu.memory_space<hbm>> -> memref<10000x64xf32, #tpu.memory_space<hbm>>
        tpu.enqueue_indirect_dma source(%dma_start3A_153 : memref<10000x64xf32, #tpu.memory_space<hbm>>) target(%arg10 : memref<128x64xf32, #tpu.memory_space<vmem>>) offsets(%dma_start3A_150 : memref<128xi32, #tpu.memory_space<vmem>>) semaphore(%arg14 : memref<!tpu.dma_semaphore, #tpu.memory_space<semaphore_mem>>)
        %dma_wait3A_154 = arith.constant 1 : i32
        %dma_wait3A_155 = arith.constant 0 : i32
        %dma_wait3A_156 = tpu.memref_slice %arg8[%dma_wait3A_154, %dma_wait3A_155] : memref<2x128xi32, #tpu.memory_space<vmem>> -> memref<1x128xi32, #tpu.memory_space<vmem>>
        %dma_wait3A_157 = tpu.memref_squeeze %dma_wait3A_156 : memref<1x128xi32, #tpu.memory_space<vmem>> -> memref<128xi32, #tpu.memory_space<vmem>>
        %dma_wait3A_158 = arith.constant 0 : i32
        %dma_wait3A_159 = arith.constant 0 : i32
        %dma_wait3A_160 = tpu.memref_slice %arg3[%dma_wait3A_158, %dma_wait3A_159] : memref<10000x64xf32, #tpu.memory_space<hbm>> -> memref<10000x64xf32, #tpu.memory_space<hbm>>
        tpu.wait_indirect_dma semaphore(%arg15 : memref<!tpu.dma_semaphore, #tpu.memory_space<semaphore_mem>>) src(%dma_wait3A_160 : memref<10000x64xf32, #tpu.memory_space<hbm>>) dst(%arg11 : memref<128x64xf32, #tpu.memory_space<vmem>>)
        %run_scoped3A_161 = arith.constant 0 : i32
        "tpu.region"() ({
          %run_scoped3A_162 = tpu.sem_alloc : memref<!tpu.dma_semaphore, #tpu.memory_space<semaphore_mem>>
          %dma_start3A_163 = arith.constant 0 : i32
          %dma_start3A_164 = tpu.memref_slice %arg8[%run_scoped3A_161, %dma_start3A_163] : memref<2x128xi32, #tpu.memory_space<vmem>> -> memref<1x128xi32, #tpu.memory_space<vmem>>
          %dma_start3A_165 = tpu.memref_squeeze %dma_start3A_164 : memref<1x128xi32, #tpu.memory_space<vmem>> -> memref<128xi32, #tpu.memory_space<vmem>>
          %dma_start3A_166 = arith.constant 0 : i32
          %dma_start3A_167 = arith.constant 0 : i32
          %dma_start3A_168 = tpu.memref_slice %arg12[%dma_start3A_166, %dma_start3A_167] : memref<10016x64xf32, #tpu.memory_space<vmem_shared>> -> memref<10016x64xf32, #tpu.memory_space<vmem_shared>>
          tpu.enqueue_indirect_dma source(%arg11 : memref<128x64xf32, #tpu.memory_space<vmem>>) target(%dma_start3A_168 : memref<10016x64xf32, #tpu.memory_space<vmem_shared>>) offsets(%dma_start3A_165 : memref<128xi32, #tpu.memory_space<vmem>>) semaphore(%run_scoped3A_162 : memref<!tpu.dma_semaphore, #tpu.memory_space<semaphore_mem>>) {add = true}
          %dma_wait3A_169 = arith.constant 0 : i32
          %dma_wait3A_170 = tpu.memref_slice %arg8[%run_scoped3A_161, %dma_wait3A_169] : memref<2x128xi32, #tpu.memory_space<vmem>> -> memref<1x128xi32, #tpu.memory_space<vmem>>
          %dma_wait3A_171 = tpu.memref_squeeze %dma_wait3A_170 : memref<1x128xi32, #tpu.memory_space<vmem>> -> memref<128xi32, #tpu.memory_space<vmem>>
          %dma_wait3A_172 = arith.constant 0 : i32
          %dma_wait3A_173 = arith.constant 0 : i32
          %dma_wait3A_174 = tpu.memref_slice %arg12[%dma_wait3A_172, %dma_wait3A_173] : memref<10016x64xf32, #tpu.memory_space<vmem_shared>> -> memref<10016x64xf32, #tpu.memory_space<vmem_shared>>
          tpu.wait_indirect_dma semaphore(%run_scoped3A_162 : memref<!tpu.dma_semaphore, #tpu.memory_space<semaphore_mem>>) src(%arg11 : memref<128x64xf32, #tpu.memory_space<vmem>>) dst(%dma_wait3A_174 : memref<10016x64xf32, #tpu.memory_space<vmem_shared>>)
          tpu.yield
        }) : () -> ()
      }
      %sub3A_60 = arith.constant 1 : i32
      %sub3A_61 = arith.subi %select_n3A, %sub3A_60 : i32
      %add3A_62 = arith.addi %select_n3A_8, %sub3A_61 : i32
      "tpu.region"() ({
        %run_scoped3A_105 = tpu.sem_alloc : memref<!tpu.dma_semaphore, #tpu.memory_space<semaphore_mem>>
        %dma_start3A_106 = arith.constant 0 : i32
        %dma_start3A_107 = arith.constant 0 : i32
        %dma_start3A_108 = tpu.memref_slice %arg2[%add3A_62, %dma_start3A_106, %dma_start3A_107] : memref<2544x2x128xi32, #tpu.memory_space<hbm>> -> memref<1x2x128xi32, #tpu.memory_space<hbm>>
        %dma_start3A_109 = tpu.memref_squeeze %dma_start3A_108 : memref<1x2x128xi32, #tpu.memory_space<hbm>> -> memref<2x128xi32, #tpu.memory_space<hbm>>
        %dma_start3A_110 = arith.constant 0 : i32
        %dma_start3A_111 = arith.constant 0 : i32
        %dma_start3A_112 = tpu.memref_slice %arg2[%add3A_62, %dma_start3A_110, %dma_start3A_111] : memref<2544x2x128xi32, #tpu.memory_space<hbm>> -> memref<1x2x128xi32, #tpu.memory_space<hbm>>
        %dma_start3A_113 = tpu.memref_squeeze %dma_start3A_112 : memref<1x2x128xi32, #tpu.memory_space<hbm>> -> memref<2x128xi32, #tpu.memory_space<hbm>>
        tpu.enqueue_dma source(%dma_start3A_113 : memref<2x128xi32, #tpu.memory_space<hbm>>) target(%arg8 : memref<2x128xi32, #tpu.memory_space<vmem>>) target_semaphore(%run_scoped3A_105 : memref<!tpu.dma_semaphore, #tpu.memory_space<semaphore_mem>>)
        %dma_wait3A_114 = arith.constant 0 : i32
        %dma_wait3A_115 = arith.constant 0 : i32
        %dma_wait3A_116 = tpu.memref_slice %arg2[%add3A_62, %dma_wait3A_114, %dma_wait3A_115] : memref<2544x2x128xi32, #tpu.memory_space<hbm>> -> memref<1x2x128xi32, #tpu.memory_space<hbm>>
        %dma_wait3A_117 = tpu.memref_squeeze %dma_wait3A_116 : memref<1x2x128xi32, #tpu.memory_space<hbm>> -> memref<2x128xi32, #tpu.memory_space<hbm>>
        %dma_wait3A_118 = arith.constant 0 : i32
        %dma_wait3A_119 = arith.constant 0 : i32
        %dma_wait3A_120 = tpu.memref_slice %arg2[%add3A_62, %dma_wait3A_118, %dma_wait3A_119] : memref<2544x2x128xi32, #tpu.memory_space<hbm>> -> memref<1x2x128xi32, #tpu.memory_space<hbm>>
        %dma_wait3A_121 = tpu.memref_squeeze %dma_wait3A_120 : memref<1x2x128xi32, #tpu.memory_space<hbm>> -> memref<2x128xi32, #tpu.memory_space<hbm>>
        tpu.wait_dma2 semaphore(%run_scoped3A_105 : memref<!tpu.dma_semaphore, #tpu.memory_space<semaphore_mem>>) src(%dma_wait3A_121 : memref<2x128xi32, #tpu.memory_space<hbm>>) dst(%arg8 : memref<2x128xi32, #tpu.memory_space<vmem>>)
        tpu.yield
      }) : () -> ()
      %dma_start3A_63 = arith.constant 1 : i32
      %dma_start3A_64 = arith.constant 0 : i32
      %dma_start3A_65 = tpu.memref_slice %arg8[%dma_start3A_63, %dma_start3A_64] : memref<2x128xi32, #tpu.memory_space<vmem>> -> memref<1x128xi32, #tpu.memory_space<vmem>>
      %dma_start3A_66 = tpu.memref_squeeze %dma_start3A_65 : memref<1x128xi32, #tpu.memory_space<vmem>> -> memref<128xi32, #tpu.memory_space<vmem>>
      %dma_start3A_67 = arith.constant 0 : i32
      %dma_start3A_68 = arith.constant 0 : i32
      %dma_start3A_69 = tpu.memref_slice %arg3[%dma_start3A_67, %dma_start3A_68] : memref<10000x64xf32, #tpu.memory_space<hbm>> -> memref<10000x64xf32, #tpu.memory_space<hbm>>
      tpu.enqueue_indirect_dma source(%dma_start3A_69 : memref<10000x64xf32, #tpu.memory_space<hbm>>) target(%arg11 : memref<128x64xf32, #tpu.memory_space<vmem>>) offsets(%dma_start3A_66 : memref<128xi32, #tpu.memory_space<vmem>>) semaphore(%arg15 : memref<!tpu.dma_semaphore, #tpu.memory_space<semaphore_mem>>)
      %dma_wait3A = arith.constant 1 : i32
      %dma_wait3A_70 = arith.constant 0 : i32
      %dma_wait3A_71 = tpu.memref_slice %arg6[%dma_wait3A, %dma_wait3A_70] : memref<2x128xi32, #tpu.memory_space<vmem>> -> memref<1x128xi32, #tpu.memory_space<vmem>>
      %dma_wait3A_72 = tpu.memref_squeeze %dma_wait3A_71 : memref<1x128xi32, #tpu.memory_space<vmem>> -> memref<128xi32, #tpu.memory_space<vmem>>
      %dma_wait3A_73 = arith.constant 0 : i32
      %dma_wait3A_74 = arith.constant 0 : i32
      %dma_wait3A_75 = tpu.memref_slice %arg3[%dma_wait3A_73, %dma_wait3A_74] : memref<10000x64xf32, #tpu.memory_space<hbm>> -> memref<10000x64xf32, #tpu.memory_space<hbm>>
      tpu.wait_indirect_dma semaphore(%arg13 : memref<!tpu.dma_semaphore, #tpu.memory_space<semaphore_mem>>) src(%dma_wait3A_75 : memref<10000x64xf32, #tpu.memory_space<hbm>>) dst(%arg9 : memref<128x64xf32, #tpu.memory_space<vmem>>)
      %run_scoped3A = arith.constant 0 : i32
      "tpu.region"() ({
        %run_scoped3A_105 = tpu.sem_alloc : memref<!tpu.dma_semaphore, #tpu.memory_space<semaphore_mem>>
        %dma_start3A_106 = arith.constant 0 : i32
        %dma_start3A_107 = tpu.memref_slice %arg6[%run_scoped3A, %dma_start3A_106] : memref<2x128xi32, #tpu.memory_space<vmem>> -> memref<1x128xi32, #tpu.memory_space<vmem>>
        %dma_start3A_108 = tpu.memref_squeeze %dma_start3A_107 : memref<1x128xi32, #tpu.memory_space<vmem>> -> memref<128xi32, #tpu.memory_space<vmem>>
        %dma_start3A_109 = arith.constant 0 : i32
        %dma_start3A_110 = arith.constant 0 : i32
        %dma_start3A_111 = tpu.memref_slice %arg12[%dma_start3A_109, %dma_start3A_110] : memref<10016x64xf32, #tpu.memory_space<vmem_shared>> -> memref<10016x64xf32, #tpu.memory_space<vmem_shared>>
        tpu.enqueue_indirect_dma source(%arg9 : memref<128x64xf32, #tpu.memory_space<vmem>>) target(%dma_start3A_111 : memref<10016x64xf32, #tpu.memory_space<vmem_shared>>) offsets(%dma_start3A_108 : memref<128xi32, #tpu.memory_space<vmem>>) semaphore(%run_scoped3A_105 : memref<!tpu.dma_semaphore, #tpu.memory_space<semaphore_mem>>) {add = true}
        %dma_wait3A_112 = arith.constant 0 : i32
        %dma_wait3A_113 = tpu.memref_slice %arg6[%run_scoped3A, %dma_wait3A_112] : memref<2x128xi32, #tpu.memory_space<vmem>> -> memref<1x128xi32, #tpu.memory_space<vmem>>
        %dma_wait3A_114 = tpu.memref_squeeze %dma_wait3A_113 : memref<1x128xi32, #tpu.memory_space<vmem>> -> memref<128xi32, #tpu.memory_space<vmem>>
        %dma_wait3A_115 = arith.constant 0 : i32
        %dma_wait3A_116 = arith.constant 0 : i32
        %dma_wait3A_117 = tpu.memref_slice %arg12[%dma_wait3A_115, %dma_wait3A_116] : memref<10016x64xf32, #tpu.memory_space<vmem_shared>> -> memref<10016x64xf32, #tpu.memory_space<vmem_shared>>
        tpu.wait_indirect_dma semaphore(%run_scoped3A_105 : memref<!tpu.dma_semaphore, #tpu.memory_space<semaphore_mem>>) src(%arg9 : memref<128x64xf32, #tpu.memory_space<vmem>>) dst(%dma_wait3A_117 : memref<10016x64xf32, #tpu.memory_space<vmem_shared>>)
        tpu.yield
      }) : () -> ()
      %dma_wait3A_76 = arith.constant 1 : i32
      %dma_wait3A_77 = arith.constant 0 : i32
      %dma_wait3A_78 = tpu.memref_slice %arg7[%dma_wait3A_76, %dma_wait3A_77] : memref<2x128xi32, #tpu.memory_space<vmem>> -> memref<1x128xi32, #tpu.memory_space<vmem>>
      %dma_wait3A_79 = tpu.memref_squeeze %dma_wait3A_78 : memref<1x128xi32, #tpu.memory_space<vmem>> -> memref<128xi32, #tpu.memory_space<vmem>>
      %dma_wait3A_80 = arith.constant 0 : i32
      %dma_wait3A_81 = arith.constant 0 : i32
      %dma_wait3A_82 = tpu.memref_slice %arg3[%dma_wait3A_80, %dma_wait3A_81] : memref<10000x64xf32, #tpu.memory_space<hbm>> -> memref<10000x64xf32, #tpu.memory_space<hbm>>
      tpu.wait_indirect_dma semaphore(%arg14 : memref<!tpu.dma_semaphore, #tpu.memory_space<semaphore_mem>>) src(%dma_wait3A_82 : memref<10000x64xf32, #tpu.memory_space<hbm>>) dst(%arg10 : memref<128x64xf32, #tpu.memory_space<vmem>>)
      %run_scoped3A_83 = arith.constant 0 : i32
      "tpu.region"() ({
        %run_scoped3A_105 = tpu.sem_alloc : memref<!tpu.dma_semaphore, #tpu.memory_space<semaphore_mem>>
        %dma_start3A_106 = arith.constant 0 : i32
        %dma_start3A_107 = tpu.memref_slice %arg7[%run_scoped3A_83, %dma_start3A_106] : memref<2x128xi32, #tpu.memory_space<vmem>> -> memref<1x128xi32, #tpu.memory_space<vmem>>
        %dma_start3A_108 = tpu.memref_squeeze %dma_start3A_107 : memref<1x128xi32, #tpu.memory_space<vmem>> -> memref<128xi32, #tpu.memory_space<vmem>>
        %dma_start3A_109 = arith.constant 0 : i32
        %dma_start3A_110 = arith.constant 0 : i32
        %dma_start3A_111 = tpu.memref_slice %arg12[%dma_start3A_109, %dma_start3A_110] : memref<10016x64xf32, #tpu.memory_space<vmem_shared>> -> memref<10016x64xf32, #tpu.memory_space<vmem_shared>>
        tpu.enqueue_indirect_dma source(%arg10 : memref<128x64xf32, #tpu.memory_space<vmem>>) target(%dma_start3A_111 : memref<10016x64xf32, #tpu.memory_space<vmem_shared>>) offsets(%dma_start3A_108 : memref<128xi32, #tpu.memory_space<vmem>>) semaphore(%run_scoped3A_105 : memref<!tpu.dma_semaphore, #tpu.memory_space<semaphore_mem>>) {add = true}
        %dma_wait3A_112 = arith.constant 0 : i32
        %dma_wait3A_113 = tpu.memref_slice %arg7[%run_scoped3A_83, %dma_wait3A_112] : memref<2x128xi32, #tpu.memory_space<vmem>> -> memref<1x128xi32, #tpu.memory_space<vmem>>
        %dma_wait3A_114 = tpu.memref_squeeze %dma_wait3A_113 : memref<1x128xi32, #tpu.memory_space<vmem>> -> memref<128xi32, #tpu.memory_space<vmem>>
        %dma_wait3A_115 = arith.constant 0 : i32
        %dma_wait3A_116 = arith.constant 0 : i32
        %dma_wait3A_117 = tpu.memref_slice %arg12[%dma_wait3A_115, %dma_wait3A_116] : memref<10016x64xf32, #tpu.memory_space<vmem_shared>> -> memref<10016x64xf32, #tpu.memory_space<vmem_shared>>
        tpu.wait_indirect_dma semaphore(%run_scoped3A_105 : memref<!tpu.dma_semaphore, #tpu.memory_space<semaphore_mem>>) src(%arg10 : memref<128x64xf32, #tpu.memory_space<vmem>>) dst(%dma_wait3A_117 : memref<10016x64xf32, #tpu.memory_space<vmem_shared>>)
        tpu.yield
      }) : () -> ()
      %dma_wait3A_84 = arith.constant 1 : i32
      %dma_wait3A_85 = arith.constant 0 : i32
      %dma_wait3A_86 = tpu.memref_slice %arg8[%dma_wait3A_84, %dma_wait3A_85] : memref<2x128xi32, #tpu.memory_space<vmem>> -> memref<1x128xi32, #tpu.memory_space<vmem>>
      %dma_wait3A_87 = tpu.memref_squeeze %dma_wait3A_86 : memref<1x128xi32, #tpu.memory_space<vmem>> -> memref<128xi32, #tpu.memory_space<vmem>>
      %dma_wait3A_88 = arith.constant 0 : i32
      %dma_wait3A_89 = arith.constant 0 : i32
      %dma_wait3A_90 = tpu.memref_slice %arg3[%dma_wait3A_88, %dma_wait3A_89] : memref<10000x64xf32, #tpu.memory_space<hbm>> -> memref<10000x64xf32, #tpu.memory_space<hbm>>
      tpu.wait_indirect_dma semaphore(%arg15 : memref<!tpu.dma_semaphore, #tpu.memory_space<semaphore_mem>>) src(%dma_wait3A_90 : memref<10000x64xf32, #tpu.memory_space<hbm>>) dst(%arg11 : memref<128x64xf32, #tpu.memory_space<vmem>>)
      %run_scoped3A_91 = arith.constant 0 : i32
      "tpu.region"() ({
        %run_scoped3A_105 = tpu.sem_alloc : memref<!tpu.dma_semaphore, #tpu.memory_space<semaphore_mem>>
        %dma_start3A_106 = arith.constant 0 : i32
        %dma_start3A_107 = tpu.memref_slice %arg8[%run_scoped3A_91, %dma_start3A_106] : memref<2x128xi32, #tpu.memory_space<vmem>> -> memref<1x128xi32, #tpu.memory_space<vmem>>
        %dma_start3A_108 = tpu.memref_squeeze %dma_start3A_107 : memref<1x128xi32, #tpu.memory_space<vmem>> -> memref<128xi32, #tpu.memory_space<vmem>>
        %dma_start3A_109 = arith.constant 0 : i32
        %dma_start3A_110 = arith.constant 0 : i32
        %dma_start3A_111 = tpu.memref_slice %arg12[%dma_start3A_109, %dma_start3A_110] : memref<10016x64xf32, #tpu.memory_space<vmem_shared>> -> memref<10016x64xf32, #tpu.memory_space<vmem_shared>>
        tpu.enqueue_indirect_dma source(%arg11 : memref<128x64xf32, #tpu.memory_space<vmem>>) target(%dma_start3A_111 : memref<10016x64xf32, #tpu.memory_space<vmem_shared>>) offsets(%dma_start3A_108 : memref<128xi32, #tpu.memory_space<vmem>>) semaphore(%run_scoped3A_105 : memref<!tpu.dma_semaphore, #tpu.memory_space<semaphore_mem>>) {add = true}
        %dma_wait3A_112 = arith.constant 0 : i32
        %dma_wait3A_113 = tpu.memref_slice %arg8[%run_scoped3A_91, %dma_wait3A_112] : memref<2x128xi32, #tpu.memory_space<vmem>> -> memref<1x128xi32, #tpu.memory_space<vmem>>
        %dma_wait3A_114 = tpu.memref_squeeze %dma_wait3A_113 : memref<1x128xi32, #tpu.memory_space<vmem>> -> memref<128xi32, #tpu.memory_space<vmem>>
        %dma_wait3A_115 = arith.constant 0 : i32
        %dma_wait3A_116 = arith.constant 0 : i32
        %dma_wait3A_117 = tpu.memref_slice %arg12[%dma_wait3A_115, %dma_wait3A_116] : memref<10016x64xf32, #tpu.memory_space<vmem_shared>> -> memref<10016x64xf32, #tpu.memory_space<vmem_shared>>
        tpu.wait_indirect_dma semaphore(%run_scoped3A_105 : memref<!tpu.dma_semaphore, #tpu.memory_space<semaphore_mem>>) src(%arg11 : memref<128x64xf32, #tpu.memory_space<vmem>>) dst(%dma_wait3A_117 : memref<10016x64xf32, #tpu.memory_space<vmem_shared>>)
        tpu.yield
      }) : () -> ()
      %barrier3A_92 = arith.constant 0 : index
      tpu.barrier barrier_id(%barrier3A_92)
      %mul3A_93 = arith.constant 624 : i32
      %mul3A_94 = arith.muli %arg1, %mul3A_93 : i32
      %mul3A_95 = arith.constant 10000 : i32
      %mul3A_96 = arith.muli %arg0, %mul3A_95 : i32
      %mul3A_97 = arith.constant 624 : i32
      %mul3A_98 = arith.muli %arg1, %mul3A_97 : i32
      %add3A_99 = arith.addi %mul3A_96, %mul3A_98 : i32
      "tpu.region"() ({
        %run_scoped3A_105 = tpu.sem_alloc : memref<!tpu.dma_semaphore, #tpu.memory_space<semaphore_mem>>
        %dma_start3A_106 = arith.constant 0 : i32
        %dma_start3A_107 = tpu.memref_slice %arg5[%add3A_99, %dma_start3A_106] : memref<10000x64xf32, #tpu.memory_space<hbm>> -> memref<624x64xf32, #tpu.memory_space<hbm>>
        %dma_start3A_108 = arith.constant 0 : i32
        %dma_start3A_109 = tpu.memref_slice %arg12[%mul3A_94, %dma_start3A_108] : memref<10016x64xf32, #tpu.memory_space<vmem_shared>> -> memref<624x64xf32, #tpu.memory_space<vmem_shared>>
        tpu.enqueue_dma source(%dma_start3A_109 : memref<624x64xf32, #tpu.memory_space<vmem_shared>>) target(%dma_start3A_107 : memref<624x64xf32, #tpu.memory_space<hbm>>) target_semaphore(%run_scoped3A_105 : memref<!tpu.dma_semaphore, #tpu.memory_space<semaphore_mem>>)
        %dma_wait3A_110 = arith.constant 0 : i32
        %dma_wait3A_111 = tpu.memref_slice %arg5[%add3A_99, %dma_wait3A_110] : memref<10000x64xf32, #tpu.memory_space<hbm>> -> memref<624x64xf32, #tpu.memory_space<hbm>>
        %dma_wait3A_112 = arith.constant 0 : i32
        %dma_wait3A_113 = tpu.memref_slice %arg12[%mul3A_94, %dma_wait3A_112] : memref<10016x64xf32, #tpu.memory_space<vmem_shared>> -> memref<624x64xf32, #tpu.memory_space<vmem_shared>>
        tpu.wait_dma2 semaphore(%run_scoped3A_105 : memref<!tpu.dma_semaphore, #tpu.memory_space<semaphore_mem>>) src(%dma_wait3A_113 : memref<624x64xf32, #tpu.memory_space<vmem_shared>>) dst(%dma_wait3A_111 : memref<624x64xf32, #tpu.memory_space<hbm>>)
        tpu.yield
      }) : () -> ()
      %eq3A_100 = arith.constant 15 : i32
      %eq3A_101 = arith.cmpi eq, %arg1, %eq3A_100 : i32
      %convert_element_type3A_102 = arith.extui %eq3A_101 : i1 to i32
      %cond3A_103 = arith.constant 0 : i32
      %cond3A_104 = arith.cmpi ne, %convert_element_type3A_102, %cond3A_103 : i32
      scf.if %cond3A_104 {
        %mul3A_105 = arith.constant 10000 : i32
        %mul3A_106 = arith.muli %arg0, %mul3A_105 : i32
        %add3A_107 = arith.constant 9984 : i32
        %add3A_108 = arith.addi %mul3A_106, %add3A_107 : i32
        "tpu.region"() ({
          %run_scoped3A_109 = tpu.sem_alloc : memref<!tpu.dma_semaphore, #tpu.memory_space<semaphore_mem>>
          %dma_start3A_110 = arith.constant 0 : i32
          %dma_start3A_111 = tpu.memref_slice %arg5[%add3A_108, %dma_start3A_110] : memref<10000x64xf32, #tpu.memory_space<hbm>> -> memref<16x64xf32, #tpu.memory_space<hbm>>
          %dma_start3A_112 = arith.constant 9984 : i32
          %dma_start3A_113 = arith.constant 0 : i32
          %dma_start3A_114 = tpu.memref_slice %arg12[%dma_start3A_112, %dma_start3A_113] : memref<10016x64xf32, #tpu.memory_space<vmem_shared>> -> memref<16x64xf32, #tpu.memory_space<vmem_shared>>
          tpu.enqueue_dma source(%dma_start3A_114 : memref<16x64xf32, #tpu.memory_space<vmem_shared>>) target(%dma_start3A_111 : memref<16x64xf32, #tpu.memory_space<hbm>>) target_semaphore(%run_scoped3A_109 : memref<!tpu.dma_semaphore, #tpu.memory_space<semaphore_mem>>)
          %dma_wait3A_115 = arith.constant 0 : i32
          %dma_wait3A_116 = tpu.memref_slice %arg5[%add3A_108, %dma_wait3A_115] : memref<10000x64xf32, #tpu.memory_space<hbm>> -> memref<16x64xf32, #tpu.memory_space<hbm>>
          %dma_wait3A_117 = arith.constant 9984 : i32
          %dma_wait3A_118 = arith.constant 0 : i32
          %dma_wait3A_119 = tpu.memref_slice %arg12[%dma_wait3A_117, %dma_wait3A_118] : memref<10016x64xf32, #tpu.memory_space<vmem_shared>> -> memref<16x64xf32, #tpu.memory_space<vmem_shared>>
          tpu.wait_dma2 semaphore(%run_scoped3A_109 : memref<!tpu.dma_semaphore, #tpu.memory_space<semaphore_mem>>) src(%dma_wait3A_119 : memref<16x64xf32, #tpu.memory_space<vmem_shared>>) dst(%dma_wait3A_116 : memref<16x64xf32, #tpu.memory_space<hbm>>)
          tpu.yield
        }) : () -> ()
      } else {
      }
    } else {
    }
    return
  }
}

#map = affine_map<(d0, d1) -> (0, 0, 0)>
#map1 = affine_map<(d0, d1) -> (0, 0)>
module attributes {stable_mosaic.version = 14 : i64} {
  func.func @spmm_kernel(%arg0: i32, %arg1: i32, %arg2: memref<5040x2x128xi32, #tpu.memory_space<hbm>>, %arg3: memref<10000x64xf32, #tpu.memory_space<hbm>>, %arg4: memref<626x64xf32, #tpu.memory_space<hbm>>, %arg5: memref<20000x64xf32, #tpu.memory_space<hbm>>, %arg6: memref<2x128xi32, #tpu.memory_space<vmem>>, %arg7: memref<2x128xi32, #tpu.memory_space<vmem>>, %arg8: memref<2x128xi32, #tpu.memory_space<vmem>>, %arg9: memref<128x64xf32, #tpu.memory_space<vmem>>, %arg10: memref<128x64xf32, #tpu.memory_space<vmem>>, %arg11: memref<128x64xf32, #tpu.memory_space<vmem>>, %arg12: memref<10016x64xf32, #tpu.memory_space<vmem_shared>>, %arg13: memref<!tpu.dma_semaphore, #tpu.memory_space<semaphore_mem>>, %arg14: memref<!tpu.dma_semaphore, #tpu.memory_space<semaphore_mem>>, %arg15: memref<!tpu.dma_semaphore, #tpu.memory_space<semaphore_mem>>) attributes {dimension_semantics = [#tpu.dimension_semantics<core_parallel>, #tpu.dimension_semantics<subcore_parallel>], iteration_bounds = array<i64: 2, 16>, scalar_prefetch = 0 : i64, scratch_operands = 10 : i64, tpu.core_type = #tpu.core_type<sc_vector_subcore>, window_params = [{transform_indices = #map}, {transform_indices = #map1}, {transform_indices = #map1}, {transform_indices = #map1}]} {
    %eq3A = arith.constant 0 : i32
    %eq3A_0 = arith.cmpi eq, %arg0, %eq3A : i32
    %jit3A = arith.constant 216 : i32
    %jit3A_1 = arith.constant 99 : i32
    %select_n3A = arith.select %eq3A_0, %jit3A, %jit3A_1 : i32
    %eq3A_2 = arith.constant 0 : i32
    %eq3A_3 = arith.cmpi eq, %arg0, %eq3A_2 : i32
    %mul3A = arith.constant 216 : i32
    %mul3A_4 = arith.muli %arg1, %mul3A : i32
    %mul3A_5 = arith.constant 99 : i32
    %mul3A_6 = arith.muli %arg1, %mul3A_5 : i32
    %add3A = arith.constant 3456 : i32
    %add3A_7 = arith.addi %add3A, %mul3A_6 : i32
    %select_n3A_8 = arith.select %eq3A_3, %mul3A_4, %add3A_7 : i32
    %mul3A_9 = arith.constant 626 : i32
    %mul3A_10 = arith.muli %arg1, %mul3A_9 : i32
    "tpu.region"() ({
      %run_scoped3A_100 = tpu.sem_alloc : memref<!tpu.dma_semaphore, #tpu.memory_space<semaphore_mem>>
      %dma_start3A_101 = arith.constant 0 : i32
      %dma_start3A_102 = tpu.memref_slice %arg12[%mul3A_10, %dma_start3A_101] : memref<10016x64xf32, #tpu.memory_space<vmem_shared>> -> memref<626x64xf32, #tpu.memory_space<vmem_shared>>
      tpu.enqueue_dma source(%arg4 : memref<626x64xf32, #tpu.memory_space<hbm>>) target(%dma_start3A_102 : memref<626x64xf32, #tpu.memory_space<vmem_shared>>) target_semaphore(%run_scoped3A_100 : memref<!tpu.dma_semaphore, #tpu.memory_space<semaphore_mem>>)
      %dma_wait3A_103 = arith.constant 0 : i32
      %dma_wait3A_104 = tpu.memref_slice %arg12[%mul3A_10, %dma_wait3A_103] : memref<10016x64xf32, #tpu.memory_space<vmem_shared>> -> memref<626x64xf32, #tpu.memory_space<vmem_shared>>
      tpu.wait_dma2 semaphore(%run_scoped3A_100 : memref<!tpu.dma_semaphore, #tpu.memory_space<semaphore_mem>>) src(%arg4 : memref<626x64xf32, #tpu.memory_space<hbm>>) dst(%dma_wait3A_104 : memref<626x64xf32, #tpu.memory_space<vmem_shared>>)
      tpu.yield
    }) : () -> ()
    %barrier3A = arith.constant 0 : index
    tpu.barrier barrier_id(%barrier3A)
    %add3A_11 = arith.constant 0 : i32
    %add3A_12 = arith.addi %select_n3A_8, %add3A_11 : i32
    "tpu.region"() ({
      %run_scoped3A_100 = tpu.sem_alloc : memref<!tpu.dma_semaphore, #tpu.memory_space<semaphore_mem>>
      %dma_start3A_101 = arith.constant 0 : i32
      %dma_start3A_102 = arith.constant 0 : i32
      %dma_start3A_103 = tpu.memref_slice %arg2[%add3A_12, %dma_start3A_101, %dma_start3A_102] : memref<5040x2x128xi32, #tpu.memory_space<hbm>> -> memref<1x2x128xi32, #tpu.memory_space<hbm>>
      %dma_start3A_104 = tpu.memref_squeeze %dma_start3A_103 : memref<1x2x128xi32, #tpu.memory_space<hbm>> -> memref<2x128xi32, #tpu.memory_space<hbm>>
      %dma_start3A_105 = arith.constant 0 : i32
      %dma_start3A_106 = arith.constant 0 : i32
      %dma_start3A_107 = tpu.memref_slice %arg2[%add3A_12, %dma_start3A_105, %dma_start3A_106] : memref<5040x2x128xi32, #tpu.memory_space<hbm>> -> memref<1x2x128xi32, #tpu.memory_space<hbm>>
      %dma_start3A_108 = tpu.memref_squeeze %dma_start3A_107 : memref<1x2x128xi32, #tpu.memory_space<hbm>> -> memref<2x128xi32, #tpu.memory_space<hbm>>
      tpu.enqueue_dma source(%dma_start3A_108 : memref<2x128xi32, #tpu.memory_space<hbm>>) target(%arg6 : memref<2x128xi32, #tpu.memory_space<vmem>>) target_semaphore(%run_scoped3A_100 : memref<!tpu.dma_semaphore, #tpu.memory_space<semaphore_mem>>)
      %dma_wait3A_109 = arith.constant 0 : i32
      %dma_wait3A_110 = arith.constant 0 : i32
      %dma_wait3A_111 = tpu.memref_slice %arg2[%add3A_12, %dma_wait3A_109, %dma_wait3A_110] : memref<5040x2x128xi32, #tpu.memory_space<hbm>> -> memref<1x2x128xi32, #tpu.memory_space<hbm>>
      %dma_wait3A_112 = tpu.memref_squeeze %dma_wait3A_111 : memref<1x2x128xi32, #tpu.memory_space<hbm>> -> memref<2x128xi32, #tpu.memory_space<hbm>>
      %dma_wait3A_113 = arith.constant 0 : i32
      %dma_wait3A_114 = arith.constant 0 : i32
      %dma_wait3A_115 = tpu.memref_slice %arg2[%add3A_12, %dma_wait3A_113, %dma_wait3A_114] : memref<5040x2x128xi32, #tpu.memory_space<hbm>> -> memref<1x2x128xi32, #tpu.memory_space<hbm>>
      %dma_wait3A_116 = tpu.memref_squeeze %dma_wait3A_115 : memref<1x2x128xi32, #tpu.memory_space<hbm>> -> memref<2x128xi32, #tpu.memory_space<hbm>>
      tpu.wait_dma2 semaphore(%run_scoped3A_100 : memref<!tpu.dma_semaphore, #tpu.memory_space<semaphore_mem>>) src(%dma_wait3A_116 : memref<2x128xi32, #tpu.memory_space<hbm>>) dst(%arg6 : memref<2x128xi32, #tpu.memory_space<vmem>>)
      tpu.yield
    }) : () -> ()
    %dma_start3A = arith.constant 1 : i32
    %dma_start3A_13 = arith.constant 0 : i32
    %dma_start3A_14 = tpu.memref_slice %arg6[%dma_start3A, %dma_start3A_13] : memref<2x128xi32, #tpu.memory_space<vmem>> -> memref<1x128xi32, #tpu.memory_space<vmem>>
    %dma_start3A_15 = tpu.memref_squeeze %dma_start3A_14 : memref<1x128xi32, #tpu.memory_space<vmem>> -> memref<128xi32, #tpu.memory_space<vmem>>
    %dma_start3A_16 = arith.constant 0 : i32
    %dma_start3A_17 = arith.constant 0 : i32
    %dma_start3A_18 = tpu.memref_slice %arg3[%dma_start3A_16, %dma_start3A_17] : memref<10000x64xf32, #tpu.memory_space<hbm>> -> memref<10000x64xf32, #tpu.memory_space<hbm>>
    tpu.enqueue_indirect_dma source(%dma_start3A_18 : memref<10000x64xf32, #tpu.memory_space<hbm>>) target(%arg9 : memref<128x64xf32, #tpu.memory_space<vmem>>) offsets(%dma_start3A_15 : memref<128xi32, #tpu.memory_space<vmem>>) semaphore(%arg13 : memref<!tpu.dma_semaphore, #tpu.memory_space<semaphore_mem>>)
    %add3A_19 = arith.constant 1 : i32
    %add3A_20 = arith.addi %select_n3A_8, %add3A_19 : i32
    "tpu.region"() ({
      %run_scoped3A_100 = tpu.sem_alloc : memref<!tpu.dma_semaphore, #tpu.memory_space<semaphore_mem>>
      %dma_start3A_101 = arith.constant 0 : i32
      %dma_start3A_102 = arith.constant 0 : i32
      %dma_start3A_103 = tpu.memref_slice %arg2[%add3A_20, %dma_start3A_101, %dma_start3A_102] : memref<5040x2x128xi32, #tpu.memory_space<hbm>> -> memref<1x2x128xi32, #tpu.memory_space<hbm>>
      %dma_start3A_104 = tpu.memref_squeeze %dma_start3A_103 : memref<1x2x128xi32, #tpu.memory_space<hbm>> -> memref<2x128xi32, #tpu.memory_space<hbm>>
      %dma_start3A_105 = arith.constant 0 : i32
      %dma_start3A_106 = arith.constant 0 : i32
      %dma_start3A_107 = tpu.memref_slice %arg2[%add3A_20, %dma_start3A_105, %dma_start3A_106] : memref<5040x2x128xi32, #tpu.memory_space<hbm>> -> memref<1x2x128xi32, #tpu.memory_space<hbm>>
      %dma_start3A_108 = tpu.memref_squeeze %dma_start3A_107 : memref<1x2x128xi32, #tpu.memory_space<hbm>> -> memref<2x128xi32, #tpu.memory_space<hbm>>
      tpu.enqueue_dma source(%dma_start3A_108 : memref<2x128xi32, #tpu.memory_space<hbm>>) target(%arg7 : memref<2x128xi32, #tpu.memory_space<vmem>>) target_semaphore(%run_scoped3A_100 : memref<!tpu.dma_semaphore, #tpu.memory_space<semaphore_mem>>)
      %dma_wait3A_109 = arith.constant 0 : i32
      %dma_wait3A_110 = arith.constant 0 : i32
      %dma_wait3A_111 = tpu.memref_slice %arg2[%add3A_20, %dma_wait3A_109, %dma_wait3A_110] : memref<5040x2x128xi32, #tpu.memory_space<hbm>> -> memref<1x2x128xi32, #tpu.memory_space<hbm>>
      %dma_wait3A_112 = tpu.memref_squeeze %dma_wait3A_111 : memref<1x2x128xi32, #tpu.memory_space<hbm>> -> memref<2x128xi32, #tpu.memory_space<hbm>>
      %dma_wait3A_113 = arith.constant 0 : i32
      %dma_wait3A_114 = arith.constant 0 : i32
      %dma_wait3A_115 = tpu.memref_slice %arg2[%add3A_20, %dma_wait3A_113, %dma_wait3A_114] : memref<5040x2x128xi32, #tpu.memory_space<hbm>> -> memref<1x2x128xi32, #tpu.memory_space<hbm>>
      %dma_wait3A_116 = tpu.memref_squeeze %dma_wait3A_115 : memref<1x2x128xi32, #tpu.memory_space<hbm>> -> memref<2x128xi32, #tpu.memory_space<hbm>>
      tpu.wait_dma2 semaphore(%run_scoped3A_100 : memref<!tpu.dma_semaphore, #tpu.memory_space<semaphore_mem>>) src(%dma_wait3A_116 : memref<2x128xi32, #tpu.memory_space<hbm>>) dst(%arg7 : memref<2x128xi32, #tpu.memory_space<vmem>>)
      tpu.yield
    }) : () -> ()
    %dma_start3A_21 = arith.constant 1 : i32
    %dma_start3A_22 = arith.constant 0 : i32
    %dma_start3A_23 = tpu.memref_slice %arg7[%dma_start3A_21, %dma_start3A_22] : memref<2x128xi32, #tpu.memory_space<vmem>> -> memref<1x128xi32, #tpu.memory_space<vmem>>
    %dma_start3A_24 = tpu.memref_squeeze %dma_start3A_23 : memref<1x128xi32, #tpu.memory_space<vmem>> -> memref<128xi32, #tpu.memory_space<vmem>>
    %dma_start3A_25 = arith.constant 0 : i32
    %dma_start3A_26 = arith.constant 0 : i32
    %dma_start3A_27 = tpu.memref_slice %arg3[%dma_start3A_25, %dma_start3A_26] : memref<10000x64xf32, #tpu.memory_space<hbm>> -> memref<10000x64xf32, #tpu.memory_space<hbm>>
    tpu.enqueue_indirect_dma source(%dma_start3A_27 : memref<10000x64xf32, #tpu.memory_space<hbm>>) target(%arg10 : memref<128x64xf32, #tpu.memory_space<vmem>>) offsets(%dma_start3A_24 : memref<128xi32, #tpu.memory_space<vmem>>) semaphore(%arg14 : memref<!tpu.dma_semaphore, #tpu.memory_space<semaphore_mem>>)
    %jit3A_28 = arith.constant 3 : i32
    %div3A = arith.divsi %select_n3A, %jit3A_28 : i32
    %sign3A = arith.constant 0 : i32
    %sign3A_29 = arith.cmpi sgt, %select_n3A, %sign3A : i32
    %sign3A_30 = arith.extui %sign3A_29 : i1 to i32
    %sign3A_31 = arith.constant 0 : i32
    %sign3A_32 = arith.cmpi slt, %select_n3A, %sign3A_31 : i32
    %sign3A_33 = arith.extui %sign3A_32 : i1 to i32
    %sign3A_34 = arith.subi %sign3A_30, %sign3A_33 : i32
    %sign3A_35 = arith.constant 0 : i32
    %sign3A_36 = arith.cmpi sgt, %jit3A_28, %sign3A_35 : i32
    %sign3A_37 = arith.extui %sign3A_36 : i1 to i32
    %sign3A_38 = arith.constant 0 : i32
    %sign3A_39 = arith.cmpi slt, %jit3A_28, %sign3A_38 : i32
    %sign3A_40 = arith.extui %sign3A_39 : i1 to i32
    %sign3A_41 = arith.subi %sign3A_37, %sign3A_40 : i32
    %ne3A = arith.cmpi ne, %sign3A_34, %sign3A_41 : i32
    %rem3A = arith.remsi %select_n3A, %jit3A_28 : i32
    %ne3A_42 = arith.constant 0 : i32
    %ne3A_43 = arith.cmpi ne, %rem3A, %ne3A_42 : i32
    %and3A = arith.andi %ne3A, %ne3A_43 : i1
    %sub3A = arith.constant 1 : i32
    %sub3A_44 = arith.subi %div3A, %sub3A : i32
    %select_n3A_45 = arith.select %and3A, %sub3A_44, %div3A : i32
    %sub3A_46 = arith.constant 1 : i32
    %sub3A_47 = arith.subi %select_n3A_45, %sub3A_46 : i32
    %while3A = arith.constant 0 : i32
    %while3A_48 = arith.constant 0 : i32
    %while3A_49 = arith.subi %sub3A_47, %while3A_48 : i32
    %while3A_50 = arith.addi %while3A_48, %while3A_49 : i32
    %while3A_51 = arith.constant 1 : i32
    %while3A_52 = arith.divsi %while3A_49, %while3A_51 : i32
    %while3A_53 = arith.muli %while3A_52, %while3A_51 : i32
    %while3A_54 = arith.addi %while3A_48, %while3A_53 : i32
    %while3A_55 = arith.constant 1 : i32
    scf.for %while3A_100 = %while3A_48 to %while3A_54 step %while3A_55  : i32 {
      %mul3A_101 = arith.constant 3 : i32
      %mul3A_102 = arith.muli %mul3A_101, %while3A_100 : i32
      %add3A_103 = arith.constant 2 : i32
      %add3A_104 = arith.addi %mul3A_102, %add3A_103 : i32
      %add3A_105 = arith.addi %select_n3A_8, %add3A_104 : i32
      "tpu.region"() ({
        %run_scoped3A_157 = tpu.sem_alloc : memref<!tpu.dma_semaphore, #tpu.memory_space<semaphore_mem>>
        %dma_start3A_158 = arith.constant 0 : i32
        %dma_start3A_159 = arith.constant 0 : i32
        %dma_start3A_160 = tpu.memref_slice %arg2[%add3A_105, %dma_start3A_158, %dma_start3A_159] : memref<5040x2x128xi32, #tpu.memory_space<hbm>> -> memref<1x2x128xi32, #tpu.memory_space<hbm>>
        %dma_start3A_161 = tpu.memref_squeeze %dma_start3A_160 : memref<1x2x128xi32, #tpu.memory_space<hbm>> -> memref<2x128xi32, #tpu.memory_space<hbm>>
        %dma_start3A_162 = arith.constant 0 : i32
        %dma_start3A_163 = arith.constant 0 : i32
        %dma_start3A_164 = tpu.memref_slice %arg2[%add3A_105, %dma_start3A_162, %dma_start3A_163] : memref<5040x2x128xi32, #tpu.memory_space<hbm>> -> memref<1x2x128xi32, #tpu.memory_space<hbm>>
        %dma_start3A_165 = tpu.memref_squeeze %dma_start3A_164 : memref<1x2x128xi32, #tpu.memory_space<hbm>> -> memref<2x128xi32, #tpu.memory_space<hbm>>
        tpu.enqueue_dma source(%dma_start3A_165 : memref<2x128xi32, #tpu.memory_space<hbm>>) target(%arg8 : memref<2x128xi32, #tpu.memory_space<vmem>>) target_semaphore(%run_scoped3A_157 : memref<!tpu.dma_semaphore, #tpu.memory_space<semaphore_mem>>)
        %dma_wait3A_166 = arith.constant 0 : i32
        %dma_wait3A_167 = arith.constant 0 : i32
        %dma_wait3A_168 = tpu.memref_slice %arg2[%add3A_105, %dma_wait3A_166, %dma_wait3A_167] : memref<5040x2x128xi32, #tpu.memory_space<hbm>> -> memref<1x2x128xi32, #tpu.memory_space<hbm>>
        %dma_wait3A_169 = tpu.memref_squeeze %dma_wait3A_168 : memref<1x2x128xi32, #tpu.memory_space<hbm>> -> memref<2x128xi32, #tpu.memory_space<hbm>>
        %dma_wait3A_170 = arith.constant 0 : i32
        %dma_wait3A_171 = arith.constant 0 : i32
        %dma_wait3A_172 = tpu.memref_slice %arg2[%add3A_105, %dma_wait3A_170, %dma_wait3A_171] : memref<5040x2x128xi32, #tpu.memory_space<hbm>> -> memref<1x2x128xi32, #tpu.memory_space<hbm>>
        %dma_wait3A_173 = tpu.memref_squeeze %dma_wait3A_172 : memref<1x2x128xi32, #tpu.memory_space<hbm>> -> memref<2x128xi32, #tpu.memory_space<hbm>>
        tpu.wait_dma2 semaphore(%run_scoped3A_157 : memref<!tpu.dma_semaphore, #tpu.memory_space<semaphore_mem>>) src(%dma_wait3A_173 : memref<2x128xi32, #tpu.memory_space<hbm>>) dst(%arg8 : memref<2x128xi32, #tpu.memory_space<vmem>>)
        tpu.yield
      }) : () -> ()
      %dma_start3A_106 = arith.constant 1 : i32
      %dma_start3A_107 = arith.constant 0 : i32
      %dma_start3A_108 = tpu.memref_slice %arg8[%dma_start3A_106, %dma_start3A_107] : memref<2x128xi32, #tpu.memory_space<vmem>> -> memref<1x128xi32, #tpu.memory_space<vmem>>
      %dma_start3A_109 = tpu.memref_squeeze %dma_start3A_108 : memref<1x128xi32, #tpu.memory_space<vmem>> -> memref<128xi32, #tpu.memory_space<vmem>>
      %dma_start3A_110 = arith.constant 0 : i32
      %dma_start3A_111 = arith.constant 0 : i32
      %dma_start3A_112 = tpu.memref_slice %arg3[%dma_start3A_110, %dma_start3A_111] : memref<10000x64xf32, #tpu.memory_space<hbm>> -> memref<10000x64xf32, #tpu.memory_space<hbm>>
      tpu.enqueue_indirect_dma source(%dma_start3A_112 : memref<10000x64xf32, #tpu.memory_space<hbm>>) target(%arg11 : memref<128x64xf32, #tpu.memory_space<vmem>>) offsets(%dma_start3A_109 : memref<128xi32, #tpu.memory_space<vmem>>) semaphore(%arg15 : memref<!tpu.dma_semaphore, #tpu.memory_space<semaphore_mem>>)
      %dma_wait3A_113 = arith.constant 1 : i32
      %dma_wait3A_114 = arith.constant 0 : i32
      %dma_wait3A_115 = tpu.memref_slice %arg6[%dma_wait3A_113, %dma_wait3A_114] : memref<2x128xi32, #tpu.memory_space<vmem>> -> memref<1x128xi32, #tpu.memory_space<vmem>>
      %dma_wait3A_116 = tpu.memref_squeeze %dma_wait3A_115 : memref<1x128xi32, #tpu.memory_space<vmem>> -> memref<128xi32, #tpu.memory_space<vmem>>
      %dma_wait3A_117 = arith.constant 0 : i32
      %dma_wait3A_118 = arith.constant 0 : i32
      %dma_wait3A_119 = tpu.memref_slice %arg3[%dma_wait3A_117, %dma_wait3A_118] : memref<10000x64xf32, #tpu.memory_space<hbm>> -> memref<10000x64xf32, #tpu.memory_space<hbm>>
      tpu.wait_indirect_dma semaphore(%arg13 : memref<!tpu.dma_semaphore, #tpu.memory_space<semaphore_mem>>) src(%dma_wait3A_119 : memref<10000x64xf32, #tpu.memory_space<hbm>>) dst(%arg9 : memref<128x64xf32, #tpu.memory_space<vmem>>)
      %run_scoped3A_120 = arith.constant 0 : i32
      "tpu.region"() ({
        %run_scoped3A_157 = tpu.sem_alloc : memref<!tpu.dma_semaphore, #tpu.memory_space<semaphore_mem>>
        %dma_start3A_158 = arith.constant 0 : i32
        %dma_start3A_159 = tpu.memref_slice %arg6[%run_scoped3A_120, %dma_start3A_158] : memref<2x128xi32, #tpu.memory_space<vmem>> -> memref<1x128xi32, #tpu.memory_space<vmem>>
        %dma_start3A_160 = tpu.memref_squeeze %dma_start3A_159 : memref<1x128xi32, #tpu.memory_space<vmem>> -> memref<128xi32, #tpu.memory_space<vmem>>
        %dma_start3A_161 = arith.constant 0 : i32
        %dma_start3A_162 = arith.constant 0 : i32
        %dma_start3A_163 = tpu.memref_slice %arg12[%dma_start3A_161, %dma_start3A_162] : memref<10016x64xf32, #tpu.memory_space<vmem_shared>> -> memref<10016x64xf32, #tpu.memory_space<vmem_shared>>
        tpu.enqueue_indirect_dma source(%arg9 : memref<128x64xf32, #tpu.memory_space<vmem>>) target(%dma_start3A_163 : memref<10016x64xf32, #tpu.memory_space<vmem_shared>>) offsets(%dma_start3A_160 : memref<128xi32, #tpu.memory_space<vmem>>) semaphore(%run_scoped3A_157 : memref<!tpu.dma_semaphore, #tpu.memory_space<semaphore_mem>>) {add = true}
        %dma_wait3A_164 = arith.constant 0 : i32
        %dma_wait3A_165 = tpu.memref_slice %arg6[%run_scoped3A_120, %dma_wait3A_164] : memref<2x128xi32, #tpu.memory_space<vmem>> -> memref<1x128xi32, #tpu.memory_space<vmem>>
        %dma_wait3A_166 = tpu.memref_squeeze %dma_wait3A_165 : memref<1x128xi32, #tpu.memory_space<vmem>> -> memref<128xi32, #tpu.memory_space<vmem>>
        %dma_wait3A_167 = arith.constant 0 : i32
        %dma_wait3A_168 = arith.constant 0 : i32
        %dma_wait3A_169 = tpu.memref_slice %arg12[%dma_wait3A_167, %dma_wait3A_168] : memref<10016x64xf32, #tpu.memory_space<vmem_shared>> -> memref<10016x64xf32, #tpu.memory_space<vmem_shared>>
        tpu.wait_indirect_dma semaphore(%run_scoped3A_157 : memref<!tpu.dma_semaphore, #tpu.memory_space<semaphore_mem>>) src(%arg9 : memref<128x64xf32, #tpu.memory_space<vmem>>) dst(%dma_wait3A_169 : memref<10016x64xf32, #tpu.memory_space<vmem_shared>>)
        tpu.yield
      }) : () -> ()
      %add3A_121 = arith.constant 3 : i32
      %add3A_122 = arith.addi %mul3A_102, %add3A_121 : i32
      %add3A_123 = arith.addi %select_n3A_8, %add3A_122 : i32
      "tpu.region"() ({
        %run_scoped3A_157 = tpu.sem_alloc : memref<!tpu.dma_semaphore, #tpu.memory_space<semaphore_mem>>
        %dma_start3A_158 = arith.constant 0 : i32
        %dma_start3A_159 = arith.constant 0 : i32
        %dma_start3A_160 = tpu.memref_slice %arg2[%add3A_123, %dma_start3A_158, %dma_start3A_159] : memref<5040x2x128xi32, #tpu.memory_space<hbm>> -> memref<1x2x128xi32, #tpu.memory_space<hbm>>
        %dma_start3A_161 = tpu.memref_squeeze %dma_start3A_160 : memref<1x2x128xi32, #tpu.memory_space<hbm>> -> memref<2x128xi32, #tpu.memory_space<hbm>>
        %dma_start3A_162 = arith.constant 0 : i32
        %dma_start3A_163 = arith.constant 0 : i32
        %dma_start3A_164 = tpu.memref_slice %arg2[%add3A_123, %dma_start3A_162, %dma_start3A_163] : memref<5040x2x128xi32, #tpu.memory_space<hbm>> -> memref<1x2x128xi32, #tpu.memory_space<hbm>>
        %dma_start3A_165 = tpu.memref_squeeze %dma_start3A_164 : memref<1x2x128xi32, #tpu.memory_space<hbm>> -> memref<2x128xi32, #tpu.memory_space<hbm>>
        tpu.enqueue_dma source(%dma_start3A_165 : memref<2x128xi32, #tpu.memory_space<hbm>>) target(%arg6 : memref<2x128xi32, #tpu.memory_space<vmem>>) target_semaphore(%run_scoped3A_157 : memref<!tpu.dma_semaphore, #tpu.memory_space<semaphore_mem>>)
        %dma_wait3A_166 = arith.constant 0 : i32
        %dma_wait3A_167 = arith.constant 0 : i32
        %dma_wait3A_168 = tpu.memref_slice %arg2[%add3A_123, %dma_wait3A_166, %dma_wait3A_167] : memref<5040x2x128xi32, #tpu.memory_space<hbm>> -> memref<1x2x128xi32, #tpu.memory_space<hbm>>
        %dma_wait3A_169 = tpu.memref_squeeze %dma_wait3A_168 : memref<1x2x128xi32, #tpu.memory_space<hbm>> -> memref<2x128xi32, #tpu.memory_space<hbm>>
        %dma_wait3A_170 = arith.constant 0 : i32
        %dma_wait3A_171 = arith.constant 0 : i32
        %dma_wait3A_172 = tpu.memref_slice %arg2[%add3A_123, %dma_wait3A_170, %dma_wait3A_171] : memref<5040x2x128xi32, #tpu.memory_space<hbm>> -> memref<1x2x128xi32, #tpu.memory_space<hbm>>
        %dma_wait3A_173 = tpu.memref_squeeze %dma_wait3A_172 : memref<1x2x128xi32, #tpu.memory_space<hbm>> -> memref<2x128xi32, #tpu.memory_space<hbm>>
        tpu.wait_dma2 semaphore(%run_scoped3A_157 : memref<!tpu.dma_semaphore, #tpu.memory_space<semaphore_mem>>) src(%dma_wait3A_173 : memref<2x128xi32, #tpu.memory_space<hbm>>) dst(%arg6 : memref<2x128xi32, #tpu.memory_space<vmem>>)
        tpu.yield
      }) : () -> ()
      %dma_start3A_124 = arith.constant 1 : i32
      %dma_start3A_125 = arith.constant 0 : i32
      %dma_start3A_126 = tpu.memref_slice %arg6[%dma_start3A_124, %dma_start3A_125] : memref<2x128xi32, #tpu.memory_space<vmem>> -> memref<1x128xi32, #tpu.memory_space<vmem>>
      %dma_start3A_127 = tpu.memref_squeeze %dma_start3A_126 : memref<1x128xi32, #tpu.memory_space<vmem>> -> memref<128xi32, #tpu.memory_space<vmem>>
      %dma_start3A_128 = arith.constant 0 : i32
      %dma_start3A_129 = arith.constant 0 : i32
      %dma_start3A_130 = tpu.memref_slice %arg3[%dma_start3A_128, %dma_start3A_129] : memref<10000x64xf32, #tpu.memory_space<hbm>> -> memref<10000x64xf32, #tpu.memory_space<hbm>>
      tpu.enqueue_indirect_dma source(%dma_start3A_130 : memref<10000x64xf32, #tpu.memory_space<hbm>>) target(%arg9 : memref<128x64xf32, #tpu.memory_space<vmem>>) offsets(%dma_start3A_127 : memref<128xi32, #tpu.memory_space<vmem>>) semaphore(%arg13 : memref<!tpu.dma_semaphore, #tpu.memory_space<semaphore_mem>>)
      %dma_wait3A_131 = arith.constant 1 : i32
      %dma_wait3A_132 = arith.constant 0 : i32
      %dma_wait3A_133 = tpu.memref_slice %arg7[%dma_wait3A_131, %dma_wait3A_132] : memref<2x128xi32, #tpu.memory_space<vmem>> -> memref<1x128xi32, #tpu.memory_space<vmem>>
      %dma_wait3A_134 = tpu.memref_squeeze %dma_wait3A_133 : memref<1x128xi32, #tpu.memory_space<vmem>> -> memref<128xi32, #tpu.memory_space<vmem>>
      %dma_wait3A_135 = arith.constant 0 : i32
      %dma_wait3A_136 = arith.constant 0 : i32
      %dma_wait3A_137 = tpu.memref_slice %arg3[%dma_wait3A_135, %dma_wait3A_136] : memref<10000x64xf32, #tpu.memory_space<hbm>> -> memref<10000x64xf32, #tpu.memory_space<hbm>>
      tpu.wait_indirect_dma semaphore(%arg14 : memref<!tpu.dma_semaphore, #tpu.memory_space<semaphore_mem>>) src(%dma_wait3A_137 : memref<10000x64xf32, #tpu.memory_space<hbm>>) dst(%arg10 : memref<128x64xf32, #tpu.memory_space<vmem>>)
      %run_scoped3A_138 = arith.constant 0 : i32
      "tpu.region"() ({
        %run_scoped3A_157 = tpu.sem_alloc : memref<!tpu.dma_semaphore, #tpu.memory_space<semaphore_mem>>
        %dma_start3A_158 = arith.constant 0 : i32
        %dma_start3A_159 = tpu.memref_slice %arg7[%run_scoped3A_138, %dma_start3A_158] : memref<2x128xi32, #tpu.memory_space<vmem>> -> memref<1x128xi32, #tpu.memory_space<vmem>>
        %dma_start3A_160 = tpu.memref_squeeze %dma_start3A_159 : memref<1x128xi32, #tpu.memory_space<vmem>> -> memref<128xi32, #tpu.memory_space<vmem>>
        %dma_start3A_161 = arith.constant 0 : i32
        %dma_start3A_162 = arith.constant 0 : i32
        %dma_start3A_163 = tpu.memref_slice %arg12[%dma_start3A_161, %dma_start3A_162] : memref<10016x64xf32, #tpu.memory_space<vmem_shared>> -> memref<10016x64xf32, #tpu.memory_space<vmem_shared>>
        tpu.enqueue_indirect_dma source(%arg10 : memref<128x64xf32, #tpu.memory_space<vmem>>) target(%dma_start3A_163 : memref<10016x64xf32, #tpu.memory_space<vmem_shared>>) offsets(%dma_start3A_160 : memref<128xi32, #tpu.memory_space<vmem>>) semaphore(%run_scoped3A_157 : memref<!tpu.dma_semaphore, #tpu.memory_space<semaphore_mem>>) {add = true}
        %dma_wait3A_164 = arith.constant 0 : i32
        %dma_wait3A_165 = tpu.memref_slice %arg7[%run_scoped3A_138, %dma_wait3A_164] : memref<2x128xi32, #tpu.memory_space<vmem>> -> memref<1x128xi32, #tpu.memory_space<vmem>>
        %dma_wait3A_166 = tpu.memref_squeeze %dma_wait3A_165 : memref<1x128xi32, #tpu.memory_space<vmem>> -> memref<128xi32, #tpu.memory_space<vmem>>
        %dma_wait3A_167 = arith.constant 0 : i32
        %dma_wait3A_168 = arith.constant 0 : i32
        %dma_wait3A_169 = tpu.memref_slice %arg12[%dma_wait3A_167, %dma_wait3A_168] : memref<10016x64xf32, #tpu.memory_space<vmem_shared>> -> memref<10016x64xf32, #tpu.memory_space<vmem_shared>>
        tpu.wait_indirect_dma semaphore(%run_scoped3A_157 : memref<!tpu.dma_semaphore, #tpu.memory_space<semaphore_mem>>) src(%arg10 : memref<128x64xf32, #tpu.memory_space<vmem>>) dst(%dma_wait3A_169 : memref<10016x64xf32, #tpu.memory_space<vmem_shared>>)
        tpu.yield
      }) : () -> ()
      %add3A_139 = arith.constant 4 : i32
      %add3A_140 = arith.addi %mul3A_102, %add3A_139 : i32
      %add3A_141 = arith.addi %select_n3A_8, %add3A_140 : i32
      "tpu.region"() ({
        %run_scoped3A_157 = tpu.sem_alloc : memref<!tpu.dma_semaphore, #tpu.memory_space<semaphore_mem>>
        %dma_start3A_158 = arith.constant 0 : i32
        %dma_start3A_159 = arith.constant 0 : i32
        %dma_start3A_160 = tpu.memref_slice %arg2[%add3A_141, %dma_start3A_158, %dma_start3A_159] : memref<5040x2x128xi32, #tpu.memory_space<hbm>> -> memref<1x2x128xi32, #tpu.memory_space<hbm>>
        %dma_start3A_161 = tpu.memref_squeeze %dma_start3A_160 : memref<1x2x128xi32, #tpu.memory_space<hbm>> -> memref<2x128xi32, #tpu.memory_space<hbm>>
        %dma_start3A_162 = arith.constant 0 : i32
        %dma_start3A_163 = arith.constant 0 : i32
        %dma_start3A_164 = tpu.memref_slice %arg2[%add3A_141, %dma_start3A_162, %dma_start3A_163] : memref<5040x2x128xi32, #tpu.memory_space<hbm>> -> memref<1x2x128xi32, #tpu.memory_space<hbm>>
        %dma_start3A_165 = tpu.memref_squeeze %dma_start3A_164 : memref<1x2x128xi32, #tpu.memory_space<hbm>> -> memref<2x128xi32, #tpu.memory_space<hbm>>
        tpu.enqueue_dma source(%dma_start3A_165 : memref<2x128xi32, #tpu.memory_space<hbm>>) target(%arg7 : memref<2x128xi32, #tpu.memory_space<vmem>>) target_semaphore(%run_scoped3A_157 : memref<!tpu.dma_semaphore, #tpu.memory_space<semaphore_mem>>)
        %dma_wait3A_166 = arith.constant 0 : i32
        %dma_wait3A_167 = arith.constant 0 : i32
        %dma_wait3A_168 = tpu.memref_slice %arg2[%add3A_141, %dma_wait3A_166, %dma_wait3A_167] : memref<5040x2x128xi32, #tpu.memory_space<hbm>> -> memref<1x2x128xi32, #tpu.memory_space<hbm>>
        %dma_wait3A_169 = tpu.memref_squeeze %dma_wait3A_168 : memref<1x2x128xi32, #tpu.memory_space<hbm>> -> memref<2x128xi32, #tpu.memory_space<hbm>>
        %dma_wait3A_170 = arith.constant 0 : i32
        %dma_wait3A_171 = arith.constant 0 : i32
        %dma_wait3A_172 = tpu.memref_slice %arg2[%add3A_141, %dma_wait3A_170, %dma_wait3A_171] : memref<5040x2x128xi32, #tpu.memory_space<hbm>> -> memref<1x2x128xi32, #tpu.memory_space<hbm>>
        %dma_wait3A_173 = tpu.memref_squeeze %dma_wait3A_172 : memref<1x2x128xi32, #tpu.memory_space<hbm>> -> memref<2x128xi32, #tpu.memory_space<hbm>>
        tpu.wait_dma2 semaphore(%run_scoped3A_157 : memref<!tpu.dma_semaphore, #tpu.memory_space<semaphore_mem>>) src(%dma_wait3A_173 : memref<2x128xi32, #tpu.memory_space<hbm>>) dst(%arg7 : memref<2x128xi32, #tpu.memory_space<vmem>>)
        tpu.yield
      }) : () -> ()
      %dma_start3A_142 = arith.constant 1 : i32
      %dma_start3A_143 = arith.constant 0 : i32
      %dma_start3A_144 = tpu.memref_slice %arg7[%dma_start3A_142, %dma_start3A_143] : memref<2x128xi32, #tpu.memory_space<vmem>> -> memref<1x128xi32, #tpu.memory_space<vmem>>
      %dma_start3A_145 = tpu.memref_squeeze %dma_start3A_144 : memref<1x128xi32, #tpu.memory_space<vmem>> -> memref<128xi32, #tpu.memory_space<vmem>>
      %dma_start3A_146 = arith.constant 0 : i32
      %dma_start3A_147 = arith.constant 0 : i32
      %dma_start3A_148 = tpu.memref_slice %arg3[%dma_start3A_146, %dma_start3A_147] : memref<10000x64xf32, #tpu.memory_space<hbm>> -> memref<10000x64xf32, #tpu.memory_space<hbm>>
      tpu.enqueue_indirect_dma source(%dma_start3A_148 : memref<10000x64xf32, #tpu.memory_space<hbm>>) target(%arg10 : memref<128x64xf32, #tpu.memory_space<vmem>>) offsets(%dma_start3A_145 : memref<128xi32, #tpu.memory_space<vmem>>) semaphore(%arg14 : memref<!tpu.dma_semaphore, #tpu.memory_space<semaphore_mem>>)
      %dma_wait3A_149 = arith.constant 1 : i32
      %dma_wait3A_150 = arith.constant 0 : i32
      %dma_wait3A_151 = tpu.memref_slice %arg8[%dma_wait3A_149, %dma_wait3A_150] : memref<2x128xi32, #tpu.memory_space<vmem>> -> memref<1x128xi32, #tpu.memory_space<vmem>>
      %dma_wait3A_152 = tpu.memref_squeeze %dma_wait3A_151 : memref<1x128xi32, #tpu.memory_space<vmem>> -> memref<128xi32, #tpu.memory_space<vmem>>
      %dma_wait3A_153 = arith.constant 0 : i32
      %dma_wait3A_154 = arith.constant 0 : i32
      %dma_wait3A_155 = tpu.memref_slice %arg3[%dma_wait3A_153, %dma_wait3A_154] : memref<10000x64xf32, #tpu.memory_space<hbm>> -> memref<10000x64xf32, #tpu.memory_space<hbm>>
      tpu.wait_indirect_dma semaphore(%arg15 : memref<!tpu.dma_semaphore, #tpu.memory_space<semaphore_mem>>) src(%dma_wait3A_155 : memref<10000x64xf32, #tpu.memory_space<hbm>>) dst(%arg11 : memref<128x64xf32, #tpu.memory_space<vmem>>)
      %run_scoped3A_156 = arith.constant 0 : i32
      "tpu.region"() ({
        %run_scoped3A_157 = tpu.sem_alloc : memref<!tpu.dma_semaphore, #tpu.memory_space<semaphore_mem>>
        %dma_start3A_158 = arith.constant 0 : i32
        %dma_start3A_159 = tpu.memref_slice %arg8[%run_scoped3A_156, %dma_start3A_158] : memref<2x128xi32, #tpu.memory_space<vmem>> -> memref<1x128xi32, #tpu.memory_space<vmem>>
        %dma_start3A_160 = tpu.memref_squeeze %dma_start3A_159 : memref<1x128xi32, #tpu.memory_space<vmem>> -> memref<128xi32, #tpu.memory_space<vmem>>
        %dma_start3A_161 = arith.constant 0 : i32
        %dma_start3A_162 = arith.constant 0 : i32
        %dma_start3A_163 = tpu.memref_slice %arg12[%dma_start3A_161, %dma_start3A_162] : memref<10016x64xf32, #tpu.memory_space<vmem_shared>> -> memref<10016x64xf32, #tpu.memory_space<vmem_shared>>
        tpu.enqueue_indirect_dma source(%arg11 : memref<128x64xf32, #tpu.memory_space<vmem>>) target(%dma_start3A_163 : memref<10016x64xf32, #tpu.memory_space<vmem_shared>>) offsets(%dma_start3A_160 : memref<128xi32, #tpu.memory_space<vmem>>) semaphore(%run_scoped3A_157 : memref<!tpu.dma_semaphore, #tpu.memory_space<semaphore_mem>>) {add = true}
        %dma_wait3A_164 = arith.constant 0 : i32
        %dma_wait3A_165 = tpu.memref_slice %arg8[%run_scoped3A_156, %dma_wait3A_164] : memref<2x128xi32, #tpu.memory_space<vmem>> -> memref<1x128xi32, #tpu.memory_space<vmem>>
        %dma_wait3A_166 = tpu.memref_squeeze %dma_wait3A_165 : memref<1x128xi32, #tpu.memory_space<vmem>> -> memref<128xi32, #tpu.memory_space<vmem>>
        %dma_wait3A_167 = arith.constant 0 : i32
        %dma_wait3A_168 = arith.constant 0 : i32
        %dma_wait3A_169 = tpu.memref_slice %arg12[%dma_wait3A_167, %dma_wait3A_168] : memref<10016x64xf32, #tpu.memory_space<vmem_shared>> -> memref<10016x64xf32, #tpu.memory_space<vmem_shared>>
        tpu.wait_indirect_dma semaphore(%run_scoped3A_157 : memref<!tpu.dma_semaphore, #tpu.memory_space<semaphore_mem>>) src(%arg11 : memref<128x64xf32, #tpu.memory_space<vmem>>) dst(%dma_wait3A_169 : memref<10016x64xf32, #tpu.memory_space<vmem_shared>>)
        tpu.yield
      }) : () -> ()
    }
    %while3A_56 = arith.constant 1 : i32
    scf.for %while3A_100 = %while3A_54 to %while3A_50 step %while3A_56  : i32 {
      %mul3A_101 = arith.constant 3 : i32
      %mul3A_102 = arith.muli %mul3A_101, %while3A_100 : i32
      %add3A_103 = arith.constant 2 : i32
      %add3A_104 = arith.addi %mul3A_102, %add3A_103 : i32
      %add3A_105 = arith.addi %select_n3A_8, %add3A_104 : i32
      "tpu.region"() ({
        %run_scoped3A_157 = tpu.sem_alloc : memref<!tpu.dma_semaphore, #tpu.memory_space<semaphore_mem>>
        %dma_start3A_158 = arith.constant 0 : i32
        %dma_start3A_159 = arith.constant 0 : i32
        %dma_start3A_160 = tpu.memref_slice %arg2[%add3A_105, %dma_start3A_158, %dma_start3A_159] : memref<5040x2x128xi32, #tpu.memory_space<hbm>> -> memref<1x2x128xi32, #tpu.memory_space<hbm>>
        %dma_start3A_161 = tpu.memref_squeeze %dma_start3A_160 : memref<1x2x128xi32, #tpu.memory_space<hbm>> -> memref<2x128xi32, #tpu.memory_space<hbm>>
        %dma_start3A_162 = arith.constant 0 : i32
        %dma_start3A_163 = arith.constant 0 : i32
        %dma_start3A_164 = tpu.memref_slice %arg2[%add3A_105, %dma_start3A_162, %dma_start3A_163] : memref<5040x2x128xi32, #tpu.memory_space<hbm>> -> memref<1x2x128xi32, #tpu.memory_space<hbm>>
        %dma_start3A_165 = tpu.memref_squeeze %dma_start3A_164 : memref<1x2x128xi32, #tpu.memory_space<hbm>> -> memref<2x128xi32, #tpu.memory_space<hbm>>
        tpu.enqueue_dma source(%dma_start3A_165 : memref<2x128xi32, #tpu.memory_space<hbm>>) target(%arg8 : memref<2x128xi32, #tpu.memory_space<vmem>>) target_semaphore(%run_scoped3A_157 : memref<!tpu.dma_semaphore, #tpu.memory_space<semaphore_mem>>)
        %dma_wait3A_166 = arith.constant 0 : i32
        %dma_wait3A_167 = arith.constant 0 : i32
        %dma_wait3A_168 = tpu.memref_slice %arg2[%add3A_105, %dma_wait3A_166, %dma_wait3A_167] : memref<5040x2x128xi32, #tpu.memory_space<hbm>> -> memref<1x2x128xi32, #tpu.memory_space<hbm>>
        %dma_wait3A_169 = tpu.memref_squeeze %dma_wait3A_168 : memref<1x2x128xi32, #tpu.memory_space<hbm>> -> memref<2x128xi32, #tpu.memory_space<hbm>>
        %dma_wait3A_170 = arith.constant 0 : i32
        %dma_wait3A_171 = arith.constant 0 : i32
        %dma_wait3A_172 = tpu.memref_slice %arg2[%add3A_105, %dma_wait3A_170, %dma_wait3A_171] : memref<5040x2x128xi32, #tpu.memory_space<hbm>> -> memref<1x2x128xi32, #tpu.memory_space<hbm>>
        %dma_wait3A_173 = tpu.memref_squeeze %dma_wait3A_172 : memref<1x2x128xi32, #tpu.memory_space<hbm>> -> memref<2x128xi32, #tpu.memory_space<hbm>>
        tpu.wait_dma2 semaphore(%run_scoped3A_157 : memref<!tpu.dma_semaphore, #tpu.memory_space<semaphore_mem>>) src(%dma_wait3A_173 : memref<2x128xi32, #tpu.memory_space<hbm>>) dst(%arg8 : memref<2x128xi32, #tpu.memory_space<vmem>>)
        tpu.yield
      }) : () -> ()
      %dma_start3A_106 = arith.constant 1 : i32
      %dma_start3A_107 = arith.constant 0 : i32
      %dma_start3A_108 = tpu.memref_slice %arg8[%dma_start3A_106, %dma_start3A_107] : memref<2x128xi32, #tpu.memory_space<vmem>> -> memref<1x128xi32, #tpu.memory_space<vmem>>
      %dma_start3A_109 = tpu.memref_squeeze %dma_start3A_108 : memref<1x128xi32, #tpu.memory_space<vmem>> -> memref<128xi32, #tpu.memory_space<vmem>>
      %dma_start3A_110 = arith.constant 0 : i32
      %dma_start3A_111 = arith.constant 0 : i32
      %dma_start3A_112 = tpu.memref_slice %arg3[%dma_start3A_110, %dma_start3A_111] : memref<10000x64xf32, #tpu.memory_space<hbm>> -> memref<10000x64xf32, #tpu.memory_space<hbm>>
      tpu.enqueue_indirect_dma source(%dma_start3A_112 : memref<10000x64xf32, #tpu.memory_space<hbm>>) target(%arg11 : memref<128x64xf32, #tpu.memory_space<vmem>>) offsets(%dma_start3A_109 : memref<128xi32, #tpu.memory_space<vmem>>) semaphore(%arg15 : memref<!tpu.dma_semaphore, #tpu.memory_space<semaphore_mem>>)
      %dma_wait3A_113 = arith.constant 1 : i32
      %dma_wait3A_114 = arith.constant 0 : i32
      %dma_wait3A_115 = tpu.memref_slice %arg6[%dma_wait3A_113, %dma_wait3A_114] : memref<2x128xi32, #tpu.memory_space<vmem>> -> memref<1x128xi32, #tpu.memory_space<vmem>>
      %dma_wait3A_116 = tpu.memref_squeeze %dma_wait3A_115 : memref<1x128xi32, #tpu.memory_space<vmem>> -> memref<128xi32, #tpu.memory_space<vmem>>
      %dma_wait3A_117 = arith.constant 0 : i32
      %dma_wait3A_118 = arith.constant 0 : i32
      %dma_wait3A_119 = tpu.memref_slice %arg3[%dma_wait3A_117, %dma_wait3A_118] : memref<10000x64xf32, #tpu.memory_space<hbm>> -> memref<10000x64xf32, #tpu.memory_space<hbm>>
      tpu.wait_indirect_dma semaphore(%arg13 : memref<!tpu.dma_semaphore, #tpu.memory_space<semaphore_mem>>) src(%dma_wait3A_119 : memref<10000x64xf32, #tpu.memory_space<hbm>>) dst(%arg9 : memref<128x64xf32, #tpu.memory_space<vmem>>)
      %run_scoped3A_120 = arith.constant 0 : i32
      "tpu.region"() ({
        %run_scoped3A_157 = tpu.sem_alloc : memref<!tpu.dma_semaphore, #tpu.memory_space<semaphore_mem>>
        %dma_start3A_158 = arith.constant 0 : i32
        %dma_start3A_159 = tpu.memref_slice %arg6[%run_scoped3A_120, %dma_start3A_158] : memref<2x128xi32, #tpu.memory_space<vmem>> -> memref<1x128xi32, #tpu.memory_space<vmem>>
        %dma_start3A_160 = tpu.memref_squeeze %dma_start3A_159 : memref<1x128xi32, #tpu.memory_space<vmem>> -> memref<128xi32, #tpu.memory_space<vmem>>
        %dma_start3A_161 = arith.constant 0 : i32
        %dma_start3A_162 = arith.constant 0 : i32
        %dma_start3A_163 = tpu.memref_slice %arg12[%dma_start3A_161, %dma_start3A_162] : memref<10016x64xf32, #tpu.memory_space<vmem_shared>> -> memref<10016x64xf32, #tpu.memory_space<vmem_shared>>
        tpu.enqueue_indirect_dma source(%arg9 : memref<128x64xf32, #tpu.memory_space<vmem>>) target(%dma_start3A_163 : memref<10016x64xf32, #tpu.memory_space<vmem_shared>>) offsets(%dma_start3A_160 : memref<128xi32, #tpu.memory_space<vmem>>) semaphore(%run_scoped3A_157 : memref<!tpu.dma_semaphore, #tpu.memory_space<semaphore_mem>>) {add = true}
        %dma_wait3A_164 = arith.constant 0 : i32
        %dma_wait3A_165 = tpu.memref_slice %arg6[%run_scoped3A_120, %dma_wait3A_164] : memref<2x128xi32, #tpu.memory_space<vmem>> -> memref<1x128xi32, #tpu.memory_space<vmem>>
        %dma_wait3A_166 = tpu.memref_squeeze %dma_wait3A_165 : memref<1x128xi32, #tpu.memory_space<vmem>> -> memref<128xi32, #tpu.memory_space<vmem>>
        %dma_wait3A_167 = arith.constant 0 : i32
        %dma_wait3A_168 = arith.constant 0 : i32
        %dma_wait3A_169 = tpu.memref_slice %arg12[%dma_wait3A_167, %dma_wait3A_168] : memref<10016x64xf32, #tpu.memory_space<vmem_shared>> -> memref<10016x64xf32, #tpu.memory_space<vmem_shared>>
        tpu.wait_indirect_dma semaphore(%run_scoped3A_157 : memref<!tpu.dma_semaphore, #tpu.memory_space<semaphore_mem>>) src(%arg9 : memref<128x64xf32, #tpu.memory_space<vmem>>) dst(%dma_wait3A_169 : memref<10016x64xf32, #tpu.memory_space<vmem_shared>>)
        tpu.yield
      }) : () -> ()
      %add3A_121 = arith.constant 3 : i32
      %add3A_122 = arith.addi %mul3A_102, %add3A_121 : i32
      %add3A_123 = arith.addi %select_n3A_8, %add3A_122 : i32
      "tpu.region"() ({
        %run_scoped3A_157 = tpu.sem_alloc : memref<!tpu.dma_semaphore, #tpu.memory_space<semaphore_mem>>
        %dma_start3A_158 = arith.constant 0 : i32
        %dma_start3A_159 = arith.constant 0 : i32
        %dma_start3A_160 = tpu.memref_slice %arg2[%add3A_123, %dma_start3A_158, %dma_start3A_159] : memref<5040x2x128xi32, #tpu.memory_space<hbm>> -> memref<1x2x128xi32, #tpu.memory_space<hbm>>
        %dma_start3A_161 = tpu.memref_squeeze %dma_start3A_160 : memref<1x2x128xi32, #tpu.memory_space<hbm>> -> memref<2x128xi32, #tpu.memory_space<hbm>>
        %dma_start3A_162 = arith.constant 0 : i32
        %dma_start3A_163 = arith.constant 0 : i32
        %dma_start3A_164 = tpu.memref_slice %arg2[%add3A_123, %dma_start3A_162, %dma_start3A_163] : memref<5040x2x128xi32, #tpu.memory_space<hbm>> -> memref<1x2x128xi32, #tpu.memory_space<hbm>>
        %dma_start3A_165 = tpu.memref_squeeze %dma_start3A_164 : memref<1x2x128xi32, #tpu.memory_space<hbm>> -> memref<2x128xi32, #tpu.memory_space<hbm>>
        tpu.enqueue_dma source(%dma_start3A_165 : memref<2x128xi32, #tpu.memory_space<hbm>>) target(%arg6 : memref<2x128xi32, #tpu.memory_space<vmem>>) target_semaphore(%run_scoped3A_157 : memref<!tpu.dma_semaphore, #tpu.memory_space<semaphore_mem>>)
        %dma_wait3A_166 = arith.constant 0 : i32
        %dma_wait3A_167 = arith.constant 0 : i32
        %dma_wait3A_168 = tpu.memref_slice %arg2[%add3A_123, %dma_wait3A_166, %dma_wait3A_167] : memref<5040x2x128xi32, #tpu.memory_space<hbm>> -> memref<1x2x128xi32, #tpu.memory_space<hbm>>
        %dma_wait3A_169 = tpu.memref_squeeze %dma_wait3A_168 : memref<1x2x128xi32, #tpu.memory_space<hbm>> -> memref<2x128xi32, #tpu.memory_space<hbm>>
        %dma_wait3A_170 = arith.constant 0 : i32
        %dma_wait3A_171 = arith.constant 0 : i32
        %dma_wait3A_172 = tpu.memref_slice %arg2[%add3A_123, %dma_wait3A_170, %dma_wait3A_171] : memref<5040x2x128xi32, #tpu.memory_space<hbm>> -> memref<1x2x128xi32, #tpu.memory_space<hbm>>
        %dma_wait3A_173 = tpu.memref_squeeze %dma_wait3A_172 : memref<1x2x128xi32, #tpu.memory_space<hbm>> -> memref<2x128xi32, #tpu.memory_space<hbm>>
        tpu.wait_dma2 semaphore(%run_scoped3A_157 : memref<!tpu.dma_semaphore, #tpu.memory_space<semaphore_mem>>) src(%dma_wait3A_173 : memref<2x128xi32, #tpu.memory_space<hbm>>) dst(%arg6 : memref<2x128xi32, #tpu.memory_space<vmem>>)
        tpu.yield
      }) : () -> ()
      %dma_start3A_124 = arith.constant 1 : i32
      %dma_start3A_125 = arith.constant 0 : i32
      %dma_start3A_126 = tpu.memref_slice %arg6[%dma_start3A_124, %dma_start3A_125] : memref<2x128xi32, #tpu.memory_space<vmem>> -> memref<1x128xi32, #tpu.memory_space<vmem>>
      %dma_start3A_127 = tpu.memref_squeeze %dma_start3A_126 : memref<1x128xi32, #tpu.memory_space<vmem>> -> memref<128xi32, #tpu.memory_space<vmem>>
      %dma_start3A_128 = arith.constant 0 : i32
      %dma_start3A_129 = arith.constant 0 : i32
      %dma_start3A_130 = tpu.memref_slice %arg3[%dma_start3A_128, %dma_start3A_129] : memref<10000x64xf32, #tpu.memory_space<hbm>> -> memref<10000x64xf32, #tpu.memory_space<hbm>>
      tpu.enqueue_indirect_dma source(%dma_start3A_130 : memref<10000x64xf32, #tpu.memory_space<hbm>>) target(%arg9 : memref<128x64xf32, #tpu.memory_space<vmem>>) offsets(%dma_start3A_127 : memref<128xi32, #tpu.memory_space<vmem>>) semaphore(%arg13 : memref<!tpu.dma_semaphore, #tpu.memory_space<semaphore_mem>>)
      %dma_wait3A_131 = arith.constant 1 : i32
      %dma_wait3A_132 = arith.constant 0 : i32
      %dma_wait3A_133 = tpu.memref_slice %arg7[%dma_wait3A_131, %dma_wait3A_132] : memref<2x128xi32, #tpu.memory_space<vmem>> -> memref<1x128xi32, #tpu.memory_space<vmem>>
      %dma_wait3A_134 = tpu.memref_squeeze %dma_wait3A_133 : memref<1x128xi32, #tpu.memory_space<vmem>> -> memref<128xi32, #tpu.memory_space<vmem>>
      %dma_wait3A_135 = arith.constant 0 : i32
      %dma_wait3A_136 = arith.constant 0 : i32
      %dma_wait3A_137 = tpu.memref_slice %arg3[%dma_wait3A_135, %dma_wait3A_136] : memref<10000x64xf32, #tpu.memory_space<hbm>> -> memref<10000x64xf32, #tpu.memory_space<hbm>>
      tpu.wait_indirect_dma semaphore(%arg14 : memref<!tpu.dma_semaphore, #tpu.memory_space<semaphore_mem>>) src(%dma_wait3A_137 : memref<10000x64xf32, #tpu.memory_space<hbm>>) dst(%arg10 : memref<128x64xf32, #tpu.memory_space<vmem>>)
      %run_scoped3A_138 = arith.constant 0 : i32
      "tpu.region"() ({
        %run_scoped3A_157 = tpu.sem_alloc : memref<!tpu.dma_semaphore, #tpu.memory_space<semaphore_mem>>
        %dma_start3A_158 = arith.constant 0 : i32
        %dma_start3A_159 = tpu.memref_slice %arg7[%run_scoped3A_138, %dma_start3A_158] : memref<2x128xi32, #tpu.memory_space<vmem>> -> memref<1x128xi32, #tpu.memory_space<vmem>>
        %dma_start3A_160 = tpu.memref_squeeze %dma_start3A_159 : memref<1x128xi32, #tpu.memory_space<vmem>> -> memref<128xi32, #tpu.memory_space<vmem>>
        %dma_start3A_161 = arith.constant 0 : i32
        %dma_start3A_162 = arith.constant 0 : i32
        %dma_start3A_163 = tpu.memref_slice %arg12[%dma_start3A_161, %dma_start3A_162] : memref<10016x64xf32, #tpu.memory_space<vmem_shared>> -> memref<10016x64xf32, #tpu.memory_space<vmem_shared>>
        tpu.enqueue_indirect_dma source(%arg10 : memref<128x64xf32, #tpu.memory_space<vmem>>) target(%dma_start3A_163 : memref<10016x64xf32, #tpu.memory_space<vmem_shared>>) offsets(%dma_start3A_160 : memref<128xi32, #tpu.memory_space<vmem>>) semaphore(%run_scoped3A_157 : memref<!tpu.dma_semaphore, #tpu.memory_space<semaphore_mem>>) {add = true}
        %dma_wait3A_164 = arith.constant 0 : i32
        %dma_wait3A_165 = tpu.memref_slice %arg7[%run_scoped3A_138, %dma_wait3A_164] : memref<2x128xi32, #tpu.memory_space<vmem>> -> memref<1x128xi32, #tpu.memory_space<vmem>>
        %dma_wait3A_166 = tpu.memref_squeeze %dma_wait3A_165 : memref<1x128xi32, #tpu.memory_space<vmem>> -> memref<128xi32, #tpu.memory_space<vmem>>
        %dma_wait3A_167 = arith.constant 0 : i32
        %dma_wait3A_168 = arith.constant 0 : i32
        %dma_wait3A_169 = tpu.memref_slice %arg12[%dma_wait3A_167, %dma_wait3A_168] : memref<10016x64xf32, #tpu.memory_space<vmem_shared>> -> memref<10016x64xf32, #tpu.memory_space<vmem_shared>>
        tpu.wait_indirect_dma semaphore(%run_scoped3A_157 : memref<!tpu.dma_semaphore, #tpu.memory_space<semaphore_mem>>) src(%arg10 : memref<128x64xf32, #tpu.memory_space<vmem>>) dst(%dma_wait3A_169 : memref<10016x64xf32, #tpu.memory_space<vmem_shared>>)
        tpu.yield
      }) : () -> ()
      %add3A_139 = arith.constant 4 : i32
      %add3A_140 = arith.addi %mul3A_102, %add3A_139 : i32
      %add3A_141 = arith.addi %select_n3A_8, %add3A_140 : i32
      "tpu.region"() ({
        %run_scoped3A_157 = tpu.sem_alloc : memref<!tpu.dma_semaphore, #tpu.memory_space<semaphore_mem>>
        %dma_start3A_158 = arith.constant 0 : i32
        %dma_start3A_159 = arith.constant 0 : i32
        %dma_start3A_160 = tpu.memref_slice %arg2[%add3A_141, %dma_start3A_158, %dma_start3A_159] : memref<5040x2x128xi32, #tpu.memory_space<hbm>> -> memref<1x2x128xi32, #tpu.memory_space<hbm>>
        %dma_start3A_161 = tpu.memref_squeeze %dma_start3A_160 : memref<1x2x128xi32, #tpu.memory_space<hbm>> -> memref<2x128xi32, #tpu.memory_space<hbm>>
        %dma_start3A_162 = arith.constant 0 : i32
        %dma_start3A_163 = arith.constant 0 : i32
        %dma_start3A_164 = tpu.memref_slice %arg2[%add3A_141, %dma_start3A_162, %dma_start3A_163] : memref<5040x2x128xi32, #tpu.memory_space<hbm>> -> memref<1x2x128xi32, #tpu.memory_space<hbm>>
        %dma_start3A_165 = tpu.memref_squeeze %dma_start3A_164 : memref<1x2x128xi32, #tpu.memory_space<hbm>> -> memref<2x128xi32, #tpu.memory_space<hbm>>
        tpu.enqueue_dma source(%dma_start3A_165 : memref<2x128xi32, #tpu.memory_space<hbm>>) target(%arg7 : memref<2x128xi32, #tpu.memory_space<vmem>>) target_semaphore(%run_scoped3A_157 : memref<!tpu.dma_semaphore, #tpu.memory_space<semaphore_mem>>)
        %dma_wait3A_166 = arith.constant 0 : i32
        %dma_wait3A_167 = arith.constant 0 : i32
        %dma_wait3A_168 = tpu.memref_slice %arg2[%add3A_141, %dma_wait3A_166, %dma_wait3A_167] : memref<5040x2x128xi32, #tpu.memory_space<hbm>> -> memref<1x2x128xi32, #tpu.memory_space<hbm>>
        %dma_wait3A_169 = tpu.memref_squeeze %dma_wait3A_168 : memref<1x2x128xi32, #tpu.memory_space<hbm>> -> memref<2x128xi32, #tpu.memory_space<hbm>>
        %dma_wait3A_170 = arith.constant 0 : i32
        %dma_wait3A_171 = arith.constant 0 : i32
        %dma_wait3A_172 = tpu.memref_slice %arg2[%add3A_141, %dma_wait3A_170, %dma_wait3A_171] : memref<5040x2x128xi32, #tpu.memory_space<hbm>> -> memref<1x2x128xi32, #tpu.memory_space<hbm>>
        %dma_wait3A_173 = tpu.memref_squeeze %dma_wait3A_172 : memref<1x2x128xi32, #tpu.memory_space<hbm>> -> memref<2x128xi32, #tpu.memory_space<hbm>>
        tpu.wait_dma2 semaphore(%run_scoped3A_157 : memref<!tpu.dma_semaphore, #tpu.memory_space<semaphore_mem>>) src(%dma_wait3A_173 : memref<2x128xi32, #tpu.memory_space<hbm>>) dst(%arg7 : memref<2x128xi32, #tpu.memory_space<vmem>>)
        tpu.yield
      }) : () -> ()
      %dma_start3A_142 = arith.constant 1 : i32
      %dma_start3A_143 = arith.constant 0 : i32
      %dma_start3A_144 = tpu.memref_slice %arg7[%dma_start3A_142, %dma_start3A_143] : memref<2x128xi32, #tpu.memory_space<vmem>> -> memref<1x128xi32, #tpu.memory_space<vmem>>
      %dma_start3A_145 = tpu.memref_squeeze %dma_start3A_144 : memref<1x128xi32, #tpu.memory_space<vmem>> -> memref<128xi32, #tpu.memory_space<vmem>>
      %dma_start3A_146 = arith.constant 0 : i32
      %dma_start3A_147 = arith.constant 0 : i32
      %dma_start3A_148 = tpu.memref_slice %arg3[%dma_start3A_146, %dma_start3A_147] : memref<10000x64xf32, #tpu.memory_space<hbm>> -> memref<10000x64xf32, #tpu.memory_space<hbm>>
      tpu.enqueue_indirect_dma source(%dma_start3A_148 : memref<10000x64xf32, #tpu.memory_space<hbm>>) target(%arg10 : memref<128x64xf32, #tpu.memory_space<vmem>>) offsets(%dma_start3A_145 : memref<128xi32, #tpu.memory_space<vmem>>) semaphore(%arg14 : memref<!tpu.dma_semaphore, #tpu.memory_space<semaphore_mem>>)
      %dma_wait3A_149 = arith.constant 1 : i32
      %dma_wait3A_150 = arith.constant 0 : i32
      %dma_wait3A_151 = tpu.memref_slice %arg8[%dma_wait3A_149, %dma_wait3A_150] : memref<2x128xi32, #tpu.memory_space<vmem>> -> memref<1x128xi32, #tpu.memory_space<vmem>>
      %dma_wait3A_152 = tpu.memref_squeeze %dma_wait3A_151 : memref<1x128xi32, #tpu.memory_space<vmem>> -> memref<128xi32, #tpu.memory_space<vmem>>
      %dma_wait3A_153 = arith.constant 0 : i32
      %dma_wait3A_154 = arith.constant 0 : i32
      %dma_wait3A_155 = tpu.memref_slice %arg3[%dma_wait3A_153, %dma_wait3A_154] : memref<10000x64xf32, #tpu.memory_space<hbm>> -> memref<10000x64xf32, #tpu.memory_space<hbm>>
      tpu.wait_indirect_dma semaphore(%arg15 : memref<!tpu.dma_semaphore, #tpu.memory_space<semaphore_mem>>) src(%dma_wait3A_155 : memref<10000x64xf32, #tpu.memory_space<hbm>>) dst(%arg11 : memref<128x64xf32, #tpu.memory_space<vmem>>)
      %run_scoped3A_156 = arith.constant 0 : i32
      "tpu.region"() ({
        %run_scoped3A_157 = tpu.sem_alloc : memref<!tpu.dma_semaphore, #tpu.memory_space<semaphore_mem>>
        %dma_start3A_158 = arith.constant 0 : i32
        %dma_start3A_159 = tpu.memref_slice %arg8[%run_scoped3A_156, %dma_start3A_158] : memref<2x128xi32, #tpu.memory_space<vmem>> -> memref<1x128xi32, #tpu.memory_space<vmem>>
        %dma_start3A_160 = tpu.memref_squeeze %dma_start3A_159 : memref<1x128xi32, #tpu.memory_space<vmem>> -> memref<128xi32, #tpu.memory_space<vmem>>
        %dma_start3A_161 = arith.constant 0 : i32
        %dma_start3A_162 = arith.constant 0 : i32
        %dma_start3A_163 = tpu.memref_slice %arg12[%dma_start3A_161, %dma_start3A_162] : memref<10016x64xf32, #tpu.memory_space<vmem_shared>> -> memref<10016x64xf32, #tpu.memory_space<vmem_shared>>
        tpu.enqueue_indirect_dma source(%arg11 : memref<128x64xf32, #tpu.memory_space<vmem>>) target(%dma_start3A_163 : memref<10016x64xf32, #tpu.memory_space<vmem_shared>>) offsets(%dma_start3A_160 : memref<128xi32, #tpu.memory_space<vmem>>) semaphore(%run_scoped3A_157 : memref<!tpu.dma_semaphore, #tpu.memory_space<semaphore_mem>>) {add = true}
        %dma_wait3A_164 = arith.constant 0 : i32
        %dma_wait3A_165 = tpu.memref_slice %arg8[%run_scoped3A_156, %dma_wait3A_164] : memref<2x128xi32, #tpu.memory_space<vmem>> -> memref<1x128xi32, #tpu.memory_space<vmem>>
        %dma_wait3A_166 = tpu.memref_squeeze %dma_wait3A_165 : memref<1x128xi32, #tpu.memory_space<vmem>> -> memref<128xi32, #tpu.memory_space<vmem>>
        %dma_wait3A_167 = arith.constant 0 : i32
        %dma_wait3A_168 = arith.constant 0 : i32
        %dma_wait3A_169 = tpu.memref_slice %arg12[%dma_wait3A_167, %dma_wait3A_168] : memref<10016x64xf32, #tpu.memory_space<vmem_shared>> -> memref<10016x64xf32, #tpu.memory_space<vmem_shared>>
        tpu.wait_indirect_dma semaphore(%run_scoped3A_157 : memref<!tpu.dma_semaphore, #tpu.memory_space<semaphore_mem>>) src(%arg11 : memref<128x64xf32, #tpu.memory_space<vmem>>) dst(%dma_wait3A_169 : memref<10016x64xf32, #tpu.memory_space<vmem_shared>>)
        tpu.yield
      }) : () -> ()
    }
    %sub3A_57 = arith.constant 1 : i32
    %sub3A_58 = arith.subi %select_n3A, %sub3A_57 : i32
    %add3A_59 = arith.addi %select_n3A_8, %sub3A_58 : i32
    "tpu.region"() ({
      %run_scoped3A_100 = tpu.sem_alloc : memref<!tpu.dma_semaphore, #tpu.memory_space<semaphore_mem>>
      %dma_start3A_101 = arith.constant 0 : i32
      %dma_start3A_102 = arith.constant 0 : i32
      %dma_start3A_103 = tpu.memref_slice %arg2[%add3A_59, %dma_start3A_101, %dma_start3A_102] : memref<5040x2x128xi32, #tpu.memory_space<hbm>> -> memref<1x2x128xi32, #tpu.memory_space<hbm>>
      %dma_start3A_104 = tpu.memref_squeeze %dma_start3A_103 : memref<1x2x128xi32, #tpu.memory_space<hbm>> -> memref<2x128xi32, #tpu.memory_space<hbm>>
      %dma_start3A_105 = arith.constant 0 : i32
      %dma_start3A_106 = arith.constant 0 : i32
      %dma_start3A_107 = tpu.memref_slice %arg2[%add3A_59, %dma_start3A_105, %dma_start3A_106] : memref<5040x2x128xi32, #tpu.memory_space<hbm>> -> memref<1x2x128xi32, #tpu.memory_space<hbm>>
      %dma_start3A_108 = tpu.memref_squeeze %dma_start3A_107 : memref<1x2x128xi32, #tpu.memory_space<hbm>> -> memref<2x128xi32, #tpu.memory_space<hbm>>
      tpu.enqueue_dma source(%dma_start3A_108 : memref<2x128xi32, #tpu.memory_space<hbm>>) target(%arg8 : memref<2x128xi32, #tpu.memory_space<vmem>>) target_semaphore(%run_scoped3A_100 : memref<!tpu.dma_semaphore, #tpu.memory_space<semaphore_mem>>)
      %dma_wait3A_109 = arith.constant 0 : i32
      %dma_wait3A_110 = arith.constant 0 : i32
      %dma_wait3A_111 = tpu.memref_slice %arg2[%add3A_59, %dma_wait3A_109, %dma_wait3A_110] : memref<5040x2x128xi32, #tpu.memory_space<hbm>> -> memref<1x2x128xi32, #tpu.memory_space<hbm>>
      %dma_wait3A_112 = tpu.memref_squeeze %dma_wait3A_111 : memref<1x2x128xi32, #tpu.memory_space<hbm>> -> memref<2x128xi32, #tpu.memory_space<hbm>>
      %dma_wait3A_113 = arith.constant 0 : i32
      %dma_wait3A_114 = arith.constant 0 : i32
      %dma_wait3A_115 = tpu.memref_slice %arg2[%add3A_59, %dma_wait3A_113, %dma_wait3A_114] : memref<5040x2x128xi32, #tpu.memory_space<hbm>> -> memref<1x2x128xi32, #tpu.memory_space<hbm>>
      %dma_wait3A_116 = tpu.memref_squeeze %dma_wait3A_115 : memref<1x2x128xi32, #tpu.memory_space<hbm>> -> memref<2x128xi32, #tpu.memory_space<hbm>>
      tpu.wait_dma2 semaphore(%run_scoped3A_100 : memref<!tpu.dma_semaphore, #tpu.memory_space<semaphore_mem>>) src(%dma_wait3A_116 : memref<2x128xi32, #tpu.memory_space<hbm>>) dst(%arg8 : memref<2x128xi32, #tpu.memory_space<vmem>>)
      tpu.yield
    }) : () -> ()
    %dma_start3A_60 = arith.constant 1 : i32
    %dma_start3A_61 = arith.constant 0 : i32
    %dma_start3A_62 = tpu.memref_slice %arg8[%dma_start3A_60, %dma_start3A_61] : memref<2x128xi32, #tpu.memory_space<vmem>> -> memref<1x128xi32, #tpu.memory_space<vmem>>
    %dma_start3A_63 = tpu.memref_squeeze %dma_start3A_62 : memref<1x128xi32, #tpu.memory_space<vmem>> -> memref<128xi32, #tpu.memory_space<vmem>>
    %dma_start3A_64 = arith.constant 0 : i32
    %dma_start3A_65 = arith.constant 0 : i32
    %dma_start3A_66 = tpu.memref_slice %arg3[%dma_start3A_64, %dma_start3A_65] : memref<10000x64xf32, #tpu.memory_space<hbm>> -> memref<10000x64xf32, #tpu.memory_space<hbm>>
    tpu.enqueue_indirect_dma source(%dma_start3A_66 : memref<10000x64xf32, #tpu.memory_space<hbm>>) target(%arg11 : memref<128x64xf32, #tpu.memory_space<vmem>>) offsets(%dma_start3A_63 : memref<128xi32, #tpu.memory_space<vmem>>) semaphore(%arg15 : memref<!tpu.dma_semaphore, #tpu.memory_space<semaphore_mem>>)
    %dma_wait3A = arith.constant 1 : i32
    %dma_wait3A_67 = arith.constant 0 : i32
    %dma_wait3A_68 = tpu.memref_slice %arg6[%dma_wait3A, %dma_wait3A_67] : memref<2x128xi32, #tpu.memory_space<vmem>> -> memref<1x128xi32, #tpu.memory_space<vmem>>
    %dma_wait3A_69 = tpu.memref_squeeze %dma_wait3A_68 : memref<1x128xi32, #tpu.memory_space<vmem>> -> memref<128xi32, #tpu.memory_space<vmem>>
    %dma_wait3A_70 = arith.constant 0 : i32
    %dma_wait3A_71 = arith.constant 0 : i32
    %dma_wait3A_72 = tpu.memref_slice %arg3[%dma_wait3A_70, %dma_wait3A_71] : memref<10000x64xf32, #tpu.memory_space<hbm>> -> memref<10000x64xf32, #tpu.memory_space<hbm>>
    tpu.wait_indirect_dma semaphore(%arg13 : memref<!tpu.dma_semaphore, #tpu.memory_space<semaphore_mem>>) src(%dma_wait3A_72 : memref<10000x64xf32, #tpu.memory_space<hbm>>) dst(%arg9 : memref<128x64xf32, #tpu.memory_space<vmem>>)
    %run_scoped3A = arith.constant 0 : i32
    "tpu.region"() ({
      %run_scoped3A_100 = tpu.sem_alloc : memref<!tpu.dma_semaphore, #tpu.memory_space<semaphore_mem>>
      %dma_start3A_101 = arith.constant 0 : i32
      %dma_start3A_102 = tpu.memref_slice %arg6[%run_scoped3A, %dma_start3A_101] : memref<2x128xi32, #tpu.memory_space<vmem>> -> memref<1x128xi32, #tpu.memory_space<vmem>>
      %dma_start3A_103 = tpu.memref_squeeze %dma_start3A_102 : memref<1x128xi32, #tpu.memory_space<vmem>> -> memref<128xi32, #tpu.memory_space<vmem>>
      %dma_start3A_104 = arith.constant 0 : i32
      %dma_start3A_105 = arith.constant 0 : i32
      %dma_start3A_106 = tpu.memref_slice %arg12[%dma_start3A_104, %dma_start3A_105] : memref<10016x64xf32, #tpu.memory_space<vmem_shared>> -> memref<10016x64xf32, #tpu.memory_space<vmem_shared>>
      tpu.enqueue_indirect_dma source(%arg9 : memref<128x64xf32, #tpu.memory_space<vmem>>) target(%dma_start3A_106 : memref<10016x64xf32, #tpu.memory_space<vmem_shared>>) offsets(%dma_start3A_103 : memref<128xi32, #tpu.memory_space<vmem>>) semaphore(%run_scoped3A_100 : memref<!tpu.dma_semaphore, #tpu.memory_space<semaphore_mem>>) {add = true}
      %dma_wait3A_107 = arith.constant 0 : i32
      %dma_wait3A_108 = tpu.memref_slice %arg6[%run_scoped3A, %dma_wait3A_107] : memref<2x128xi32, #tpu.memory_space<vmem>> -> memref<1x128xi32, #tpu.memory_space<vmem>>
      %dma_wait3A_109 = tpu.memref_squeeze %dma_wait3A_108 : memref<1x128xi32, #tpu.memory_space<vmem>> -> memref<128xi32, #tpu.memory_space<vmem>>
      %dma_wait3A_110 = arith.constant 0 : i32
      %dma_wait3A_111 = arith.constant 0 : i32
      %dma_wait3A_112 = tpu.memref_slice %arg12[%dma_wait3A_110, %dma_wait3A_111] : memref<10016x64xf32, #tpu.memory_space<vmem_shared>> -> memref<10016x64xf32, #tpu.memory_space<vmem_shared>>
      tpu.wait_indirect_dma semaphore(%run_scoped3A_100 : memref<!tpu.dma_semaphore, #tpu.memory_space<semaphore_mem>>) src(%arg9 : memref<128x64xf32, #tpu.memory_space<vmem>>) dst(%dma_wait3A_112 : memref<10016x64xf32, #tpu.memory_space<vmem_shared>>)
      tpu.yield
    }) : () -> ()
    %dma_wait3A_73 = arith.constant 1 : i32
    %dma_wait3A_74 = arith.constant 0 : i32
    %dma_wait3A_75 = tpu.memref_slice %arg7[%dma_wait3A_73, %dma_wait3A_74] : memref<2x128xi32, #tpu.memory_space<vmem>> -> memref<1x128xi32, #tpu.memory_space<vmem>>
    %dma_wait3A_76 = tpu.memref_squeeze %dma_wait3A_75 : memref<1x128xi32, #tpu.memory_space<vmem>> -> memref<128xi32, #tpu.memory_space<vmem>>
    %dma_wait3A_77 = arith.constant 0 : i32
    %dma_wait3A_78 = arith.constant 0 : i32
    %dma_wait3A_79 = tpu.memref_slice %arg3[%dma_wait3A_77, %dma_wait3A_78] : memref<10000x64xf32, #tpu.memory_space<hbm>> -> memref<10000x64xf32, #tpu.memory_space<hbm>>
    tpu.wait_indirect_dma semaphore(%arg14 : memref<!tpu.dma_semaphore, #tpu.memory_space<semaphore_mem>>) src(%dma_wait3A_79 : memref<10000x64xf32, #tpu.memory_space<hbm>>) dst(%arg10 : memref<128x64xf32, #tpu.memory_space<vmem>>)
    %run_scoped3A_80 = arith.constant 0 : i32
    "tpu.region"() ({
      %run_scoped3A_100 = tpu.sem_alloc : memref<!tpu.dma_semaphore, #tpu.memory_space<semaphore_mem>>
      %dma_start3A_101 = arith.constant 0 : i32
      %dma_start3A_102 = tpu.memref_slice %arg7[%run_scoped3A_80, %dma_start3A_101] : memref<2x128xi32, #tpu.memory_space<vmem>> -> memref<1x128xi32, #tpu.memory_space<vmem>>
      %dma_start3A_103 = tpu.memref_squeeze %dma_start3A_102 : memref<1x128xi32, #tpu.memory_space<vmem>> -> memref<128xi32, #tpu.memory_space<vmem>>
      %dma_start3A_104 = arith.constant 0 : i32
      %dma_start3A_105 = arith.constant 0 : i32
      %dma_start3A_106 = tpu.memref_slice %arg12[%dma_start3A_104, %dma_start3A_105] : memref<10016x64xf32, #tpu.memory_space<vmem_shared>> -> memref<10016x64xf32, #tpu.memory_space<vmem_shared>>
      tpu.enqueue_indirect_dma source(%arg10 : memref<128x64xf32, #tpu.memory_space<vmem>>) target(%dma_start3A_106 : memref<10016x64xf32, #tpu.memory_space<vmem_shared>>) offsets(%dma_start3A_103 : memref<128xi32, #tpu.memory_space<vmem>>) semaphore(%run_scoped3A_100 : memref<!tpu.dma_semaphore, #tpu.memory_space<semaphore_mem>>) {add = true}
      %dma_wait3A_107 = arith.constant 0 : i32
      %dma_wait3A_108 = tpu.memref_slice %arg7[%run_scoped3A_80, %dma_wait3A_107] : memref<2x128xi32, #tpu.memory_space<vmem>> -> memref<1x128xi32, #tpu.memory_space<vmem>>
      %dma_wait3A_109 = tpu.memref_squeeze %dma_wait3A_108 : memref<1x128xi32, #tpu.memory_space<vmem>> -> memref<128xi32, #tpu.memory_space<vmem>>
      %dma_wait3A_110 = arith.constant 0 : i32
      %dma_wait3A_111 = arith.constant 0 : i32
      %dma_wait3A_112 = tpu.memref_slice %arg12[%dma_wait3A_110, %dma_wait3A_111] : memref<10016x64xf32, #tpu.memory_space<vmem_shared>> -> memref<10016x64xf32, #tpu.memory_space<vmem_shared>>
      tpu.wait_indirect_dma semaphore(%run_scoped3A_100 : memref<!tpu.dma_semaphore, #tpu.memory_space<semaphore_mem>>) src(%arg10 : memref<128x64xf32, #tpu.memory_space<vmem>>) dst(%dma_wait3A_112 : memref<10016x64xf32, #tpu.memory_space<vmem_shared>>)
      tpu.yield
    }) : () -> ()
    %dma_wait3A_81 = arith.constant 1 : i32
    %dma_wait3A_82 = arith.constant 0 : i32
    %dma_wait3A_83 = tpu.memref_slice %arg8[%dma_wait3A_81, %dma_wait3A_82] : memref<2x128xi32, #tpu.memory_space<vmem>> -> memref<1x128xi32, #tpu.memory_space<vmem>>
    %dma_wait3A_84 = tpu.memref_squeeze %dma_wait3A_83 : memref<1x128xi32, #tpu.memory_space<vmem>> -> memref<128xi32, #tpu.memory_space<vmem>>
    %dma_wait3A_85 = arith.constant 0 : i32
    %dma_wait3A_86 = arith.constant 0 : i32
    %dma_wait3A_87 = tpu.memref_slice %arg3[%dma_wait3A_85, %dma_wait3A_86] : memref<10000x64xf32, #tpu.memory_space<hbm>> -> memref<10000x64xf32, #tpu.memory_space<hbm>>
    tpu.wait_indirect_dma semaphore(%arg15 : memref<!tpu.dma_semaphore, #tpu.memory_space<semaphore_mem>>) src(%dma_wait3A_87 : memref<10000x64xf32, #tpu.memory_space<hbm>>) dst(%arg11 : memref<128x64xf32, #tpu.memory_space<vmem>>)
    %run_scoped3A_88 = arith.constant 0 : i32
    "tpu.region"() ({
      %run_scoped3A_100 = tpu.sem_alloc : memref<!tpu.dma_semaphore, #tpu.memory_space<semaphore_mem>>
      %dma_start3A_101 = arith.constant 0 : i32
      %dma_start3A_102 = tpu.memref_slice %arg8[%run_scoped3A_88, %dma_start3A_101] : memref<2x128xi32, #tpu.memory_space<vmem>> -> memref<1x128xi32, #tpu.memory_space<vmem>>
      %dma_start3A_103 = tpu.memref_squeeze %dma_start3A_102 : memref<1x128xi32, #tpu.memory_space<vmem>> -> memref<128xi32, #tpu.memory_space<vmem>>
      %dma_start3A_104 = arith.constant 0 : i32
      %dma_start3A_105 = arith.constant 0 : i32
      %dma_start3A_106 = tpu.memref_slice %arg12[%dma_start3A_104, %dma_start3A_105] : memref<10016x64xf32, #tpu.memory_space<vmem_shared>> -> memref<10016x64xf32, #tpu.memory_space<vmem_shared>>
      tpu.enqueue_indirect_dma source(%arg11 : memref<128x64xf32, #tpu.memory_space<vmem>>) target(%dma_start3A_106 : memref<10016x64xf32, #tpu.memory_space<vmem_shared>>) offsets(%dma_start3A_103 : memref<128xi32, #tpu.memory_space<vmem>>) semaphore(%run_scoped3A_100 : memref<!tpu.dma_semaphore, #tpu.memory_space<semaphore_mem>>) {add = true}
      %dma_wait3A_107 = arith.constant 0 : i32
      %dma_wait3A_108 = tpu.memref_slice %arg8[%run_scoped3A_88, %dma_wait3A_107] : memref<2x128xi32, #tpu.memory_space<vmem>> -> memref<1x128xi32, #tpu.memory_space<vmem>>
      %dma_wait3A_109 = tpu.memref_squeeze %dma_wait3A_108 : memref<1x128xi32, #tpu.memory_space<vmem>> -> memref<128xi32, #tpu.memory_space<vmem>>
      %dma_wait3A_110 = arith.constant 0 : i32
      %dma_wait3A_111 = arith.constant 0 : i32
      %dma_wait3A_112 = tpu.memref_slice %arg12[%dma_wait3A_110, %dma_wait3A_111] : memref<10016x64xf32, #tpu.memory_space<vmem_shared>> -> memref<10016x64xf32, #tpu.memory_space<vmem_shared>>
      tpu.wait_indirect_dma semaphore(%run_scoped3A_100 : memref<!tpu.dma_semaphore, #tpu.memory_space<semaphore_mem>>) src(%arg11 : memref<128x64xf32, #tpu.memory_space<vmem>>) dst(%dma_wait3A_112 : memref<10016x64xf32, #tpu.memory_space<vmem_shared>>)
      tpu.yield
    }) : () -> ()
    %barrier3A_89 = arith.constant 0 : index
    tpu.barrier barrier_id(%barrier3A_89)
    %mul3A_90 = arith.constant 624 : i32
    %mul3A_91 = arith.muli %arg1, %mul3A_90 : i32
    %mul3A_92 = arith.constant 10000 : i32
    %mul3A_93 = arith.muli %arg0, %mul3A_92 : i32
    %mul3A_94 = arith.constant 624 : i32
    %mul3A_95 = arith.muli %arg1, %mul3A_94 : i32
    %add3A_96 = arith.addi %mul3A_93, %mul3A_95 : i32
    "tpu.region"() ({
      %run_scoped3A_100 = tpu.sem_alloc : memref<!tpu.dma_semaphore, #tpu.memory_space<semaphore_mem>>
      %dma_start3A_101 = arith.constant 0 : i32
      %dma_start3A_102 = tpu.memref_slice %arg5[%add3A_96, %dma_start3A_101] : memref<20000x64xf32, #tpu.memory_space<hbm>> -> memref<624x64xf32, #tpu.memory_space<hbm>>
      %dma_start3A_103 = arith.constant 0 : i32
      %dma_start3A_104 = tpu.memref_slice %arg12[%mul3A_91, %dma_start3A_103] : memref<10016x64xf32, #tpu.memory_space<vmem_shared>> -> memref<624x64xf32, #tpu.memory_space<vmem_shared>>
      tpu.enqueue_dma source(%dma_start3A_104 : memref<624x64xf32, #tpu.memory_space<vmem_shared>>) target(%dma_start3A_102 : memref<624x64xf32, #tpu.memory_space<hbm>>) target_semaphore(%run_scoped3A_100 : memref<!tpu.dma_semaphore, #tpu.memory_space<semaphore_mem>>)
      %dma_wait3A_105 = arith.constant 0 : i32
      %dma_wait3A_106 = tpu.memref_slice %arg5[%add3A_96, %dma_wait3A_105] : memref<20000x64xf32, #tpu.memory_space<hbm>> -> memref<624x64xf32, #tpu.memory_space<hbm>>
      %dma_wait3A_107 = arith.constant 0 : i32
      %dma_wait3A_108 = tpu.memref_slice %arg12[%mul3A_91, %dma_wait3A_107] : memref<10016x64xf32, #tpu.memory_space<vmem_shared>> -> memref<624x64xf32, #tpu.memory_space<vmem_shared>>
      tpu.wait_dma2 semaphore(%run_scoped3A_100 : memref<!tpu.dma_semaphore, #tpu.memory_space<semaphore_mem>>) src(%dma_wait3A_108 : memref<624x64xf32, #tpu.memory_space<vmem_shared>>) dst(%dma_wait3A_106 : memref<624x64xf32, #tpu.memory_space<hbm>>)
      tpu.yield
    }) : () -> ()
    %eq3A_97 = arith.constant 15 : i32
    %eq3A_98 = arith.cmpi eq, %arg1, %eq3A_97 : i32
    %convert_element_type3A = arith.extui %eq3A_98 : i1 to i32
    %cond3A = arith.constant 0 : i32
    %cond3A_99 = arith.cmpi ne, %convert_element_type3A, %cond3A : i32
    scf.if %cond3A_99 {
      %mul3A_100 = arith.constant 10000 : i32
      %mul3A_101 = arith.muli %arg0, %mul3A_100 : i32
      %add3A_102 = arith.constant 9984 : i32
      %add3A_103 = arith.addi %mul3A_101, %add3A_102 : i32
      "tpu.region"() ({
        %run_scoped3A_104 = tpu.sem_alloc : memref<!tpu.dma_semaphore, #tpu.memory_space<semaphore_mem>>
        %dma_start3A_105 = arith.constant 0 : i32
        %dma_start3A_106 = tpu.memref_slice %arg5[%add3A_103, %dma_start3A_105] : memref<20000x64xf32, #tpu.memory_space<hbm>> -> memref<16x64xf32, #tpu.memory_space<hbm>>
        %dma_start3A_107 = arith.constant 9984 : i32
        %dma_start3A_108 = arith.constant 0 : i32
        %dma_start3A_109 = tpu.memref_slice %arg12[%dma_start3A_107, %dma_start3A_108] : memref<10016x64xf32, #tpu.memory_space<vmem_shared>> -> memref<16x64xf32, #tpu.memory_space<vmem_shared>>
        tpu.enqueue_dma source(%dma_start3A_109 : memref<16x64xf32, #tpu.memory_space<vmem_shared>>) target(%dma_start3A_106 : memref<16x64xf32, #tpu.memory_space<hbm>>) target_semaphore(%run_scoped3A_104 : memref<!tpu.dma_semaphore, #tpu.memory_space<semaphore_mem>>)
        %dma_wait3A_110 = arith.constant 0 : i32
        %dma_wait3A_111 = tpu.memref_slice %arg5[%add3A_103, %dma_wait3A_110] : memref<20000x64xf32, #tpu.memory_space<hbm>> -> memref<16x64xf32, #tpu.memory_space<hbm>>
        %dma_wait3A_112 = arith.constant 9984 : i32
        %dma_wait3A_113 = arith.constant 0 : i32
        %dma_wait3A_114 = tpu.memref_slice %arg12[%dma_wait3A_112, %dma_wait3A_113] : memref<10016x64xf32, #tpu.memory_space<vmem_shared>> -> memref<16x64xf32, #tpu.memory_space<vmem_shared>>
        tpu.wait_dma2 semaphore(%run_scoped3A_104 : memref<!tpu.dma_semaphore, #tpu.memory_space<semaphore_mem>>) src(%dma_wait3A_114 : memref<16x64xf32, #tpu.memory_space<vmem_shared>>) dst(%dma_wait3A_111 : memref<16x64xf32, #tpu.memory_space<hbm>>)
        tpu.yield
      }) : () -> ()
    } else {
    }
    return
  }
}

#map = affine_map<(d0, d1) -> (0, 0, 0)>
#map1 = affine_map<(d0, d1) -> (0, 0)>
module attributes {stable_mosaic.version = 14 : i64} {
  func.func @spmm_kernel(%arg0: i32, %arg1: i32, %arg2: memref<5040x2x128xi32, #tpu.memory_space<hbm>>, %arg3: memref<10000x128xf32, #tpu.memory_space<hbm>>, %arg4: memref<626x128xf32, #tpu.memory_space<hbm>>, %arg5: memref<20000x128xf32, #tpu.memory_space<hbm>>, %arg6: memref<2x128xi32, #tpu.memory_space<vmem>>, %arg7: memref<2x128xi32, #tpu.memory_space<vmem>>, %arg8: memref<2x128xi32, #tpu.memory_space<vmem>>, %arg9: memref<128x128xf32, #tpu.memory_space<vmem>>, %arg10: memref<128x128xf32, #tpu.memory_space<vmem>>, %arg11: memref<128x128xf32, #tpu.memory_space<vmem>>, %arg12: memref<10016x128xf32, #tpu.memory_space<vmem_shared>>, %arg13: memref<!tpu.dma_semaphore, #tpu.memory_space<semaphore_mem>>, %arg14: memref<!tpu.dma_semaphore, #tpu.memory_space<semaphore_mem>>, %arg15: memref<!tpu.dma_semaphore, #tpu.memory_space<semaphore_mem>>) attributes {dimension_semantics = [#tpu.dimension_semantics<core_parallel>, #tpu.dimension_semantics<subcore_parallel>], iteration_bounds = array<i64: 2, 16>, scalar_prefetch = 0 : i64, scratch_operands = 10 : i64, tpu.core_type = #tpu.core_type<sc_vector_subcore>, window_params = [{transform_indices = #map}, {transform_indices = #map1}, {transform_indices = #map1}, {transform_indices = #map1}]} {
    %eq3A = arith.constant 0 : i32
    %eq3A_0 = arith.cmpi eq, %arg0, %eq3A : i32
    %jit3A = arith.constant 228 : i32
    %jit3A_1 = arith.constant 87 : i32
    %select_n3A = arith.select %eq3A_0, %jit3A, %jit3A_1 : i32
    %eq3A_2 = arith.constant 0 : i32
    %eq3A_3 = arith.cmpi eq, %arg0, %eq3A_2 : i32
    %mul3A = arith.constant 228 : i32
    %mul3A_4 = arith.muli %arg1, %mul3A : i32
    %mul3A_5 = arith.constant 87 : i32
    %mul3A_6 = arith.muli %arg1, %mul3A_5 : i32
    %add3A = arith.constant 3648 : i32
    %add3A_7 = arith.addi %add3A, %mul3A_6 : i32
    %select_n3A_8 = arith.select %eq3A_3, %mul3A_4, %add3A_7 : i32
    %mul3A_9 = arith.constant 626 : i32
    %mul3A_10 = arith.muli %arg1, %mul3A_9 : i32
    "tpu.region"() ({
      %run_scoped3A_100 = tpu.sem_alloc : memref<!tpu.dma_semaphore, #tpu.memory_space<semaphore_mem>>
      %dma_start3A_101 = arith.constant 0 : i32
      %dma_start3A_102 = tpu.memref_slice %arg12[%mul3A_10, %dma_start3A_101] : memref<10016x128xf32, #tpu.memory_space<vmem_shared>> -> memref<626x128xf32, #tpu.memory_space<vmem_shared>>
      tpu.enqueue_dma source(%arg4 : memref<626x128xf32, #tpu.memory_space<hbm>>) target(%dma_start3A_102 : memref<626x128xf32, #tpu.memory_space<vmem_shared>>) target_semaphore(%run_scoped3A_100 : memref<!tpu.dma_semaphore, #tpu.memory_space<semaphore_mem>>)
      %dma_wait3A_103 = arith.constant 0 : i32
      %dma_wait3A_104 = tpu.memref_slice %arg12[%mul3A_10, %dma_wait3A_103] : memref<10016x128xf32, #tpu.memory_space<vmem_shared>> -> memref<626x128xf32, #tpu.memory_space<vmem_shared>>
      tpu.wait_dma2 semaphore(%run_scoped3A_100 : memref<!tpu.dma_semaphore, #tpu.memory_space<semaphore_mem>>) src(%arg4 : memref<626x128xf32, #tpu.memory_space<hbm>>) dst(%dma_wait3A_104 : memref<626x128xf32, #tpu.memory_space<vmem_shared>>)
      tpu.yield
    }) : () -> ()
    %barrier3A = arith.constant 0 : index
    tpu.barrier barrier_id(%barrier3A)
    %add3A_11 = arith.constant 0 : i32
    %add3A_12 = arith.addi %select_n3A_8, %add3A_11 : i32
    "tpu.region"() ({
      %run_scoped3A_100 = tpu.sem_alloc : memref<!tpu.dma_semaphore, #tpu.memory_space<semaphore_mem>>
      %dma_start3A_101 = arith.constant 0 : i32
      %dma_start3A_102 = arith.constant 0 : i32
      %dma_start3A_103 = tpu.memref_slice %arg2[%add3A_12, %dma_start3A_101, %dma_start3A_102] : memref<5040x2x128xi32, #tpu.memory_space<hbm>> -> memref<1x2x128xi32, #tpu.memory_space<hbm>>
      %dma_start3A_104 = tpu.memref_squeeze %dma_start3A_103 : memref<1x2x128xi32, #tpu.memory_space<hbm>> -> memref<2x128xi32, #tpu.memory_space<hbm>>
      %dma_start3A_105 = arith.constant 0 : i32
      %dma_start3A_106 = arith.constant 0 : i32
      %dma_start3A_107 = tpu.memref_slice %arg2[%add3A_12, %dma_start3A_105, %dma_start3A_106] : memref<5040x2x128xi32, #tpu.memory_space<hbm>> -> memref<1x2x128xi32, #tpu.memory_space<hbm>>
      %dma_start3A_108 = tpu.memref_squeeze %dma_start3A_107 : memref<1x2x128xi32, #tpu.memory_space<hbm>> -> memref<2x128xi32, #tpu.memory_space<hbm>>
      tpu.enqueue_dma source(%dma_start3A_108 : memref<2x128xi32, #tpu.memory_space<hbm>>) target(%arg6 : memref<2x128xi32, #tpu.memory_space<vmem>>) target_semaphore(%run_scoped3A_100 : memref<!tpu.dma_semaphore, #tpu.memory_space<semaphore_mem>>)
      %dma_wait3A_109 = arith.constant 0 : i32
      %dma_wait3A_110 = arith.constant 0 : i32
      %dma_wait3A_111 = tpu.memref_slice %arg2[%add3A_12, %dma_wait3A_109, %dma_wait3A_110] : memref<5040x2x128xi32, #tpu.memory_space<hbm>> -> memref<1x2x128xi32, #tpu.memory_space<hbm>>
      %dma_wait3A_112 = tpu.memref_squeeze %dma_wait3A_111 : memref<1x2x128xi32, #tpu.memory_space<hbm>> -> memref<2x128xi32, #tpu.memory_space<hbm>>
      %dma_wait3A_113 = arith.constant 0 : i32
      %dma_wait3A_114 = arith.constant 0 : i32
      %dma_wait3A_115 = tpu.memref_slice %arg2[%add3A_12, %dma_wait3A_113, %dma_wait3A_114] : memref<5040x2x128xi32, #tpu.memory_space<hbm>> -> memref<1x2x128xi32, #tpu.memory_space<hbm>>
      %dma_wait3A_116 = tpu.memref_squeeze %dma_wait3A_115 : memref<1x2x128xi32, #tpu.memory_space<hbm>> -> memref<2x128xi32, #tpu.memory_space<hbm>>
      tpu.wait_dma2 semaphore(%run_scoped3A_100 : memref<!tpu.dma_semaphore, #tpu.memory_space<semaphore_mem>>) src(%dma_wait3A_116 : memref<2x128xi32, #tpu.memory_space<hbm>>) dst(%arg6 : memref<2x128xi32, #tpu.memory_space<vmem>>)
      tpu.yield
    }) : () -> ()
    %dma_start3A = arith.constant 1 : i32
    %dma_start3A_13 = arith.constant 0 : i32
    %dma_start3A_14 = tpu.memref_slice %arg6[%dma_start3A, %dma_start3A_13] : memref<2x128xi32, #tpu.memory_space<vmem>> -> memref<1x128xi32, #tpu.memory_space<vmem>>
    %dma_start3A_15 = tpu.memref_squeeze %dma_start3A_14 : memref<1x128xi32, #tpu.memory_space<vmem>> -> memref<128xi32, #tpu.memory_space<vmem>>
    %dma_start3A_16 = arith.constant 0 : i32
    %dma_start3A_17 = arith.constant 0 : i32
    %dma_start3A_18 = tpu.memref_slice %arg3[%dma_start3A_16, %dma_start3A_17] : memref<10000x128xf32, #tpu.memory_space<hbm>> -> memref<10000x128xf32, #tpu.memory_space<hbm>>
    tpu.enqueue_indirect_dma source(%dma_start3A_18 : memref<10000x128xf32, #tpu.memory_space<hbm>>) target(%arg9 : memref<128x128xf32, #tpu.memory_space<vmem>>) offsets(%dma_start3A_15 : memref<128xi32, #tpu.memory_space<vmem>>) semaphore(%arg13 : memref<!tpu.dma_semaphore, #tpu.memory_space<semaphore_mem>>)
    %add3A_19 = arith.constant 1 : i32
    %add3A_20 = arith.addi %select_n3A_8, %add3A_19 : i32
    "tpu.region"() ({
      %run_scoped3A_100 = tpu.sem_alloc : memref<!tpu.dma_semaphore, #tpu.memory_space<semaphore_mem>>
      %dma_start3A_101 = arith.constant 0 : i32
      %dma_start3A_102 = arith.constant 0 : i32
      %dma_start3A_103 = tpu.memref_slice %arg2[%add3A_20, %dma_start3A_101, %dma_start3A_102] : memref<5040x2x128xi32, #tpu.memory_space<hbm>> -> memref<1x2x128xi32, #tpu.memory_space<hbm>>
      %dma_start3A_104 = tpu.memref_squeeze %dma_start3A_103 : memref<1x2x128xi32, #tpu.memory_space<hbm>> -> memref<2x128xi32, #tpu.memory_space<hbm>>
      %dma_start3A_105 = arith.constant 0 : i32
      %dma_start3A_106 = arith.constant 0 : i32
      %dma_start3A_107 = tpu.memref_slice %arg2[%add3A_20, %dma_start3A_105, %dma_start3A_106] : memref<5040x2x128xi32, #tpu.memory_space<hbm>> -> memref<1x2x128xi32, #tpu.memory_space<hbm>>
      %dma_start3A_108 = tpu.memref_squeeze %dma_start3A_107 : memref<1x2x128xi32, #tpu.memory_space<hbm>> -> memref<2x128xi32, #tpu.memory_space<hbm>>
      tpu.enqueue_dma source(%dma_start3A_108 : memref<2x128xi32, #tpu.memory_space<hbm>>) target(%arg7 : memref<2x128xi32, #tpu.memory_space<vmem>>) target_semaphore(%run_scoped3A_100 : memref<!tpu.dma_semaphore, #tpu.memory_space<semaphore_mem>>)
      %dma_wait3A_109 = arith.constant 0 : i32
      %dma_wait3A_110 = arith.constant 0 : i32
      %dma_wait3A_111 = tpu.memref_slice %arg2[%add3A_20, %dma_wait3A_109, %dma_wait3A_110] : memref<5040x2x128xi32, #tpu.memory_space<hbm>> -> memref<1x2x128xi32, #tpu.memory_space<hbm>>
      %dma_wait3A_112 = tpu.memref_squeeze %dma_wait3A_111 : memref<1x2x128xi32, #tpu.memory_space<hbm>> -> memref<2x128xi32, #tpu.memory_space<hbm>>
      %dma_wait3A_113 = arith.constant 0 : i32
      %dma_wait3A_114 = arith.constant 0 : i32
      %dma_wait3A_115 = tpu.memref_slice %arg2[%add3A_20, %dma_wait3A_113, %dma_wait3A_114] : memref<5040x2x128xi32, #tpu.memory_space<hbm>> -> memref<1x2x128xi32, #tpu.memory_space<hbm>>
      %dma_wait3A_116 = tpu.memref_squeeze %dma_wait3A_115 : memref<1x2x128xi32, #tpu.memory_space<hbm>> -> memref<2x128xi32, #tpu.memory_space<hbm>>
      tpu.wait_dma2 semaphore(%run_scoped3A_100 : memref<!tpu.dma_semaphore, #tpu.memory_space<semaphore_mem>>) src(%dma_wait3A_116 : memref<2x128xi32, #tpu.memory_space<hbm>>) dst(%arg7 : memref<2x128xi32, #tpu.memory_space<vmem>>)
      tpu.yield
    }) : () -> ()
    %dma_start3A_21 = arith.constant 1 : i32
    %dma_start3A_22 = arith.constant 0 : i32
    %dma_start3A_23 = tpu.memref_slice %arg7[%dma_start3A_21, %dma_start3A_22] : memref<2x128xi32, #tpu.memory_space<vmem>> -> memref<1x128xi32, #tpu.memory_space<vmem>>
    %dma_start3A_24 = tpu.memref_squeeze %dma_start3A_23 : memref<1x128xi32, #tpu.memory_space<vmem>> -> memref<128xi32, #tpu.memory_space<vmem>>
    %dma_start3A_25 = arith.constant 0 : i32
    %dma_start3A_26 = arith.constant 0 : i32
    %dma_start3A_27 = tpu.memref_slice %arg3[%dma_start3A_25, %dma_start3A_26] : memref<10000x128xf32, #tpu.memory_space<hbm>> -> memref<10000x128xf32, #tpu.memory_space<hbm>>
    tpu.enqueue_indirect_dma source(%dma_start3A_27 : memref<10000x128xf32, #tpu.memory_space<hbm>>) target(%arg10 : memref<128x128xf32, #tpu.memory_space<vmem>>) offsets(%dma_start3A_24 : memref<128xi32, #tpu.memory_space<vmem>>) semaphore(%arg14 : memref<!tpu.dma_semaphore, #tpu.memory_space<semaphore_mem>>)
    %jit3A_28 = arith.constant 3 : i32
    %div3A = arith.divsi %select_n3A, %jit3A_28 : i32
    %sign3A = arith.constant 0 : i32
    %sign3A_29 = arith.cmpi sgt, %select_n3A, %sign3A : i32
    %sign3A_30 = arith.extui %sign3A_29 : i1 to i32
    %sign3A_31 = arith.constant 0 : i32
    %sign3A_32 = arith.cmpi slt, %select_n3A, %sign3A_31 : i32
    %sign3A_33 = arith.extui %sign3A_32 : i1 to i32
    %sign3A_34 = arith.subi %sign3A_30, %sign3A_33 : i32
    %sign3A_35 = arith.constant 0 : i32
    %sign3A_36 = arith.cmpi sgt, %jit3A_28, %sign3A_35 : i32
    %sign3A_37 = arith.extui %sign3A_36 : i1 to i32
    %sign3A_38 = arith.constant 0 : i32
    %sign3A_39 = arith.cmpi slt, %jit3A_28, %sign3A_38 : i32
    %sign3A_40 = arith.extui %sign3A_39 : i1 to i32
    %sign3A_41 = arith.subi %sign3A_37, %sign3A_40 : i32
    %ne3A = arith.cmpi ne, %sign3A_34, %sign3A_41 : i32
    %rem3A = arith.remsi %select_n3A, %jit3A_28 : i32
    %ne3A_42 = arith.constant 0 : i32
    %ne3A_43 = arith.cmpi ne, %rem3A, %ne3A_42 : i32
    %and3A = arith.andi %ne3A, %ne3A_43 : i1
    %sub3A = arith.constant 1 : i32
    %sub3A_44 = arith.subi %div3A, %sub3A : i32
    %select_n3A_45 = arith.select %and3A, %sub3A_44, %div3A : i32
    %sub3A_46 = arith.constant 1 : i32
    %sub3A_47 = arith.subi %select_n3A_45, %sub3A_46 : i32
    %while3A = arith.constant 0 : i32
    %while3A_48 = arith.constant 0 : i32
    %while3A_49 = arith.subi %sub3A_47, %while3A_48 : i32
    %while3A_50 = arith.addi %while3A_48, %while3A_49 : i32
    %while3A_51 = arith.constant 1 : i32
    %while3A_52 = arith.divsi %while3A_49, %while3A_51 : i32
    %while3A_53 = arith.muli %while3A_52, %while3A_51 : i32
    %while3A_54 = arith.addi %while3A_48, %while3A_53 : i32
    %while3A_55 = arith.constant 1 : i32
    scf.for %while3A_100 = %while3A_48 to %while3A_54 step %while3A_55  : i32 {
      %mul3A_101 = arith.constant 3 : i32
      %mul3A_102 = arith.muli %mul3A_101, %while3A_100 : i32
      %add3A_103 = arith.constant 2 : i32
      %add3A_104 = arith.addi %mul3A_102, %add3A_103 : i32
      %add3A_105 = arith.addi %select_n3A_8, %add3A_104 : i32
      "tpu.region"() ({
        %run_scoped3A_157 = tpu.sem_alloc : memref<!tpu.dma_semaphore, #tpu.memory_space<semaphore_mem>>
        %dma_start3A_158 = arith.constant 0 : i32
        %dma_start3A_159 = arith.constant 0 : i32
        %dma_start3A_160 = tpu.memref_slice %arg2[%add3A_105, %dma_start3A_158, %dma_start3A_159] : memref<5040x2x128xi32, #tpu.memory_space<hbm>> -> memref<1x2x128xi32, #tpu.memory_space<hbm>>
        %dma_start3A_161 = tpu.memref_squeeze %dma_start3A_160 : memref<1x2x128xi32, #tpu.memory_space<hbm>> -> memref<2x128xi32, #tpu.memory_space<hbm>>
        %dma_start3A_162 = arith.constant 0 : i32
        %dma_start3A_163 = arith.constant 0 : i32
        %dma_start3A_164 = tpu.memref_slice %arg2[%add3A_105, %dma_start3A_162, %dma_start3A_163] : memref<5040x2x128xi32, #tpu.memory_space<hbm>> -> memref<1x2x128xi32, #tpu.memory_space<hbm>>
        %dma_start3A_165 = tpu.memref_squeeze %dma_start3A_164 : memref<1x2x128xi32, #tpu.memory_space<hbm>> -> memref<2x128xi32, #tpu.memory_space<hbm>>
        tpu.enqueue_dma source(%dma_start3A_165 : memref<2x128xi32, #tpu.memory_space<hbm>>) target(%arg8 : memref<2x128xi32, #tpu.memory_space<vmem>>) target_semaphore(%run_scoped3A_157 : memref<!tpu.dma_semaphore, #tpu.memory_space<semaphore_mem>>)
        %dma_wait3A_166 = arith.constant 0 : i32
        %dma_wait3A_167 = arith.constant 0 : i32
        %dma_wait3A_168 = tpu.memref_slice %arg2[%add3A_105, %dma_wait3A_166, %dma_wait3A_167] : memref<5040x2x128xi32, #tpu.memory_space<hbm>> -> memref<1x2x128xi32, #tpu.memory_space<hbm>>
        %dma_wait3A_169 = tpu.memref_squeeze %dma_wait3A_168 : memref<1x2x128xi32, #tpu.memory_space<hbm>> -> memref<2x128xi32, #tpu.memory_space<hbm>>
        %dma_wait3A_170 = arith.constant 0 : i32
        %dma_wait3A_171 = arith.constant 0 : i32
        %dma_wait3A_172 = tpu.memref_slice %arg2[%add3A_105, %dma_wait3A_170, %dma_wait3A_171] : memref<5040x2x128xi32, #tpu.memory_space<hbm>> -> memref<1x2x128xi32, #tpu.memory_space<hbm>>
        %dma_wait3A_173 = tpu.memref_squeeze %dma_wait3A_172 : memref<1x2x128xi32, #tpu.memory_space<hbm>> -> memref<2x128xi32, #tpu.memory_space<hbm>>
        tpu.wait_dma2 semaphore(%run_scoped3A_157 : memref<!tpu.dma_semaphore, #tpu.memory_space<semaphore_mem>>) src(%dma_wait3A_173 : memref<2x128xi32, #tpu.memory_space<hbm>>) dst(%arg8 : memref<2x128xi32, #tpu.memory_space<vmem>>)
        tpu.yield
      }) : () -> ()
      %dma_start3A_106 = arith.constant 1 : i32
      %dma_start3A_107 = arith.constant 0 : i32
      %dma_start3A_108 = tpu.memref_slice %arg8[%dma_start3A_106, %dma_start3A_107] : memref<2x128xi32, #tpu.memory_space<vmem>> -> memref<1x128xi32, #tpu.memory_space<vmem>>
      %dma_start3A_109 = tpu.memref_squeeze %dma_start3A_108 : memref<1x128xi32, #tpu.memory_space<vmem>> -> memref<128xi32, #tpu.memory_space<vmem>>
      %dma_start3A_110 = arith.constant 0 : i32
      %dma_start3A_111 = arith.constant 0 : i32
      %dma_start3A_112 = tpu.memref_slice %arg3[%dma_start3A_110, %dma_start3A_111] : memref<10000x128xf32, #tpu.memory_space<hbm>> -> memref<10000x128xf32, #tpu.memory_space<hbm>>
      tpu.enqueue_indirect_dma source(%dma_start3A_112 : memref<10000x128xf32, #tpu.memory_space<hbm>>) target(%arg11 : memref<128x128xf32, #tpu.memory_space<vmem>>) offsets(%dma_start3A_109 : memref<128xi32, #tpu.memory_space<vmem>>) semaphore(%arg15 : memref<!tpu.dma_semaphore, #tpu.memory_space<semaphore_mem>>)
      %dma_wait3A_113 = arith.constant 1 : i32
      %dma_wait3A_114 = arith.constant 0 : i32
      %dma_wait3A_115 = tpu.memref_slice %arg6[%dma_wait3A_113, %dma_wait3A_114] : memref<2x128xi32, #tpu.memory_space<vmem>> -> memref<1x128xi32, #tpu.memory_space<vmem>>
      %dma_wait3A_116 = tpu.memref_squeeze %dma_wait3A_115 : memref<1x128xi32, #tpu.memory_space<vmem>> -> memref<128xi32, #tpu.memory_space<vmem>>
      %dma_wait3A_117 = arith.constant 0 : i32
      %dma_wait3A_118 = arith.constant 0 : i32
      %dma_wait3A_119 = tpu.memref_slice %arg3[%dma_wait3A_117, %dma_wait3A_118] : memref<10000x128xf32, #tpu.memory_space<hbm>> -> memref<10000x128xf32, #tpu.memory_space<hbm>>
      tpu.wait_indirect_dma semaphore(%arg13 : memref<!tpu.dma_semaphore, #tpu.memory_space<semaphore_mem>>) src(%dma_wait3A_119 : memref<10000x128xf32, #tpu.memory_space<hbm>>) dst(%arg9 : memref<128x128xf32, #tpu.memory_space<vmem>>)
      %run_scoped3A_120 = arith.constant 0 : i32
      "tpu.region"() ({
        %run_scoped3A_157 = tpu.sem_alloc : memref<!tpu.dma_semaphore, #tpu.memory_space<semaphore_mem>>
        %dma_start3A_158 = arith.constant 0 : i32
        %dma_start3A_159 = tpu.memref_slice %arg6[%run_scoped3A_120, %dma_start3A_158] : memref<2x128xi32, #tpu.memory_space<vmem>> -> memref<1x128xi32, #tpu.memory_space<vmem>>
        %dma_start3A_160 = tpu.memref_squeeze %dma_start3A_159 : memref<1x128xi32, #tpu.memory_space<vmem>> -> memref<128xi32, #tpu.memory_space<vmem>>
        %dma_start3A_161 = arith.constant 0 : i32
        %dma_start3A_162 = arith.constant 0 : i32
        %dma_start3A_163 = tpu.memref_slice %arg12[%dma_start3A_161, %dma_start3A_162] : memref<10016x128xf32, #tpu.memory_space<vmem_shared>> -> memref<10016x128xf32, #tpu.memory_space<vmem_shared>>
        tpu.enqueue_indirect_dma source(%arg9 : memref<128x128xf32, #tpu.memory_space<vmem>>) target(%dma_start3A_163 : memref<10016x128xf32, #tpu.memory_space<vmem_shared>>) offsets(%dma_start3A_160 : memref<128xi32, #tpu.memory_space<vmem>>) semaphore(%run_scoped3A_157 : memref<!tpu.dma_semaphore, #tpu.memory_space<semaphore_mem>>) {add = true}
        %dma_wait3A_164 = arith.constant 0 : i32
        %dma_wait3A_165 = tpu.memref_slice %arg6[%run_scoped3A_120, %dma_wait3A_164] : memref<2x128xi32, #tpu.memory_space<vmem>> -> memref<1x128xi32, #tpu.memory_space<vmem>>
        %dma_wait3A_166 = tpu.memref_squeeze %dma_wait3A_165 : memref<1x128xi32, #tpu.memory_space<vmem>> -> memref<128xi32, #tpu.memory_space<vmem>>
        %dma_wait3A_167 = arith.constant 0 : i32
        %dma_wait3A_168 = arith.constant 0 : i32
        %dma_wait3A_169 = tpu.memref_slice %arg12[%dma_wait3A_167, %dma_wait3A_168] : memref<10016x128xf32, #tpu.memory_space<vmem_shared>> -> memref<10016x128xf32, #tpu.memory_space<vmem_shared>>
        tpu.wait_indirect_dma semaphore(%run_scoped3A_157 : memref<!tpu.dma_semaphore, #tpu.memory_space<semaphore_mem>>) src(%arg9 : memref<128x128xf32, #tpu.memory_space<vmem>>) dst(%dma_wait3A_169 : memref<10016x128xf32, #tpu.memory_space<vmem_shared>>)
        tpu.yield
      }) : () -> ()
      %add3A_121 = arith.constant 3 : i32
      %add3A_122 = arith.addi %mul3A_102, %add3A_121 : i32
      %add3A_123 = arith.addi %select_n3A_8, %add3A_122 : i32
      "tpu.region"() ({
        %run_scoped3A_157 = tpu.sem_alloc : memref<!tpu.dma_semaphore, #tpu.memory_space<semaphore_mem>>
        %dma_start3A_158 = arith.constant 0 : i32
        %dma_start3A_159 = arith.constant 0 : i32
        %dma_start3A_160 = tpu.memref_slice %arg2[%add3A_123, %dma_start3A_158, %dma_start3A_159] : memref<5040x2x128xi32, #tpu.memory_space<hbm>> -> memref<1x2x128xi32, #tpu.memory_space<hbm>>
        %dma_start3A_161 = tpu.memref_squeeze %dma_start3A_160 : memref<1x2x128xi32, #tpu.memory_space<hbm>> -> memref<2x128xi32, #tpu.memory_space<hbm>>
        %dma_start3A_162 = arith.constant 0 : i32
        %dma_start3A_163 = arith.constant 0 : i32
        %dma_start3A_164 = tpu.memref_slice %arg2[%add3A_123, %dma_start3A_162, %dma_start3A_163] : memref<5040x2x128xi32, #tpu.memory_space<hbm>> -> memref<1x2x128xi32, #tpu.memory_space<hbm>>
        %dma_start3A_165 = tpu.memref_squeeze %dma_start3A_164 : memref<1x2x128xi32, #tpu.memory_space<hbm>> -> memref<2x128xi32, #tpu.memory_space<hbm>>
        tpu.enqueue_dma source(%dma_start3A_165 : memref<2x128xi32, #tpu.memory_space<hbm>>) target(%arg6 : memref<2x128xi32, #tpu.memory_space<vmem>>) target_semaphore(%run_scoped3A_157 : memref<!tpu.dma_semaphore, #tpu.memory_space<semaphore_mem>>)
        %dma_wait3A_166 = arith.constant 0 : i32
        %dma_wait3A_167 = arith.constant 0 : i32
        %dma_wait3A_168 = tpu.memref_slice %arg2[%add3A_123, %dma_wait3A_166, %dma_wait3A_167] : memref<5040x2x128xi32, #tpu.memory_space<hbm>> -> memref<1x2x128xi32, #tpu.memory_space<hbm>>
        %dma_wait3A_169 = tpu.memref_squeeze %dma_wait3A_168 : memref<1x2x128xi32, #tpu.memory_space<hbm>> -> memref<2x128xi32, #tpu.memory_space<hbm>>
        %dma_wait3A_170 = arith.constant 0 : i32
        %dma_wait3A_171 = arith.constant 0 : i32
        %dma_wait3A_172 = tpu.memref_slice %arg2[%add3A_123, %dma_wait3A_170, %dma_wait3A_171] : memref<5040x2x128xi32, #tpu.memory_space<hbm>> -> memref<1x2x128xi32, #tpu.memory_space<hbm>>
        %dma_wait3A_173 = tpu.memref_squeeze %dma_wait3A_172 : memref<1x2x128xi32, #tpu.memory_space<hbm>> -> memref<2x128xi32, #tpu.memory_space<hbm>>
        tpu.wait_dma2 semaphore(%run_scoped3A_157 : memref<!tpu.dma_semaphore, #tpu.memory_space<semaphore_mem>>) src(%dma_wait3A_173 : memref<2x128xi32, #tpu.memory_space<hbm>>) dst(%arg6 : memref<2x128xi32, #tpu.memory_space<vmem>>)
        tpu.yield
      }) : () -> ()
      %dma_start3A_124 = arith.constant 1 : i32
      %dma_start3A_125 = arith.constant 0 : i32
      %dma_start3A_126 = tpu.memref_slice %arg6[%dma_start3A_124, %dma_start3A_125] : memref<2x128xi32, #tpu.memory_space<vmem>> -> memref<1x128xi32, #tpu.memory_space<vmem>>
      %dma_start3A_127 = tpu.memref_squeeze %dma_start3A_126 : memref<1x128xi32, #tpu.memory_space<vmem>> -> memref<128xi32, #tpu.memory_space<vmem>>
      %dma_start3A_128 = arith.constant 0 : i32
      %dma_start3A_129 = arith.constant 0 : i32
      %dma_start3A_130 = tpu.memref_slice %arg3[%dma_start3A_128, %dma_start3A_129] : memref<10000x128xf32, #tpu.memory_space<hbm>> -> memref<10000x128xf32, #tpu.memory_space<hbm>>
      tpu.enqueue_indirect_dma source(%dma_start3A_130 : memref<10000x128xf32, #tpu.memory_space<hbm>>) target(%arg9 : memref<128x128xf32, #tpu.memory_space<vmem>>) offsets(%dma_start3A_127 : memref<128xi32, #tpu.memory_space<vmem>>) semaphore(%arg13 : memref<!tpu.dma_semaphore, #tpu.memory_space<semaphore_mem>>)
      %dma_wait3A_131 = arith.constant 1 : i32
      %dma_wait3A_132 = arith.constant 0 : i32
      %dma_wait3A_133 = tpu.memref_slice %arg7[%dma_wait3A_131, %dma_wait3A_132] : memref<2x128xi32, #tpu.memory_space<vmem>> -> memref<1x128xi32, #tpu.memory_space<vmem>>
      %dma_wait3A_134 = tpu.memref_squeeze %dma_wait3A_133 : memref<1x128xi32, #tpu.memory_space<vmem>> -> memref<128xi32, #tpu.memory_space<vmem>>
      %dma_wait3A_135 = arith.constant 0 : i32
      %dma_wait3A_136 = arith.constant 0 : i32
      %dma_wait3A_137 = tpu.memref_slice %arg3[%dma_wait3A_135, %dma_wait3A_136] : memref<10000x128xf32, #tpu.memory_space<hbm>> -> memref<10000x128xf32, #tpu.memory_space<hbm>>
      tpu.wait_indirect_dma semaphore(%arg14 : memref<!tpu.dma_semaphore, #tpu.memory_space<semaphore_mem>>) src(%dma_wait3A_137 : memref<10000x128xf32, #tpu.memory_space<hbm>>) dst(%arg10 : memref<128x128xf32, #tpu.memory_space<vmem>>)
      %run_scoped3A_138 = arith.constant 0 : i32
      "tpu.region"() ({
        %run_scoped3A_157 = tpu.sem_alloc : memref<!tpu.dma_semaphore, #tpu.memory_space<semaphore_mem>>
        %dma_start3A_158 = arith.constant 0 : i32
        %dma_start3A_159 = tpu.memref_slice %arg7[%run_scoped3A_138, %dma_start3A_158] : memref<2x128xi32, #tpu.memory_space<vmem>> -> memref<1x128xi32, #tpu.memory_space<vmem>>
        %dma_start3A_160 = tpu.memref_squeeze %dma_start3A_159 : memref<1x128xi32, #tpu.memory_space<vmem>> -> memref<128xi32, #tpu.memory_space<vmem>>
        %dma_start3A_161 = arith.constant 0 : i32
        %dma_start3A_162 = arith.constant 0 : i32
        %dma_start3A_163 = tpu.memref_slice %arg12[%dma_start3A_161, %dma_start3A_162] : memref<10016x128xf32, #tpu.memory_space<vmem_shared>> -> memref<10016x128xf32, #tpu.memory_space<vmem_shared>>
        tpu.enqueue_indirect_dma source(%arg10 : memref<128x128xf32, #tpu.memory_space<vmem>>) target(%dma_start3A_163 : memref<10016x128xf32, #tpu.memory_space<vmem_shared>>) offsets(%dma_start3A_160 : memref<128xi32, #tpu.memory_space<vmem>>) semaphore(%run_scoped3A_157 : memref<!tpu.dma_semaphore, #tpu.memory_space<semaphore_mem>>) {add = true}
        %dma_wait3A_164 = arith.constant 0 : i32
        %dma_wait3A_165 = tpu.memref_slice %arg7[%run_scoped3A_138, %dma_wait3A_164] : memref<2x128xi32, #tpu.memory_space<vmem>> -> memref<1x128xi32, #tpu.memory_space<vmem>>
        %dma_wait3A_166 = tpu.memref_squeeze %dma_wait3A_165 : memref<1x128xi32, #tpu.memory_space<vmem>> -> memref<128xi32, #tpu.memory_space<vmem>>
        %dma_wait3A_167 = arith.constant 0 : i32
        %dma_wait3A_168 = arith.constant 0 : i32
        %dma_wait3A_169 = tpu.memref_slice %arg12[%dma_wait3A_167, %dma_wait3A_168] : memref<10016x128xf32, #tpu.memory_space<vmem_shared>> -> memref<10016x128xf32, #tpu.memory_space<vmem_shared>>
        tpu.wait_indirect_dma semaphore(%run_scoped3A_157 : memref<!tpu.dma_semaphore, #tpu.memory_space<semaphore_mem>>) src(%arg10 : memref<128x128xf32, #tpu.memory_space<vmem>>) dst(%dma_wait3A_169 : memref<10016x128xf32, #tpu.memory_space<vmem_shared>>)
        tpu.yield
      }) : () -> ()
      %add3A_139 = arith.constant 4 : i32
      %add3A_140 = arith.addi %mul3A_102, %add3A_139 : i32
      %add3A_141 = arith.addi %select_n3A_8, %add3A_140 : i32
      "tpu.region"() ({
        %run_scoped3A_157 = tpu.sem_alloc : memref<!tpu.dma_semaphore, #tpu.memory_space<semaphore_mem>>
        %dma_start3A_158 = arith.constant 0 : i32
        %dma_start3A_159 = arith.constant 0 : i32
        %dma_start3A_160 = tpu.memref_slice %arg2[%add3A_141, %dma_start3A_158, %dma_start3A_159] : memref<5040x2x128xi32, #tpu.memory_space<hbm>> -> memref<1x2x128xi32, #tpu.memory_space<hbm>>
        %dma_start3A_161 = tpu.memref_squeeze %dma_start3A_160 : memref<1x2x128xi32, #tpu.memory_space<hbm>> -> memref<2x128xi32, #tpu.memory_space<hbm>>
        %dma_start3A_162 = arith.constant 0 : i32
        %dma_start3A_163 = arith.constant 0 : i32
        %dma_start3A_164 = tpu.memref_slice %arg2[%add3A_141, %dma_start3A_162, %dma_start3A_163] : memref<5040x2x128xi32, #tpu.memory_space<hbm>> -> memref<1x2x128xi32, #tpu.memory_space<hbm>>
        %dma_start3A_165 = tpu.memref_squeeze %dma_start3A_164 : memref<1x2x128xi32, #tpu.memory_space<hbm>> -> memref<2x128xi32, #tpu.memory_space<hbm>>
        tpu.enqueue_dma source(%dma_start3A_165 : memref<2x128xi32, #tpu.memory_space<hbm>>) target(%arg7 : memref<2x128xi32, #tpu.memory_space<vmem>>) target_semaphore(%run_scoped3A_157 : memref<!tpu.dma_semaphore, #tpu.memory_space<semaphore_mem>>)
        %dma_wait3A_166 = arith.constant 0 : i32
        %dma_wait3A_167 = arith.constant 0 : i32
        %dma_wait3A_168 = tpu.memref_slice %arg2[%add3A_141, %dma_wait3A_166, %dma_wait3A_167] : memref<5040x2x128xi32, #tpu.memory_space<hbm>> -> memref<1x2x128xi32, #tpu.memory_space<hbm>>
        %dma_wait3A_169 = tpu.memref_squeeze %dma_wait3A_168 : memref<1x2x128xi32, #tpu.memory_space<hbm>> -> memref<2x128xi32, #tpu.memory_space<hbm>>
        %dma_wait3A_170 = arith.constant 0 : i32
        %dma_wait3A_171 = arith.constant 0 : i32
        %dma_wait3A_172 = tpu.memref_slice %arg2[%add3A_141, %dma_wait3A_170, %dma_wait3A_171] : memref<5040x2x128xi32, #tpu.memory_space<hbm>> -> memref<1x2x128xi32, #tpu.memory_space<hbm>>
        %dma_wait3A_173 = tpu.memref_squeeze %dma_wait3A_172 : memref<1x2x128xi32, #tpu.memory_space<hbm>> -> memref<2x128xi32, #tpu.memory_space<hbm>>
        tpu.wait_dma2 semaphore(%run_scoped3A_157 : memref<!tpu.dma_semaphore, #tpu.memory_space<semaphore_mem>>) src(%dma_wait3A_173 : memref<2x128xi32, #tpu.memory_space<hbm>>) dst(%arg7 : memref<2x128xi32, #tpu.memory_space<vmem>>)
        tpu.yield
      }) : () -> ()
      %dma_start3A_142 = arith.constant 1 : i32
      %dma_start3A_143 = arith.constant 0 : i32
      %dma_start3A_144 = tpu.memref_slice %arg7[%dma_start3A_142, %dma_start3A_143] : memref<2x128xi32, #tpu.memory_space<vmem>> -> memref<1x128xi32, #tpu.memory_space<vmem>>
      %dma_start3A_145 = tpu.memref_squeeze %dma_start3A_144 : memref<1x128xi32, #tpu.memory_space<vmem>> -> memref<128xi32, #tpu.memory_space<vmem>>
      %dma_start3A_146 = arith.constant 0 : i32
      %dma_start3A_147 = arith.constant 0 : i32
      %dma_start3A_148 = tpu.memref_slice %arg3[%dma_start3A_146, %dma_start3A_147] : memref<10000x128xf32, #tpu.memory_space<hbm>> -> memref<10000x128xf32, #tpu.memory_space<hbm>>
      tpu.enqueue_indirect_dma source(%dma_start3A_148 : memref<10000x128xf32, #tpu.memory_space<hbm>>) target(%arg10 : memref<128x128xf32, #tpu.memory_space<vmem>>) offsets(%dma_start3A_145 : memref<128xi32, #tpu.memory_space<vmem>>) semaphore(%arg14 : memref<!tpu.dma_semaphore, #tpu.memory_space<semaphore_mem>>)
      %dma_wait3A_149 = arith.constant 1 : i32
      %dma_wait3A_150 = arith.constant 0 : i32
      %dma_wait3A_151 = tpu.memref_slice %arg8[%dma_wait3A_149, %dma_wait3A_150] : memref<2x128xi32, #tpu.memory_space<vmem>> -> memref<1x128xi32, #tpu.memory_space<vmem>>
      %dma_wait3A_152 = tpu.memref_squeeze %dma_wait3A_151 : memref<1x128xi32, #tpu.memory_space<vmem>> -> memref<128xi32, #tpu.memory_space<vmem>>
      %dma_wait3A_153 = arith.constant 0 : i32
      %dma_wait3A_154 = arith.constant 0 : i32
      %dma_wait3A_155 = tpu.memref_slice %arg3[%dma_wait3A_153, %dma_wait3A_154] : memref<10000x128xf32, #tpu.memory_space<hbm>> -> memref<10000x128xf32, #tpu.memory_space<hbm>>
      tpu.wait_indirect_dma semaphore(%arg15 : memref<!tpu.dma_semaphore, #tpu.memory_space<semaphore_mem>>) src(%dma_wait3A_155 : memref<10000x128xf32, #tpu.memory_space<hbm>>) dst(%arg11 : memref<128x128xf32, #tpu.memory_space<vmem>>)
      %run_scoped3A_156 = arith.constant 0 : i32
      "tpu.region"() ({
        %run_scoped3A_157 = tpu.sem_alloc : memref<!tpu.dma_semaphore, #tpu.memory_space<semaphore_mem>>
        %dma_start3A_158 = arith.constant 0 : i32
        %dma_start3A_159 = tpu.memref_slice %arg8[%run_scoped3A_156, %dma_start3A_158] : memref<2x128xi32, #tpu.memory_space<vmem>> -> memref<1x128xi32, #tpu.memory_space<vmem>>
        %dma_start3A_160 = tpu.memref_squeeze %dma_start3A_159 : memref<1x128xi32, #tpu.memory_space<vmem>> -> memref<128xi32, #tpu.memory_space<vmem>>
        %dma_start3A_161 = arith.constant 0 : i32
        %dma_start3A_162 = arith.constant 0 : i32
        %dma_start3A_163 = tpu.memref_slice %arg12[%dma_start3A_161, %dma_start3A_162] : memref<10016x128xf32, #tpu.memory_space<vmem_shared>> -> memref<10016x128xf32, #tpu.memory_space<vmem_shared>>
        tpu.enqueue_indirect_dma source(%arg11 : memref<128x128xf32, #tpu.memory_space<vmem>>) target(%dma_start3A_163 : memref<10016x128xf32, #tpu.memory_space<vmem_shared>>) offsets(%dma_start3A_160 : memref<128xi32, #tpu.memory_space<vmem>>) semaphore(%run_scoped3A_157 : memref<!tpu.dma_semaphore, #tpu.memory_space<semaphore_mem>>) {add = true}
        %dma_wait3A_164 = arith.constant 0 : i32
        %dma_wait3A_165 = tpu.memref_slice %arg8[%run_scoped3A_156, %dma_wait3A_164] : memref<2x128xi32, #tpu.memory_space<vmem>> -> memref<1x128xi32, #tpu.memory_space<vmem>>
        %dma_wait3A_166 = tpu.memref_squeeze %dma_wait3A_165 : memref<1x128xi32, #tpu.memory_space<vmem>> -> memref<128xi32, #tpu.memory_space<vmem>>
        %dma_wait3A_167 = arith.constant 0 : i32
        %dma_wait3A_168 = arith.constant 0 : i32
        %dma_wait3A_169 = tpu.memref_slice %arg12[%dma_wait3A_167, %dma_wait3A_168] : memref<10016x128xf32, #tpu.memory_space<vmem_shared>> -> memref<10016x128xf32, #tpu.memory_space<vmem_shared>>
        tpu.wait_indirect_dma semaphore(%run_scoped3A_157 : memref<!tpu.dma_semaphore, #tpu.memory_space<semaphore_mem>>) src(%arg11 : memref<128x128xf32, #tpu.memory_space<vmem>>) dst(%dma_wait3A_169 : memref<10016x128xf32, #tpu.memory_space<vmem_shared>>)
        tpu.yield
      }) : () -> ()
    }
    %while3A_56 = arith.constant 1 : i32
    scf.for %while3A_100 = %while3A_54 to %while3A_50 step %while3A_56  : i32 {
      %mul3A_101 = arith.constant 3 : i32
      %mul3A_102 = arith.muli %mul3A_101, %while3A_100 : i32
      %add3A_103 = arith.constant 2 : i32
      %add3A_104 = arith.addi %mul3A_102, %add3A_103 : i32
      %add3A_105 = arith.addi %select_n3A_8, %add3A_104 : i32
      "tpu.region"() ({
        %run_scoped3A_157 = tpu.sem_alloc : memref<!tpu.dma_semaphore, #tpu.memory_space<semaphore_mem>>
        %dma_start3A_158 = arith.constant 0 : i32
        %dma_start3A_159 = arith.constant 0 : i32
        %dma_start3A_160 = tpu.memref_slice %arg2[%add3A_105, %dma_start3A_158, %dma_start3A_159] : memref<5040x2x128xi32, #tpu.memory_space<hbm>> -> memref<1x2x128xi32, #tpu.memory_space<hbm>>
        %dma_start3A_161 = tpu.memref_squeeze %dma_start3A_160 : memref<1x2x128xi32, #tpu.memory_space<hbm>> -> memref<2x128xi32, #tpu.memory_space<hbm>>
        %dma_start3A_162 = arith.constant 0 : i32
        %dma_start3A_163 = arith.constant 0 : i32
        %dma_start3A_164 = tpu.memref_slice %arg2[%add3A_105, %dma_start3A_162, %dma_start3A_163] : memref<5040x2x128xi32, #tpu.memory_space<hbm>> -> memref<1x2x128xi32, #tpu.memory_space<hbm>>
        %dma_start3A_165 = tpu.memref_squeeze %dma_start3A_164 : memref<1x2x128xi32, #tpu.memory_space<hbm>> -> memref<2x128xi32, #tpu.memory_space<hbm>>
        tpu.enqueue_dma source(%dma_start3A_165 : memref<2x128xi32, #tpu.memory_space<hbm>>) target(%arg8 : memref<2x128xi32, #tpu.memory_space<vmem>>) target_semaphore(%run_scoped3A_157 : memref<!tpu.dma_semaphore, #tpu.memory_space<semaphore_mem>>)
        %dma_wait3A_166 = arith.constant 0 : i32
        %dma_wait3A_167 = arith.constant 0 : i32
        %dma_wait3A_168 = tpu.memref_slice %arg2[%add3A_105, %dma_wait3A_166, %dma_wait3A_167] : memref<5040x2x128xi32, #tpu.memory_space<hbm>> -> memref<1x2x128xi32, #tpu.memory_space<hbm>>
        %dma_wait3A_169 = tpu.memref_squeeze %dma_wait3A_168 : memref<1x2x128xi32, #tpu.memory_space<hbm>> -> memref<2x128xi32, #tpu.memory_space<hbm>>
        %dma_wait3A_170 = arith.constant 0 : i32
        %dma_wait3A_171 = arith.constant 0 : i32
        %dma_wait3A_172 = tpu.memref_slice %arg2[%add3A_105, %dma_wait3A_170, %dma_wait3A_171] : memref<5040x2x128xi32, #tpu.memory_space<hbm>> -> memref<1x2x128xi32, #tpu.memory_space<hbm>>
        %dma_wait3A_173 = tpu.memref_squeeze %dma_wait3A_172 : memref<1x2x128xi32, #tpu.memory_space<hbm>> -> memref<2x128xi32, #tpu.memory_space<hbm>>
        tpu.wait_dma2 semaphore(%run_scoped3A_157 : memref<!tpu.dma_semaphore, #tpu.memory_space<semaphore_mem>>) src(%dma_wait3A_173 : memref<2x128xi32, #tpu.memory_space<hbm>>) dst(%arg8 : memref<2x128xi32, #tpu.memory_space<vmem>>)
        tpu.yield
      }) : () -> ()
      %dma_start3A_106 = arith.constant 1 : i32
      %dma_start3A_107 = arith.constant 0 : i32
      %dma_start3A_108 = tpu.memref_slice %arg8[%dma_start3A_106, %dma_start3A_107] : memref<2x128xi32, #tpu.memory_space<vmem>> -> memref<1x128xi32, #tpu.memory_space<vmem>>
      %dma_start3A_109 = tpu.memref_squeeze %dma_start3A_108 : memref<1x128xi32, #tpu.memory_space<vmem>> -> memref<128xi32, #tpu.memory_space<vmem>>
      %dma_start3A_110 = arith.constant 0 : i32
      %dma_start3A_111 = arith.constant 0 : i32
      %dma_start3A_112 = tpu.memref_slice %arg3[%dma_start3A_110, %dma_start3A_111] : memref<10000x128xf32, #tpu.memory_space<hbm>> -> memref<10000x128xf32, #tpu.memory_space<hbm>>
      tpu.enqueue_indirect_dma source(%dma_start3A_112 : memref<10000x128xf32, #tpu.memory_space<hbm>>) target(%arg11 : memref<128x128xf32, #tpu.memory_space<vmem>>) offsets(%dma_start3A_109 : memref<128xi32, #tpu.memory_space<vmem>>) semaphore(%arg15 : memref<!tpu.dma_semaphore, #tpu.memory_space<semaphore_mem>>)
      %dma_wait3A_113 = arith.constant 1 : i32
      %dma_wait3A_114 = arith.constant 0 : i32
      %dma_wait3A_115 = tpu.memref_slice %arg6[%dma_wait3A_113, %dma_wait3A_114] : memref<2x128xi32, #tpu.memory_space<vmem>> -> memref<1x128xi32, #tpu.memory_space<vmem>>
      %dma_wait3A_116 = tpu.memref_squeeze %dma_wait3A_115 : memref<1x128xi32, #tpu.memory_space<vmem>> -> memref<128xi32, #tpu.memory_space<vmem>>
      %dma_wait3A_117 = arith.constant 0 : i32
      %dma_wait3A_118 = arith.constant 0 : i32
      %dma_wait3A_119 = tpu.memref_slice %arg3[%dma_wait3A_117, %dma_wait3A_118] : memref<10000x128xf32, #tpu.memory_space<hbm>> -> memref<10000x128xf32, #tpu.memory_space<hbm>>
      tpu.wait_indirect_dma semaphore(%arg13 : memref<!tpu.dma_semaphore, #tpu.memory_space<semaphore_mem>>) src(%dma_wait3A_119 : memref<10000x128xf32, #tpu.memory_space<hbm>>) dst(%arg9 : memref<128x128xf32, #tpu.memory_space<vmem>>)
      %run_scoped3A_120 = arith.constant 0 : i32
      "tpu.region"() ({
        %run_scoped3A_157 = tpu.sem_alloc : memref<!tpu.dma_semaphore, #tpu.memory_space<semaphore_mem>>
        %dma_start3A_158 = arith.constant 0 : i32
        %dma_start3A_159 = tpu.memref_slice %arg6[%run_scoped3A_120, %dma_start3A_158] : memref<2x128xi32, #tpu.memory_space<vmem>> -> memref<1x128xi32, #tpu.memory_space<vmem>>
        %dma_start3A_160 = tpu.memref_squeeze %dma_start3A_159 : memref<1x128xi32, #tpu.memory_space<vmem>> -> memref<128xi32, #tpu.memory_space<vmem>>
        %dma_start3A_161 = arith.constant 0 : i32
        %dma_start3A_162 = arith.constant 0 : i32
        %dma_start3A_163 = tpu.memref_slice %arg12[%dma_start3A_161, %dma_start3A_162] : memref<10016x128xf32, #tpu.memory_space<vmem_shared>> -> memref<10016x128xf32, #tpu.memory_space<vmem_shared>>
        tpu.enqueue_indirect_dma source(%arg9 : memref<128x128xf32, #tpu.memory_space<vmem>>) target(%dma_start3A_163 : memref<10016x128xf32, #tpu.memory_space<vmem_shared>>) offsets(%dma_start3A_160 : memref<128xi32, #tpu.memory_space<vmem>>) semaphore(%run_scoped3A_157 : memref<!tpu.dma_semaphore, #tpu.memory_space<semaphore_mem>>) {add = true}
        %dma_wait3A_164 = arith.constant 0 : i32
        %dma_wait3A_165 = tpu.memref_slice %arg6[%run_scoped3A_120, %dma_wait3A_164] : memref<2x128xi32, #tpu.memory_space<vmem>> -> memref<1x128xi32, #tpu.memory_space<vmem>>
        %dma_wait3A_166 = tpu.memref_squeeze %dma_wait3A_165 : memref<1x128xi32, #tpu.memory_space<vmem>> -> memref<128xi32, #tpu.memory_space<vmem>>
        %dma_wait3A_167 = arith.constant 0 : i32
        %dma_wait3A_168 = arith.constant 0 : i32
        %dma_wait3A_169 = tpu.memref_slice %arg12[%dma_wait3A_167, %dma_wait3A_168] : memref<10016x128xf32, #tpu.memory_space<vmem_shared>> -> memref<10016x128xf32, #tpu.memory_space<vmem_shared>>
        tpu.wait_indirect_dma semaphore(%run_scoped3A_157 : memref<!tpu.dma_semaphore, #tpu.memory_space<semaphore_mem>>) src(%arg9 : memref<128x128xf32, #tpu.memory_space<vmem>>) dst(%dma_wait3A_169 : memref<10016x128xf32, #tpu.memory_space<vmem_shared>>)
        tpu.yield
      }) : () -> ()
      %add3A_121 = arith.constant 3 : i32
      %add3A_122 = arith.addi %mul3A_102, %add3A_121 : i32
      %add3A_123 = arith.addi %select_n3A_8, %add3A_122 : i32
      "tpu.region"() ({
        %run_scoped3A_157 = tpu.sem_alloc : memref<!tpu.dma_semaphore, #tpu.memory_space<semaphore_mem>>
        %dma_start3A_158 = arith.constant 0 : i32
        %dma_start3A_159 = arith.constant 0 : i32
        %dma_start3A_160 = tpu.memref_slice %arg2[%add3A_123, %dma_start3A_158, %dma_start3A_159] : memref<5040x2x128xi32, #tpu.memory_space<hbm>> -> memref<1x2x128xi32, #tpu.memory_space<hbm>>
        %dma_start3A_161 = tpu.memref_squeeze %dma_start3A_160 : memref<1x2x128xi32, #tpu.memory_space<hbm>> -> memref<2x128xi32, #tpu.memory_space<hbm>>
        %dma_start3A_162 = arith.constant 0 : i32
        %dma_start3A_163 = arith.constant 0 : i32
        %dma_start3A_164 = tpu.memref_slice %arg2[%add3A_123, %dma_start3A_162, %dma_start3A_163] : memref<5040x2x128xi32, #tpu.memory_space<hbm>> -> memref<1x2x128xi32, #tpu.memory_space<hbm>>
        %dma_start3A_165 = tpu.memref_squeeze %dma_start3A_164 : memref<1x2x128xi32, #tpu.memory_space<hbm>> -> memref<2x128xi32, #tpu.memory_space<hbm>>
        tpu.enqueue_dma source(%dma_start3A_165 : memref<2x128xi32, #tpu.memory_space<hbm>>) target(%arg6 : memref<2x128xi32, #tpu.memory_space<vmem>>) target_semaphore(%run_scoped3A_157 : memref<!tpu.dma_semaphore, #tpu.memory_space<semaphore_mem>>)
        %dma_wait3A_166 = arith.constant 0 : i32
        %dma_wait3A_167 = arith.constant 0 : i32
        %dma_wait3A_168 = tpu.memref_slice %arg2[%add3A_123, %dma_wait3A_166, %dma_wait3A_167] : memref<5040x2x128xi32, #tpu.memory_space<hbm>> -> memref<1x2x128xi32, #tpu.memory_space<hbm>>
        %dma_wait3A_169 = tpu.memref_squeeze %dma_wait3A_168 : memref<1x2x128xi32, #tpu.memory_space<hbm>> -> memref<2x128xi32, #tpu.memory_space<hbm>>
        %dma_wait3A_170 = arith.constant 0 : i32
        %dma_wait3A_171 = arith.constant 0 : i32
        %dma_wait3A_172 = tpu.memref_slice %arg2[%add3A_123, %dma_wait3A_170, %dma_wait3A_171] : memref<5040x2x128xi32, #tpu.memory_space<hbm>> -> memref<1x2x128xi32, #tpu.memory_space<hbm>>
        %dma_wait3A_173 = tpu.memref_squeeze %dma_wait3A_172 : memref<1x2x128xi32, #tpu.memory_space<hbm>> -> memref<2x128xi32, #tpu.memory_space<hbm>>
        tpu.wait_dma2 semaphore(%run_scoped3A_157 : memref<!tpu.dma_semaphore, #tpu.memory_space<semaphore_mem>>) src(%dma_wait3A_173 : memref<2x128xi32, #tpu.memory_space<hbm>>) dst(%arg6 : memref<2x128xi32, #tpu.memory_space<vmem>>)
        tpu.yield
      }) : () -> ()
      %dma_start3A_124 = arith.constant 1 : i32
      %dma_start3A_125 = arith.constant 0 : i32
      %dma_start3A_126 = tpu.memref_slice %arg6[%dma_start3A_124, %dma_start3A_125] : memref<2x128xi32, #tpu.memory_space<vmem>> -> memref<1x128xi32, #tpu.memory_space<vmem>>
      %dma_start3A_127 = tpu.memref_squeeze %dma_start3A_126 : memref<1x128xi32, #tpu.memory_space<vmem>> -> memref<128xi32, #tpu.memory_space<vmem>>
      %dma_start3A_128 = arith.constant 0 : i32
      %dma_start3A_129 = arith.constant 0 : i32
      %dma_start3A_130 = tpu.memref_slice %arg3[%dma_start3A_128, %dma_start3A_129] : memref<10000x128xf32, #tpu.memory_space<hbm>> -> memref<10000x128xf32, #tpu.memory_space<hbm>>
      tpu.enqueue_indirect_dma source(%dma_start3A_130 : memref<10000x128xf32, #tpu.memory_space<hbm>>) target(%arg9 : memref<128x128xf32, #tpu.memory_space<vmem>>) offsets(%dma_start3A_127 : memref<128xi32, #tpu.memory_space<vmem>>) semaphore(%arg13 : memref<!tpu.dma_semaphore, #tpu.memory_space<semaphore_mem>>)
      %dma_wait3A_131 = arith.constant 1 : i32
      %dma_wait3A_132 = arith.constant 0 : i32
      %dma_wait3A_133 = tpu.memref_slice %arg7[%dma_wait3A_131, %dma_wait3A_132] : memref<2x128xi32, #tpu.memory_space<vmem>> -> memref<1x128xi32, #tpu.memory_space<vmem>>
      %dma_wait3A_134 = tpu.memref_squeeze %dma_wait3A_133 : memref<1x128xi32, #tpu.memory_space<vmem>> -> memref<128xi32, #tpu.memory_space<vmem>>
      %dma_wait3A_135 = arith.constant 0 : i32
      %dma_wait3A_136 = arith.constant 0 : i32
      %dma_wait3A_137 = tpu.memref_slice %arg3[%dma_wait3A_135, %dma_wait3A_136] : memref<10000x128xf32, #tpu.memory_space<hbm>> -> memref<10000x128xf32, #tpu.memory_space<hbm>>
      tpu.wait_indirect_dma semaphore(%arg14 : memref<!tpu.dma_semaphore, #tpu.memory_space<semaphore_mem>>) src(%dma_wait3A_137 : memref<10000x128xf32, #tpu.memory_space<hbm>>) dst(%arg10 : memref<128x128xf32, #tpu.memory_space<vmem>>)
      %run_scoped3A_138 = arith.constant 0 : i32
      "tpu.region"() ({
        %run_scoped3A_157 = tpu.sem_alloc : memref<!tpu.dma_semaphore, #tpu.memory_space<semaphore_mem>>
        %dma_start3A_158 = arith.constant 0 : i32
        %dma_start3A_159 = tpu.memref_slice %arg7[%run_scoped3A_138, %dma_start3A_158] : memref<2x128xi32, #tpu.memory_space<vmem>> -> memref<1x128xi32, #tpu.memory_space<vmem>>
        %dma_start3A_160 = tpu.memref_squeeze %dma_start3A_159 : memref<1x128xi32, #tpu.memory_space<vmem>> -> memref<128xi32, #tpu.memory_space<vmem>>
        %dma_start3A_161 = arith.constant 0 : i32
        %dma_start3A_162 = arith.constant 0 : i32
        %dma_start3A_163 = tpu.memref_slice %arg12[%dma_start3A_161, %dma_start3A_162] : memref<10016x128xf32, #tpu.memory_space<vmem_shared>> -> memref<10016x128xf32, #tpu.memory_space<vmem_shared>>
        tpu.enqueue_indirect_dma source(%arg10 : memref<128x128xf32, #tpu.memory_space<vmem>>) target(%dma_start3A_163 : memref<10016x128xf32, #tpu.memory_space<vmem_shared>>) offsets(%dma_start3A_160 : memref<128xi32, #tpu.memory_space<vmem>>) semaphore(%run_scoped3A_157 : memref<!tpu.dma_semaphore, #tpu.memory_space<semaphore_mem>>) {add = true}
        %dma_wait3A_164 = arith.constant 0 : i32
        %dma_wait3A_165 = tpu.memref_slice %arg7[%run_scoped3A_138, %dma_wait3A_164] : memref<2x128xi32, #tpu.memory_space<vmem>> -> memref<1x128xi32, #tpu.memory_space<vmem>>
        %dma_wait3A_166 = tpu.memref_squeeze %dma_wait3A_165 : memref<1x128xi32, #tpu.memory_space<vmem>> -> memref<128xi32, #tpu.memory_space<vmem>>
        %dma_wait3A_167 = arith.constant 0 : i32
        %dma_wait3A_168 = arith.constant 0 : i32
        %dma_wait3A_169 = tpu.memref_slice %arg12[%dma_wait3A_167, %dma_wait3A_168] : memref<10016x128xf32, #tpu.memory_space<vmem_shared>> -> memref<10016x128xf32, #tpu.memory_space<vmem_shared>>
        tpu.wait_indirect_dma semaphore(%run_scoped3A_157 : memref<!tpu.dma_semaphore, #tpu.memory_space<semaphore_mem>>) src(%arg10 : memref<128x128xf32, #tpu.memory_space<vmem>>) dst(%dma_wait3A_169 : memref<10016x128xf32, #tpu.memory_space<vmem_shared>>)
        tpu.yield
      }) : () -> ()
      %add3A_139 = arith.constant 4 : i32
      %add3A_140 = arith.addi %mul3A_102, %add3A_139 : i32
      %add3A_141 = arith.addi %select_n3A_8, %add3A_140 : i32
      "tpu.region"() ({
        %run_scoped3A_157 = tpu.sem_alloc : memref<!tpu.dma_semaphore, #tpu.memory_space<semaphore_mem>>
        %dma_start3A_158 = arith.constant 0 : i32
        %dma_start3A_159 = arith.constant 0 : i32
        %dma_start3A_160 = tpu.memref_slice %arg2[%add3A_141, %dma_start3A_158, %dma_start3A_159] : memref<5040x2x128xi32, #tpu.memory_space<hbm>> -> memref<1x2x128xi32, #tpu.memory_space<hbm>>
        %dma_start3A_161 = tpu.memref_squeeze %dma_start3A_160 : memref<1x2x128xi32, #tpu.memory_space<hbm>> -> memref<2x128xi32, #tpu.memory_space<hbm>>
        %dma_start3A_162 = arith.constant 0 : i32
        %dma_start3A_163 = arith.constant 0 : i32
        %dma_start3A_164 = tpu.memref_slice %arg2[%add3A_141, %dma_start3A_162, %dma_start3A_163] : memref<5040x2x128xi32, #tpu.memory_space<hbm>> -> memref<1x2x128xi32, #tpu.memory_space<hbm>>
        %dma_start3A_165 = tpu.memref_squeeze %dma_start3A_164 : memref<1x2x128xi32, #tpu.memory_space<hbm>> -> memref<2x128xi32, #tpu.memory_space<hbm>>
        tpu.enqueue_dma source(%dma_start3A_165 : memref<2x128xi32, #tpu.memory_space<hbm>>) target(%arg7 : memref<2x128xi32, #tpu.memory_space<vmem>>) target_semaphore(%run_scoped3A_157 : memref<!tpu.dma_semaphore, #tpu.memory_space<semaphore_mem>>)
        %dma_wait3A_166 = arith.constant 0 : i32
        %dma_wait3A_167 = arith.constant 0 : i32
        %dma_wait3A_168 = tpu.memref_slice %arg2[%add3A_141, %dma_wait3A_166, %dma_wait3A_167] : memref<5040x2x128xi32, #tpu.memory_space<hbm>> -> memref<1x2x128xi32, #tpu.memory_space<hbm>>
        %dma_wait3A_169 = tpu.memref_squeeze %dma_wait3A_168 : memref<1x2x128xi32, #tpu.memory_space<hbm>> -> memref<2x128xi32, #tpu.memory_space<hbm>>
        %dma_wait3A_170 = arith.constant 0 : i32
        %dma_wait3A_171 = arith.constant 0 : i32
        %dma_wait3A_172 = tpu.memref_slice %arg2[%add3A_141, %dma_wait3A_170, %dma_wait3A_171] : memref<5040x2x128xi32, #tpu.memory_space<hbm>> -> memref<1x2x128xi32, #tpu.memory_space<hbm>>
        %dma_wait3A_173 = tpu.memref_squeeze %dma_wait3A_172 : memref<1x2x128xi32, #tpu.memory_space<hbm>> -> memref<2x128xi32, #tpu.memory_space<hbm>>
        tpu.wait_dma2 semaphore(%run_scoped3A_157 : memref<!tpu.dma_semaphore, #tpu.memory_space<semaphore_mem>>) src(%dma_wait3A_173 : memref<2x128xi32, #tpu.memory_space<hbm>>) dst(%arg7 : memref<2x128xi32, #tpu.memory_space<vmem>>)
        tpu.yield
      }) : () -> ()
      %dma_start3A_142 = arith.constant 1 : i32
      %dma_start3A_143 = arith.constant 0 : i32
      %dma_start3A_144 = tpu.memref_slice %arg7[%dma_start3A_142, %dma_start3A_143] : memref<2x128xi32, #tpu.memory_space<vmem>> -> memref<1x128xi32, #tpu.memory_space<vmem>>
      %dma_start3A_145 = tpu.memref_squeeze %dma_start3A_144 : memref<1x128xi32, #tpu.memory_space<vmem>> -> memref<128xi32, #tpu.memory_space<vmem>>
      %dma_start3A_146 = arith.constant 0 : i32
      %dma_start3A_147 = arith.constant 0 : i32
      %dma_start3A_148 = tpu.memref_slice %arg3[%dma_start3A_146, %dma_start3A_147] : memref<10000x128xf32, #tpu.memory_space<hbm>> -> memref<10000x128xf32, #tpu.memory_space<hbm>>
      tpu.enqueue_indirect_dma source(%dma_start3A_148 : memref<10000x128xf32, #tpu.memory_space<hbm>>) target(%arg10 : memref<128x128xf32, #tpu.memory_space<vmem>>) offsets(%dma_start3A_145 : memref<128xi32, #tpu.memory_space<vmem>>) semaphore(%arg14 : memref<!tpu.dma_semaphore, #tpu.memory_space<semaphore_mem>>)
      %dma_wait3A_149 = arith.constant 1 : i32
      %dma_wait3A_150 = arith.constant 0 : i32
      %dma_wait3A_151 = tpu.memref_slice %arg8[%dma_wait3A_149, %dma_wait3A_150] : memref<2x128xi32, #tpu.memory_space<vmem>> -> memref<1x128xi32, #tpu.memory_space<vmem>>
      %dma_wait3A_152 = tpu.memref_squeeze %dma_wait3A_151 : memref<1x128xi32, #tpu.memory_space<vmem>> -> memref<128xi32, #tpu.memory_space<vmem>>
      %dma_wait3A_153 = arith.constant 0 : i32
      %dma_wait3A_154 = arith.constant 0 : i32
      %dma_wait3A_155 = tpu.memref_slice %arg3[%dma_wait3A_153, %dma_wait3A_154] : memref<10000x128xf32, #tpu.memory_space<hbm>> -> memref<10000x128xf32, #tpu.memory_space<hbm>>
      tpu.wait_indirect_dma semaphore(%arg15 : memref<!tpu.dma_semaphore, #tpu.memory_space<semaphore_mem>>) src(%dma_wait3A_155 : memref<10000x128xf32, #tpu.memory_space<hbm>>) dst(%arg11 : memref<128x128xf32, #tpu.memory_space<vmem>>)
      %run_scoped3A_156 = arith.constant 0 : i32
      "tpu.region"() ({
        %run_scoped3A_157 = tpu.sem_alloc : memref<!tpu.dma_semaphore, #tpu.memory_space<semaphore_mem>>
        %dma_start3A_158 = arith.constant 0 : i32
        %dma_start3A_159 = tpu.memref_slice %arg8[%run_scoped3A_156, %dma_start3A_158] : memref<2x128xi32, #tpu.memory_space<vmem>> -> memref<1x128xi32, #tpu.memory_space<vmem>>
        %dma_start3A_160 = tpu.memref_squeeze %dma_start3A_159 : memref<1x128xi32, #tpu.memory_space<vmem>> -> memref<128xi32, #tpu.memory_space<vmem>>
        %dma_start3A_161 = arith.constant 0 : i32
        %dma_start3A_162 = arith.constant 0 : i32
        %dma_start3A_163 = tpu.memref_slice %arg12[%dma_start3A_161, %dma_start3A_162] : memref<10016x128xf32, #tpu.memory_space<vmem_shared>> -> memref<10016x128xf32, #tpu.memory_space<vmem_shared>>
        tpu.enqueue_indirect_dma source(%arg11 : memref<128x128xf32, #tpu.memory_space<vmem>>) target(%dma_start3A_163 : memref<10016x128xf32, #tpu.memory_space<vmem_shared>>) offsets(%dma_start3A_160 : memref<128xi32, #tpu.memory_space<vmem>>) semaphore(%run_scoped3A_157 : memref<!tpu.dma_semaphore, #tpu.memory_space<semaphore_mem>>) {add = true}
        %dma_wait3A_164 = arith.constant 0 : i32
        %dma_wait3A_165 = tpu.memref_slice %arg8[%run_scoped3A_156, %dma_wait3A_164] : memref<2x128xi32, #tpu.memory_space<vmem>> -> memref<1x128xi32, #tpu.memory_space<vmem>>
        %dma_wait3A_166 = tpu.memref_squeeze %dma_wait3A_165 : memref<1x128xi32, #tpu.memory_space<vmem>> -> memref<128xi32, #tpu.memory_space<vmem>>
        %dma_wait3A_167 = arith.constant 0 : i32
        %dma_wait3A_168 = arith.constant 0 : i32
        %dma_wait3A_169 = tpu.memref_slice %arg12[%dma_wait3A_167, %dma_wait3A_168] : memref<10016x128xf32, #tpu.memory_space<vmem_shared>> -> memref<10016x128xf32, #tpu.memory_space<vmem_shared>>
        tpu.wait_indirect_dma semaphore(%run_scoped3A_157 : memref<!tpu.dma_semaphore, #tpu.memory_space<semaphore_mem>>) src(%arg11 : memref<128x128xf32, #tpu.memory_space<vmem>>) dst(%dma_wait3A_169 : memref<10016x128xf32, #tpu.memory_space<vmem_shared>>)
        tpu.yield
      }) : () -> ()
    }
    %sub3A_57 = arith.constant 1 : i32
    %sub3A_58 = arith.subi %select_n3A, %sub3A_57 : i32
    %add3A_59 = arith.addi %select_n3A_8, %sub3A_58 : i32
    "tpu.region"() ({
      %run_scoped3A_100 = tpu.sem_alloc : memref<!tpu.dma_semaphore, #tpu.memory_space<semaphore_mem>>
      %dma_start3A_101 = arith.constant 0 : i32
      %dma_start3A_102 = arith.constant 0 : i32
      %dma_start3A_103 = tpu.memref_slice %arg2[%add3A_59, %dma_start3A_101, %dma_start3A_102] : memref<5040x2x128xi32, #tpu.memory_space<hbm>> -> memref<1x2x128xi32, #tpu.memory_space<hbm>>
      %dma_start3A_104 = tpu.memref_squeeze %dma_start3A_103 : memref<1x2x128xi32, #tpu.memory_space<hbm>> -> memref<2x128xi32, #tpu.memory_space<hbm>>
      %dma_start3A_105 = arith.constant 0 : i32
      %dma_start3A_106 = arith.constant 0 : i32
      %dma_start3A_107 = tpu.memref_slice %arg2[%add3A_59, %dma_start3A_105, %dma_start3A_106] : memref<5040x2x128xi32, #tpu.memory_space<hbm>> -> memref<1x2x128xi32, #tpu.memory_space<hbm>>
      %dma_start3A_108 = tpu.memref_squeeze %dma_start3A_107 : memref<1x2x128xi32, #tpu.memory_space<hbm>> -> memref<2x128xi32, #tpu.memory_space<hbm>>
      tpu.enqueue_dma source(%dma_start3A_108 : memref<2x128xi32, #tpu.memory_space<hbm>>) target(%arg8 : memref<2x128xi32, #tpu.memory_space<vmem>>) target_semaphore(%run_scoped3A_100 : memref<!tpu.dma_semaphore, #tpu.memory_space<semaphore_mem>>)
      %dma_wait3A_109 = arith.constant 0 : i32
      %dma_wait3A_110 = arith.constant 0 : i32
      %dma_wait3A_111 = tpu.memref_slice %arg2[%add3A_59, %dma_wait3A_109, %dma_wait3A_110] : memref<5040x2x128xi32, #tpu.memory_space<hbm>> -> memref<1x2x128xi32, #tpu.memory_space<hbm>>
      %dma_wait3A_112 = tpu.memref_squeeze %dma_wait3A_111 : memref<1x2x128xi32, #tpu.memory_space<hbm>> -> memref<2x128xi32, #tpu.memory_space<hbm>>
      %dma_wait3A_113 = arith.constant 0 : i32
      %dma_wait3A_114 = arith.constant 0 : i32
      %dma_wait3A_115 = tpu.memref_slice %arg2[%add3A_59, %dma_wait3A_113, %dma_wait3A_114] : memref<5040x2x128xi32, #tpu.memory_space<hbm>> -> memref<1x2x128xi32, #tpu.memory_space<hbm>>
      %dma_wait3A_116 = tpu.memref_squeeze %dma_wait3A_115 : memref<1x2x128xi32, #tpu.memory_space<hbm>> -> memref<2x128xi32, #tpu.memory_space<hbm>>
      tpu.wait_dma2 semaphore(%run_scoped3A_100 : memref<!tpu.dma_semaphore, #tpu.memory_space<semaphore_mem>>) src(%dma_wait3A_116 : memref<2x128xi32, #tpu.memory_space<hbm>>) dst(%arg8 : memref<2x128xi32, #tpu.memory_space<vmem>>)
      tpu.yield
    }) : () -> ()
    %dma_start3A_60 = arith.constant 1 : i32
    %dma_start3A_61 = arith.constant 0 : i32
    %dma_start3A_62 = tpu.memref_slice %arg8[%dma_start3A_60, %dma_start3A_61] : memref<2x128xi32, #tpu.memory_space<vmem>> -> memref<1x128xi32, #tpu.memory_space<vmem>>
    %dma_start3A_63 = tpu.memref_squeeze %dma_start3A_62 : memref<1x128xi32, #tpu.memory_space<vmem>> -> memref<128xi32, #tpu.memory_space<vmem>>
    %dma_start3A_64 = arith.constant 0 : i32
    %dma_start3A_65 = arith.constant 0 : i32
    %dma_start3A_66 = tpu.memref_slice %arg3[%dma_start3A_64, %dma_start3A_65] : memref<10000x128xf32, #tpu.memory_space<hbm>> -> memref<10000x128xf32, #tpu.memory_space<hbm>>
    tpu.enqueue_indirect_dma source(%dma_start3A_66 : memref<10000x128xf32, #tpu.memory_space<hbm>>) target(%arg11 : memref<128x128xf32, #tpu.memory_space<vmem>>) offsets(%dma_start3A_63 : memref<128xi32, #tpu.memory_space<vmem>>) semaphore(%arg15 : memref<!tpu.dma_semaphore, #tpu.memory_space<semaphore_mem>>)
    %dma_wait3A = arith.constant 1 : i32
    %dma_wait3A_67 = arith.constant 0 : i32
    %dma_wait3A_68 = tpu.memref_slice %arg6[%dma_wait3A, %dma_wait3A_67] : memref<2x128xi32, #tpu.memory_space<vmem>> -> memref<1x128xi32, #tpu.memory_space<vmem>>
    %dma_wait3A_69 = tpu.memref_squeeze %dma_wait3A_68 : memref<1x128xi32, #tpu.memory_space<vmem>> -> memref<128xi32, #tpu.memory_space<vmem>>
    %dma_wait3A_70 = arith.constant 0 : i32
    %dma_wait3A_71 = arith.constant 0 : i32
    %dma_wait3A_72 = tpu.memref_slice %arg3[%dma_wait3A_70, %dma_wait3A_71] : memref<10000x128xf32, #tpu.memory_space<hbm>> -> memref<10000x128xf32, #tpu.memory_space<hbm>>
    tpu.wait_indirect_dma semaphore(%arg13 : memref<!tpu.dma_semaphore, #tpu.memory_space<semaphore_mem>>) src(%dma_wait3A_72 : memref<10000x128xf32, #tpu.memory_space<hbm>>) dst(%arg9 : memref<128x128xf32, #tpu.memory_space<vmem>>)
    %run_scoped3A = arith.constant 0 : i32
    "tpu.region"() ({
      %run_scoped3A_100 = tpu.sem_alloc : memref<!tpu.dma_semaphore, #tpu.memory_space<semaphore_mem>>
      %dma_start3A_101 = arith.constant 0 : i32
      %dma_start3A_102 = tpu.memref_slice %arg6[%run_scoped3A, %dma_start3A_101] : memref<2x128xi32, #tpu.memory_space<vmem>> -> memref<1x128xi32, #tpu.memory_space<vmem>>
      %dma_start3A_103 = tpu.memref_squeeze %dma_start3A_102 : memref<1x128xi32, #tpu.memory_space<vmem>> -> memref<128xi32, #tpu.memory_space<vmem>>
      %dma_start3A_104 = arith.constant 0 : i32
      %dma_start3A_105 = arith.constant 0 : i32
      %dma_start3A_106 = tpu.memref_slice %arg12[%dma_start3A_104, %dma_start3A_105] : memref<10016x128xf32, #tpu.memory_space<vmem_shared>> -> memref<10016x128xf32, #tpu.memory_space<vmem_shared>>
      tpu.enqueue_indirect_dma source(%arg9 : memref<128x128xf32, #tpu.memory_space<vmem>>) target(%dma_start3A_106 : memref<10016x128xf32, #tpu.memory_space<vmem_shared>>) offsets(%dma_start3A_103 : memref<128xi32, #tpu.memory_space<vmem>>) semaphore(%run_scoped3A_100 : memref<!tpu.dma_semaphore, #tpu.memory_space<semaphore_mem>>) {add = true}
      %dma_wait3A_107 = arith.constant 0 : i32
      %dma_wait3A_108 = tpu.memref_slice %arg6[%run_scoped3A, %dma_wait3A_107] : memref<2x128xi32, #tpu.memory_space<vmem>> -> memref<1x128xi32, #tpu.memory_space<vmem>>
      %dma_wait3A_109 = tpu.memref_squeeze %dma_wait3A_108 : memref<1x128xi32, #tpu.memory_space<vmem>> -> memref<128xi32, #tpu.memory_space<vmem>>
      %dma_wait3A_110 = arith.constant 0 : i32
      %dma_wait3A_111 = arith.constant 0 : i32
      %dma_wait3A_112 = tpu.memref_slice %arg12[%dma_wait3A_110, %dma_wait3A_111] : memref<10016x128xf32, #tpu.memory_space<vmem_shared>> -> memref<10016x128xf32, #tpu.memory_space<vmem_shared>>
      tpu.wait_indirect_dma semaphore(%run_scoped3A_100 : memref<!tpu.dma_semaphore, #tpu.memory_space<semaphore_mem>>) src(%arg9 : memref<128x128xf32, #tpu.memory_space<vmem>>) dst(%dma_wait3A_112 : memref<10016x128xf32, #tpu.memory_space<vmem_shared>>)
      tpu.yield
    }) : () -> ()
    %dma_wait3A_73 = arith.constant 1 : i32
    %dma_wait3A_74 = arith.constant 0 : i32
    %dma_wait3A_75 = tpu.memref_slice %arg7[%dma_wait3A_73, %dma_wait3A_74] : memref<2x128xi32, #tpu.memory_space<vmem>> -> memref<1x128xi32, #tpu.memory_space<vmem>>
    %dma_wait3A_76 = tpu.memref_squeeze %dma_wait3A_75 : memref<1x128xi32, #tpu.memory_space<vmem>> -> memref<128xi32, #tpu.memory_space<vmem>>
    %dma_wait3A_77 = arith.constant 0 : i32
    %dma_wait3A_78 = arith.constant 0 : i32
    %dma_wait3A_79 = tpu.memref_slice %arg3[%dma_wait3A_77, %dma_wait3A_78] : memref<10000x128xf32, #tpu.memory_space<hbm>> -> memref<10000x128xf32, #tpu.memory_space<hbm>>
    tpu.wait_indirect_dma semaphore(%arg14 : memref<!tpu.dma_semaphore, #tpu.memory_space<semaphore_mem>>) src(%dma_wait3A_79 : memref<10000x128xf32, #tpu.memory_space<hbm>>) dst(%arg10 : memref<128x128xf32, #tpu.memory_space<vmem>>)
    %run_scoped3A_80 = arith.constant 0 : i32
    "tpu.region"() ({
      %run_scoped3A_100 = tpu.sem_alloc : memref<!tpu.dma_semaphore, #tpu.memory_space<semaphore_mem>>
      %dma_start3A_101 = arith.constant 0 : i32
      %dma_start3A_102 = tpu.memref_slice %arg7[%run_scoped3A_80, %dma_start3A_101] : memref<2x128xi32, #tpu.memory_space<vmem>> -> memref<1x128xi32, #tpu.memory_space<vmem>>
      %dma_start3A_103 = tpu.memref_squeeze %dma_start3A_102 : memref<1x128xi32, #tpu.memory_space<vmem>> -> memref<128xi32, #tpu.memory_space<vmem>>
      %dma_start3A_104 = arith.constant 0 : i32
      %dma_start3A_105 = arith.constant 0 : i32
      %dma_start3A_106 = tpu.memref_slice %arg12[%dma_start3A_104, %dma_start3A_105] : memref<10016x128xf32, #tpu.memory_space<vmem_shared>> -> memref<10016x128xf32, #tpu.memory_space<vmem_shared>>
      tpu.enqueue_indirect_dma source(%arg10 : memref<128x128xf32, #tpu.memory_space<vmem>>) target(%dma_start3A_106 : memref<10016x128xf32, #tpu.memory_space<vmem_shared>>) offsets(%dma_start3A_103 : memref<128xi32, #tpu.memory_space<vmem>>) semaphore(%run_scoped3A_100 : memref<!tpu.dma_semaphore, #tpu.memory_space<semaphore_mem>>) {add = true}
      %dma_wait3A_107 = arith.constant 0 : i32
      %dma_wait3A_108 = tpu.memref_slice %arg7[%run_scoped3A_80, %dma_wait3A_107] : memref<2x128xi32, #tpu.memory_space<vmem>> -> memref<1x128xi32, #tpu.memory_space<vmem>>
      %dma_wait3A_109 = tpu.memref_squeeze %dma_wait3A_108 : memref<1x128xi32, #tpu.memory_space<vmem>> -> memref<128xi32, #tpu.memory_space<vmem>>
      %dma_wait3A_110 = arith.constant 0 : i32
      %dma_wait3A_111 = arith.constant 0 : i32
      %dma_wait3A_112 = tpu.memref_slice %arg12[%dma_wait3A_110, %dma_wait3A_111] : memref<10016x128xf32, #tpu.memory_space<vmem_shared>> -> memref<10016x128xf32, #tpu.memory_space<vmem_shared>>
      tpu.wait_indirect_dma semaphore(%run_scoped3A_100 : memref<!tpu.dma_semaphore, #tpu.memory_space<semaphore_mem>>) src(%arg10 : memref<128x128xf32, #tpu.memory_space<vmem>>) dst(%dma_wait3A_112 : memref<10016x128xf32, #tpu.memory_space<vmem_shared>>)
      tpu.yield
    }) : () -> ()
    %dma_wait3A_81 = arith.constant 1 : i32
    %dma_wait3A_82 = arith.constant 0 : i32
    %dma_wait3A_83 = tpu.memref_slice %arg8[%dma_wait3A_81, %dma_wait3A_82] : memref<2x128xi32, #tpu.memory_space<vmem>> -> memref<1x128xi32, #tpu.memory_space<vmem>>
    %dma_wait3A_84 = tpu.memref_squeeze %dma_wait3A_83 : memref<1x128xi32, #tpu.memory_space<vmem>> -> memref<128xi32, #tpu.memory_space<vmem>>
    %dma_wait3A_85 = arith.constant 0 : i32
    %dma_wait3A_86 = arith.constant 0 : i32
    %dma_wait3A_87 = tpu.memref_slice %arg3[%dma_wait3A_85, %dma_wait3A_86] : memref<10000x128xf32, #tpu.memory_space<hbm>> -> memref<10000x128xf32, #tpu.memory_space<hbm>>
    tpu.wait_indirect_dma semaphore(%arg15 : memref<!tpu.dma_semaphore, #tpu.memory_space<semaphore_mem>>) src(%dma_wait3A_87 : memref<10000x128xf32, #tpu.memory_space<hbm>>) dst(%arg11 : memref<128x128xf32, #tpu.memory_space<vmem>>)
    %run_scoped3A_88 = arith.constant 0 : i32
    "tpu.region"() ({
      %run_scoped3A_100 = tpu.sem_alloc : memref<!tpu.dma_semaphore, #tpu.memory_space<semaphore_mem>>
      %dma_start3A_101 = arith.constant 0 : i32
      %dma_start3A_102 = tpu.memref_slice %arg8[%run_scoped3A_88, %dma_start3A_101] : memref<2x128xi32, #tpu.memory_space<vmem>> -> memref<1x128xi32, #tpu.memory_space<vmem>>
      %dma_start3A_103 = tpu.memref_squeeze %dma_start3A_102 : memref<1x128xi32, #tpu.memory_space<vmem>> -> memref<128xi32, #tpu.memory_space<vmem>>
      %dma_start3A_104 = arith.constant 0 : i32
      %dma_start3A_105 = arith.constant 0 : i32
      %dma_start3A_106 = tpu.memref_slice %arg12[%dma_start3A_104, %dma_start3A_105] : memref<10016x128xf32, #tpu.memory_space<vmem_shared>> -> memref<10016x128xf32, #tpu.memory_space<vmem_shared>>
      tpu.enqueue_indirect_dma source(%arg11 : memref<128x128xf32, #tpu.memory_space<vmem>>) target(%dma_start3A_106 : memref<10016x128xf32, #tpu.memory_space<vmem_shared>>) offsets(%dma_start3A_103 : memref<128xi32, #tpu.memory_space<vmem>>) semaphore(%run_scoped3A_100 : memref<!tpu.dma_semaphore, #tpu.memory_space<semaphore_mem>>) {add = true}
      %dma_wait3A_107 = arith.constant 0 : i32
      %dma_wait3A_108 = tpu.memref_slice %arg8[%run_scoped3A_88, %dma_wait3A_107] : memref<2x128xi32, #tpu.memory_space<vmem>> -> memref<1x128xi32, #tpu.memory_space<vmem>>
      %dma_wait3A_109 = tpu.memref_squeeze %dma_wait3A_108 : memref<1x128xi32, #tpu.memory_space<vmem>> -> memref<128xi32, #tpu.memory_space<vmem>>
      %dma_wait3A_110 = arith.constant 0 : i32
      %dma_wait3A_111 = arith.constant 0 : i32
      %dma_wait3A_112 = tpu.memref_slice %arg12[%dma_wait3A_110, %dma_wait3A_111] : memref<10016x128xf32, #tpu.memory_space<vmem_shared>> -> memref<10016x128xf32, #tpu.memory_space<vmem_shared>>
      tpu.wait_indirect_dma semaphore(%run_scoped3A_100 : memref<!tpu.dma_semaphore, #tpu.memory_space<semaphore_mem>>) src(%arg11 : memref<128x128xf32, #tpu.memory_space<vmem>>) dst(%dma_wait3A_112 : memref<10016x128xf32, #tpu.memory_space<vmem_shared>>)
      tpu.yield
    }) : () -> ()
    %barrier3A_89 = arith.constant 0 : index
    tpu.barrier barrier_id(%barrier3A_89)
    %mul3A_90 = arith.constant 624 : i32
    %mul3A_91 = arith.muli %arg1, %mul3A_90 : i32
    %mul3A_92 = arith.constant 10000 : i32
    %mul3A_93 = arith.muli %arg0, %mul3A_92 : i32
    %mul3A_94 = arith.constant 624 : i32
    %mul3A_95 = arith.muli %arg1, %mul3A_94 : i32
    %add3A_96 = arith.addi %mul3A_93, %mul3A_95 : i32
    "tpu.region"() ({
      %run_scoped3A_100 = tpu.sem_alloc : memref<!tpu.dma_semaphore, #tpu.memory_space<semaphore_mem>>
      %dma_start3A_101 = arith.constant 0 : i32
      %dma_start3A_102 = tpu.memref_slice %arg5[%add3A_96, %dma_start3A_101] : memref<20000x128xf32, #tpu.memory_space<hbm>> -> memref<624x128xf32, #tpu.memory_space<hbm>>
      %dma_start3A_103 = arith.constant 0 : i32
      %dma_start3A_104 = tpu.memref_slice %arg12[%mul3A_91, %dma_start3A_103] : memref<10016x128xf32, #tpu.memory_space<vmem_shared>> -> memref<624x128xf32, #tpu.memory_space<vmem_shared>>
      tpu.enqueue_dma source(%dma_start3A_104 : memref<624x128xf32, #tpu.memory_space<vmem_shared>>) target(%dma_start3A_102 : memref<624x128xf32, #tpu.memory_space<hbm>>) target_semaphore(%run_scoped3A_100 : memref<!tpu.dma_semaphore, #tpu.memory_space<semaphore_mem>>)
      %dma_wait3A_105 = arith.constant 0 : i32
      %dma_wait3A_106 = tpu.memref_slice %arg5[%add3A_96, %dma_wait3A_105] : memref<20000x128xf32, #tpu.memory_space<hbm>> -> memref<624x128xf32, #tpu.memory_space<hbm>>
      %dma_wait3A_107 = arith.constant 0 : i32
      %dma_wait3A_108 = tpu.memref_slice %arg12[%mul3A_91, %dma_wait3A_107] : memref<10016x128xf32, #tpu.memory_space<vmem_shared>> -> memref<624x128xf32, #tpu.memory_space<vmem_shared>>
      tpu.wait_dma2 semaphore(%run_scoped3A_100 : memref<!tpu.dma_semaphore, #tpu.memory_space<semaphore_mem>>) src(%dma_wait3A_108 : memref<624x128xf32, #tpu.memory_space<vmem_shared>>) dst(%dma_wait3A_106 : memref<624x128xf32, #tpu.memory_space<hbm>>)
      tpu.yield
    }) : () -> ()
    %eq3A_97 = arith.constant 15 : i32
    %eq3A_98 = arith.cmpi eq, %arg1, %eq3A_97 : i32
    %convert_element_type3A = arith.extui %eq3A_98 : i1 to i32
    %cond3A = arith.constant 0 : i32
    %cond3A_99 = arith.cmpi ne, %convert_element_type3A, %cond3A : i32
    scf.if %cond3A_99 {
      %mul3A_100 = arith.constant 10000 : i32
      %mul3A_101 = arith.muli %arg0, %mul3A_100 : i32
      %add3A_102 = arith.constant 9984 : i32
      %add3A_103 = arith.addi %mul3A_101, %add3A_102 : i32
      "tpu.region"() ({
        %run_scoped3A_104 = tpu.sem_alloc : memref<!tpu.dma_semaphore, #tpu.memory_space<semaphore_mem>>
        %dma_start3A_105 = arith.constant 0 : i32
        %dma_start3A_106 = tpu.memref_slice %arg5[%add3A_103, %dma_start3A_105] : memref<20000x128xf32, #tpu.memory_space<hbm>> -> memref<16x128xf32, #tpu.memory_space<hbm>>
        %dma_start3A_107 = arith.constant 9984 : i32
        %dma_start3A_108 = arith.constant 0 : i32
        %dma_start3A_109 = tpu.memref_slice %arg12[%dma_start3A_107, %dma_start3A_108] : memref<10016x128xf32, #tpu.memory_space<vmem_shared>> -> memref<16x128xf32, #tpu.memory_space<vmem_shared>>
        tpu.enqueue_dma source(%dma_start3A_109 : memref<16x128xf32, #tpu.memory_space<vmem_shared>>) target(%dma_start3A_106 : memref<16x128xf32, #tpu.memory_space<hbm>>) target_semaphore(%run_scoped3A_104 : memref<!tpu.dma_semaphore, #tpu.memory_space<semaphore_mem>>)
        %dma_wait3A_110 = arith.constant 0 : i32
        %dma_wait3A_111 = tpu.memref_slice %arg5[%add3A_103, %dma_wait3A_110] : memref<20000x128xf32, #tpu.memory_space<hbm>> -> memref<16x128xf32, #tpu.memory_space<hbm>>
        %dma_wait3A_112 = arith.constant 9984 : i32
        %dma_wait3A_113 = arith.constant 0 : i32
        %dma_wait3A_114 = tpu.memref_slice %arg12[%dma_wait3A_112, %dma_wait3A_113] : memref<10016x128xf32, #tpu.memory_space<vmem_shared>> -> memref<16x128xf32, #tpu.memory_space<vmem_shared>>
        tpu.wait_dma2 semaphore(%run_scoped3A_104 : memref<!tpu.dma_semaphore, #tpu.memory_space<semaphore_mem>>) src(%dma_wait3A_114 : memref<16x128xf32, #tpu.memory_space<vmem_shared>>) dst(%dma_wait3A_111 : memref<16x128xf32, #tpu.memory_space<hbm>>)
        tpu.yield
      }) : () -> ()
    } else {
    }
    return
  }
}

module attributes {stable_mosaic.version = 14 : i64} {
  func.func @body(%arg0: i32, %arg1: memref<1000x128xf32, #tpu.memory_space<vmem>>, %arg2: memref<64x128xf32, #tpu.memory_space<vmem>>, %arg3: memref<1x64xf32, #tpu.memory_space<vmem>>, %arg4: memref<2x1000x16xf32, #tpu.memory_space<vmem>>, %arg5: memref<2x1000x16xf32, #tpu.memory_space<vmem>>, %arg6: memref<1000x64xf32, #tpu.memory_space<vmem>>, %arg7: memref<1000x64xf32, #tpu.memory_space<vmem>>, %arg8: memref<1000x64xf32, #tpu.memory_space<vmem>>) attributes {dimension_semantics = [#tpu.dimension_semantics<arbitrary>], iteration_bounds = array<i64: 10>, scalar_prefetch = 0 : i64, scratch_operands = 0 : i64, tpu.core_type = #tpu.core_type<tc>, window_params = [{transform_indices = @transform_0, window_bounds = array<i64: 1000, 128>}, {pipeline_mode = #tpu.pipeline_mode<synchronous>, transform_indices = @transform_1, window_bounds = array<i64: 64, 128>}, {pipeline_mode = #tpu.pipeline_mode<synchronous>, transform_indices = @transform_2, window_bounds = array<i64: 1, 64>}, {transform_indices = @transform_3, window_bounds = array<i64: 2, 1000, 16>}, {transform_indices = @transform_4, window_bounds = array<i64: 2, 1000, 16>}, {transform_indices = @transform_5, window_bounds = array<i64: 1000, 64>}, {transform_indices = @transform_6, window_bounds = array<i64: 1000, 64>}, {transform_indices = @transform_7, window_bounds = array<i64: 1000, 64>}]} {
    %get3A = arith.constant 0 : index
    %get3A_0 = arith.constant 0 : index
    %get3A_1 = vector.load %arg1[%get3A, %get3A_0] : memref<1000x128xf32, #tpu.memory_space<vmem>>, vector<1000x128xf32>
    %get3A_2 = arith.constant 0 : index
    %get3A_3 = arith.constant 0 : index
    %get3A_4 = vector.load %arg2[%get3A_2, %get3A_3] : memref<64x128xf32, #tpu.memory_space<vmem>>, vector<64x128xf32>
    %dot_general3A = arith.constant dense<0.000000e+00> : vector<1000x64xf32>
    %dot_general3A_5 = tpu.matmul %get3A_1, %get3A_4, %dot_general3A {dimension_numbers = #tpu.dot_dimension_numbers<[1], [1], [0], [0], [0, 0, 1, 0], [], []>, transpose_lhs_hint = false} : vector<1000x128xf32>, vector<64x128xf32>, vector<1000x64xf32> -> vector<1000x64xf32>
    %get3A_6 = arith.constant 0 : index
    %get3A_7 = arith.constant 0 : index
    %get3A_8 = vector.load %arg3[%get3A_6, %get3A_7] : memref<1x64xf32, #tpu.memory_space<vmem>>, vector<1x64xf32>
    %add3A = vector.broadcast %get3A_8 : vector<1x64xf32> to vector<1000x64xf32>
    %add3A_9 = arith.addf %dot_general3A_5, %add3A : vector<1000x64xf32>
    %max3A = arith.constant 0.000000e+00 : f32
    %max3A_10 = vector.broadcast %max3A : f32 to vector<1000x64xf32>
    %max3A_11 = arith.maximumf %add3A_9, %max3A_10 : vector<1000x64xf32>
    %get3A_12 = arith.constant 0 : index
    %get3A_13 = arith.constant 0 : index
    %get3A_14 = arith.constant 0 : index
    %get3A_15 = vector.load %arg4[%get3A_12, %get3A_13, %get3A_14] : memref<2x1000x16xf32, #tpu.memory_space<vmem>>, vector<1x1000x1xf32>
    %get3A_16 = vector.shape_cast %get3A_15 : vector<1x1000x1xf32> to vector<1000xf32>
    %get3A_17 = arith.constant 1 : index
    %get3A_18 = arith.constant 0 : index
    %get3A_19 = arith.constant 0 : index
    %get3A_20 = vector.load %arg4[%get3A_17, %get3A_18, %get3A_19] : memref<2x1000x16xf32, #tpu.memory_space<vmem>>, vector<1x1000x1xf32>
    %get3A_21 = vector.shape_cast %get3A_20 : vector<1x1000x1xf32> to vector<1000xf32>
    %add3A_22 = arith.addf %get3A_16, %get3A_21 : vector<1000xf32>
    %add3A_23 = arith.constant 1.000000e+00 : f32
    %add3A_24 = vector.broadcast %add3A_23 : f32 to vector<1000xf32>
    %add3A_25 = arith.addf %add3A_22, %add3A_24 : vector<1000xf32>
    %rsqrt3A = math.rsqrt %add3A_25 : vector<1000xf32>
    %get3A_26 = arith.constant 0 : index
    %get3A_27 = arith.constant 0 : index
    %get3A_28 = arith.constant 0 : index
    %get3A_29 = vector.load %arg5[%get3A_26, %get3A_27, %get3A_28] : memref<2x1000x16xf32, #tpu.memory_space<vmem>>, vector<1x1000x1xf32>
    %get3A_30 = vector.shape_cast %get3A_29 : vector<1x1000x1xf32> to vector<1000xf32>
    %get3A_31 = arith.constant 1 : index
    %get3A_32 = arith.constant 0 : index
    %get3A_33 = arith.constant 0 : index
    %get3A_34 = vector.load %arg5[%get3A_31, %get3A_32, %get3A_33] : memref<2x1000x16xf32, #tpu.memory_space<vmem>>, vector<1x1000x1xf32>
    %get3A_35 = vector.shape_cast %get3A_34 : vector<1x1000x1xf32> to vector<1000xf32>
    %add3A_36 = arith.addf %get3A_30, %get3A_35 : vector<1000xf32>
    %add3A_37 = arith.constant 1.000000e+00 : f32
    %add3A_38 = vector.broadcast %add3A_37 : f32 to vector<1000xf32>
    %add3A_39 = arith.addf %add3A_36, %add3A_38 : vector<1000xf32>
    %rsqrt3A_40 = math.rsqrt %add3A_39 : vector<1000xf32>
    %swap3A = arith.constant 0 : index
    %swap3A_41 = arith.constant 0 : index
    %swap3A_42 = vector.load %arg6[%swap3A, %swap3A_41] : memref<1000x64xf32, #tpu.memory_space<vmem>>, vector<1000x64xf32>
    tpu.vector_store %arg6[%swap3A, %swap3A_41], %max3A_11 {strides = array<i32>} : memref<1000x64xf32, #tpu.memory_space<vmem>>, vector<1000x64xf32>,
    %broadcast_in_dim3A = vector.shape_cast %rsqrt3A : vector<1000xf32> to vector<1000x1xf32>
    %mul3A = vector.broadcast %broadcast_in_dim3A : vector<1000x1xf32> to vector<1000x64xf32>
    %mul3A_43 = arith.mulf %max3A_11, %mul3A : vector<1000x64xf32>
    %swap3A_44 = arith.constant 0 : index
    %swap3A_45 = arith.constant 0 : index
    %swap3A_46 = vector.load %arg7[%swap3A_44, %swap3A_45] : memref<1000x64xf32, #tpu.memory_space<vmem>>, vector<1000x64xf32>
    tpu.vector_store %arg7[%swap3A_44, %swap3A_45], %mul3A_43 {strides = array<i32>} : memref<1000x64xf32, #tpu.memory_space<vmem>>, vector<1000x64xf32>,
    %broadcast_in_dim3A_47 = vector.shape_cast %rsqrt3A_40 : vector<1000xf32> to vector<1000x1xf32>
    %mul3A_48 = vector.broadcast %broadcast_in_dim3A_47 : vector<1000x1xf32> to vector<1000x64xf32>
    %mul3A_49 = arith.mulf %max3A_11, %mul3A_48 : vector<1000x64xf32>
    %swap3A_50 = arith.constant 0 : index
    %swap3A_51 = arith.constant 0 : index
    %swap3A_52 = vector.load %arg8[%swap3A_50, %swap3A_51] : memref<1000x64xf32, #tpu.memory_space<vmem>>, vector<1000x64xf32>
    tpu.vector_store %arg8[%swap3A_50, %swap3A_51], %mul3A_49 {strides = array<i32>} : memref<1000x64xf32, #tpu.memory_space<vmem>>, vector<1000x64xf32>,
    return
  }
  func.func @transform_0(%arg0: i32) -> (i32, i32) {
    %c0_i32 = arith.constant 0 : i32
    %c0_i32_0 = arith.constant 0 : i32
    return %arg0, %c0_i32 : i32, i32
  }
  func.func @transform_1(%arg0: i32) -> (i32, i32) {
    %c0_i32 = arith.constant 0 : i32
    %c0_i32_0 = arith.constant 0 : i32
    %c0_i32_1 = arith.constant 0 : i32
    return %c0_i32, %c0_i32_0 : i32, i32
  }
  func.func @transform_2(%arg0: i32) -> (i32, i32) {
    %c0_i32 = arith.constant 0 : i32
    %c0_i32_0 = arith.constant 0 : i32
    %c0_i32_1 = arith.constant 0 : i32
    return %c0_i32, %c0_i32_0 : i32, i32
  }
  func.func @transform_3(%arg0: i32) -> (i32, i32, i32) {
    %c0_i32 = arith.constant 0 : i32
    %c0_i32_0 = arith.constant 0 : i32
    %c0_i32_1 = arith.constant 0 : i32
    return %c0_i32, %arg0, %c0_i32_0 : i32, i32, i32
  }
  func.func @transform_4(%arg0: i32) -> (i32, i32, i32) {
    %c0_i32 = arith.constant 0 : i32
    %c0_i32_0 = arith.constant 0 : i32
    %c0_i32_1 = arith.constant 0 : i32
    return %c0_i32, %arg0, %c0_i32_0 : i32, i32, i32
  }
  func.func @transform_5(%arg0: i32) -> (i32, i32) {
    %c0_i32 = arith.constant 0 : i32
    %c0_i32_0 = arith.constant 0 : i32
    return %arg0, %c0_i32 : i32, i32
  }
  func.func @transform_6(%arg0: i32) -> (i32, i32) {
    %c0_i32 = arith.constant 0 : i32
    %c0_i32_0 = arith.constant 0 : i32
    return %arg0, %c0_i32 : i32, i32
  }
  func.func @transform_7(%arg0: i32) -> (i32, i32) {
    %c0_i32 = arith.constant 0 : i32
    %c0_i32_0 = arith.constant 0 : i32
    return %arg0, %c0_i32 : i32, i32
  }
}

module attributes {stable_mosaic.version = 14 : i64} {
  func.func @body(%arg0: i32, %arg1: memref<1x1000x64xf32, #tpu.memory_space<vmem>>, %arg2: memref<2x1000x64xf32, #tpu.memory_space<vmem>>, %arg3: memref<1000x64xf32, #tpu.memory_space<vmem>>, %arg4: memref<1000x64xf32, #tpu.memory_space<vmem>>, %arg5: memref<2x1000x16xf32, #tpu.memory_space<vmem>>, %arg6: memref<2x1000x16xf32, #tpu.memory_space<vmem>>, %arg7: memref<1000x128xf32, #tpu.memory_space<vmem>>, %arg8: memref<1000x128xf32, #tpu.memory_space<vmem>>, %arg9: memref<1000x128xf32, #tpu.memory_space<vmem>>) attributes {dimension_semantics = [#tpu.dimension_semantics<arbitrary>], iteration_bounds = array<i64: 10>, scalar_prefetch = 0 : i64, scratch_operands = 0 : i64, tpu.core_type = #tpu.core_type<tc>, window_params = [{transform_indices = @transform_0, window_bounds = array<i64: 1, 1000, 64>}, {transform_indices = @transform_1, window_bounds = array<i64: 2, 1000, 64>}, {transform_indices = @transform_2, window_bounds = array<i64: 1000, 64>}, {transform_indices = @transform_3, window_bounds = array<i64: 1000, 64>}, {transform_indices = @transform_4, window_bounds = array<i64: 2, 1000, 16>}, {transform_indices = @transform_5, window_bounds = array<i64: 2, 1000, 16>}, {transform_indices = @transform_6, window_bounds = array<i64: 1000, 128>}, {transform_indices = @transform_7, window_bounds = array<i64: 1000, 128>}, {transform_indices = @transform_8, window_bounds = array<i64: 1000, 128>}]} {
    %get3A = arith.constant 0 : index
    %get3A_0 = arith.constant 0 : index
    %get3A_1 = arith.constant 0 : index
    %get3A_2 = vector.load %arg5[%get3A, %get3A_0, %get3A_1] : memref<2x1000x16xf32, #tpu.memory_space<vmem>>, vector<1x1000x1xf32>
    %get3A_3 = vector.shape_cast %get3A_2 : vector<1x1000x1xf32> to vector<1000xf32>
    %get3A_4 = arith.constant 1 : index
    %get3A_5 = arith.constant 0 : index
    %get3A_6 = arith.constant 0 : index
    %get3A_7 = vector.load %arg5[%get3A_4, %get3A_5, %get3A_6] : memref<2x1000x16xf32, #tpu.memory_space<vmem>>, vector<1x1000x1xf32>
    %get3A_8 = vector.shape_cast %get3A_7 : vector<1x1000x1xf32> to vector<1000xf32>
    %add3A = arith.addf %get3A_3, %get3A_8 : vector<1000xf32>
    %add3A_9 = arith.constant 1.000000e+00 : f32
    %add3A_10 = vector.broadcast %add3A_9 : f32 to vector<1000xf32>
    %add3A_11 = arith.addf %add3A, %add3A_10 : vector<1000xf32>
    %rsqrt3A = math.rsqrt %add3A_11 : vector<1000xf32>
    %get3A_12 = arith.constant 0 : index
    %get3A_13 = arith.constant 0 : index
    %get3A_14 = arith.constant 0 : index
    %get3A_15 = vector.load %arg6[%get3A_12, %get3A_13, %get3A_14] : memref<2x1000x16xf32, #tpu.memory_space<vmem>>, vector<1x1000x1xf32>
    %get3A_16 = vector.shape_cast %get3A_15 : vector<1x1000x1xf32> to vector<1000xf32>
    %get3A_17 = arith.constant 1 : index
    %get3A_18 = arith.constant 0 : index
    %get3A_19 = arith.constant 0 : index
    %get3A_20 = vector.load %arg6[%get3A_17, %get3A_18, %get3A_19] : memref<2x1000x16xf32, #tpu.memory_space<vmem>>, vector<1x1000x1xf32>
    %get3A_21 = vector.shape_cast %get3A_20 : vector<1x1000x1xf32> to vector<1000xf32>
    %add3A_22 = arith.addf %get3A_16, %get3A_21 : vector<1000xf32>
    %add3A_23 = arith.constant 1.000000e+00 : f32
    %add3A_24 = vector.broadcast %add3A_23 : f32 to vector<1000xf32>
    %add3A_25 = arith.addf %add3A_22, %add3A_24 : vector<1000xf32>
    %rsqrt3A_26 = math.rsqrt %add3A_25 : vector<1000xf32>
    %get3A_27 = arith.constant 0 : index
    %get3A_28 = arith.constant 0 : index
    %get3A_29 = arith.constant 0 : index
    %get3A_30 = vector.load %arg1[%get3A_27, %get3A_28, %get3A_29] : memref<1x1000x64xf32, #tpu.memory_space<vmem>>, vector<1x1000x64xf32>
    %reduce_sum3A = arith.constant dense<0.000000e+00> : vector<1000x64xf32>
    %reduce_sum3A_31 = vector.multi_reduction <add>, %get3A_30, %reduce_sum3A [0] : vector<1x1000x64xf32> to vector<1000x64xf32>
    %get3A_32 = arith.constant 0 : index
    %get3A_33 = arith.constant 0 : index
    %get3A_34 = vector.load %arg3[%get3A_32, %get3A_33] : memref<1000x64xf32, #tpu.memory_space<vmem>>, vector<1000x64xf32>
    %add3A_35 = arith.addf %reduce_sum3A_31, %get3A_34 : vector<1000x64xf32>
    %broadcast_in_dim3A = vector.shape_cast %rsqrt3A : vector<1000xf32> to vector<1000x1xf32>
    %mul3A = vector.broadcast %broadcast_in_dim3A : vector<1000x1xf32> to vector<1000x64xf32>
    %mul3A_36 = arith.mulf %add3A_35, %mul3A : vector<1000x64xf32>
    %get3A_37 = arith.constant 0 : index
    %get3A_38 = arith.constant 0 : index
    %get3A_39 = arith.constant 0 : index
    %get3A_40 = vector.load %arg2[%get3A_37, %get3A_38, %get3A_39] : memref<2x1000x64xf32, #tpu.memory_space<vmem>>, vector<2x1000x64xf32>
    %reduce_sum3A_41 = arith.constant dense<0.000000e+00> : vector<1000x64xf32>
    %reduce_sum3A_42 = vector.multi_reduction <add>, %get3A_40, %reduce_sum3A_41 [0] : vector<2x1000x64xf32> to vector<1000x64xf32>
    %get3A_43 = arith.constant 0 : index
    %get3A_44 = arith.constant 0 : index
    %get3A_45 = vector.load %arg4[%get3A_43, %get3A_44] : memref<1000x64xf32, #tpu.memory_space<vmem>>, vector<1000x64xf32>
    %add3A_46 = arith.addf %reduce_sum3A_42, %get3A_45 : vector<1000x64xf32>
    %broadcast_in_dim3A_47 = vector.shape_cast %rsqrt3A_26 : vector<1000xf32> to vector<1000x1xf32>
    %mul3A_48 = vector.broadcast %broadcast_in_dim3A_47 : vector<1000x1xf32> to vector<1000x64xf32>
    %mul3A_49 = arith.mulf %add3A_46, %mul3A_48 : vector<1000x64xf32>
    %concatenate3A = tpu.concatenate %mul3A_36, %mul3A_49 in 1 : vector<1000x64xf32>, vector<1000x64xf32> -> vector<1000x128xf32>
    %swap3A = arith.constant 0 : index
    %swap3A_50 = arith.constant 0 : index
    %swap3A_51 = vector.load %arg7[%swap3A, %swap3A_50] : memref<1000x128xf32, #tpu.memory_space<vmem>>, vector<1000x128xf32>
    tpu.vector_store %arg7[%swap3A, %swap3A_50], %concatenate3A {strides = array<i32>} : memref<1000x128xf32, #tpu.memory_space<vmem>>, vector<1000x128xf32>,
    %broadcast_in_dim3A_52 = vector.shape_cast %rsqrt3A : vector<1000xf32> to vector<1000x1xf32>
    %mul3A_53 = vector.broadcast %broadcast_in_dim3A_52 : vector<1000x1xf32> to vector<1000x128xf32>
    %mul3A_54 = arith.mulf %concatenate3A, %mul3A_53 : vector<1000x128xf32>
    %swap3A_55 = arith.constant 0 : index
    %swap3A_56 = arith.constant 0 : index
    %swap3A_57 = vector.load %arg8[%swap3A_55, %swap3A_56] : memref<1000x128xf32, #tpu.memory_space<vmem>>, vector<1000x128xf32>
    tpu.vector_store %arg8[%swap3A_55, %swap3A_56], %mul3A_54 {strides = array<i32>} : memref<1000x128xf32, #tpu.memory_space<vmem>>, vector<1000x128xf32>,
    %broadcast_in_dim3A_58 = vector.shape_cast %rsqrt3A_26 : vector<1000xf32> to vector<1000x1xf32>
    %mul3A_59 = vector.broadcast %broadcast_in_dim3A_58 : vector<1000x1xf32> to vector<1000x128xf32>
    %mul3A_60 = arith.mulf %concatenate3A, %mul3A_59 : vector<1000x128xf32>
    %swap3A_61 = arith.constant 0 : index
    %swap3A_62 = arith.constant 0 : index
    %swap3A_63 = vector.load %arg9[%swap3A_61, %swap3A_62] : memref<1000x128xf32, #tpu.memory_space<vmem>>, vector<1000x128xf32>
    tpu.vector_store %arg9[%swap3A_61, %swap3A_62], %mul3A_60 {strides = array<i32>} : memref<1000x128xf32, #tpu.memory_space<vmem>>, vector<1000x128xf32>,
    return
  }
  func.func @transform_0(%arg0: i32) -> (i32, i32, i32) {
    %c0_i32 = arith.constant 0 : i32
    %c0_i32_0 = arith.constant 0 : i32
    %c0_i32_1 = arith.constant 0 : i32
    return %c0_i32, %arg0, %c0_i32_0 : i32, i32, i32
  }
  func.func @transform_1(%arg0: i32) -> (i32, i32, i32) {
    %c0_i32 = arith.constant 0 : i32
    %c0_i32_0 = arith.constant 0 : i32
    %c0_i32_1 = arith.constant 0 : i32
    return %c0_i32, %arg0, %c0_i32_0 : i32, i32, i32
  }
  func.func @transform_2(%arg0: i32) -> (i32, i32) {
    %c0_i32 = arith.constant 0 : i32
    %c0_i32_0 = arith.constant 0 : i32
    return %arg0, %c0_i32 : i32, i32
  }
  func.func @transform_3(%arg0: i32) -> (i32, i32) {
    %c0_i32 = arith.constant 0 : i32
    %c0_i32_0 = arith.constant 0 : i32
    return %arg0, %c0_i32 : i32, i32
  }
  func.func @transform_4(%arg0: i32) -> (i32, i32, i32) {
    %c0_i32 = arith.constant 0 : i32
    %c0_i32_0 = arith.constant 0 : i32
    %c0_i32_1 = arith.constant 0 : i32
    return %c0_i32, %arg0, %c0_i32_0 : i32, i32, i32
  }
  func.func @transform_5(%arg0: i32) -> (i32, i32, i32) {
    %c0_i32 = arith.constant 0 : i32
    %c0_i32_0 = arith.constant 0 : i32
    %c0_i32_1 = arith.constant 0 : i32
    return %c0_i32, %arg0, %c0_i32_0 : i32, i32, i32
  }
  func.func @transform_6(%arg0: i32) -> (i32, i32) {
    %c0_i32 = arith.constant 0 : i32
    %c0_i32_0 = arith.constant 0 : i32
    return %arg0, %c0_i32 : i32, i32
  }
  func.func @transform_7(%arg0: i32) -> (i32, i32) {
    %c0_i32 = arith.constant 0 : i32
    %c0_i32_0 = arith.constant 0 : i32
    return %arg0, %c0_i32 : i32, i32
  }
  func.func @transform_8(%arg0: i32) -> (i32, i32) {
    %c0_i32 = arith.constant 0 : i32
    %c0_i32_0 = arith.constant 0 : i32
    return %arg0, %c0_i32 : i32, i32
  }
}

module attributes {stable_mosaic.version = 14 : i64} {
  func.func @body(%arg0: i32, %arg1: memref<1000x64xf32, #tpu.memory_space<vmem>>, %arg2: memref<1000x128xf32, #tpu.memory_space<vmem>>, %arg3: memref<1x1000x128xf32, #tpu.memory_space<vmem>>, %arg4: memref<2x1000x128xf32, #tpu.memory_space<vmem>>, %arg5: memref<1000x128xf32, #tpu.memory_space<vmem>>, %arg6: memref<1000x128xf32, #tpu.memory_space<vmem>>, %arg7: memref<2x1000x16xf32, #tpu.memory_space<vmem>>, %arg8: memref<2x1000x16xf32, #tpu.memory_space<vmem>>, %arg9: memref<40x448xf32, #tpu.memory_space<vmem>>, %arg10: memref<1x40xf32, #tpu.memory_space<vmem>>, %arg11: memref<1000x40xf32, #tpu.memory_space<vmem>>) attributes {dimension_semantics = [#tpu.dimension_semantics<arbitrary>], iteration_bounds = array<i64: 10>, scalar_prefetch = 0 : i64, scratch_operands = 0 : i64, tpu.core_type = #tpu.core_type<tc>, window_params = [{transform_indices = @transform_0, window_bounds = array<i64: 1000, 64>}, {transform_indices = @transform_1, window_bounds = array<i64: 1000, 128>}, {transform_indices = @transform_2, window_bounds = array<i64: 1, 1000, 128>}, {transform_indices = @transform_3, window_bounds = array<i64: 2, 1000, 128>}, {transform_indices = @transform_4, window_bounds = array<i64: 1000, 128>}, {transform_indices = @transform_5, window_bounds = array<i64: 1000, 128>}, {transform_indices = @transform_6, window_bounds = array<i64: 2, 1000, 16>}, {transform_indices = @transform_7, window_bounds = array<i64: 2, 1000, 16>}, {pipeline_mode = #tpu.pipeline_mode<synchronous>, transform_indices = @transform_8, window_bounds = array<i64: 40, 448>}, {pipeline_mode = #tpu.pipeline_mode<synchronous>, transform_indices = @transform_9, window_bounds = array<i64: 1, 40>}, {transform_indices = @transform_10, window_bounds = array<i64: 1000, 40>}]} {
    %get3A = arith.constant 0 : index
    %get3A_0 = arith.constant 0 : index
    %get3A_1 = arith.constant 0 : index
    %get3A_2 = vector.load %arg7[%get3A, %get3A_0, %get3A_1] : memref<2x1000x16xf32, #tpu.memory_space<vmem>>, vector<1x1000x1xf32>
    %get3A_3 = vector.shape_cast %get3A_2 : vector<1x1000x1xf32> to vector<1000xf32>
    %get3A_4 = arith.constant 1 : index
    %get3A_5 = arith.constant 0 : index
    %get3A_6 = arith.constant 0 : index
    %get3A_7 = vector.load %arg7[%get3A_4, %get3A_5, %get3A_6] : memref<2x1000x16xf32, #tpu.memory_space<vmem>>, vector<1x1000x1xf32>
    %get3A_8 = vector.shape_cast %get3A_7 : vector<1x1000x1xf32> to vector<1000xf32>
    %add3A = arith.addf %get3A_3, %get3A_8 : vector<1000xf32>
    %add3A_9 = arith.constant 1.000000e+00 : f32
    %add3A_10 = vector.broadcast %add3A_9 : f32 to vector<1000xf32>
    %add3A_11 = arith.addf %add3A, %add3A_10 : vector<1000xf32>
    %rsqrt3A = math.rsqrt %add3A_11 : vector<1000xf32>
    %get3A_12 = arith.constant 0 : index
    %get3A_13 = arith.constant 0 : index
    %get3A_14 = arith.constant 0 : index
    %get3A_15 = vector.load %arg8[%get3A_12, %get3A_13, %get3A_14] : memref<2x1000x16xf32, #tpu.memory_space<vmem>>, vector<1x1000x1xf32>
    %get3A_16 = vector.shape_cast %get3A_15 : vector<1x1000x1xf32> to vector<1000xf32>
    %get3A_17 = arith.constant 1 : index
    %get3A_18 = arith.constant 0 : index
    %get3A_19 = arith.constant 0 : index
    %get3A_20 = vector.load %arg8[%get3A_17, %get3A_18, %get3A_19] : memref<2x1000x16xf32, #tpu.memory_space<vmem>>, vector<1x1000x1xf32>
    %get3A_21 = vector.shape_cast %get3A_20 : vector<1x1000x1xf32> to vector<1000xf32>
    %add3A_22 = arith.addf %get3A_16, %get3A_21 : vector<1000xf32>
    %add3A_23 = arith.constant 1.000000e+00 : f32
    %add3A_24 = vector.broadcast %add3A_23 : f32 to vector<1000xf32>
    %add3A_25 = arith.addf %add3A_22, %add3A_24 : vector<1000xf32>
    %rsqrt3A_26 = math.rsqrt %add3A_25 : vector<1000xf32>
    %get3A_27 = arith.constant 0 : index
    %get3A_28 = arith.constant 0 : index
    %get3A_29 = arith.constant 0 : index
    %get3A_30 = vector.load %arg3[%get3A_27, %get3A_28, %get3A_29] : memref<1x1000x128xf32, #tpu.memory_space<vmem>>, vector<1x1000x128xf32>
    %reduce_sum3A = arith.constant dense<0.000000e+00> : vector<1000x128xf32>
    %reduce_sum3A_31 = vector.multi_reduction <add>, %get3A_30, %reduce_sum3A [0] : vector<1x1000x128xf32> to vector<1000x128xf32>
    %get3A_32 = arith.constant 0 : index
    %get3A_33 = arith.constant 0 : index
    %get3A_34 = vector.load %arg5[%get3A_32, %get3A_33] : memref<1000x128xf32, #tpu.memory_space<vmem>>, vector<1000x128xf32>
    %add3A_35 = arith.addf %reduce_sum3A_31, %get3A_34 : vector<1000x128xf32>
    %broadcast_in_dim3A = vector.shape_cast %rsqrt3A : vector<1000xf32> to vector<1000x1xf32>
    %mul3A = vector.broadcast %broadcast_in_dim3A : vector<1000x1xf32> to vector<1000x128xf32>
    %mul3A_36 = arith.mulf %add3A_35, %mul3A : vector<1000x128xf32>
    %get3A_37 = arith.constant 0 : index
    %get3A_38 = arith.constant 0 : index
    %get3A_39 = arith.constant 0 : index
    %get3A_40 = vector.load %arg4[%get3A_37, %get3A_38, %get3A_39] : memref<2x1000x128xf32, #tpu.memory_space<vmem>>, vector<2x1000x128xf32>
    %reduce_sum3A_41 = arith.constant dense<0.000000e+00> : vector<1000x128xf32>
    %reduce_sum3A_42 = vector.multi_reduction <add>, %get3A_40, %reduce_sum3A_41 [0] : vector<2x1000x128xf32> to vector<1000x128xf32>
    %get3A_43 = arith.constant 0 : index
    %get3A_44 = arith.constant 0 : index
    %get3A_45 = vector.load %arg6[%get3A_43, %get3A_44] : memref<1000x128xf32, #tpu.memory_space<vmem>>, vector<1000x128xf32>
    %add3A_46 = arith.addf %reduce_sum3A_42, %get3A_45 : vector<1000x128xf32>
    %broadcast_in_dim3A_47 = vector.shape_cast %rsqrt3A_26 : vector<1000xf32> to vector<1000x1xf32>
    %mul3A_48 = vector.broadcast %broadcast_in_dim3A_47 : vector<1000x1xf32> to vector<1000x128xf32>
    %mul3A_49 = arith.mulf %add3A_46, %mul3A_48 : vector<1000x128xf32>
    %get3A_50 = arith.constant 0 : index
    %get3A_51 = arith.constant 0 : index
    %get3A_52 = vector.load %arg1[%get3A_50, %get3A_51] : memref<1000x64xf32, #tpu.memory_space<vmem>>, vector<1000x64xf32>
    %get3A_53 = arith.constant 0 : index
    %get3A_54 = arith.constant 0 : index
    %get3A_55 = vector.load %arg2[%get3A_53, %get3A_54] : memref<1000x128xf32, #tpu.memory_space<vmem>>, vector<1000x128xf32>
    %concatenate3A = tpu.concatenate %get3A_52, %get3A_55, %mul3A_36, %mul3A_49 in 1 : vector<1000x64xf32>, vector<1000x128xf32>, vector<1000x128xf32>, vector<1000x128xf32> -> vector<1000x448xf32>
    %get3A_56 = arith.constant 0 : index
    %get3A_57 = arith.constant 0 : index
    %get3A_58 = vector.load %arg9[%get3A_56, %get3A_57] : memref<40x448xf32, #tpu.memory_space<vmem>>, vector<40x448xf32>
    %dot_general3A = arith.constant dense<0.000000e+00> : vector<1000x40xf32>
    %dot_general3A_59 = tpu.matmul %concatenate3A, %get3A_58, %dot_general3A {dimension_numbers = #tpu.dot_dimension_numbers<[1], [1], [0], [0], [0, 0, 1, 0], [], []>, transpose_lhs_hint = false} : vector<1000x448xf32>, vector<40x448xf32>, vector<1000x40xf32> -> vector<1000x40xf32>
    %get3A_60 = arith.constant 0 : index
    %get3A_61 = arith.constant 0 : index
    %get3A_62 = vector.load %arg10[%get3A_60, %get3A_61] : memref<1x40xf32, #tpu.memory_space<vmem>>, vector<1x40xf32>
    %add3A_63 = vector.broadcast %get3A_62 : vector<1x40xf32> to vector<1000x40xf32>
    %add3A_64 = arith.addf %dot_general3A_59, %add3A_63 : vector<1000x40xf32>
    %reduce_max3A = arith.constant dense<0xFF800000> : vector<1000xf32>
    %reduce_max3A_65 = vector.multi_reduction <maximumf>, %add3A_64, %reduce_max3A [1] : vector<1000x40xf32> to vector<1000xf32>
    %broadcast_in_dim3A_66 = vector.shape_cast %reduce_max3A_65 : vector<1000xf32> to vector<1000x1xf32>
    %sub3A = vector.broadcast %broadcast_in_dim3A_66 : vector<1000x1xf32> to vector<1000x40xf32>
    %sub3A_67 = arith.subf %add3A_64, %sub3A : vector<1000x40xf32>
    %exp3A = math.exp %sub3A_67 : vector<1000x40xf32>
    %reduce_sum3A_68 = arith.constant dense<0.000000e+00> : vector<1000xf32>
    %reduce_sum3A_69 = vector.multi_reduction <add>, %exp3A, %reduce_sum3A_68 [1] : vector<1000x40xf32> to vector<1000xf32>
    %broadcast_in_dim3A_70 = vector.shape_cast %reduce_sum3A_69 : vector<1000xf32> to vector<1000x1xf32>
    %log3A = math.log %broadcast_in_dim3A_70 : vector<1000x1xf32>
    %sub3A_71 = vector.broadcast %log3A : vector<1000x1xf32> to vector<1000x40xf32>
    %sub3A_72 = arith.subf %sub3A_67, %sub3A_71 : vector<1000x40xf32>
    %swap3A = arith.constant 0 : index
    %swap3A_73 = arith.constant 0 : index
    %swap3A_74 = vector.load %arg11[%swap3A, %swap3A_73] : memref<1000x40xf32, #tpu.memory_space<vmem>>, vector<1000x40xf32>
    tpu.vector_store %arg11[%swap3A, %swap3A_73], %sub3A_72 {strides = array<i32>} : memref<1000x40xf32, #tpu.memory_space<vmem>>, vector<1000x40xf32>,
    return
  }
  func.func @transform_0(%arg0: i32) -> (i32, i32) {
    %c0_i32 = arith.constant 0 : i32
    %c0_i32_0 = arith.constant 0 : i32
    return %arg0, %c0_i32 : i32, i32
  }
  func.func @transform_1(%arg0: i32) -> (i32, i32) {
    %c0_i32 = arith.constant 0 : i32
    %c0_i32_0 = arith.constant 0 : i32
    return %arg0, %c0_i32 : i32, i32
  }
  func.func @transform_2(%arg0: i32) -> (i32, i32, i32) {
    %c0_i32 = arith.constant 0 : i32
    %c0_i32_0 = arith.constant 0 : i32
    %c0_i32_1 = arith.constant 0 : i32
    return %c0_i32, %arg0, %c0_i32_0 : i32, i32, i32
  }
  func.func @transform_3(%arg0: i32) -> (i32, i32, i32) {
    %c0_i32 = arith.constant 0 : i32
    %c0_i32_0 = arith.constant 0 : i32
    %c0_i32_1 = arith.constant 0 : i32
    return %c0_i32, %arg0, %c0_i32_0 : i32, i32, i32
  }
  func.func @transform_4(%arg0: i32) -> (i32, i32) {
    %c0_i32 = arith.constant 0 : i32
    %c0_i32_0 = arith.constant 0 : i32
    return %arg0, %c0_i32 : i32, i32
  }
  func.func @transform_5(%arg0: i32) -> (i32, i32) {
    %c0_i32 = arith.constant 0 : i32
    %c0_i32_0 = arith.constant 0 : i32
    return %arg0, %c0_i32 : i32, i32
  }
  func.func @transform_6(%arg0: i32) -> (i32, i32, i32) {
    %c0_i32 = arith.constant 0 : i32
    %c0_i32_0 = arith.constant 0 : i32
    %c0_i32_1 = arith.constant 0 : i32
    return %c0_i32, %arg0, %c0_i32_0 : i32, i32, i32
  }
  func.func @transform_7(%arg0: i32) -> (i32, i32, i32) {
    %c0_i32 = arith.constant 0 : i32
    %c0_i32_0 = arith.constant 0 : i32
    %c0_i32_1 = arith.constant 0 : i32
    return %c0_i32, %arg0, %c0_i32_0 : i32, i32, i32
  }
  func.func @transform_8(%arg0: i32) -> (i32, i32) {
    %c0_i32 = arith.constant 0 : i32
    %c0_i32_0 = arith.constant 0 : i32
    %c0_i32_1 = arith.constant 0 : i32
    return %c0_i32, %c0_i32_0 : i32, i32
  }
  func.func @transform_9(%arg0: i32) -> (i32, i32) {
    %c0_i32 = arith.constant 0 : i32
    %c0_i32_0 = arith.constant 0 : i32
    %c0_i32_1 = arith.constant 0 : i32
    return %c0_i32, %c0_i32_0 : i32, i32
  }
  func.func @transform_10(%arg0: i32) -> (i32, i32) {
    %c0_i32 = arith.constant 0 : i32
    %c0_i32_0 = arith.constant 0 : i32
    return %arg0, %c0_i32 : i32, i32
  }
}

</mosaic_0001>

<sc_bundles>
// kernel: kernel.10.cloned.1.call-start
scs
__scs_entry_jumppad:
0x0: {  	(pc) =	sbr.rel $0x88, $3  }
0x1: {  	(tag) =	ssettag $0x0;
	lr =	simm.s32 $0x1  }
0x2: {  	[smem:$0x3F9A] =	sst lr;
	_ =	strace $0xD0000000  }
0x3: {  	_ = 	snop  }
0x4: {  	_ = 	snop  }
0x5: {  	_ = 	snop  }
0x6: {  	_ = 	snop  }
0x7: {  	_ = 	snop  }
__scs_overlays_trampoline_lowered:
0x8: {  	[smem:$0x3FA9] =	sst s0  }
0x9: {  	[smem:$0x3FAA] =	sst s1  }
0xa: {  	[smem:$0x3FAB] =	sst s2  }
0xb: {  	[smem:$0x3FAC] =	sst s3  }
0xc: {  	[smem:$0x3FAD] =	sst s4  }
0xd: {  	[smem:$0x3FAE] =	sst s5  }
0xe: {  	[smem:$0x3FAF] =	sst s6  }
0xf: {  	[smem:$0x3FB0] =	sst s7  }
0x10: {  	[smem:$0x3FB1] =	sst s8  }
0x11: {  	[smem:$0x3FB2] =	sst s9;
	s0 =	simm.s32 @!p0 $0x0  }
0x12: {  	s1 =	sld [smem:$0x3F98];
	s0 =	simm.s32 @p0 $0x1  }
0x13: {  	[smem:$0x3FB3] =	sst s0;
	s0 =	simm.s32 @!p1 $0x0  }
0x14: {  	s2 =	sld [smem:$0x3F97];
	s0 =	simm.s32 @p1 $0x1  }
0x15: {  	[smem:$0x3FB4] =	sst s0;
	s0 =	simm.s32 @!p2 $0x0  }
0x16: {  	s3 =	sld [smem:$0x3FDB];
	s0 =	simm.s32 @p2 $0x1  }
0x17: {  	s4 =	simm.s32 $0x1BF5;
	[smem:$0x3FB6] =	sst s0  }
0x18: {  	s0 =	sld [smem:$0x3F99];
	_ =	swait.ge [sflag:s4], $0x0  }
0x19: {  	s7 =	sld [smem:$0x3F9A]  }
0x1a: {  	s8 =	sadd.s32 $0xFFFFE003, lr  }
0x1b: {  	s9 =	sadd.s32 $0xFFFFFEF7, lr;
	s5 =	simm.s32 $0xFFFFFFFF;
	p2 =	slt.u32 s8, $0xFFFFF086  }
0x1c: {  	p1 =	slt.u32 s9, $0xF7A;
	s5 =	simm.s32 @!p2 $0x0  }
0x1d: {  	s5 =	simm.s32 @p1 $0x1;
	p0 =	seq.s32 s7, s2  }
0x1e: {  	s7 =	smul.u32 @!p0 $0xF7A, s2;
	p2 =	seq.s32 @!p0 s5, $0x0  }
0x1f: {  	s9 =	smul.u32 $0xF7A, s1;
	s8 =	simm.s32 @!p0 $0x1BF5;
	p2 =	por !p2, p0  }
0x20: {  	[sflag:s8] =	ssyncset.s32 @!p0 $0xFFFFF086;
	s6 =	sadd.s32 @!p0 s3, s7;
	s7 =	simm.s32 @!p0 $0x108  }
0x21: {  	s3 =	sadd.s32 s3, s9;
	s6 =	sadd.s32 @!p0 $0x88, s6;
	s7 =	simm.s32 @p2 $0x1082  }
0x22: {  	[simem:s7], [sflag:s8] =	dma.local @!p0 [hbm:s6], $0xF7A  }
0x23: {  	s9 =	sor.u32 $0xD0000000, s2;
	s6 =	simm.s32 $0x108;
	_ =	swait.ge @!p0 [sflag:s8], $0x0  }
0x24: {  	s3 =	sadd.s32 $0x88, s3;
	s6 =	simm.s32 @!p1 $0x1082;
	[sflag:s4] =	ssyncset.s32 $0xFFFFF086  }
0x25: {  	[simem:s6], [sflag:s4] =	dma.local [hbm:s3], $0xF7A  }
0x26: {  	[smem:$0x3F9A] =	sst s1;
	(tag) =	ssettag s2;
	_ =	strace s9  }
0x27: {  	s1 =	sld [smem:$0x3FAA]  }
0x28: {  	s2 =	sld [smem:$0x3FAB]  }
0x29: {  	s4 =	sld [smem:$0x3FAD]  }
0x2a: {  	p0 =	seq.s32 s5, $0x0;
	s5 =	sld [smem:$0x3FAE]  }
0x2b: {  	s6 =	sld [smem:$0x3FAF]  }
0x2c: {  	s7 =	sld [smem:$0x3FB0]  }
0x2d: {  	s3 =	simm.s32 $0x108;
	s8 =	sld [smem:$0x3FB1]  }
0x2e: {  	s3 =	simm.s32 @!p0 $0x1082;
	s9 =	sld [smem:$0x3FB2]  }
0x2f: {  	lr =	sadd.s32 s0, s3;
	s0 =	sld [smem:$0x3FA9]  }
0x30: {  	s3 =	sld [smem:$0x3FAC]  }
0x31: {  	[smem:$0x3FB5] =	sst s10  }
0x32: {  	s10 =	sld [smem:$0x3FB3];
	_ =	sdelay $0x3  }
0x33: {  	p0 =	seq.s32 s10, $0x1;
	s10 =	sld [smem:$0x3FB5];
	_ =	sdelay $0x3  }
0x34: {  	[smem:$0x3FB5] =	sst s10  }
0x35: {  	s10 =	sld [smem:$0x3FB4];
	_ =	sdelay $0x3  }
0x36: {  	p1 =	seq.s32 s10, $0x1;
	s10 =	sld [smem:$0x3FB5];
	_ =	sdelay $0x3  }
0x37: {  	[smem:$0x3FB5] =	sst s10  }
0x38: {  	s10 =	sld [smem:$0x3FB6]  }
0x39: {  	_ = 	snop;
	(pc) =	sbr.ind lr, $3  }
0x3a: {  	_ = 	snop  }
0x3b: {  	_ = 	snop  }
0x3c: {  	p2 =	seq.s32 s10, $0x1;
	s10 =	sld [smem:$0x3FB5]  }
0x3d: {  	_ =	shalt  }
0x3e: {  	_ =	shalt  }
0x3f: {  	_ =	shalt  }
0x40: {  	_ =	shalt  }
0x41: {  	_ =	shalt  }
0x42: {  	_ =	shalt  }
0x43: {  	_ =	shalt  }
0x44: {  	_ =	shalt  }
0x45: {  	_ =	shalt  }
0x46: {  	_ =	shalt  }
0x47: {  	_ =	shalt  }
0x48: {  	_ =	shalt  }
0x49: {  	_ =	shalt  }
0x4a: {  	_ =	shalt  }
0x4b: {  	_ =	shalt  }
0x4c: {  	_ =	shalt  }
0x4d: {  	_ =	shalt  }
0x4e: {  	_ =	shalt  }
0x4f: {  	_ =	shalt  }
0x50: {  	_ =	shalt  }
0x51: {  	_ =	shalt  }
0x52: {  	_ =	shalt  }
0x53: {  	_ =	shalt  }
0x54: {  	_ =	shalt  }
0x55: {  	_ =	shalt  }
0x56: {  	_ =	shalt  }
0x57: {  	_ =	shalt  }
0x58: {  	_ =	shalt  }
0x59: {  	_ =	shalt  }
0x5a: {  	_ =	shalt  }
0x5b: {  	_ =	shalt  }
0x5c: {  	_ =	shalt  }
0x5d: {  	_ =	shalt  }
0x5e: {  	_ =	shalt  }
0x5f: {  	_ =	shalt  }
0x60: {  	_ =	shalt  }
0x61: {  	_ =	shalt  }
0x62: {  	_ =	shalt  }
0x63: {  	_ =	shalt  }
0x64: {  	_ =	shalt  }
0x65: {  	_ =	shalt  }
0x66: {  	_ =	shalt  }
0x67: {  	_ =	shalt  }
0x68: {  	_ =	shalt  }
0x69: {  	_ =	shalt  }
0x6a: {  	_ =	shalt  }
0x6b: {  	_ =	shalt  }
0x6c: {  	_ =	shalt  }
0x6d: {  	_ =	shalt  }
0x6e: {  	_ =	shalt  }
0x6f: {  	_ =	shalt  }
0x70: {  	_ =	shalt  }
0x71: {  	_ =	shalt  }
0x72: {  	_ =	shalt  }
0x73: {  	_ =	shalt  }
0x74: {  	_ =	shalt  }
0x75: {  	_ =	shalt  }
0x76: {  	_ =	shalt  }
0x77: {  	_ =	shalt  }
0x78: {  	_ =	shalt  }
0x79: {  	_ =	shalt  }
0x7a: {  	_ =	shalt  }
0x7b: {  	_ =	shalt  }
0x7c: {  	_ =	shalt  }
0x7d: {  	_ =	shalt  }
0x7e: {  	_ =	shalt  }
0x7f: {  	_ =	shalt  }
0x80: {  	_ =	shalt  }
0x81: {  	_ =	shalt  }
0x82: {  	_ =	shalt  }
0x83: {  	_ =	shalt  }
0x84: {  	_ =	shalt  }
0x85: {  	_ =	shalt  }
0x86: {  	_ =	shalt  }
0x87: {  	_ =	shalt  }
.Lfunc_end0:
.L_simem_size_0:
called_computation_lowered:
.L_overlay_start_0:
0x88: {  	s2 =	sld [smem:$0x3FD9]  }
0x89: {  	s3 =	sld [smem:$0x3FFE];
	_ =	sdelay $0x1  }
0x8a: {  	s1 =	srdreg.scid  }
0x8b: {  	s0 =	sand.u32 $0x1, s1  }
0x8c: {  	s17 =	sshll.u32 s0, $0xA;
	s2 =	sadd.s32 s3, s2  }
0x8d: {  	s2 =	sadd.s32 s2, s17  }
0x8e: {  	[smem:$0x3FC1] =	sst s2  }
0x8f: {  	_ = 	snop  }
0x90: {  	s2 =	sld [smem:$0x3FD0];
	(tm) =	ssettm $0x1  }
0x91: {  	s18 =	sld [smem:$0x3FFB];
	_ =	sdelay $0x3  }
0x92: {  	_ =	strace s18  }
0x93: {  	s3 =	sld [smem:$0x3FFC];
	_ =	sdelay $0x3  }
0x94: {  	_ =	strace s3  }
0x95: {  	s3 =	sld [smem:$0x3FFD];
	_ =	sdelay $0x3  }
0x96: {  	_ =	strace s3  }
0x97: {  	_ =	strace $0x8FFFFFFF  }
0x98: {  	s19 =	sld [smem:$0x3FDB];
	_ =	sdelay $0x1  }
0x99: {  	s4 =	simm.s32 $_scs_section_size  }
0x9a: {  	s5 =	simm.s32 $_size__tile_overlayer_lowered;
	s6 =	simm.s32 $_tile_overlayer_lowered  }
0x9b: {  	s22 =	simm.s32 $0x1BFF;
	s21 =	sshll.u32 s6, $0x1;
	s3 =	sadd.s32 s4, s19  }
0x9c: {  	s7 =	simm.s32 $0x0;
	s20 =	sshll.u32 s5, $0x1;
	s5 =	sadd.s32 s21, s3  }
0x9d: {  	[timem:s7], [sflag:s22] =	dma.local [hbm:s5], s20  }
0x9e: {  	_ =	swait.ge [sflag:s22], s20  }
0x9f: {  	s4 =	ssub.s32 $0x0, s20;
	[sflag:s22] =	ssyncset.done $0x0  }
0xa0: {  	[sflag:s22] =	ssyncadd.s32 s4;
	_ =	sdelay $0x1  }
0xa1: {  	s23 =	simm.s32 $0x1B8B  }
0xa2: {  	_ =	swait.ge [sflag:s23], $0x1  }
0xa3: {  	[sflag:s23] =	ssyncset.done $0x0  }
0xa4: {  	s25 =	simm.s32 $0x1B8E;
	s24 =	sld [smem:$0x3FFE];
	[sflag:s23] =	ssyncadd.s32 $0xFFFFFFFF  }
0xa5: {  	s26 =	simm.s32 $execute0_lowered;
	[smem:$0x3FD2] =	sst s25  }
0xa6: {  	s5 =	sshll.u32 s26, $0x1;
	_ =	strace $0x80000046;
	[dreg:$0x1] =	wrdreg $0xFFFFFFFF  }
0xa7: {  	s28 =	simm.s32 $_size_execute0_lowered;
	s3 =	sadd.s32 s3, s5;
	[dreg:$0x0] =	wrdreg $0x0  }
0xa8: {  	s5 =	sshll.u32 s28, $0x1;
	[dreg:$0x2] =	wrdreg s3  }
0xa9: {  	[dreg:$0x3] =	wrdreg s5  }
0xaa: {  	[dreg:$0x4] =	wrdreg $0xC0  }
0xab: {  	_ =	task [dreg:s7], $0x5FFFF  }
0xac: {  	[dreg:$0x1] =	wrdreg $0xFFFFFFFF  }
0xad: {  	[dreg:$0x0] =	wrdreg $0x60  }
0xae: {  	[dreg:$0x2] =	wrdreg s2  }
0xaf: {  	[dreg:$0x3] =	wrdreg s24  }
0xb0: {  	[dreg:$0x4] =	wrdreg $0x7E000  }
0xb1: {  	[dreg:$0x5] =	wrdreg $0xA5200  }
0xb2: {  	[dreg:$0x6] =	wrdreg $0x9  }
0xb3: {  	_ =	task.clear_ibuf [dreg:s7], $0x7FFFF;
	_ =	strace $0x90000046  }
0xb4: {  	s29 =	simm.s32 $0x9;
	_ =	strace $0x80000048  }
0xb5: {  	_ =	swait.ge [sflag:s29], $0x1  }
0xb6: {  	[sflag:s29] =	ssyncadd.s32 $0xFFFFFFFF  }
0xb7: {  	_ =	strace $0x90000048  }
0xb8: {  	_ =	sfence  }
0xb9: {  	s30 =	sld [smem:$0x0];
	_ =	sdelay $0x2  }
0xba: {  	s31 =	sshll.u32 s1, $0xD;
	s1 =	sshrl.u32 s1, $0x2  }
0xbb: {  	s3 =	sand.u32 $0x4000, s31;
	s1 =	sadd.s32 s1, s30  }
0xbc: {  	s0 =	sor.u32 s3, s0;
	s1 =	sshll.u32 s1, $0x11  }
0xbd: {  	s0 =	sor.u32 s1, s0  }
0xbe: {  	s0 =	sadd.s32 $0x8F2B, s0  }
0xbf: {  	[sflag:s0] =	ssyncadd.remote.s32 $0x1  }
0xc0: {  	_ =	sfence.sel $0xFFFF  }
0xc1: {  	[dreg:$0x0] =	wrdreg $0xFFFFFFFF;
	(pc) =	sbr.abs _section_cstart, $3  }
0xc2: {  	[dreg:$0x1] =	wrdreg $0xFFFFFFFF  }
0xc3: {  	_ =	task.clear_ibuf [dreg:s7], $0x2FFFF;
	_ =	strace $0x9FFFFFFF  }
0xc4: {  	(tm) =	ssettm $0x7FFFFFFF  }
0xc5: {  	_ =	shalt  }
tec
execute0_lowered:
.L_overlay_start_1:
0x0: {  	(tag) =	ssettag $0x1  }
0x1: {  	s7 =	rddreg [dreg:$0x0]  }
0x2: {  	s8 =	rddreg [dreg:$0x1]  }
0x3: {  	s2 =	rddreg [dreg:$0x2]  }
0x4: {  	s0 =	srdreg.scid;
	s3 =	rddreg [dreg:$0x3];
	s4 =	simm.s32 $0x0  }
0x5: {  	s19 =	simm.s32 $0x80;
	s9 =	sand.u32 $0x1, s0;
	s0 =	stileid.u32  }
0x6: {  	s24 =	simm.s32 $0x0;
	[smem:$0x7FF] =	sst s4;
	s14 =	smul.u32 $0x2710, s9  }
0x7: {  	s6 =	sadd.s32 $0x17A00, s8;
	s12 =	sadd.s32 $0x18000, s8;
	s16 =	smul.u32 $0x270, s0  }
0x8: {  	s15 =	sadd.s32 $0x21E00, s8;
	s22 =	sadd.s32 $0x27000, s2;
	s28 =	smul.u32 $0x2720, s0  }
0x9: {  	s23 =	sadd.s32 $0x27000, s3;
	s1 =	sshll.u32 s9, $0x4;
	s30 =	smul.u32 $0x27100, s9  }
0xa: {  	s13 =	ssub.s32 $0x2, s9;
	s31 =	smul.u32 $0x2700, s0;
	p0 =	sne.s32 s0, $0xF  }
0xb: {  	s10 =	sor.u32 s0, s1;
	s1 =	rddreg [dreg:$0x4];
	_ =	strace $0x80000047  }
0xc: {  	s26 =	sshrl.u32 s13, $0x1;
	s22 =	sshrl.u32 @!p0 s22, $0x3;
	s5 =	smul.u32 $0x9D0, s10  }
0xd: {  	s23 =	sshrl.u32 @!p0 s23, $0x3;
	s10 =	smul.u32 $0x4F0, s10;
	s13 =	ssub.s32 s13, s26  }
0xe: {  	s29 =	sadd.s32 s16, s14;
	s17 =	sadd.s32 s28, s2;
	s18 =	sadd.s32 s28, s3  }
0xf: {  	s14 =	sshrl.u32 s30, $0x3;
	s20 =	sadd.s32 s31, s2;
	s21 =	sadd.s32 s31, s3  }
0x10: {  	s16 =	simm.s32 $0x2780;
	s14 =	sadd.s32 $0x4E00, s14;
	s13 =	smax.u32 s13, $0x1  }
0x11: {  	s17 =	sshrl.u32 s17, $0x3;
	s18 =	sshrl.u32 s18, $0x3;
	s20 =	sshrl.u32 s20, $0x3  }
0x12: {  	s21 =	sshrl.u32 s21, $0x3;
	s11 =	sadd.s32 s5, s8;
	s5 =	sadd.s32 $0x17800, s8  }
0x13: {  	s7 =	sadd.s32 s7, s10;
	s8 =	sadd.s32 $0x3E00, s11;
	s11 =	sshll.u32 s29, $0x1  }
0x14: {  	s9 =	sadd.s32 s12, s11;
	s10 =	sadd.s32 s15, s11;
	s11 =	sadd.s32 s12, s14  }
0x15: {  	s12 =	sadd.s32 s15, s14;
	s14 =	simm.s32 $0x7600;
	s15 =	simm.s32 $0x1  }
.LBB2_1:
0x16: {  	[tilespmem:s14], [sflag:$0x1] =	stream.linear.gather [hbm4b:s5+s4], $0x800, $0x38;
	[tilespmem:$0xCC40] =	vst v63  }
0x17: {  	_ =	swait.ge [sflag:s15], $0x800  }
0x18: {  	[sflag:s15] =	ssyncset.done $0x0  }
0x19: {  	[sflag:s15] =	ssyncadd.s32 $0xFFFFF800  }
0x1a: {  	[tilespmem:s4], [sflag:$0x1] =	stream.linear.gather [hbm4b:s7+s4], $0x2780, $0x38;
	[tilespmem:$0xCC40] =	vst v63  }
0x1b: {  	_ =	swait.ge [sflag:s15], $0x2780  }
0x1c: {  	[sflag:s15] =	ssyncset.done $0x0  }
0x1d: {  	[sflag:s15] =	ssyncadd.s32 $0xFFFFD880  }
0x1e: {  	[tilespmem:s16], [sflag:$0x1] =	stream.linear.gather [hbm4b:s8+s4], $0x4E80, $0x38;
	[tilespmem:$0xCC40] =	vst v63  }
0x1f: {  	_ =	swait.ge [sflag:s15], $0x4E80  }
0x20: {  	s25 =	sshll.u32 s0, $0x6;
	[sflag:s15] =	ssyncset.done $0x0  }
0x21: {  	s25 =	sor.u32 $0x1C01, s25;
	[sflag:s15] =	ssyncadd.s32 $0xFFFFB180  }
0x22: {  	[spmem:s17], [sflag:s25] =	dma.local [hbm:s6], $0x4E4  }
0x23: {  	_ =	swait.ge [sflag:s15], $0x4E4  }
0x24: {  	[sflag:s15] =	ssyncset.done $0x0  }
0x25: {  	[sflag:s15] =	ssyncadd.s32 $0xFFFFFB1C  }
0x26: {  	[spmem:s18], [sflag:s25] =	dma.local [hbm:s6], $0x4E4  }
0x27: {  	_ =	swait.ge [sflag:s15], $0x4E4  }
0x28: {  	[sflag:s15] =	ssyncset.done $0x0  }
0x29: {  	[sflag:s15] =	ssyncadd.s32 $0xFFFFFB1C  }
0x2a: {  	s26 =	simm.s32 $0x0;
	[bflag:$0x0] =	sbarrier.arrive $0xFFFF  }
.LBB2_2:
0x2b: {  	p1 =	sne.s32 s26, $0x9C00  }
.Ltmp0:
0x2c: {  	s28 =	sshra.s32 s26, $0x2;
	(pc) =	sbr.rel @p1 .LBB2_2-.Ltmp0, $4  }
0x2d: {  	[spmem:s2] =	stream.indirect.scatter.add.f32 [tilespmem:s14], [sflag:$0x1], $0x10, s28, s19, $0xb8;
	[tilespmem:$0xCC40] =	vst v63  }
0x2e: {  	_ =	swait.ge [sflag:s15], $0x800  }
0x2f: {  	[sflag:s15] =	ssyncset.done $0x0  }
0x30: {  	s26 =	sadd.s32 $0x200, s26;
	[sflag:s15] =	ssyncadd.s32 $0xFFFFF800  }
0x31: {  	s26 =	simm.s32 $0x2780  }
0x32: {  	[spmem:s3] =	stream.indirect.scatter.add.f32 [tilespmem:s14], [sflag:$0x1], $0x10, s26, s19, $0xb8;
	[tilespmem:$0xCC40] =	vst v63  }
0x33: {  	s26 =	simm.s32 $0x200;
	_ =	swait.ge [sflag:s15], $0x800  }
.LBB2_4:
0x34: {  	s28 =	sshra.s32 s26, $0x2;
	[sflag:s15] =	ssyncset.done $0x0;
	p1 =	sne.s32 s26, $0x13800  }
.Ltmp1:
0x35: {  	s28 =	sadd.s32 $0x2780, s28;
	[sflag:s15] =	ssyncadd.s32 $0xFFFFF800;
	(pc) =	sbr.rel @p1 .LBB2_4-.Ltmp1, $3  }
0x36: {  	[spmem:s3] =	stream.indirect.scatter.add.f32 [tilespmem:s14], [sflag:$0x1], $0x10, s28, s19, $0xb8;
	[tilespmem:$0xCC40] =	vst v63  }
0x37: {  	s26 =	sadd.s32 $0x200, s26;
	_ =	sdelay $0x1  }
0x38: {  	_ =	swait.ge [sflag:s15], $0x800  }
0x39: {  	[sflag:s15] =	ssyncset.done $0x0  }
0x3a: {  	[sflag:s15] =	ssyncadd.s32 $0xFFFFF800  }
0x3b: {  	[bflag:$0x0] =	sbarrier.arrive $0xFFFF  }
0x3c: {  	[hbm:s9], [sflag:s25] =	dma.local [spmem:s20], $0x4E0  }
0x3d: {  	_ =	swait.ge [sflag:s15], $0x4E0  }
0x3e: {  	[sflag:s15] =	ssyncset.done $0x0  }
0x3f: {  	[sflag:s15] =	ssyncadd.s32 $0xFFFFFB20  }
0x40: {  	[hbm:s10], [sflag:s25] =	dma.local [spmem:s21], $0x4E0  }
0x41: {  	_ =	swait.ge [sflag:s15], $0x4E0  }
0x42: {  	[sflag:s15] =	ssyncset.done $0x0  }
0x43: {  	s26 =	simm.s32 @!p0 $0x1;
	[sflag:s15] =	ssyncadd.s32 $0xFFFFFB20  }
0x44: {  	[hbm:s11], [sflag:s25] =	dma.local @!p0 [spmem:s22], $0x20  }
0x45: {  	s24 =	sadd.s32 $0x1, s24;
	_ =	swait.ge @!p0 [sflag:s26], $0x20  }
0x46: {  	p1 =	sne.s32 s24, s13;
	[sflag:s26] =	ssyncset.done @!p0 $0x0  }
.Ltmp2:
0x47: {  	[sflag:s26] =	ssyncadd.s32 @!p0 $0xFFFFFFE0;
	(pc) =	sbr.rel @p1 .LBB2_1-.Ltmp2, $4  }
0x48: {  	[hbm:s12], [sflag:s25] =	dma.local @!p0 [spmem:s23], $0x20  }
0x49: {  	_ =	swait.ge @!p0 [sflag:s26], $0x20  }
0x4a: {  	[sflag:s26] =	ssyncset.done @!p0 $0x0  }
0x4b: {  	[sflag:s26] =	ssyncadd.s32 @!p0 $0xFFFFFFE0  }
0x4c: {  	_ =	sfence.sel $0x180000  }
0x4d: {  	[bflag:$0x0] =	sbarrier.arrive $0xFFFF  }
0x4e: {  	p0 =	sne.s32 s0, $0x0;
	_ =	strace $0x90000047  }
0x4f: {  	s0 =	sadd.s32 @!p0 $0x100000, s1;
	[bflag:$0x2] =	sbarrier.arrive $0xFFFF  }
0x50: {  	[sflag:s0] =	ssyncadd.tile.s32 @!p0 $0x1;
	_ =	shalt  }
.Lfunc_end2:
_tile_overlayer_lowered:
.L_overlay_start_2:
0x51: {  	(tag) =	ssettag $0x2  }
0x52: {  	s0 =	rddreg [dreg:$0x0];
	s2 =	stileid.u32  }
0x53: {  	s1 =	rddreg [dreg:$0x1];
	p0 =	sne.s32 s2, $0x0  }
0x54: {  	s3 =	rddreg [dreg:$0x2];
	[bflag:$0x3] =	sbarrier.arrive $0xFFFF;
	s2 =	simm.s32 @!p0 $0x1C01  }
0x55: {  	[timem:s3], [sflag:s2] =	dma.local @!p0 [hbm:s0], s1  }
0x56: {  	s0 =	simm.s32 @!p0 $0x1  }
0x57: {  	_ =	swait.ge @!p0 [sflag:s0], s1  }
0x58: {  	s1 =	ssub.s32 @!p0 $0x0, s1;
	[sflag:s0] =	ssyncset.done @!p0 $0x0  }
0x59: {  	[sflag:s0] =	ssyncadd.s32 @!p0 s1  }
0x5a: {  	[bflag:$0x3] =	sbarrier.arrive $0xFFFF  }
0x5b: {  	_ =	shalt  }

// kernel: kernel.13.cloned.1.call-start
scs
__scs_entry_jumppad:
0x0: {  	(pc) =	sbr.rel $0x88, $3  }
0x1: {  	(tag) =	ssettag $0x0;
	lr =	simm.s32 $0x1  }
0x2: {  	[smem:$0x3F9A] =	sst lr;
	_ =	strace $0xD0000000  }
0x3: {  	_ = 	snop  }
0x4: {  	_ = 	snop  }
0x5: {  	_ = 	snop  }
0x6: {  	_ = 	snop  }
0x7: {  	_ = 	snop  }
__scs_overlays_trampoline_lowered:
0x8: {  	[smem:$0x3FA9] =	sst s0  }
0x9: {  	[smem:$0x3FAA] =	sst s1  }
0xa: {  	[smem:$0x3FAB] =	sst s2  }
0xb: {  	[smem:$0x3FAC] =	sst s3  }
0xc: {  	[smem:$0x3FAD] =	sst s4  }
0xd: {  	[smem:$0x3FAE] =	sst s5  }
0xe: {  	[smem:$0x3FAF] =	sst s6  }
0xf: {  	[smem:$0x3FB0] =	sst s7  }
0x10: {  	[smem:$0x3FB1] =	sst s8  }
0x11: {  	[smem:$0x3FB2] =	sst s9;
	s0 =	simm.s32 @!p0 $0x0  }
0x12: {  	s1 =	sld [smem:$0x3F98];
	s0 =	simm.s32 @p0 $0x1  }
0x13: {  	[smem:$0x3FB3] =	sst s0;
	s0 =	simm.s32 @!p1 $0x0  }
0x14: {  	s2 =	sld [smem:$0x3F97];
	s0 =	simm.s32 @p1 $0x1  }
0x15: {  	[smem:$0x3FB4] =	sst s0;
	s0 =	simm.s32 @!p2 $0x0  }
0x16: {  	s3 =	sld [smem:$0x3FDB];
	s0 =	simm.s32 @p2 $0x1  }
0x17: {  	s4 =	simm.s32 $0x1BF5;
	[smem:$0x3FB6] =	sst s0  }
0x18: {  	s0 =	sld [smem:$0x3F99];
	_ =	swait.ge [sflag:s4], $0x0  }
0x19: {  	s7 =	sld [smem:$0x3F9A]  }
0x1a: {  	s8 =	sadd.s32 $0xFFFFE003, lr  }
0x1b: {  	s9 =	sadd.s32 $0xFFFFFEF7, lr;
	s5 =	simm.s32 $0xFFFFFFFF;
	p2 =	slt.u32 s8, $0xFFFFF086  }
0x1c: {  	p1 =	slt.u32 s9, $0xF7A;
	s5 =	simm.s32 @!p2 $0x0  }
0x1d: {  	s5 =	simm.s32 @p1 $0x1;
	p0 =	seq.s32 s7, s2  }
0x1e: {  	s7 =	smul.u32 @!p0 $0xF7A, s2;
	p2 =	seq.s32 @!p0 s5, $0x0  }
0x1f: {  	s9 =	smul.u32 $0xF7A, s1;
	s8 =	simm.s32 @!p0 $0x1BF5;
	p2 =	por !p2, p0  }
0x20: {  	[sflag:s8] =	ssyncset.s32 @!p0 $0xFFFFF086;
	s6 =	sadd.s32 @!p0 s3, s7;
	s7 =	simm.s32 @!p0 $0x108  }
0x21: {  	s3 =	sadd.s32 s3, s9;
	s6 =	sadd.s32 @!p0 $0x88, s6;
	s7 =	simm.s32 @p2 $0x1082  }
0x22: {  	[simem:s7], [sflag:s8] =	dma.local @!p0 [hbm:s6], $0xF7A  }
0x23: {  	s9 =	sor.u32 $0xD0000000, s2;
	s6 =	simm.s32 $0x108;
	_ =	swait.ge @!p0 [sflag:s8], $0x0  }
0x24: {  	s3 =	sadd.s32 $0x88, s3;
	s6 =	simm.s32 @!p1 $0x1082;
	[sflag:s4] =	ssyncset.s32 $0xFFFFF086  }
0x25: {  	[simem:s6], [sflag:s4] =	dma.local [hbm:s3], $0xF7A  }
0x26: {  	[smem:$0x3F9A] =	sst s1;
	(tag) =	ssettag s2;
	_ =	strace s9  }
0x27: {  	s1 =	sld [smem:$0x3FAA]  }
0x28: {  	s2 =	sld [smem:$0x3FAB]  }
0x29: {  	s4 =	sld [smem:$0x3FAD]  }
0x2a: {  	p0 =	seq.s32 s5, $0x0;
	s5 =	sld [smem:$0x3FAE]  }
0x2b: {  	s6 =	sld [smem:$0x3FAF]  }
0x2c: {  	s7 =	sld [smem:$0x3FB0]  }
0x2d: {  	s3 =	simm.s32 $0x108;
	s8 =	sld [smem:$0x3FB1]  }
0x2e: {  	s3 =	simm.s32 @!p0 $0x1082;
	s9 =	sld [smem:$0x3FB2]  }
0x2f: {  	lr =	sadd.s32 s0, s3;
	s0 =	sld [smem:$0x3FA9]  }
0x30: {  	s3 =	sld [smem:$0x3FAC]  }
0x31: {  	[smem:$0x3FB5] =	sst s10  }
0x32: {  	s10 =	sld [smem:$0x3FB3];
	_ =	sdelay $0x3  }
0x33: {  	p0 =	seq.s32 s10, $0x1;
	s10 =	sld [smem:$0x3FB5];
	_ =	sdelay $0x3  }
0x34: {  	[smem:$0x3FB5] =	sst s10  }
0x35: {  	s10 =	sld [smem:$0x3FB4];
	_ =	sdelay $0x3  }
0x36: {  	p1 =	seq.s32 s10, $0x1;
	s10 =	sld [smem:$0x3FB5];
	_ =	sdelay $0x3  }
0x37: {  	[smem:$0x3FB5] =	sst s10  }
0x38: {  	s10 =	sld [smem:$0x3FB6]  }
0x39: {  	_ = 	snop;
	(pc) =	sbr.ind lr, $3  }
0x3a: {  	_ = 	snop  }
0x3b: {  	_ = 	snop  }
0x3c: {  	p2 =	seq.s32 s10, $0x1;
	s10 =	sld [smem:$0x3FB5]  }
0x3d: {  	_ =	shalt  }
0x3e: {  	_ =	shalt  }
0x3f: {  	_ =	shalt  }
0x40: {  	_ =	shalt  }
0x41: {  	_ =	shalt  }
0x42: {  	_ =	shalt  }
0x43: {  	_ =	shalt  }
0x44: {  	_ =	shalt  }
0x45: {  	_ =	shalt  }
0x46: {  	_ =	shalt  }
0x47: {  	_ =	shalt  }
0x48: {  	_ =	shalt  }
0x49: {  	_ =	shalt  }
0x4a: {  	_ =	shalt  }
0x4b: {  	_ =	shalt  }
0x4c: {  	_ =	shalt  }
0x4d: {  	_ =	shalt  }
0x4e: {  	_ =	shalt  }
0x4f: {  	_ =	shalt  }
0x50: {  	_ =	shalt  }
0x51: {  	_ =	shalt  }
0x52: {  	_ =	shalt  }
0x53: {  	_ =	shalt  }
0x54: {  	_ =	shalt  }
0x55: {  	_ =	shalt  }
0x56: {  	_ =	shalt  }
0x57: {  	_ =	shalt  }
0x58: {  	_ =	shalt  }
0x59: {  	_ =	shalt  }
0x5a: {  	_ =	shalt  }
0x5b: {  	_ =	shalt  }
0x5c: {  	_ =	shalt  }
0x5d: {  	_ =	shalt  }
0x5e: {  	_ =	shalt  }
0x5f: {  	_ =	shalt  }
0x60: {  	_ =	shalt  }
0x61: {  	_ =	shalt  }
0x62: {  	_ =	shalt  }
0x63: {  	_ =	shalt  }
0x64: {  	_ =	shalt  }
0x65: {  	_ =	shalt  }
0x66: {  	_ =	shalt  }
0x67: {  	_ =	shalt  }
0x68: {  	_ =	shalt  }
0x69: {  	_ =	shalt  }
0x6a: {  	_ =	shalt  }
0x6b: {  	_ =	shalt  }
0x6c: {  	_ =	shalt  }
0x6d: {  	_ =	shalt  }
0x6e: {  	_ =	shalt  }
0x6f: {  	_ =	shalt  }
0x70: {  	_ =	shalt  }
0x71: {  	_ =	shalt  }
0x72: {  	_ =	shalt  }
0x73: {  	_ =	shalt  }
0x74: {  	_ =	shalt  }
0x75: {  	_ =	shalt  }
0x76: {  	_ =	shalt  }
0x77: {  	_ =	shalt  }
0x78: {  	_ =	shalt  }
0x79: {  	_ =	shalt  }
0x7a: {  	_ =	shalt  }
0x7b: {  	_ =	shalt  }
0x7c: {  	_ =	shalt  }
0x7d: {  	_ =	shalt  }
0x7e: {  	_ =	shalt  }
0x7f: {  	_ =	shalt  }
0x80: {  	_ =	shalt  }
0x81: {  	_ =	shalt  }
0x82: {  	_ =	shalt  }
0x83: {  	_ =	shalt  }
0x84: {  	_ =	shalt  }
0x85: {  	_ =	shalt  }
0x86: {  	_ =	shalt  }
0x87: {  	_ =	shalt  }
.Lfunc_end0:
.L_simem_size_0:
called_computation.1_lowered:
.L_overlay_start_0:
0x88: {  	s2 =	sld [smem:$0x3FD9]  }
0x89: {  	s3 =	sld [smem:$0x3FFE];
	_ =	sdelay $0x1  }
0x8a: {  	s1 =	srdreg.scid  }
0x8b: {  	s0 =	sand.u32 $0x1, s1  }
0x8c: {  	s17 =	sshll.u32 s0, $0xA;
	s2 =	sadd.s32 s3, s2  }
0x8d: {  	s2 =	sadd.s32 s2, s17  }
0x8e: {  	[smem:$0x3FC1] =	sst s2  }
0x8f: {  	_ = 	snop  }
0x90: {  	s2 =	sld [smem:$0x3FD0];
	(tm) =	ssettm $0x1  }
0x91: {  	s18 =	sld [smem:$0x3FFB];
	_ =	sdelay $0x3  }
0x92: {  	_ =	strace s18  }
0x93: {  	s3 =	sld [smem:$0x3FFC];
	_ =	sdelay $0x3  }
0x94: {  	_ =	strace s3  }
0x95: {  	s3 =	sld [smem:$0x3FFD];
	_ =	sdelay $0x3  }
0x96: {  	_ =	strace s3  }
0x97: {  	_ =	strace $0x8FFFFFFF  }
0x98: {  	s19 =	sld [smem:$0x3FDB];
	_ =	sdelay $0x1  }
0x99: {  	s4 =	simm.s32 $_scs_section_size  }
0x9a: {  	s5 =	simm.s32 $_size__tile_overlayer_lowered;
	s6 =	simm.s32 $_tile_overlayer_lowered  }
0x9b: {  	s22 =	simm.s32 $0x1BFF;
	s21 =	sshll.u32 s6, $0x1;
	s3 =	sadd.s32 s4, s19  }
0x9c: {  	s7 =	simm.s32 $0x0;
	s20 =	sshll.u32 s5, $0x1;
	s5 =	sadd.s32 s21, s3  }
0x9d: {  	[timem:s7], [sflag:s22] =	dma.local [hbm:s5], s20  }
0x9e: {  	_ =	swait.ge [sflag:s22], s20  }
0x9f: {  	s4 =	ssub.s32 $0x0, s20;
	[sflag:s22] =	ssyncset.done $0x0  }
0xa0: {  	[sflag:s22] =	ssyncadd.s32 s4;
	_ =	sdelay $0x1  }
0xa1: {  	s23 =	simm.s32 $0x1B8B  }
0xa2: {  	_ =	swait.ge [sflag:s23], $0x1  }
0xa3: {  	[sflag:s23] =	ssyncset.done $0x0  }
0xa4: {  	s25 =	simm.s32 $0x1B8E;
	s24 =	sld [smem:$0x3FFE];
	[sflag:s23] =	ssyncadd.s32 $0xFFFFFFFF  }
0xa5: {  	s26 =	simm.s32 $execute0_lowered;
	[smem:$0x3FD2] =	sst s25  }
0xa6: {  	s5 =	sshll.u32 s26, $0x1;
	_ =	strace $0x80000049;
	[dreg:$0x1] =	wrdreg $0xFFFFFFFF  }
0xa7: {  	s28 =	simm.s32 $_size_execute0_lowered;
	s3 =	sadd.s32 s3, s5;
	[dreg:$0x0] =	wrdreg $0x0  }
0xa8: {  	s5 =	sshll.u32 s28, $0x1;
	[dreg:$0x2] =	wrdreg s3  }
0xa9: {  	[dreg:$0x3] =	wrdreg s5  }
0xaa: {  	[dreg:$0x4] =	wrdreg $0xC0  }
0xab: {  	_ =	task [dreg:s7], $0x5FFFF  }
0xac: {  	[dreg:$0x1] =	wrdreg $0xFFFFFFFF  }
0xad: {  	[dreg:$0x0] =	wrdreg $0x60  }
0xae: {  	[dreg:$0x2] =	wrdreg s24  }
0xaf: {  	[dreg:$0x3] =	wrdreg s2  }
0xb0: {  	[dreg:$0x4] =	wrdreg $0x63000  }
0xb1: {  	[dreg:$0x5] =	wrdreg $0x9  }
0xb2: {  	_ =	task.clear_ibuf [dreg:s7], $0x6FFFF;
	_ =	strace $0x90000049  }
0xb3: {  	s29 =	simm.s32 $0x9;
	_ =	strace $0x8000004B  }
0xb4: {  	_ =	swait.ge [sflag:s29], $0x1  }
0xb5: {  	[sflag:s29] =	ssyncadd.s32 $0xFFFFFFFF  }
0xb6: {  	_ =	strace $0x9000004B  }
0xb7: {  	_ =	sfence  }
0xb8: {  	s30 =	sld [smem:$0x0];
	_ =	sdelay $0x2  }
0xb9: {  	s31 =	sshll.u32 s1, $0xD;
	s1 =	sshrl.u32 s1, $0x2  }
0xba: {  	s3 =	sand.u32 $0x4000, s31;
	s1 =	sadd.s32 s1, s30  }
0xbb: {  	s0 =	sor.u32 s3, s0;
	s1 =	sshll.u32 s1, $0x11  }
0xbc: {  	s0 =	sor.u32 s1, s0  }
0xbd: {  	s0 =	sadd.s32 $0x8F2B, s0  }
0xbe: {  	[sflag:s0] =	ssyncadd.remote.s32 $0x1  }
0xbf: {  	_ =	sfence.sel $0xFFFF  }
0xc0: {  	[dreg:$0x0] =	wrdreg $0xFFFFFFFF;
	(pc) =	sbr.abs _section_cstart, $3  }
0xc1: {  	[dreg:$0x1] =	wrdreg $0xFFFFFFFF  }
0xc2: {  	_ =	task.clear_ibuf [dreg:s7], $0x2FFFF;
	_ =	strace $0x9FFFFFFF  }
0xc3: {  	(tm) =	ssettm $0x7FFFFFFF  }
tec
execute0_lowered:
.L_overlay_start_1:
0x0: {  	(tag) =	ssettag $0x1  }
0x1: {  	s1 =	srdreg.scid  }
0x2: {  	s1 =	sand.u32 $0x1, s1  }
0x3: {  	p0 =	seq.s32 s1, $0x1  }
.Ltmp0:
0x4: {  	s11 =	rddreg [dreg:$0x0];
	(pc) =	sbr.rel @p0 .LBB2_4-.Ltmp0, $4  }
0x5: {  	s5 =	rddreg [dreg:$0x1]  }
0x6: {  	s2 =	rddreg [dreg:$0x2];
	s4 =	simm.s32 $0x0  }
0x7: {  	[smem:$0x7FF] =	sst s4  }
0x8: {  	s0 =	rddreg [dreg:$0x3];
	_ =	strace $0x8000004A;
	s1 =	stileid.u32  }
0x9: {  	s3 =	smul.u32 $0x27200, s1;
	_ =	sdelay $0x1  }
0xa: {  	s3 =	sshrl.u32 s3, $0x2  }
0xb: {  	s25 =	sshll.u32 s1, $0x6;
	s6 =	sadd.s32 s3, s2  }
0xc: {  	s3 =	sor.u32 $0x1C04, s25;
	s6 =	sshrl.u32 s6, $0x3  }
0xd: {  	[spmem:s6], [sflag:s3] =	dma.local [hbm:s5], $0x1390  }
0xe: {  	s5 =	simm.s32 $0x4  }
0xf: {  	_ =	swait.ge [sflag:s5], $0x1390  }
0x10: {  	s14 =	smul.u32 $0x13E0, s1;
	[sflag:s5] =	ssyncset.done $0x0  }
0x11: {  	s15 =	sadd.s32 $0x2BC00, s11;
	[sflag:s5] =	ssyncadd.s32 $0xFFFFEC70  }
0x12: {  	s26 =	smul.u32 $0x9F00, s1;
	s7 =	sadd.s32 s15, s14;
	[bflag:$0x0] =	sbarrier.arrive $0xFFFF  }
0x13: {  	[tilespmem:s4], [sflag:$0x4] =	stream.linear.gather [hbm4b:s7+s4], $0x100, $0x38;
	[tilespmem:$0xFF80] =	vst v63  }
0x14: {  	s13 =	simm.s32 $0x300;
	s29 =	sshrl.u32 s26, $0x3;
	_ =	swait.ge [sflag:s5], $0x100  }
0x15: {  	s12 =	smul.u32 $0x9F, s1;
	s8 =	sadd.s32 s15, s29;
	[sflag:s5] =	ssyncset.done $0x0  }
0x16: {  	s6 =	sadd.s32 $0x12A200, s11;
	s7 =	simm.s32 $0x80;
	[sflag:s5] =	ssyncadd.s32 $0xFFFFFF00  }
0x17: {  	[tilespmem:s13], [sflag:$0x1] =	stream.indirect.gather [hbm4b:s6+s7], $0x40, s7, s7, $0xb8;
	[tilespmem:$0xFF80] =	vst v63  }
0x18: {  	s12 =	simm.s32 @p0 $0x9F0;
	s9 =	sadd.s32 $0x20, s8;
	s8 =	simm.s32 $0x100  }
0x19: {  	[tilespmem:s8], [sflag:$0x4] =	stream.linear.gather [hbm4b:s9+s4], $0x100, $0x38;
	[tilespmem:$0xFF80] =	vst v63  }
0x1a: {  	s12 =	sshll.u32 s12, $0x5;
	_ =	swait.ge [sflag:s5], $0x100  }
0x1b: {  	s10 =	simm.s32 $0x2300;
	s21 =	sadd.s32 s12, s15;
	[sflag:s5] =	ssyncset.done $0x0  }
0x1c: {  	s16 =	sadd.s32 $0xFFFFEC80, s21;
	s9 =	simm.s32 $0x180;
	[sflag:s5] =	ssyncadd.s32 $0xFFFFFF00  }
0x1d: {  	[tilespmem:s10], [sflag:$0x2] =	stream.indirect.gather [hbm4b:s6+s7], $0x40, s9, s7, $0xb8;
	[tilespmem:$0xFF80] =	vst v63  }
0x1e: {  	s12 =	simm.s32 $0x200;
	s17 =	sadd.s32 $0x13C0, s16  }
0x1f: {  	[tilespmem:s12], [sflag:$0x4] =	stream.linear.gather [hbm4b:s17+s4], $0x100, $0x38;
	[tilespmem:$0xFF80] =	vst v63  }
0x20: {  	_ =	swait.ge [sflag:s5], $0x100  }
0x21: {  	s18 =	simm.s32 $0x280;
	[sflag:s5] =	ssyncset.done $0x0  }
0x22: {  	s19 =	simm.s32 $0x1;
	s17 =	simm.s32 $0x4300;
	[sflag:s5] =	ssyncadd.s32 $0xFFFFFF00  }
0x23: {  	[tilespmem:s17], [sflag:$0x3] =	stream.indirect.gather [hbm4b:s6+s7], $0x40, s18, s7, $0xb8;
	[tilespmem:$0xFF80] =	vst v63  }
0x24: {  	_ =	swait.ge [sflag:s19], $0x2000  }
0x25: {  	[sflag:s19] =	ssyncset.done $0x0  }
0x26: {  	[sflag:s19] =	ssyncadd.s32 $0xFFFFE000  }
0x27: {  	[spmem:s2] =	stream.indirect.scatter.add.f32 [tilespmem:s13], [sflag:$0x4], $0x40, s4, s7, $0xb8;
	[tilespmem:$0xFF80] =	vst v63  }
0x28: {  	_ =	swait.ge [sflag:s5], $0x2000  }
0x29: {  	[sflag:s5] =	ssyncset.done $0x0  }
0x2a: {  	s20 =	sadd.s32 $0x13E0, s16;
	[sflag:s5] =	ssyncadd.s32 $0xFFFFE000  }
0x2b: {  	[tilespmem:s4], [sflag:$0x4] =	stream.linear.gather [hbm4b:s20+s4], $0x100, $0x38;
	[tilespmem:$0xFF80] =	vst v63  }
0x2c: {  	_ =	swait.ge [sflag:s5], $0x100  }
0x2d: {  	[sflag:s5] =	ssyncset.done $0x0  }
0x2e: {  	s20 =	simm.s32 $0x2;
	[sflag:s5] =	ssyncadd.s32 $0xFFFFFF00  }
0x2f: {  	[tilespmem:s13], [sflag:$0x1] =	stream.indirect.gather [hbm4b:s6+s7], $0x40, s7, s7, $0xb8;
	[tilespmem:$0xFF80] =	vst v63  }
0x30: {  	_ =	swait.ge [sflag:s20], $0x2000  }
0x31: {  	[sflag:s20] =	ssyncset.done $0x0  }
0x32: {  	[sflag:s20] =	ssyncadd.s32 $0xFFFFE000  }
0x33: {  	[spmem:s2] =	stream.indirect.scatter.add.f32 [tilespmem:s10], [sflag:$0x4], $0x40, s8, s7, $0xb8;
	[tilespmem:$0xFF80] =	vst v63  }
0x34: {  	_ =	swait.ge [sflag:s5], $0x2000  }
0x35: {  	[sflag:s5] =	ssyncset.done $0x0  }
0x36: {  	s16 =	sadd.s32 $0x1400, s16;
	[sflag:s5] =	ssyncadd.s32 $0xFFFFE000  }
0x37: {  	[tilespmem:s8], [sflag:$0x4] =	stream.linear.gather [hbm4b:s16+s4], $0x100, $0x38;
	[tilespmem:$0xFF80] =	vst v63  }
0x38: {  	_ =	swait.ge [sflag:s5], $0x100  }
0x39: {  	s30 =	smul.u32 $0x1380, s1;
	[sflag:s5] =	ssyncset.done $0x0  }
0x3a: {  	s24 =	smul.u32 $0x27000, s1;
	s23 =	simm.s32 $0x3;
	[sflag:s5] =	ssyncadd.s32 $0xFFFFFF00  }
0x3b: {  	[tilespmem:s10], [sflag:$0x2] =	stream.indirect.gather [hbm4b:s6+s7], $0x40, s9, s7, $0xb8;
	[tilespmem:$0xFF80] =	vst v63  }
0x3c: {  	s28 =	simm.s32 $0xFFFFED40;
	s14 =	sadd.s32 s14, s15;
	_ =	swait.ge [sflag:s23], $0x2000  }
0x3d: {  	s31 =	sshrl.u32 s24, $0x2;
	s22 =	sadd.s32 $0x13C0, s14;
	[sflag:s23] =	ssyncset.done $0x0  }
0x3e: {  	s15 =	sadd.s32 $0x9C000, s2;
	s24 =	sadd.s32 $0xFFFFECE0, s21;
	[sflag:s23] =	ssyncadd.s32 $0xFFFFE000  }
0x3f: {  	[spmem:s2] =	stream.indirect.scatter.add.f32 [tilespmem:s17], [sflag:$0x4], $0x40, s12, s7, $0xb8;
	[tilespmem:$0xFF80] =	vst v63  }
0x40: {  	s16 =	sadd.s32 s30, s11;
	s11 =	sadd.s32 $0x151400, s11;
	_ =	swait.ge [sflag:s5], $0x2000  }
0x41: {  	s14 =	sadd.s32 $0x13DC00, s16;
	s16 =	sadd.s32 s31, s2;
	[sflag:s5] =	ssyncset.done $0x0  }
.LBB2_2:
0x42: {  	s29 =	sadd.s32 $0x13C0, s24  }
0x43: {  	[sflag:s5] =	ssyncadd.s32 $0xFFFFE000;
	s26 =	smov.u32 s28;
	s25 =	sadd.s32 $0x60, s28  }
0x44: {  	[tilespmem:s12], [sflag:$0x4] =	stream.linear.gather [hbm4b:s29+s4], $0x100, $0x38;
	[tilespmem:$0xFF80] =	vst v63  }
0x45: {  	p0 =	sne.s32 s28, $0xFFFFFFA0;
	_ =	swait.ge [sflag:s5], $0x100  }
0x46: {  	[sflag:s5] =	ssyncset.done $0x0  }
0x47: {  	[sflag:s5] =	ssyncadd.s32 $0xFFFFFF00  }
0x48: {  	[tilespmem:s17], [sflag:$0x3] =	stream.indirect.gather [hbm4b:s6+s7], $0x40, s18, s7, $0xb8;
	[tilespmem:$0xFF80] =	vst v63  }
0x49: {  	_ =	swait.ge [sflag:s19], $0x2000  }
0x4a: {  	[sflag:s19] =	ssyncset.done $0x0  }
0x4b: {  	[sflag:s19] =	ssyncadd.s32 $0xFFFFE000  }
0x4c: {  	[spmem:s2] =	stream.indirect.scatter.add.f32 [tilespmem:s13], [sflag:$0x4], $0x40, s4, s7, $0xb8;
	[tilespmem:$0xFF80] =	vst v63  }
0x4d: {  	_ =	swait.ge [sflag:s5], $0x2000  }
0x4e: {  	[sflag:s5] =	ssyncset.done $0x0  }
0x4f: {  	s28 =	sadd.s32 $0x13E0, s24;
	[sflag:s5] =	ssyncadd.s32 $0xFFFFE000  }
0x50: {  	[tilespmem:s4], [sflag:$0x4] =	stream.linear.gather [hbm4b:s28+s4], $0x100, $0x38;
	[tilespmem:$0xFF80] =	vst v63  }
0x51: {  	_ =	swait.ge [sflag:s5], $0x100  }
0x52: {  	[sflag:s5] =	ssyncset.done $0x0  }
0x53: {  	[sflag:s5] =	ssyncadd.s32 $0xFFFFFF00  }
0x54: {  	[tilespmem:s13], [sflag:$0x1] =	stream.indirect.gather [hbm4b:s6+s7], $0x40, s7, s7, $0xb8;
	[tilespmem:$0xFF80] =	vst v63  }
0x55: {  	_ =	swait.ge [sflag:s20], $0x2000  }
0x56: {  	[sflag:s20] =	ssyncset.done $0x0  }
0x57: {  	[sflag:s20] =	ssyncadd.s32 $0xFFFFE000  }
0x58: {  	[spmem:s2] =	stream.indirect.scatter.add.f32 [tilespmem:s10], [sflag:$0x4], $0x40, s8, s7, $0xb8;
	[tilespmem:$0xFF80] =	vst v63  }
0x59: {  	_ =	swait.ge [sflag:s5], $0x2000  }
0x5a: {  	[sflag:s5] =	ssyncset.done $0x0  }
0x5b: {  	s24 =	sadd.s32 $0x1400, s24;
	[sflag:s5] =	ssyncadd.s32 $0xFFFFE000  }
0x5c: {  	[tilespmem:s8], [sflag:$0x4] =	stream.linear.gather [hbm4b:s24+s4], $0x100, $0x38;
	[tilespmem:$0xFF80] =	vst v63  }
0x5d: {  	_ =	swait.ge [sflag:s5], $0x100  }
0x5e: {  	[sflag:s5] =	ssyncset.done $0x0  }
0x5f: {  	[sflag:s5] =	ssyncadd.s32 $0xFFFFFF00  }
0x60: {  	[tilespmem:s10], [sflag:$0x2] =	stream.indirect.gather [hbm4b:s6+s7], $0x40, s9, s7, $0xb8;
	[tilespmem:$0xFF80] =	vst v63  }
0x61: {  	_ =	swait.ge [sflag:s23], $0x2000  }
.Ltmp1:
0x62: {  	[sflag:s23] =	ssyncset.done $0x0;
	(pc) =	sbr.rel @p0 .LBB2_2-.Ltmp1, $4  }
0x63: {  	[sflag:s23] =	ssyncadd.s32 $0xFFFFE000  }
0x64: {  	[spmem:s2] =	stream.indirect.scatter.add.f32 [tilespmem:s17], [sflag:$0x4], $0x40, s12, s7, $0xb8;
	[tilespmem:$0xFF80] =	vst v63  }
0x65: {  	_ =	swait.ge [sflag:s5], $0x2000  }
0x66: {  	s28 =	smov.u32 s25;
	s24 =	sadd.s32 s26, s21;
	[sflag:s5] =	ssyncset.done $0x0  }
0x67: {  	s21 =	sadd.s32 $0x13C0, s24;
	[sflag:s5] =	ssyncadd.s32 $0xFFFFE000  }
0x68: {  	[tilespmem:s12], [sflag:$0x4] =	stream.linear.gather [hbm4b:s21+s4], $0x100, $0x38;
	[tilespmem:$0xFF80] =	vst v63  }
0x69: {  	_ =	swait.ge [sflag:s5], $0x100  }
0x6a: {  	[sflag:s5] =	ssyncset.done $0x0  }
0x6b: {  	[sflag:s5] =	ssyncadd.s32 $0xFFFFFF00  }
0x6c: {  	[tilespmem:s17], [sflag:$0x3] =	stream.indirect.gather [hbm4b:s6+s7], $0x40, s18, s7, $0xb8;
	[tilespmem:$0xFF80] =	vst v63  }
0x6d: {  	_ =	swait.ge [sflag:s19], $0x2000  }
0x6e: {  	[sflag:s19] =	ssyncset.done $0x0  }
0x6f: {  	[sflag:s19] =	ssyncadd.s32 $0xFFFFE000  }
0x70: {  	[spmem:s2] =	stream.indirect.scatter.add.f32 [tilespmem:s13], [sflag:$0x4], $0x40, s4, s7, $0xb8;
	[tilespmem:$0xFF80] =	vst v63  }
0x71: {  	_ =	swait.ge [sflag:s5], $0x2000  }
0x72: {  	[sflag:s5] =	ssyncset.done $0x0  }
0x73: {  	s30 =	sadd.s32 $0x13E0, s24;
	[sflag:s5] =	ssyncadd.s32 $0xFFFFE000  }
0x74: {  	[tilespmem:s4], [sflag:$0x4] =	stream.linear.gather [hbm4b:s30+s4], $0x100, $0x38;
	[tilespmem:$0xFF80] =	vst v63  }
0x75: {  	_ =	swait.ge [sflag:s5], $0x100  }
0x76: {  	[sflag:s5] =	ssyncset.done $0x0  }
0x77: {  	[sflag:s5] =	ssyncadd.s32 $0xFFFFFF00  }
0x78: {  	[tilespmem:s13], [sflag:$0x1] =	stream.indirect.gather [hbm4b:s6+s7], $0x40, s7, s7, $0xb8;
	[tilespmem:$0xFF80] =	vst v63  }
0x79: {  	_ =	swait.ge [sflag:s20], $0x2000  }
0x7a: {  	[sflag:s20] =	ssyncset.done $0x0  }
0x7b: {  	[sflag:s20] =	ssyncadd.s32 $0xFFFFE000  }
0x7c: {  	[spmem:s2] =	stream.indirect.scatter.add.f32 [tilespmem:s10], [sflag:$0x4], $0x40, s8, s7, $0xb8;
	[tilespmem:$0xFF80] =	vst v63  }
0x7d: {  	_ =	swait.ge [sflag:s5], $0x2000  }
0x7e: {  	[sflag:s5] =	ssyncset.done $0x0  }
0x7f: {  	s31 =	sadd.s32 $0x1400, s24;
	[sflag:s5] =	ssyncadd.s32 $0xFFFFE000  }
0x80: {  	[tilespmem:s8], [sflag:$0x4] =	stream.linear.gather [hbm4b:s31+s4], $0x100, $0x38;
	[tilespmem:$0xFF80] =	vst v63  }
0x81: {  	_ =	swait.ge [sflag:s5], $0x100  }
0x82: {  	[sflag:s5] =	ssyncset.done $0x0  }
0x83: {  	[sflag:s5] =	ssyncadd.s32 $0xFFFFFF00  }
0x84: {  	[tilespmem:s10], [sflag:$0x2] =	stream.indirect.gather [hbm4b:s6+s7], $0x40, s9, s7, $0xb8;
	[tilespmem:$0xFF80] =	vst v63  }
0x85: {  	_ =	swait.ge [sflag:s23], $0x2000  }
0x86: {  	[sflag:s23] =	ssyncset.done $0x0  }
0x87: {  	[sflag:s23] =	ssyncadd.s32 $0xFFFFE000  }
0x88: {  	[spmem:s2] =	stream.indirect.scatter.add.f32 [tilespmem:s17], [sflag:$0x4], $0x40, s12, s7, $0xb8;
	[tilespmem:$0xFF80] =	vst v63  }
0x89: {  	_ =	swait.ge [sflag:s5], $0x2000  }
0x8a: {  	s18 =	simm.s32 $0x0;
	[sflag:s5] =	ssyncset.done $0x0  }
0x8b: {  	s19 =	simm.s32 $0x200;
	s20 =	simm.s32 $0x4;
	[sflag:s5] =	ssyncadd.s32 $0xFFFFE000  }
0x8c: {  	[tilespmem:s19], [sflag:$0x4] =	stream.linear.gather [hbm4b:s22+s18], $0x100, $0x38;
	[tilespmem:$0xFF80] =	vst v63  }
0x8d: {  	_ =	swait.ge [sflag:s20], $0x100  }
0x8e: {  	s24 =	simm.s32 $0x1;
	s21 =	simm.s32 $0x80;
	[sflag:s20] =	ssyncset.done $0x0  }
0x8f: {  	s23 =	simm.s32 $0x4300;
	s22 =	simm.s32 $0x280;
	[sflag:s20] =	ssyncadd.s32 $0xFFFFFF00  }
0x90: {  	[tilespmem:s23], [sflag:$0x3] =	stream.indirect.gather [hbm4b:s6+s21], $0x40, s22, s21, $0xb8;
	[tilespmem:$0xFF80] =	vst v63  }
0x91: {  	_ =	swait.ge [sflag:s24], $0x2000  }
0x92: {  	[sflag:s24] =	ssyncset.done $0x0  }
0x93: {  	s25 =	simm.s32 $0x300;
	[sflag:s24] =	ssyncadd.s32 $0xFFFFE000  }
0x94: {  	[spmem:s2] =	stream.indirect.scatter.add.f32 [tilespmem:s25], [sflag:$0x4], $0x40, s18, s21, $0xb8;
	[tilespmem:$0xFF80] =	vst v63  }
0x95: {  	_ =	swait.ge [sflag:s20], $0x2000  }
0x96: {  	[sflag:s20] =	ssyncset.done $0x0  }
0x97: {  	s26 =	simm.s32 $0x2;
	[sflag:s20] =	ssyncadd.s32 $0xFFFFE000  }
0x98: {  	_ =	swait.ge [sflag:s26], $0x2000  }
0x99: {  	[sflag:s26] =	ssyncset.done $0x0  }
0x9a: {  	s28 =	simm.s32 $0x100;
	s29 =	simm.s32 $0x2300;
	[sflag:s26] =	ssyncadd.s32 $0xFFFFE000  }
0x9b: {  	[spmem:s2] =	stream.indirect.scatter.add.f32 [tilespmem:s29], [sflag:$0x4], $0x40, s28, s21, $0xb8;
	[tilespmem:$0xFF80] =	vst v63  }
0x9c: {  	_ =	swait.ge [sflag:s20], $0x2000  }
0x9d: {  	[sflag:s20] =	ssyncset.done $0x0  }
0x9e: {  	s30 =	simm.s32 $0x3;
	[sflag:s20] =	ssyncadd.s32 $0xFFFFE000  }
0x9f: {  	_ =	swait.ge [sflag:s30], $0x2000  }
0xa0: {  	[sflag:s30] =	ssyncset.done $0x0  }
0xa1: {  	[sflag:s30] =	ssyncadd.s32 $0xFFFFE000  }
0xa2: {  	[spmem:s2] =	stream.indirect.scatter.add.f32 [tilespmem:s23], [sflag:$0x4], $0x40, s19, s21, $0xb8;
	[tilespmem:$0xFF80] =	vst v63  }
0xa3: {  	_ =	swait.ge [sflag:s20], $0x2000  }
0xa4: {  	[sflag:s20] =	ssyncset.done $0x0  }
0xa5: {  	[sflag:s20] =	ssyncadd.s32 $0xFFFFE000  }
0xa6: {  	s31 =	sshrl.u32 s16, $0x3;
	[bflag:$0x0] =	sbarrier.arrive $0xFFFF  }
0xa7: {  	[hbm:s14], [sflag:s3] =	dma.local [spmem:s31], $0x1380  }
0xa8: {  	_ =	swait.ge [sflag:s20], $0x1380  }
0xa9: {  	p0 =	sne.s32 s1, $0xF;
	[sflag:s20] =	ssyncset.done $0x0  }
0xaa: {  	s2 =	sshrl.u32 @!p0 s15, $0x3;
	[sflag:s20] =	ssyncadd.s32 $0xFFFFEC80  }
0xab: {  	[hbm:s11], [sflag:s3] =	dma.local @!p0 [spmem:s2], $0x80  }
0xac: {  	s2 =	simm.s32 @!p0 $0x4  }
0xad: {  	_ =	swait.ge @!p0 [sflag:s2], $0x80  }
0xae: {  	[sflag:s2] =	ssyncset.done @!p0 $0x0  }
0xaf: {  	[sflag:s2] =	ssyncadd.s32 @!p0 $0xFFFFFF80  }
.LBB2_4:
0xb0: {  	_ =	sfence.sel $0x180000  }
0xb1: {  	[bflag:$0x0] =	sbarrier.arrive $0xFFFF  }
0xb2: {  	p0 =	sne.s32 s1, $0x0;
	_ =	strace $0x9000004A  }
0xb3: {  	s0 =	sadd.s32 @!p0 $0x100000, s0;
	[bflag:$0x2] =	sbarrier.arrive $0xFFFF  }
0xb4: {  	[sflag:s0] =	ssyncadd.tile.s32 @!p0 $0x1;
	_ =	shalt  }
.Lfunc_end2:
_tile_overlayer_lowered:
.L_overlay_start_2:
0xb5: {  	(tag) =	ssettag $0x2  }
0xb6: {  	s0 =	rddreg [dreg:$0x0];
	s2 =	stileid.u32  }
0xb7: {  	s1 =	rddreg [dreg:$0x1];
	p0 =	sne.s32 s2, $0x0  }
0xb8: {  	s3 =	rddreg [dreg:$0x2];
	[bflag:$0x3] =	sbarrier.arrive $0xFFFF;
	s2 =	simm.s32 @!p0 $0x1C04  }
0xb9: {  	[timem:s3], [sflag:s2] =	dma.local @!p0 [hbm:s0], s1  }
0xba: {  	s0 =	simm.s32 @!p0 $0x4  }
0xbb: {  	_ =	swait.ge @!p0 [sflag:s0], s1  }
0xbc: {  	s1 =	ssub.s32 @!p0 $0x0, s1;
	[sflag:s0] =	ssyncset.done @!p0 $0x0  }
0xbd: {  	[sflag:s0] =	ssyncadd.s32 @!p0 s1  }
0xbe: {  	[bflag:$0x3] =	sbarrier.arrive $0xFFFF  }
0xbf: {  	_ =	shalt  }

// kernel: kernel.16.cloned.1.call-start
scs
__scs_entry_jumppad:
0x0: {  	(pc) =	sbr.rel $0x88, $3  }
0x1: {  	(tag) =	ssettag $0x0;
	lr =	simm.s32 $0x1  }
0x2: {  	[smem:$0x3F9A] =	sst lr;
	_ =	strace $0xD0000000  }
0x3: {  	_ = 	snop  }
0x4: {  	_ = 	snop  }
0x5: {  	_ = 	snop  }
0x6: {  	_ = 	snop  }
0x7: {  	_ = 	snop  }
__scs_overlays_trampoline_lowered:
0x8: {  	[smem:$0x3FA9] =	sst s0  }
0x9: {  	[smem:$0x3FAA] =	sst s1  }
0xa: {  	[smem:$0x3FAB] =	sst s2  }
0xb: {  	[smem:$0x3FAC] =	sst s3  }
0xc: {  	[smem:$0x3FAD] =	sst s4  }
0xd: {  	[smem:$0x3FAE] =	sst s5  }
0xe: {  	[smem:$0x3FAF] =	sst s6  }
0xf: {  	[smem:$0x3FB0] =	sst s7  }
0x10: {  	[smem:$0x3FB1] =	sst s8  }
0x11: {  	[smem:$0x3FB2] =	sst s9;
	s0 =	simm.s32 @!p0 $0x0  }
0x12: {  	s1 =	sld [smem:$0x3F98];
	s0 =	simm.s32 @p0 $0x1  }
0x13: {  	[smem:$0x3FB3] =	sst s0;
	s0 =	simm.s32 @!p1 $0x0  }
0x14: {  	s2 =	sld [smem:$0x3F97];
	s0 =	simm.s32 @p1 $0x1  }
0x15: {  	[smem:$0x3FB4] =	sst s0;
	s0 =	simm.s32 @!p2 $0x0  }
0x16: {  	s3 =	sld [smem:$0x3FDB];
	s0 =	simm.s32 @p2 $0x1  }
0x17: {  	s4 =	simm.s32 $0x1BF5;
	[smem:$0x3FB6] =	sst s0  }
0x18: {  	s0 =	sld [smem:$0x3F99];
	_ =	swait.ge [sflag:s4], $0x0  }
0x19: {  	s7 =	sld [smem:$0x3F9A]  }
0x1a: {  	s8 =	sadd.s32 $0xFFFFE003, lr  }
0x1b: {  	s9 =	sadd.s32 $0xFFFFFEF7, lr;
	s5 =	simm.s32 $0xFFFFFFFF;
	p2 =	slt.u32 s8, $0xFFFFF086  }
0x1c: {  	p1 =	slt.u32 s9, $0xF7A;
	s5 =	simm.s32 @!p2 $0x0  }
0x1d: {  	s5 =	simm.s32 @p1 $0x1;
	p0 =	seq.s32 s7, s2  }
0x1e: {  	s7 =	smul.u32 @!p0 $0xF7A, s2;
	p2 =	seq.s32 @!p0 s5, $0x0  }
0x1f: {  	s9 =	smul.u32 $0xF7A, s1;
	s8 =	simm.s32 @!p0 $0x1BF5;
	p2 =	por !p2, p0  }
0x20: {  	[sflag:s8] =	ssyncset.s32 @!p0 $0xFFFFF086;
	s6 =	sadd.s32 @!p0 s3, s7;
	s7 =	simm.s32 @!p0 $0x108  }
0x21: {  	s3 =	sadd.s32 s3, s9;
	s6 =	sadd.s32 @!p0 $0x88, s6;
	s7 =	simm.s32 @p2 $0x1082  }
0x22: {  	[simem:s7], [sflag:s8] =	dma.local @!p0 [hbm:s6], $0xF7A  }
0x23: {  	s9 =	sor.u32 $0xD0000000, s2;
	s6 =	simm.s32 $0x108;
	_ =	swait.ge @!p0 [sflag:s8], $0x0  }
0x24: {  	s3 =	sadd.s32 $0x88, s3;
	s6 =	simm.s32 @!p1 $0x1082;
	[sflag:s4] =	ssyncset.s32 $0xFFFFF086  }
0x25: {  	[simem:s6], [sflag:s4] =	dma.local [hbm:s3], $0xF7A  }
0x26: {  	[smem:$0x3F9A] =	sst s1;
	(tag) =	ssettag s2;
	_ =	strace s9  }
0x27: {  	s1 =	sld [smem:$0x3FAA]  }
0x28: {  	s2 =	sld [smem:$0x3FAB]  }
0x29: {  	s4 =	sld [smem:$0x3FAD]  }
0x2a: {  	p0 =	seq.s32 s5, $0x0;
	s5 =	sld [smem:$0x3FAE]  }
0x2b: {  	s6 =	sld [smem:$0x3FAF]  }
0x2c: {  	s7 =	sld [smem:$0x3FB0]  }
0x2d: {  	s3 =	simm.s32 $0x108;
	s8 =	sld [smem:$0x3FB1]  }
0x2e: {  	s3 =	simm.s32 @!p0 $0x1082;
	s9 =	sld [smem:$0x3FB2]  }
0x2f: {  	lr =	sadd.s32 s0, s3;
	s0 =	sld [smem:$0x3FA9]  }
0x30: {  	s3 =	sld [smem:$0x3FAC]  }
0x31: {  	[smem:$0x3FB5] =	sst s10  }
0x32: {  	s10 =	sld [smem:$0x3FB3];
	_ =	sdelay $0x3  }
0x33: {  	p0 =	seq.s32 s10, $0x1;
	s10 =	sld [smem:$0x3FB5];
	_ =	sdelay $0x3  }
0x34: {  	[smem:$0x3FB5] =	sst s10  }
0x35: {  	s10 =	sld [smem:$0x3FB4];
	_ =	sdelay $0x3  }
0x36: {  	p1 =	seq.s32 s10, $0x1;
	s10 =	sld [smem:$0x3FB5];
	_ =	sdelay $0x3  }
0x37: {  	[smem:$0x3FB5] =	sst s10  }
0x38: {  	s10 =	sld [smem:$0x3FB6]  }
0x39: {  	_ = 	snop;
	(pc) =	sbr.ind lr, $3  }
0x3a: {  	_ = 	snop  }
0x3b: {  	_ = 	snop  }
0x3c: {  	p2 =	seq.s32 s10, $0x1;
	s10 =	sld [smem:$0x3FB5]  }
0x3d: {  	_ =	shalt  }
0x3e: {  	_ =	shalt  }
0x3f: {  	_ =	shalt  }
0x40: {  	_ =	shalt  }
0x41: {  	_ =	shalt  }
0x42: {  	_ =	shalt  }
0x43: {  	_ =	shalt  }
0x44: {  	_ =	shalt  }
0x45: {  	_ =	shalt  }
0x46: {  	_ =	shalt  }
0x47: {  	_ =	shalt  }
0x48: {  	_ =	shalt  }
0x49: {  	_ =	shalt  }
0x4a: {  	_ =	shalt  }
0x4b: {  	_ =	shalt  }
0x4c: {  	_ =	shalt  }
0x4d: {  	_ =	shalt  }
0x4e: {  	_ =	shalt  }
0x4f: {  	_ =	shalt  }
0x50: {  	_ =	shalt  }
0x51: {  	_ =	shalt  }
0x52: {  	_ =	shalt  }
0x53: {  	_ =	shalt  }
0x54: {  	_ =	shalt  }
0x55: {  	_ =	shalt  }
0x56: {  	_ =	shalt  }
0x57: {  	_ =	shalt  }
0x58: {  	_ =	shalt  }
0x59: {  	_ =	shalt  }
0x5a: {  	_ =	shalt  }
0x5b: {  	_ =	shalt  }
0x5c: {  	_ =	shalt  }
0x5d: {  	_ =	shalt  }
0x5e: {  	_ =	shalt  }
0x5f: {  	_ =	shalt  }
0x60: {  	_ =	shalt  }
0x61: {  	_ =	shalt  }
0x62: {  	_ =	shalt  }
0x63: {  	_ =	shalt  }
0x64: {  	_ =	shalt  }
0x65: {  	_ =	shalt  }
0x66: {  	_ =	shalt  }
0x67: {  	_ =	shalt  }
0x68: {  	_ =	shalt  }
0x69: {  	_ =	shalt  }
0x6a: {  	_ =	shalt  }
0x6b: {  	_ =	shalt  }
0x6c: {  	_ =	shalt  }
0x6d: {  	_ =	shalt  }
0x6e: {  	_ =	shalt  }
0x6f: {  	_ =	shalt  }
0x70: {  	_ =	shalt  }
0x71: {  	_ =	shalt  }
0x72: {  	_ =	shalt  }
0x73: {  	_ =	shalt  }
0x74: {  	_ =	shalt  }
0x75: {  	_ =	shalt  }
0x76: {  	_ =	shalt  }
0x77: {  	_ =	shalt  }
0x78: {  	_ =	shalt  }
0x79: {  	_ =	shalt  }
0x7a: {  	_ =	shalt  }
0x7b: {  	_ =	shalt  }
0x7c: {  	_ =	shalt  }
0x7d: {  	_ =	shalt  }
0x7e: {  	_ =	shalt  }
0x7f: {  	_ =	shalt  }
0x80: {  	_ =	shalt  }
0x81: {  	_ =	shalt  }
0x82: {  	_ =	shalt  }
0x83: {  	_ =	shalt  }
0x84: {  	_ =	shalt  }
0x85: {  	_ =	shalt  }
0x86: {  	_ =	shalt  }
0x87: {  	_ =	shalt  }
.Lfunc_end0:
.L_simem_size_0:
called_computation.2_lowered:
.L_overlay_start_0:
0x88: {  	s2 =	sld [smem:$0x3FD9]  }
0x89: {  	s3 =	sld [smem:$0x3FFE];
	_ =	sdelay $0x1  }
0x8a: {  	s1 =	srdreg.scid  }
0x8b: {  	s0 =	sand.u32 $0x1, s1  }
0x8c: {  	s17 =	sshll.u32 s0, $0xA;
	s2 =	sadd.s32 s3, s2  }
0x8d: {  	s2 =	sadd.s32 s2, s17  }
0x8e: {  	[smem:$0x3FC1] =	sst s2  }
0x8f: {  	_ = 	snop  }
0x90: {  	s18 =	sld [smem:$0x3FD0];
	(tm) =	ssettm $0x1  }
0x91: {  	s19 =	sld [smem:$0x3FFB];
	_ =	sdelay $0x3  }
0x92: {  	_ =	strace s19  }
0x93: {  	s2 =	sld [smem:$0x3FFC];
	_ =	sdelay $0x3  }
0x94: {  	_ =	strace s2  }
0x95: {  	s2 =	sld [smem:$0x3FFD];
	_ =	sdelay $0x3  }
0x96: {  	_ =	strace s2  }
0x97: {  	_ =	strace $0x8FFFFFFF  }
0x98: {  	s20 =	sld [smem:$0x3FDB];
	_ =	sdelay $0x1  }
0x99: {  	s4 =	simm.s32 $_scs_section_size  }
0x9a: {  	s5 =	simm.s32 $_size__tile_overlayer_lowered;
	s6 =	simm.s32 $_tile_overlayer_lowered  }
0x9b: {  	s7 =	simm.s32 $0x1BFF;
	s21 =	sshll.u32 s6, $0x1;
	s4 =	sadd.s32 s4, s20  }
0x9c: {  	s22 =	simm.s32 $0x0;
	s5 =	sshll.u32 s5, $0x1;
	s6 =	sadd.s32 s21, s4  }
0x9d: {  	[timem:s22], [sflag:s7] =	dma.local [hbm:s6], s5  }
0x9e: {  	_ =	swait.ge [sflag:s7], s5  }
0x9f: {  	s5 =	ssub.s32 $0x0, s5;
	[sflag:s7] =	ssyncset.done $0x0  }
0xa0: {  	[sflag:s7] =	ssyncadd.s32 s5;
	_ =	sdelay $0x1  }
0xa1: {  	s23 =	simm.s32 $0x1B8B  }
0xa2: {  	_ =	swait.ge [sflag:s23], $0x1  }
0xa3: {  	[sflag:s23] =	ssyncset.done $0x0  }
0xa4: {  	[sflag:s23] =	ssyncadd.s32 $0xFFFFFFFF  }
0xa5: {  	s5 =	sld [smem:$0x0]  }
0xa6: {  	s6 =	sand.u32 $0xFFFFFFFE, s1  }
0xa7: {  	p0 =	sne.s32 s1, s6  }
0xa8: {  	s6 =	sshll.u32 @p0 s6, $0xE  }
0xa9: {  	s6 =	sadd.s32 @p0 $0x11B8D, s6;
	s7 =	sshll.u32 @p0 s5, $0x11  }
0xaa: {  	s6 =	sor.u32 @p0 s7, s6  }
0xab: {  	[sflag:s6] =	ssyncadd.remote.s32 @p0 $0x1;
	_ =	sdelay $0x1  }
0xac: {  	s6 =	simm.s32 @p0 $0x1B8D  }
0xad: {  	_ =	swait.eq @p0 [sflag:s6], $0x1  }
0xae: {  	[sflag:s6] =	ssyncadd.s32 @p0 $0xFFFFFFFF  }
0xaf: {  	s7 =	sshll.u32 @!p0 s1, $0xE  }
0xb0: {  	s7 =	sor.u32 @!p0 $0x4000, s7;
	s6 =	simm.s32 @!p0 $0x1B8D  }
0xb1: {  	s5 =	sshll.u32 @!p0 s5, $0x11;
	s7 =	sadd.s32 @!p0 $0x11B8D, s7;
	_ =	swait.eq @!p0 [sflag:s6], $0x1  }
0xb2: {  	s5 =	sor.u32 @!p0 s5, s7;
	[sflag:s6] =	ssyncadd.s32 @!p0 $0xFFFFFFFF  }
0xb3: {  	s25 =	simm.s32 $0x1B8E;
	s24 =	sld [smem:$0x3FFE];
	[sflag:s5] =	ssyncadd.remote.s32 @!p0 $0x1  }
0xb4: {  	s26 =	simm.s32 $execute0_lowered;
	[smem:$0x3FD2] =	sst s25  }
0xb5: {  	s6 =	sshll.u32 s26, $0x1;
	_ =	strace $0x8000004C;
	[dreg:$0x1] =	wrdreg $0xFFFFFFFF  }
0xb6: {  	s28 =	simm.s32 $_size_execute0_lowered;
	s4 =	sadd.s32 s4, s6;
	[dreg:$0x0] =	wrdreg $0x0  }
0xb7: {  	s6 =	sshll.u32 s28, $0x1;
	[dreg:$0x2] =	wrdreg s4  }
0xb8: {  	[dreg:$0x3] =	wrdreg s6  }
0xb9: {  	[dreg:$0x4] =	wrdreg $0xC0  }
0xba: {  	_ =	task [dreg:s22], $0x5FFFF  }
0xbb: {  	[dreg:$0x1] =	wrdreg $0xFFFFFFFF  }
0xbc: {  	[dreg:$0x0] =	wrdreg $0x60  }
0xbd: {  	[dreg:$0x2] =	wrdreg s24  }
0xbe: {  	[dreg:$0x3] =	wrdreg s18  }
0xbf: {  	[dreg:$0x4] =	wrdreg $0x63000  }
0xc0: {  	[dreg:$0x5] =	wrdreg $0xA  }
0xc1: {  	_ =	task.clear_ibuf [dreg:s22], $0x6FFFF;
	_ =	strace $0x9000004C  }
0xc2: {  	s29 =	simm.s32 $0xA;
	_ =	strace $0x8000004E  }
0xc3: {  	_ =	swait.ge [sflag:s29], $0x1  }
0xc4: {  	[sflag:s29] =	ssyncadd.s32 $0xFFFFFFFF  }
0xc5: {  	_ =	strace $0x9000004E  }
0xc6: {  	_ =	sfence  }
0xc7: {  	s30 =	sld [smem:$0x0];
	_ =	sdelay $0x2  }
0xc8: {  	s31 =	sshll.u32 s1, $0xD;
	s1 =	sshrl.u32 s1, $0x2  }
0xc9: {  	s4 =	sand.u32 $0x4000, s31;
	s1 =	sadd.s32 s1, s30  }
0xca: {  	s0 =	sor.u32 s4, s0;
	s1 =	sshll.u32 s1, $0x11  }
0xcb: {  	s0 =	sor.u32 s1, s0  }
0xcc: {  	s0 =	sadd.s32 $0x8F2B, s0  }
0xcd: {  	[sflag:s0] =	ssyncadd.remote.s32 $0x1  }
0xce: {  	_ =	sfence.sel $0xFFFF  }
0xcf: {  	[dreg:$0x0] =	wrdreg $0xFFFFFFFF;
	(pc) =	sbr.abs _section_cstart, $3  }
0xd0: {  	[dreg:$0x1] =	wrdreg $0xFFFFFFFF  }
0xd1: {  	_ =	task.clear_ibuf [dreg:s22], $0x2FFFF;
	_ =	strace $0x9FFFFFFF  }
0xd2: {  	(tm) =	ssettm $0x7FFFFFFF  }
0xd3: {  	_ =	shalt  }
tec
execute0_lowered:
.L_overlay_start_1:
0x0: {  	(tag) =	ssettag $0x1  }
0x1: {  	s0 =	rddreg [dreg:$0x0]  }
0x2: {  	s2 =	rddreg [dreg:$0x2];
	s3 =	simm.s32 $0x0;
	s6 =	srdreg.scid  }
0x3: {  	s1 =	stileid.u32;
	s11 =	simm.s32 $0xD8;
	s28 =	simm.s32 $0x1  }
0x4: {  	s29 =	simm.s32 $0x2;
	s30 =	simm.s32 $0x3;
	s7 =	smul.u32 $0x63, s1  }
0x5: {  	s31 =	simm.s32 $0x0;
	s4 =	sadd.s32 $0x151600, s0;
	s10 =	smul.u32 $0xD8, s1  }
0x6: {  	[smem:$0x7FF] =	sst s3;
	s5 =	sadd.s32 $0x178C00, s0;
	s12 =	smul.u32 $0x27200, s1  }
0x7: {  	s8 =	sand.u32 $0x1, s6;
	s0 =	sadd.s32 $0x18C600, s0;
	s15 =	smul.u32 $0x1380, s1  }
0x8: {  	s18 =	sshll.u32 s1, $0x6;
	s16 =	smul.u32 $0x27000, s1;
	_ =	strace $0x8000004D  }
0x9: {  	s6 =	ssub.s32 $0x2, s8;
	p0 =	seq.s32 s8, $0x0;
	s20 =	smul.u32 $0x13880, s8  }
0xa: {  	s23 =	smul.u32 $0x9C400, s8;
	s9 =	sshrl.u32 s6, $0x1;
	s7 =	sadd.s32 $0xD80, s7  }
0xb: {  	s11 =	simm.s32 @!p0 $0x63;
	s17 =	sshrl.u32 s12, $0x2;
	s26 =	sshrl.u32 s16, $0x2  }
0xc: {  	s16 =	simm.s32 $0x4;
	s13 =	ssub.s32 s6, s9;
	s7 =	smov.u32 @p0 s10  }
0xd: {  	s19 =	smul.u32 $0xAB, s11;
	s14 =	sadd.s32 s17, s2;
	s6 =	sor.u32 $0x1C04, s18  }
0xe: {  	s24 =	sshrl.u32 s23, $0x3;
	s25 =	sadd.s32 s15, s20;
	s18 =	simm.s32 $0x300  }
0xf: {  	s20 =	simm.s32 $0x180;
	s23 =	simm.s32 $0x280;
	p0 =	sne.s32 s1, $0xF  }
0x10: {  	s21 =	sshll.u32 s7, $0x5;
	s11 =	sadd.s32 s7, s11;
	s10 =	sadd.s32 s0, s25  }
0x11: {  	s12 =	smax.u32 s13, $0x1;
	s15 =	sshrl.u32 s14, $0x3;
	s7 =	sadd.s32 s4, s21  }
0x12: {  	s22 =	sshll.u32 s11, $0x5;
	s17 =	sshrl.u32 s19, $0x9;
	s19 =	simm.s32 $0x100  }
0x13: {  	s21 =	simm.s32 $0x2300;
	s8 =	sadd.s32 $0x20, s7;
	s4 =	sadd.s32 s4, s22  }
0x14: {  	s13 =	sadd.s32 $0xFFFFFFFF, s17;
	s17 =	simm.s32 $0x80;
	s22 =	simm.s32 $0x200  }
0x15: {  	s9 =	sadd.s32 $0xFFFFFFE0, s4;
	s4 =	sadd.s32 s0, s24;
	s24 =	sadd.s32 s26, s2  }
0x16: {  	s0 =	sadd.s32 $0x80, s7;
	s11 =	sadd.s32 $0x13800, s4;
	s4 =	sadd.s32 $0x9C000, s2  }
0x17: {  	s26 =	simm.s32 $0x4300;
	s24 =	sshrl.u32 s24, $0x3;
	s25 =	sshrl.u32 @!p0 s4, $0x3  }
.LBB2_1:
0x18: {  	s1 =	rddreg [dreg:$0x1]  }
0x19: {  	[spmem:s15], [sflag:s6] =	dma.local [hbm:s1], $0x1390  }
0x1a: {  	_ =	swait.ge [sflag:s16], $0x1390  }
0x1b: {  	[sflag:s16] =	ssyncset.done $0x0  }
0x1c: {  	[sflag:s16] =	ssyncadd.s32 $0xFFFFEC70  }
0x1d: {  	[bflag:$0x0] =	sbarrier.arrive $0xFFFF  }
0x1e: {  	[tilespmem:s3], [sflag:$0x4] =	stream.linear.gather [hbm4b:s7+s3], $0x100, $0x38;
	[tilespmem:$0xFF80] =	vst v63  }
0x1f: {  	_ =	swait.ge [sflag:s16], $0x100  }
0x20: {  	[sflag:s16] =	ssyncset.done $0x0  }
0x21: {  	[sflag:s16] =	ssyncadd.s32 $0xFFFFFF00  }
0x22: {  	[tilespmem:s18], [sflag:$0x1] =	stream.indirect.gather [hbm4b:s5+s17], $0x40, s17, s17, $0xb8;
	[tilespmem:$0xFF80] =	vst v63  }
0x23: {  	p2 =	sne.s32 s13, $0x1  }
0x24: {  	[tilespmem:s19], [sflag:$0x4] =	stream.linear.gather [hbm4b:s8+s3], $0x100, $0x38;
	[tilespmem:$0xFF80] =	vst v63  }
.Ltmp0:
0x25: {  	_ = 	snop;
	(pc) =	sbr.rel @!p2 .LBB2_4-.Ltmp0, $4  }
0x26: {  	_ =	swait.ge [sflag:s16], $0x100  }
0x27: {  	s4 =	sadd.s32 $0xFFFFFFFF, s13;
	[sflag:s16] =	ssyncset.done $0x0  }
0x28: {  	p1 =	por $0x0, $0x0;
	s14 =	smov.u32 s0;
	[sflag:s16] =	ssyncadd.s32 $0xFFFFFF00  }
0x29: {  	[tilespmem:s21], [sflag:$0x2] =	stream.indirect.gather [hbm4b:s5+s17], $0x40, s20, s17, $0xb8;
	[tilespmem:$0xFF80] =	vst v63  }
0x2a: {  	s14 =	sadd.s32 $0xFFFFFFC0, s0  }
0x2b: {  	[tilespmem:s22], [sflag:$0x4] =	stream.linear.gather [hbm4b:s14+s3], $0x100, $0x38;
	[tilespmem:$0xFF80] =	vst v63  }
0x2c: {  	_ =	swait.ge [sflag:s16], $0x100  }
0x2d: {  	[sflag:s16] =	ssyncset.done $0x0  }
0x2e: {  	[sflag:s16] =	ssyncadd.s32 $0xFFFFFF00  }
0x2f: {  	[tilespmem:s26], [sflag:$0x3] =	stream.indirect.gather [hbm4b:s5+s17], $0x40, s23, s17, $0xb8;
	[tilespmem:$0xFF80] =	vst v63  }
0x30: {  	_ =	swait.ge [sflag:s28], $0x2000  }
0x31: {  	[sflag:s28] =	ssyncset.done $0x0  }
0x32: {  	[sflag:s28] =	ssyncadd.s32 $0xFFFFE000  }
0x33: {  	[spmem:s2] =	stream.indirect.scatter.add.f32 [tilespmem:s18], [sflag:$0x4], $0x40, s3, s17, $0xb8;
	[tilespmem:$0xFF80] =	vst v63  }
0x34: {  	_ =	swait.ge [sflag:s16], $0x2000  }
0x35: {  	[sflag:s16] =	ssyncset.done $0x0  }
0x36: {  	s1 =	sadd.s32 $0xFFFFFFE0, s0;
	[sflag:s16] =	ssyncadd.s32 $0xFFFFE000  }
0x37: {  	[tilespmem:s3], [sflag:$0x4] =	stream.linear.gather [hbm4b:s1+s3], $0x100, $0x38;
	[tilespmem:$0xFF80] =	vst v63  }
0x38: {  	_ =	swait.ge [sflag:s16], $0x100  }
0x39: {  	[sflag:s16] =	ssyncset.done $0x0  }
0x3a: {  	[sflag:s16] =	ssyncadd.s32 $0xFFFFFF00  }
0x3b: {  	[tilespmem:s18], [sflag:$0x1] =	stream.indirect.gather [hbm4b:s5+s17], $0x40, s17, s17, $0xb8;
	[tilespmem:$0xFF80] =	vst v63  }
0x3c: {  	_ =	swait.ge [sflag:s29], $0x2000  }
0x3d: {  	[sflag:s29] =	ssyncset.done $0x0  }
0x3e: {  	[sflag:s29] =	ssyncadd.s32 $0xFFFFE000  }
0x3f: {  	[spmem:s2] =	stream.indirect.scatter.add.f32 [tilespmem:s21], [sflag:$0x4], $0x40, s19, s17, $0xb8;
	[tilespmem:$0xFF80] =	vst v63  }
0x40: {  	_ =	swait.ge [sflag:s16], $0x2000  }
0x41: {  	[sflag:s16] =	ssyncset.done $0x0  }
0x42: {  	[sflag:s16] =	ssyncadd.s32 $0xFFFFE000  }
0x43: {  	[tilespmem:s19], [sflag:$0x4] =	stream.linear.gather [hbm4b:s0+s3], $0x100, $0x38;
	[tilespmem:$0xFF80] =	vst v63  }
0x44: {  	_ =	swait.ge [sflag:s16], $0x100  }
0x45: {  	[sflag:s16] =	ssyncset.done $0x0  }
0x46: {  	[sflag:s16] =	ssyncadd.s32 $0xFFFFFF00  }
0x47: {  	[tilespmem:s21], [sflag:$0x2] =	stream.indirect.gather [hbm4b:s5+s17], $0x40, s20, s17, $0xb8;
	[tilespmem:$0xFF80] =	vst v63  }
0x48: {  	p2 =	sne.s32 s4, $0x1;
	_ =	swait.ge [sflag:s30], $0x2000  }
.Ltmp1:
0x49: {  	[sflag:s30] =	ssyncset.done $0x0;
	(pc) =	sbr.rel @!p2 .LBB2_4-.Ltmp1, $4  }
0x4a: {  	[sflag:s30] =	ssyncadd.s32 $0xFFFFE000  }
0x4b: {  	[spmem:s2] =	stream.indirect.scatter.add.f32 [tilespmem:s26], [sflag:$0x4], $0x40, s22, s17, $0xb8;
	[tilespmem:$0xFF80] =	vst v63  }
0x4c: {  	s4 =	sadd.s32 $0xFFFFFFFF, s4;
	_ =	swait.ge [sflag:s16], $0x2000  }
0x4d: {  	p1 =	por $0x1, $0x1;
	s14 =	sadd.s32 $0x60, s0;
	[sflag:s16] =	ssyncset.done $0x0  }
.LBB2_3:
0x4e: {  	p2 =	sne.s32 s4, $0x1;
	s1 =	sadd.s32 $0xFFFFFFC0, s14;
	[sflag:s16] =	ssyncadd.s32 $0xFFFFE000  }
0x4f: {  	[tilespmem:s22], [sflag:$0x4] =	stream.linear.gather [hbm4b:s1+s3], $0x100, $0x38;
	[tilespmem:$0xFF80] =	vst v63  }
0x50: {  	s4 =	sadd.s32 $0xFFFFFFFF, s4;
	_ =	swait.ge [sflag:s16], $0x100  }
0x51: {  	[sflag:s16] =	ssyncset.done $0x0  }
0x52: {  	[sflag:s16] =	ssyncadd.s32 $0xFFFFFF00  }
0x53: {  	[tilespmem:s26], [sflag:$0x3] =	stream.indirect.gather [hbm4b:s5+s17], $0x40, s23, s17, $0xb8;
	[tilespmem:$0xFF80] =	vst v63  }
0x54: {  	_ =	swait.ge [sflag:s28], $0x2000  }
0x55: {  	[sflag:s28] =	ssyncset.done $0x0  }
0x56: {  	[sflag:s28] =	ssyncadd.s32 $0xFFFFE000  }
0x57: {  	[spmem:s2] =	stream.indirect.scatter.add.f32 [tilespmem:s18], [sflag:$0x4], $0x40, s3, s17, $0xb8;
	[tilespmem:$0xFF80] =	vst v63  }
0x58: {  	_ =	swait.ge [sflag:s16], $0x2000  }
0x59: {  	[sflag:s16] =	ssyncset.done $0x0  }
0x5a: {  	s1 =	sadd.s32 $0xFFFFFFE0, s14;
	[sflag:s16] =	ssyncadd.s32 $0xFFFFE000  }
0x5b: {  	[tilespmem:s3], [sflag:$0x4] =	stream.linear.gather [hbm4b:s1+s3], $0x100, $0x38;
	[tilespmem:$0xFF80] =	vst v63  }
0x5c: {  	_ =	swait.ge [sflag:s16], $0x100  }
0x5d: {  	[sflag:s16] =	ssyncset.done $0x0  }
0x5e: {  	[sflag:s16] =	ssyncadd.s32 $0xFFFFFF00  }
0x5f: {  	[tilespmem:s18], [sflag:$0x1] =	stream.indirect.gather [hbm4b:s5+s17], $0x40, s17, s17, $0xb8;
	[tilespmem:$0xFF80] =	vst v63  }
0x60: {  	_ =	swait.ge [sflag:s29], $0x2000  }
0x61: {  	[sflag:s29] =	ssyncset.done $0x0  }
0x62: {  	[sflag:s29] =	ssyncadd.s32 $0xFFFFE000  }
0x63: {  	[spmem:s2] =	stream.indirect.scatter.add.f32 [tilespmem:s21], [sflag:$0x4], $0x40, s19, s17, $0xb8;
	[tilespmem:$0xFF80] =	vst v63  }
0x64: {  	_ =	swait.ge [sflag:s16], $0x2000  }
0x65: {  	[sflag:s16] =	ssyncset.done $0x0  }
0x66: {  	[sflag:s16] =	ssyncadd.s32 $0xFFFFE000  }
0x67: {  	[tilespmem:s19], [sflag:$0x4] =	stream.linear.gather [hbm4b:s14+s3], $0x100, $0x38;
	[tilespmem:$0xFF80] =	vst v63  }
0x68: {  	_ =	swait.ge [sflag:s16], $0x100  }
0x69: {  	[sflag:s16] =	ssyncset.done $0x0  }
0x6a: {  	[sflag:s16] =	ssyncadd.s32 $0xFFFFFF00  }
0x6b: {  	[tilespmem:s21], [sflag:$0x2] =	stream.indirect.gather [hbm4b:s5+s17], $0x40, s20, s17, $0xb8;
	[tilespmem:$0xFF80] =	vst v63  }
0x6c: {  	_ =	swait.ge [sflag:s30], $0x2000  }
.Ltmp2:
0x6d: {  	[sflag:s30] =	ssyncset.done $0x0;
	(pc) =	sbr.rel @p2 .LBB2_3-.Ltmp2, $4  }
0x6e: {  	[sflag:s30] =	ssyncadd.s32 $0xFFFFE000  }
0x6f: {  	[spmem:s2] =	stream.indirect.scatter.add.f32 [tilespmem:s26], [sflag:$0x4], $0x40, s22, s17, $0xb8;
	[tilespmem:$0xFF80] =	vst v63  }
0x70: {  	_ =	swait.ge [sflag:s16], $0x2000  }
0x71: {  	s14 =	sadd.s32 $0x60, s14;
	[sflag:s16] =	ssyncset.done $0x0  }
.LBB2_4:
0x72: {  	s1 =	sadd.s32 $0xFFFFFFC0, s14;
	[sflag:s16] =	ssyncadd.s32 @p1 $0xFFFFE000  }
0x73: {  	[tilespmem:s22], [sflag:$0x4] =	stream.linear.gather [hbm4b:s1+s3], $0x100, $0x38;
	[tilespmem:$0xFF80] =	vst v63  }
0x74: {  	_ =	swait.ge [sflag:s16], $0x100  }
0x75: {  	[sflag:s16] =	ssyncset.done $0x0  }
0x76: {  	[sflag:s16] =	ssyncadd.s32 $0xFFFFFF00  }
0x77: {  	[tilespmem:s26], [sflag:$0x3] =	stream.indirect.gather [hbm4b:s5+s17], $0x40, s23, s17, $0xb8;
	[tilespmem:$0xFF80] =	vst v63  }
0x78: {  	_ =	swait.ge [sflag:s28], $0x2000  }
0x79: {  	[sflag:s28] =	ssyncset.done $0x0  }
0x7a: {  	[sflag:s28] =	ssyncadd.s32 $0xFFFFE000  }
0x7b: {  	[spmem:s2] =	stream.indirect.scatter.add.f32 [tilespmem:s18], [sflag:$0x4], $0x40, s3, s17, $0xb8;
	[tilespmem:$0xFF80] =	vst v63  }
0x7c: {  	_ =	swait.ge [sflag:s16], $0x2000  }
0x7d: {  	[sflag:s16] =	ssyncset.done $0x0  }
0x7e: {  	s4 =	sadd.s32 $0xFFFFFFE0, s14;
	[sflag:s16] =	ssyncadd.s32 $0xFFFFE000  }
0x7f: {  	[tilespmem:s3], [sflag:$0x4] =	stream.linear.gather [hbm4b:s4+s3], $0x100, $0x38;
	[tilespmem:$0xFF80] =	vst v63  }
0x80: {  	_ =	swait.ge [sflag:s16], $0x100  }
0x81: {  	[sflag:s16] =	ssyncset.done $0x0  }
0x82: {  	[sflag:s16] =	ssyncadd.s32 $0xFFFFFF00  }
0x83: {  	[tilespmem:s18], [sflag:$0x1] =	stream.indirect.gather [hbm4b:s5+s17], $0x40, s17, s17, $0xb8;
	[tilespmem:$0xFF80] =	vst v63  }
0x84: {  	_ =	swait.ge [sflag:s29], $0x2000  }
0x85: {  	[sflag:s29] =	ssyncset.done $0x0  }
0x86: {  	[sflag:s29] =	ssyncadd.s32 $0xFFFFE000  }
0x87: {  	[spmem:s2] =	stream.indirect.scatter.add.f32 [tilespmem:s21], [sflag:$0x4], $0x40, s19, s17, $0xb8;
	[tilespmem:$0xFF80] =	vst v63  }
0x88: {  	_ =	swait.ge [sflag:s16], $0x2000  }
0x89: {  	[sflag:s16] =	ssyncset.done $0x0  }
0x8a: {  	[sflag:s16] =	ssyncadd.s32 $0xFFFFE000  }
0x8b: {  	[tilespmem:s19], [sflag:$0x4] =	stream.linear.gather [hbm4b:s14+s3], $0x100, $0x38;
	[tilespmem:$0xFF80] =	vst v63  }
0x8c: {  	_ =	swait.ge [sflag:s16], $0x100  }
0x8d: {  	[sflag:s16] =	ssyncset.done $0x0  }
0x8e: {  	[sflag:s16] =	ssyncadd.s32 $0xFFFFFF00  }
0x8f: {  	[tilespmem:s21], [sflag:$0x2] =	stream.indirect.gather [hbm4b:s5+s17], $0x40, s20, s17, $0xb8;
	[tilespmem:$0xFF80] =	vst v63  }
0x90: {  	_ =	swait.ge [sflag:s30], $0x2000  }
0x91: {  	[sflag:s30] =	ssyncset.done $0x0  }
0x92: {  	[sflag:s30] =	ssyncadd.s32 $0xFFFFE000  }
0x93: {  	[spmem:s2] =	stream.indirect.scatter.add.f32 [tilespmem:s26], [sflag:$0x4], $0x40, s22, s17, $0xb8;
	[tilespmem:$0xFF80] =	vst v63  }
0x94: {  	_ =	swait.ge [sflag:s16], $0x2000  }
0x95: {  	[sflag:s16] =	ssyncset.done $0x0  }
0x96: {  	[sflag:s16] =	ssyncadd.s32 $0xFFFFE000  }
0x97: {  	[tilespmem:s22], [sflag:$0x4] =	stream.linear.gather [hbm4b:s9+s3], $0x100, $0x38;
	[tilespmem:$0xFF80] =	vst v63  }
0x98: {  	_ =	swait.ge [sflag:s16], $0x100  }
0x99: {  	[sflag:s16] =	ssyncset.done $0x0  }
0x9a: {  	[sflag:s16] =	ssyncadd.s32 $0xFFFFFF00  }
0x9b: {  	[tilespmem:s26], [sflag:$0x3] =	stream.indirect.gather [hbm4b:s5+s17], $0x40, s23, s17, $0xb8;
	[tilespmem:$0xFF80] =	vst v63  }
0x9c: {  	_ =	swait.ge [sflag:s28], $0x2000  }
0x9d: {  	[sflag:s28] =	ssyncset.done $0x0  }
0x9e: {  	[sflag:s28] =	ssyncadd.s32 $0xFFFFE000  }
0x9f: {  	[spmem:s2] =	stream.indirect.scatter.add.f32 [tilespmem:s18], [sflag:$0x4], $0x40, s3, s17, $0xb8;
	[tilespmem:$0xFF80] =	vst v63  }
0xa0: {  	_ =	swait.ge [sflag:s16], $0x2000  }
0xa1: {  	[sflag:s16] =	ssyncset.done $0x0  }
0xa2: {  	[sflag:s16] =	ssyncadd.s32 $0xFFFFE000  }
0xa3: {  	_ =	swait.ge [sflag:s29], $0x2000  }
0xa4: {  	[sflag:s29] =	ssyncset.done $0x0  }
0xa5: {  	[sflag:s29] =	ssyncadd.s32 $0xFFFFE000  }
0xa6: {  	[spmem:s2] =	stream.indirect.scatter.add.f32 [tilespmem:s21], [sflag:$0x4], $0x40, s19, s17, $0xb8;
	[tilespmem:$0xFF80] =	vst v63  }
0xa7: {  	_ =	swait.ge [sflag:s16], $0x2000  }
0xa8: {  	[sflag:s16] =	ssyncset.done $0x0  }
0xa9: {  	[sflag:s16] =	ssyncadd.s32 $0xFFFFE000  }
0xaa: {  	_ =	swait.ge [sflag:s30], $0x2000  }
0xab: {  	[sflag:s30] =	ssyncset.done $0x0  }
0xac: {  	[sflag:s30] =	ssyncadd.s32 $0xFFFFE000  }
0xad: {  	[spmem:s2] =	stream.indirect.scatter.add.f32 [tilespmem:s26], [sflag:$0x4], $0x40, s22, s17, $0xb8;
	[tilespmem:$0xFF80] =	vst v63  }
0xae: {  	_ =	swait.ge [sflag:s16], $0x2000  }
0xaf: {  	[sflag:s16] =	ssyncset.done $0x0  }
0xb0: {  	[sflag:s16] =	ssyncadd.s32 $0xFFFFE000  }
0xb1: {  	[bflag:$0x0] =	sbarrier.arrive $0xFFFF  }
0xb2: {  	[hbm:s10], [sflag:s6] =	dma.local [spmem:s24], $0x1380  }
0xb3: {  	s31 =	sadd.s32 $0x1, s31;
	_ =	swait.ge [sflag:s16], $0x1380  }
0xb4: {  	p1 =	sne.s32 s31, s12;
	[sflag:s16] =	ssyncset.done $0x0  }
.Ltmp3:
0xb5: {  	s1 =	simm.s32 @!p0 $0x4;
	[sflag:s16] =	ssyncadd.s32 $0xFFFFEC80;
	(pc) =	sbr.rel @p1 .LBB2_1-.Ltmp3, $4  }
0xb6: {  	[hbm:s11], [sflag:s6] =	dma.local @!p0 [spmem:s25], $0x80  }
0xb7: {  	_ =	swait.ge @!p0 [sflag:s1], $0x80  }
0xb8: {  	[sflag:s1] =	ssyncset.done @!p0 $0x0  }
0xb9: {  	[sflag:s1] =	ssyncadd.s32 @!p0 $0xFFFFFF80  }
0xba: {  	_ =	sfence.sel $0x180000  }
0xbb: {  	[bflag:$0x0] =	sbarrier.arrive $0xFFFF  }
0xbc: {  	_ =	strace $0x9000004D  }
0xbd: {  	s0 =	stileid.u32;
	[bflag:$0x2] =	sbarrier.arrive $0xFFFF  }
0xbe: {  	p0 =	sne.s32 s0, $0x0;
	s0 =	rddreg [dreg:$0x3]  }
0xbf: {  	s0 =	sadd.s32 @!p0 $0x100000, s0  }
0xc0: {  	[sflag:s0] =	ssyncadd.tile.s32 @!p0 $0x1;
	_ =	shalt  }
.Lfunc_end2:
_tile_overlayer_lowered:
.L_overlay_start_2:
0xc1: {  	(tag) =	ssettag $0x2  }
0xc2: {  	s0 =	rddreg [dreg:$0x0];
	s2 =	stileid.u32  }
0xc3: {  	s1 =	rddreg [dreg:$0x1];
	p0 =	sne.s32 s2, $0x0  }
0xc4: {  	s3 =	rddreg [dreg:$0x2];
	[bflag:$0x3] =	sbarrier.arrive $0xFFFF;
	s2 =	simm.s32 @!p0 $0x1C04  }
0xc5: {  	[timem:s3], [sflag:s2] =	dma.local @!p0 [hbm:s0], s1  }
0xc6: {  	s0 =	simm.s32 @!p0 $0x4  }
0xc7: {  	_ =	swait.ge @!p0 [sflag:s0], s1  }
0xc8: {  	s1 =	ssub.s32 @!p0 $0x0, s1;
	[sflag:s0] =	ssyncset.done @!p0 $0x0  }
0xc9: {  	[sflag:s0] =	ssyncadd.s32 @!p0 s1  }
0xca: {  	[bflag:$0x3] =	sbarrier.arrive $0xFFFF  }
0xcb: {  	_ =	shalt  }

// kernel: kernel.19.cloned.1.call-start
scs
__scs_entry_jumppad:
0x0: {  	(pc) =	sbr.rel $0x88, $3  }
0x1: {  	(tag) =	ssettag $0x0;
	lr =	simm.s32 $0x1  }
0x2: {  	[smem:$0x3F9A] =	sst lr;
	_ =	strace $0xD0000000  }
0x3: {  	_ = 	snop  }
0x4: {  	_ = 	snop  }
0x5: {  	_ = 	snop  }
0x6: {  	_ = 	snop  }
0x7: {  	_ = 	snop  }
__scs_overlays_trampoline_lowered:
0x8: {  	[smem:$0x3FA9] =	sst s0  }
0x9: {  	[smem:$0x3FAA] =	sst s1  }
0xa: {  	[smem:$0x3FAB] =	sst s2  }
0xb: {  	[smem:$0x3FAC] =	sst s3  }
0xc: {  	[smem:$0x3FAD] =	sst s4  }
0xd: {  	[smem:$0x3FAE] =	sst s5  }
0xe: {  	[smem:$0x3FAF] =	sst s6  }
0xf: {  	[smem:$0x3FB0] =	sst s7  }
0x10: {  	[smem:$0x3FB1] =	sst s8  }
0x11: {  	[smem:$0x3FB2] =	sst s9;
	s0 =	simm.s32 @!p0 $0x0  }
0x12: {  	s1 =	sld [smem:$0x3F98];
	s0 =	simm.s32 @p0 $0x1  }
0x13: {  	[smem:$0x3FB3] =	sst s0;
	s0 =	simm.s32 @!p1 $0x0  }
0x14: {  	s2 =	sld [smem:$0x3F97];
	s0 =	simm.s32 @p1 $0x1  }
0x15: {  	[smem:$0x3FB4] =	sst s0;
	s0 =	simm.s32 @!p2 $0x0  }
0x16: {  	s3 =	sld [smem:$0x3FDB];
	s0 =	simm.s32 @p2 $0x1  }
0x17: {  	s4 =	simm.s32 $0x1BF5;
	[smem:$0x3FB6] =	sst s0  }
0x18: {  	s0 =	sld [smem:$0x3F99];
	_ =	swait.ge [sflag:s4], $0x0  }
0x19: {  	s7 =	sld [smem:$0x3F9A]  }
0x1a: {  	s8 =	sadd.s32 $0xFFFFE003, lr  }
0x1b: {  	s9 =	sadd.s32 $0xFFFFFEF7, lr;
	s5 =	simm.s32 $0xFFFFFFFF;
	p2 =	slt.u32 s8, $0xFFFFF086  }
0x1c: {  	p1 =	slt.u32 s9, $0xF7A;
	s5 =	simm.s32 @!p2 $0x0  }
0x1d: {  	s5 =	simm.s32 @p1 $0x1;
	p0 =	seq.s32 s7, s2  }
0x1e: {  	s7 =	smul.u32 @!p0 $0xF7A, s2;
	p2 =	seq.s32 @!p0 s5, $0x0  }
0x1f: {  	s9 =	smul.u32 $0xF7A, s1;
	s8 =	simm.s32 @!p0 $0x1BF5;
	p2 =	por !p2, p0  }
0x20: {  	[sflag:s8] =	ssyncset.s32 @!p0 $0xFFFFF086;
	s6 =	sadd.s32 @!p0 s3, s7;
	s7 =	simm.s32 @!p0 $0x108  }
0x21: {  	s3 =	sadd.s32 s3, s9;
	s6 =	sadd.s32 @!p0 $0x88, s6;
	s7 =	simm.s32 @p2 $0x1082  }
0x22: {  	[simem:s7], [sflag:s8] =	dma.local @!p0 [hbm:s6], $0xF7A  }
0x23: {  	s9 =	sor.u32 $0xD0000000, s2;
	s6 =	simm.s32 $0x108;
	_ =	swait.ge @!p0 [sflag:s8], $0x0  }
0x24: {  	s3 =	sadd.s32 $0x88, s3;
	s6 =	simm.s32 @!p1 $0x1082;
	[sflag:s4] =	ssyncset.s32 $0xFFFFF086  }
0x25: {  	[simem:s6], [sflag:s4] =	dma.local [hbm:s3], $0xF7A  }
0x26: {  	[smem:$0x3F9A] =	sst s1;
	(tag) =	ssettag s2;
	_ =	strace s9  }
0x27: {  	s1 =	sld [smem:$0x3FAA]  }
0x28: {  	s2 =	sld [smem:$0x3FAB]  }
0x29: {  	s4 =	sld [smem:$0x3FAD]  }
0x2a: {  	p0 =	seq.s32 s5, $0x0;
	s5 =	sld [smem:$0x3FAE]  }
0x2b: {  	s6 =	sld [smem:$0x3FAF]  }
0x2c: {  	s7 =	sld [smem:$0x3FB0]  }
0x2d: {  	s3 =	simm.s32 $0x108;
	s8 =	sld [smem:$0x3FB1]  }
0x2e: {  	s3 =	simm.s32 @!p0 $0x1082;
	s9 =	sld [smem:$0x3FB2]  }
0x2f: {  	lr =	sadd.s32 s0, s3;
	s0 =	sld [smem:$0x3FA9]  }
0x30: {  	s3 =	sld [smem:$0x3FAC]  }
0x31: {  	[smem:$0x3FB5] =	sst s10  }
0x32: {  	s10 =	sld [smem:$0x3FB3];
	_ =	sdelay $0x3  }
0x33: {  	p0 =	seq.s32 s10, $0x1;
	s10 =	sld [smem:$0x3FB5];
	_ =	sdelay $0x3  }
0x34: {  	[smem:$0x3FB5] =	sst s10  }
0x35: {  	s10 =	sld [smem:$0x3FB4];
	_ =	sdelay $0x3  }
0x36: {  	p1 =	seq.s32 s10, $0x1;
	s10 =	sld [smem:$0x3FB5];
	_ =	sdelay $0x3  }
0x37: {  	[smem:$0x3FB5] =	sst s10  }
0x38: {  	s10 =	sld [smem:$0x3FB6]  }
0x39: {  	_ = 	snop;
	(pc) =	sbr.ind lr, $3  }
0x3a: {  	_ = 	snop  }
0x3b: {  	_ = 	snop  }
0x3c: {  	p2 =	seq.s32 s10, $0x1;
	s10 =	sld [smem:$0x3FB5]  }
0x3d: {  	_ =	shalt  }
0x3e: {  	_ =	shalt  }
0x3f: {  	_ =	shalt  }
0x40: {  	_ =	shalt  }
0x41: {  	_ =	shalt  }
0x42: {  	_ =	shalt  }
0x43: {  	_ =	shalt  }
0x44: {  	_ =	shalt  }
0x45: {  	_ =	shalt  }
0x46: {  	_ =	shalt  }
0x47: {  	_ =	shalt  }
0x48: {  	_ =	shalt  }
0x49: {  	_ =	shalt  }
0x4a: {  	_ =	shalt  }
0x4b: {  	_ =	shalt  }
0x4c: {  	_ =	shalt  }
0x4d: {  	_ =	shalt  }
0x4e: {  	_ =	shalt  }
0x4f: {  	_ =	shalt  }
0x50: {  	_ =	shalt  }
0x51: {  	_ =	shalt  }
0x52: {  	_ =	shalt  }
0x53: {  	_ =	shalt  }
0x54: {  	_ =	shalt  }
0x55: {  	_ =	shalt  }
0x56: {  	_ =	shalt  }
0x57: {  	_ =	shalt  }
0x58: {  	_ =	shalt  }
0x59: {  	_ =	shalt  }
0x5a: {  	_ =	shalt  }
0x5b: {  	_ =	shalt  }
0x5c: {  	_ =	shalt  }
0x5d: {  	_ =	shalt  }
0x5e: {  	_ =	shalt  }
0x5f: {  	_ =	shalt  }
0x60: {  	_ =	shalt  }
0x61: {  	_ =	shalt  }
0x62: {  	_ =	shalt  }
0x63: {  	_ =	shalt  }
0x64: {  	_ =	shalt  }
0x65: {  	_ =	shalt  }
0x66: {  	_ =	shalt  }
0x67: {  	_ =	shalt  }
0x68: {  	_ =	shalt  }
0x69: {  	_ =	shalt  }
0x6a: {  	_ =	shalt  }
0x6b: {  	_ =	shalt  }
0x6c: {  	_ =	shalt  }
0x6d: {  	_ =	shalt  }
0x6e: {  	_ =	shalt  }
0x6f: {  	_ =	shalt  }
0x70: {  	_ =	shalt  }
0x71: {  	_ =	shalt  }
0x72: {  	_ =	shalt  }
0x73: {  	_ =	shalt  }
0x74: {  	_ =	shalt  }
0x75: {  	_ =	shalt  }
0x76: {  	_ =	shalt  }
0x77: {  	_ =	shalt  }
0x78: {  	_ =	shalt  }
0x79: {  	_ =	shalt  }
0x7a: {  	_ =	shalt  }
0x7b: {  	_ =	shalt  }
0x7c: {  	_ =	shalt  }
0x7d: {  	_ =	shalt  }
0x7e: {  	_ =	shalt  }
0x7f: {  	_ =	shalt  }
0x80: {  	_ =	shalt  }
0x81: {  	_ =	shalt  }
0x82: {  	_ =	shalt  }
0x83: {  	_ =	shalt  }
0x84: {  	_ =	shalt  }
0x85: {  	_ =	shalt  }
0x86: {  	_ =	shalt  }
0x87: {  	_ =	shalt  }
.Lfunc_end0:
.L_simem_size_0:
called_computation.3_lowered:
.L_overlay_start_0:
0x88: {  	s2 =	sld [smem:$0x3FD9]  }
0x89: {  	s3 =	sld [smem:$0x3FFE];
	_ =	sdelay $0x1  }
0x8a: {  	s1 =	srdreg.scid  }
0x8b: {  	s0 =	sand.u32 $0x1, s1  }
0x8c: {  	s17 =	sshll.u32 s0, $0xA;
	s2 =	sadd.s32 s3, s2  }
0x8d: {  	s2 =	sadd.s32 s2, s17  }
0x8e: {  	[smem:$0x3FC1] =	sst s2  }
0x8f: {  	_ = 	snop  }
0x90: {  	s2 =	sld [smem:$0x3FD0];
	(tm) =	ssettm $0x1  }
0x91: {  	s18 =	sld [smem:$0x3FFB];
	_ =	sdelay $0x3  }
0x92: {  	_ =	strace s18  }
0x93: {  	s3 =	sld [smem:$0x3FFC];
	_ =	sdelay $0x3  }
0x94: {  	_ =	strace s3  }
0x95: {  	s3 =	sld [smem:$0x3FFD];
	_ =	sdelay $0x3  }
0x96: {  	_ =	strace s3  }
0x97: {  	_ =	strace $0x8FFFFFFF  }
0x98: {  	s19 =	sld [smem:$0x3FDB];
	_ =	sdelay $0x1  }
0x99: {  	s4 =	simm.s32 $_scs_section_size  }
0x9a: {  	s5 =	simm.s32 $_size__tile_overlayer_lowered;
	s6 =	simm.s32 $_tile_overlayer_lowered  }
0x9b: {  	s22 =	simm.s32 $0x1BFF;
	s21 =	sshll.u32 s6, $0x1;
	s3 =	sadd.s32 s4, s19  }
0x9c: {  	s7 =	simm.s32 $0x0;
	s20 =	sshll.u32 s5, $0x1;
	s5 =	sadd.s32 s21, s3  }
0x9d: {  	[timem:s7], [sflag:s22] =	dma.local [hbm:s5], s20  }
0x9e: {  	_ =	swait.ge [sflag:s22], s20  }
0x9f: {  	s4 =	ssub.s32 $0x0, s20;
	[sflag:s22] =	ssyncset.done $0x0  }
0xa0: {  	[sflag:s22] =	ssyncadd.s32 s4;
	_ =	sdelay $0x1  }
0xa1: {  	s23 =	simm.s32 $0x1B8B  }
0xa2: {  	_ =	swait.ge [sflag:s23], $0x1  }
0xa3: {  	[sflag:s23] =	ssyncset.done $0x0  }
0xa4: {  	s25 =	simm.s32 $0x1B8E;
	s24 =	sld [smem:$0x3FFE];
	[sflag:s23] =	ssyncadd.s32 $0xFFFFFFFF  }
0xa5: {  	s26 =	simm.s32 $execute0_lowered;
	[smem:$0x3FD2] =	sst s25  }
0xa6: {  	s5 =	sshll.u32 s26, $0x1;
	_ =	strace $0x8000004F;
	[dreg:$0x1] =	wrdreg $0xFFFFFFFF  }
0xa7: {  	s28 =	simm.s32 $_size_execute0_lowered;
	s3 =	sadd.s32 s3, s5;
	[dreg:$0x0] =	wrdreg $0x0  }
0xa8: {  	s5 =	sshll.u32 s28, $0x1;
	[dreg:$0x2] =	wrdreg s3  }
0xa9: {  	[dreg:$0x3] =	wrdreg s5  }
0xaa: {  	[dreg:$0x4] =	wrdreg $0xC0  }
0xab: {  	_ =	task [dreg:s7], $0x5FFFF  }
0xac: {  	[dreg:$0x1] =	wrdreg $0xFFFFFFFF  }
0xad: {  	[dreg:$0x0] =	wrdreg $0x60  }
0xae: {  	[dreg:$0x2] =	wrdreg s24  }
0xaf: {  	[dreg:$0x3] =	wrdreg s2  }
0xb0: {  	[dreg:$0x4] =	wrdreg $0xC3000  }
0xb1: {  	[dreg:$0x5] =	wrdreg $0x9  }
0xb2: {  	_ =	task.clear_ibuf [dreg:s7], $0x6FFFF;
	_ =	strace $0x9000004F  }
0xb3: {  	s29 =	simm.s32 $0x9;
	_ =	strace $0x80000051  }
0xb4: {  	_ =	swait.ge [sflag:s29], $0x1  }
0xb5: {  	[sflag:s29] =	ssyncadd.s32 $0xFFFFFFFF  }
0xb6: {  	_ =	strace $0x90000051  }
0xb7: {  	_ =	sfence  }
0xb8: {  	s30 =	sld [smem:$0x0];
	_ =	sdelay $0x2  }
0xb9: {  	s31 =	sshll.u32 s1, $0xD;
	s1 =	sshrl.u32 s1, $0x2  }
0xba: {  	s3 =	sand.u32 $0x4000, s31;
	s1 =	sadd.s32 s1, s30  }
0xbb: {  	s0 =	sor.u32 s3, s0;
	s1 =	sshll.u32 s1, $0x11  }
0xbc: {  	s0 =	sor.u32 s1, s0  }
0xbd: {  	s0 =	sadd.s32 $0x8F2B, s0  }
0xbe: {  	[sflag:s0] =	ssyncadd.remote.s32 $0x1  }
0xbf: {  	_ =	sfence.sel $0xFFFF  }
0xc0: {  	[dreg:$0x0] =	wrdreg $0xFFFFFFFF;
	(pc) =	sbr.abs _section_cstart, $3  }
0xc1: {  	[dreg:$0x1] =	wrdreg $0xFFFFFFFF  }
0xc2: {  	_ =	task.clear_ibuf [dreg:s7], $0x2FFFF;
	_ =	strace $0x9FFFFFFF  }
0xc3: {  	(tm) =	ssettm $0x7FFFFFFF  }
tec
execute0_lowered:
.L_overlay_start_1:
0x0: {  	(tag) =	ssettag $0x1  }
0x1: {  	s1 =	srdreg.scid  }
0x2: {  	s1 =	sand.u32 $0x1, s1  }
0x3: {  	p0 =	seq.s32 s1, $0x1  }
.Ltmp0:
0x4: {  	s11 =	rddreg [dreg:$0x0];
	(pc) =	sbr.rel @p0 .LBB2_4-.Ltmp0, $4  }
0x5: {  	s5 =	rddreg [dreg:$0x1]  }
0x6: {  	s2 =	rddreg [dreg:$0x2];
	s4 =	simm.s32 $0x0  }
0x7: {  	[smem:$0x7FF] =	sst s4  }
0x8: {  	s0 =	rddreg [dreg:$0x3];
	_ =	strace $0x80000050;
	s1 =	stileid.u32  }
0x9: {  	s3 =	smul.u32 $0x4E400, s1;
	_ =	sdelay $0x1  }
0xa: {  	s3 =	sshrl.u32 s3, $0x2  }
0xb: {  	s25 =	sshll.u32 s1, $0x6;
	s6 =	sadd.s32 s3, s2  }
0xc: {  	s3 =	sor.u32 $0x1C04, s25;
	s6 =	sshrl.u32 s6, $0x3  }
0xd: {  	[spmem:s6], [sflag:s3] =	dma.local [hbm:s5], $0x2720  }
0xe: {  	s5 =	simm.s32 $0x4  }
0xf: {  	_ =	swait.ge [sflag:s5], $0x2720  }
0x10: {  	s14 =	smul.u32 $0x13E0, s1;
	[sflag:s5] =	ssyncset.done $0x0  }
0x11: {  	s15 =	sadd.s32 $0x2BC00, s11;
	[sflag:s5] =	ssyncadd.s32 $0xFFFFD8E0  }
0x12: {  	s26 =	smul.u32 $0x9F00, s1;
	s7 =	sadd.s32 s15, s14;
	[bflag:$0x0] =	sbarrier.arrive $0xFFFF  }
0x13: {  	[tilespmem:s4], [sflag:$0x4] =	stream.linear.gather [hbm4b:s7+s4], $0x100, $0x38;
	[tilespmem:$0x1FC00] =	vst v63  }
0x14: {  	s13 =	simm.s32 $0x300;
	s29 =	sshrl.u32 s26, $0x3;
	_ =	swait.ge [sflag:s5], $0x100  }
0x15: {  	s12 =	smul.u32 $0x9F, s1;
	s8 =	sadd.s32 s15, s29;
	[sflag:s5] =	ssyncset.done $0x0  }
0x16: {  	s6 =	sadd.s32 $0xDBE00, s11;
	s7 =	simm.s32 $0x80;
	[sflag:s5] =	ssyncadd.s32 $0xFFFFFF00  }
0x17: {  	[tilespmem:s13], [sflag:$0x1] =	stream.indirect.gather [hbm4b:s6+s7], $0x80, s7, s7, $0xb8;
	[tilespmem:$0x1FC00] =	vst v63  }
0x18: {  	s12 =	simm.s32 @p0 $0x9F0;
	s9 =	sadd.s32 $0x20, s8;
	s8 =	simm.s32 $0x100  }
0x19: {  	[tilespmem:s8], [sflag:$0x4] =	stream.linear.gather [hbm4b:s9+s4], $0x100, $0x38;
	[tilespmem:$0x1FC00] =	vst v63  }
0x1a: {  	s12 =	sshll.u32 s12, $0x5;
	_ =	swait.ge [sflag:s5], $0x100  }
0x1b: {  	s10 =	simm.s32 $0x4300;
	s21 =	sadd.s32 s12, s15;
	[sflag:s5] =	ssyncset.done $0x0  }
0x1c: {  	s16 =	sadd.s32 $0xFFFFEC80, s21;
	s9 =	simm.s32 $0x180;
	[sflag:s5] =	ssyncadd.s32 $0xFFFFFF00  }
0x1d: {  	[tilespmem:s10], [sflag:$0x2] =	stream.indirect.gather [hbm4b:s6+s7], $0x80, s9, s7, $0xb8;
	[tilespmem:$0x1FC00] =	vst v63  }
0x1e: {  	s12 =	simm.s32 $0x200;
	s17 =	sadd.s32 $0x13C0, s16  }
0x1f: {  	[tilespmem:s12], [sflag:$0x4] =	stream.linear.gather [hbm4b:s17+s4], $0x100, $0x38;
	[tilespmem:$0x1FC00] =	vst v63  }
0x20: {  	_ =	swait.ge [sflag:s5], $0x100  }
0x21: {  	s18 =	simm.s32 $0x280;
	[sflag:s5] =	ssyncset.done $0x0  }
0x22: {  	s19 =	simm.s32 $0x1;
	s17 =	simm.s32 $0x8300;
	[sflag:s5] =	ssyncadd.s32 $0xFFFFFF00  }
0x23: {  	[tilespmem:s17], [sflag:$0x3] =	stream.indirect.gather [hbm4b:s6+s7], $0x80, s18, s7, $0xb8;
	[tilespmem:$0x1FC00] =	vst v63  }
0x24: {  	_ =	swait.ge [sflag:s19], $0x4000  }
0x25: {  	[sflag:s19] =	ssyncset.done $0x0  }
0x26: {  	[sflag:s19] =	ssyncadd.s32 $0xFFFFC000  }
0x27: {  	[spmem:s2] =	stream.indirect.scatter.add.f32 [tilespmem:s13], [sflag:$0x4], $0x80, s4, s7, $0xb8;
	[tilespmem:$0x1FC00] =	vst v63  }
0x28: {  	_ =	swait.ge [sflag:s5], $0x4000  }
0x29: {  	[sflag:s5] =	ssyncset.done $0x0  }
0x2a: {  	s20 =	sadd.s32 $0x13E0, s16;
	[sflag:s5] =	ssyncadd.s32 $0xFFFFC000  }
0x2b: {  	[tilespmem:s4], [sflag:$0x4] =	stream.linear.gather [hbm4b:s20+s4], $0x100, $0x38;
	[tilespmem:$0x1FC00] =	vst v63  }
0x2c: {  	_ =	swait.ge [sflag:s5], $0x100  }
0x2d: {  	[sflag:s5] =	ssyncset.done $0x0  }
0x2e: {  	s20 =	simm.s32 $0x2;
	[sflag:s5] =	ssyncadd.s32 $0xFFFFFF00  }
0x2f: {  	[tilespmem:s13], [sflag:$0x1] =	stream.indirect.gather [hbm4b:s6+s7], $0x80, s7, s7, $0xb8;
	[tilespmem:$0x1FC00] =	vst v63  }
0x30: {  	_ =	swait.ge [sflag:s20], $0x4000  }
0x31: {  	[sflag:s20] =	ssyncset.done $0x0  }
0x32: {  	[sflag:s20] =	ssyncadd.s32 $0xFFFFC000  }
0x33: {  	[spmem:s2] =	stream.indirect.scatter.add.f32 [tilespmem:s10], [sflag:$0x4], $0x80, s8, s7, $0xb8;
	[tilespmem:$0x1FC00] =	vst v63  }
0x34: {  	_ =	swait.ge [sflag:s5], $0x4000  }
0x35: {  	[sflag:s5] =	ssyncset.done $0x0  }
0x36: {  	s16 =	sadd.s32 $0x1400, s16;
	[sflag:s5] =	ssyncadd.s32 $0xFFFFC000  }
0x37: {  	[tilespmem:s8], [sflag:$0x4] =	stream.linear.gather [hbm4b:s16+s4], $0x100, $0x38;
	[tilespmem:$0x1FC00] =	vst v63  }
0x38: {  	_ =	swait.ge [sflag:s5], $0x100  }
0x39: {  	s30 =	smul.u32 $0x2700, s1;
	[sflag:s5] =	ssyncset.done $0x0  }
0x3a: {  	s24 =	smul.u32 $0x4E000, s1;
	s23 =	simm.s32 $0x3;
	[sflag:s5] =	ssyncadd.s32 $0xFFFFFF00  }
0x3b: {  	[tilespmem:s10], [sflag:$0x2] =	stream.indirect.gather [hbm4b:s6+s7], $0x80, s9, s7, $0xb8;
	[tilespmem:$0x1FC00] =	vst v63  }
0x3c: {  	s28 =	simm.s32 $0xFFFFED40;
	s14 =	sadd.s32 s14, s15;
	_ =	swait.ge [sflag:s23], $0x4000  }
0x3d: {  	s31 =	sshrl.u32 s24, $0x2;
	s22 =	sadd.s32 $0x13C0, s14;
	[sflag:s23] =	ssyncset.done $0x0  }
0x3e: {  	s15 =	sadd.s32 $0x138000, s2;
	s24 =	sadd.s32 $0xFFFFECE0, s21;
	[sflag:s23] =	ssyncadd.s32 $0xFFFFC000  }
0x3f: {  	[spmem:s2] =	stream.indirect.scatter.add.f32 [tilespmem:s17], [sflag:$0x4], $0x80, s12, s7, $0xb8;
	[tilespmem:$0x1FC00] =	vst v63  }
0x40: {  	s16 =	sadd.s32 s30, s11;
	s11 =	sadd.s32 $0x151200, s11;
	_ =	swait.ge [sflag:s5], $0x4000  }
0x41: {  	s14 =	sadd.s32 $0x12A200, s16;
	s16 =	sadd.s32 s31, s2;
	[sflag:s5] =	ssyncset.done $0x0  }
.LBB2_2:
0x42: {  	s29 =	sadd.s32 $0x13C0, s24  }
0x43: {  	[sflag:s5] =	ssyncadd.s32 $0xFFFFC000;
	s26 =	smov.u32 s28;
	s25 =	sadd.s32 $0x60, s28  }
0x44: {  	[tilespmem:s12], [sflag:$0x4] =	stream.linear.gather [hbm4b:s29+s4], $0x100, $0x38;
	[tilespmem:$0x1FC00] =	vst v63  }
0x45: {  	p0 =	sne.s32 s28, $0xFFFFFFA0;
	_ =	swait.ge [sflag:s5], $0x100  }
0x46: {  	[sflag:s5] =	ssyncset.done $0x0  }
0x47: {  	[sflag:s5] =	ssyncadd.s32 $0xFFFFFF00  }
0x48: {  	[tilespmem:s17], [sflag:$0x3] =	stream.indirect.gather [hbm4b:s6+s7], $0x80, s18, s7, $0xb8;
	[tilespmem:$0x1FC00] =	vst v63  }
0x49: {  	_ =	swait.ge [sflag:s19], $0x4000  }
0x4a: {  	[sflag:s19] =	ssyncset.done $0x0  }
0x4b: {  	[sflag:s19] =	ssyncadd.s32 $0xFFFFC000  }
0x4c: {  	[spmem:s2] =	stream.indirect.scatter.add.f32 [tilespmem:s13], [sflag:$0x4], $0x80, s4, s7, $0xb8;
	[tilespmem:$0x1FC00] =	vst v63  }
0x4d: {  	_ =	swait.ge [sflag:s5], $0x4000  }
0x4e: {  	[sflag:s5] =	ssyncset.done $0x0  }
0x4f: {  	s28 =	sadd.s32 $0x13E0, s24;
	[sflag:s5] =	ssyncadd.s32 $0xFFFFC000  }
0x50: {  	[tilespmem:s4], [sflag:$0x4] =	stream.linear.gather [hbm4b:s28+s4], $0x100, $0x38;
	[tilespmem:$0x1FC00] =	vst v63  }
0x51: {  	_ =	swait.ge [sflag:s5], $0x100  }
0x52: {  	[sflag:s5] =	ssyncset.done $0x0  }
0x53: {  	[sflag:s5] =	ssyncadd.s32 $0xFFFFFF00  }
0x54: {  	[tilespmem:s13], [sflag:$0x1] =	stream.indirect.gather [hbm4b:s6+s7], $0x80, s7, s7, $0xb8;
	[tilespmem:$0x1FC00] =	vst v63  }
0x55: {  	_ =	swait.ge [sflag:s20], $0x4000  }
0x56: {  	[sflag:s20] =	ssyncset.done $0x0  }
0x57: {  	[sflag:s20] =	ssyncadd.s32 $0xFFFFC000  }
0x58: {  	[spmem:s2] =	stream.indirect.scatter.add.f32 [tilespmem:s10], [sflag:$0x4], $0x80, s8, s7, $0xb8;
	[tilespmem:$0x1FC00] =	vst v63  }
0x59: {  	_ =	swait.ge [sflag:s5], $0x4000  }
0x5a: {  	[sflag:s5] =	ssyncset.done $0x0  }
0x5b: {  	s24 =	sadd.s32 $0x1400, s24;
	[sflag:s5] =	ssyncadd.s32 $0xFFFFC000  }
0x5c: {  	[tilespmem:s8], [sflag:$0x4] =	stream.linear.gather [hbm4b:s24+s4], $0x100, $0x38;
	[tilespmem:$0x1FC00] =	vst v63  }
0x5d: {  	_ =	swait.ge [sflag:s5], $0x100  }
0x5e: {  	[sflag:s5] =	ssyncset.done $0x0  }
0x5f: {  	[sflag:s5] =	ssyncadd.s32 $0xFFFFFF00  }
0x60: {  	[tilespmem:s10], [sflag:$0x2] =	stream.indirect.gather [hbm4b:s6+s7], $0x80, s9, s7, $0xb8;
	[tilespmem:$0x1FC00] =	vst v63  }
0x61: {  	_ =	swait.ge [sflag:s23], $0x4000  }
.Ltmp1:
0x62: {  	[sflag:s23] =	ssyncset.done $0x0;
	(pc) =	sbr.rel @p0 .LBB2_2-.Ltmp1, $4  }
0x63: {  	[sflag:s23] =	ssyncadd.s32 $0xFFFFC000  }
0x64: {  	[spmem:s2] =	stream.indirect.scatter.add.f32 [tilespmem:s17], [sflag:$0x4], $0x80, s12, s7, $0xb8;
	[tilespmem:$0x1FC00] =	vst v63  }
0x65: {  	_ =	swait.ge [sflag:s5], $0x4000  }
0x66: {  	s28 =	smov.u32 s25;
	s24 =	sadd.s32 s26, s21;
	[sflag:s5] =	ssyncset.done $0x0  }
0x67: {  	s21 =	sadd.s32 $0x13C0, s24;
	[sflag:s5] =	ssyncadd.s32 $0xFFFFC000  }
0x68: {  	[tilespmem:s12], [sflag:$0x4] =	stream.linear.gather [hbm4b:s21+s4], $0x100, $0x38;
	[tilespmem:$0x1FC00] =	vst v63  }
0x69: {  	_ =	swait.ge [sflag:s5], $0x100  }
0x6a: {  	[sflag:s5] =	ssyncset.done $0x0  }
0x6b: {  	[sflag:s5] =	ssyncadd.s32 $0xFFFFFF00  }
0x6c: {  	[tilespmem:s17], [sflag:$0x3] =	stream.indirect.gather [hbm4b:s6+s7], $0x80, s18, s7, $0xb8;
	[tilespmem:$0x1FC00] =	vst v63  }
0x6d: {  	_ =	swait.ge [sflag:s19], $0x4000  }
0x6e: {  	[sflag:s19] =	ssyncset.done $0x0  }
0x6f: {  	[sflag:s19] =	ssyncadd.s32 $0xFFFFC000  }
0x70: {  	[spmem:s2] =	stream.indirect.scatter.add.f32 [tilespmem:s13], [sflag:$0x4], $0x80, s4, s7, $0xb8;
	[tilespmem:$0x1FC00] =	vst v63  }
0x71: {  	_ =	swait.ge [sflag:s5], $0x4000  }
0x72: {  	[sflag:s5] =	ssyncset.done $0x0  }
0x73: {  	s30 =	sadd.s32 $0x13E0, s24;
	[sflag:s5] =	ssyncadd.s32 $0xFFFFC000  }
0x74: {  	[tilespmem:s4], [sflag:$0x4] =	stream.linear.gather [hbm4b:s30+s4], $0x100, $0x38;
	[tilespmem:$0x1FC00] =	vst v63  }
0x75: {  	_ =	swait.ge [sflag:s5], $0x100  }
0x76: {  	[sflag:s5] =	ssyncset.done $0x0  }
0x77: {  	[sflag:s5] =	ssyncadd.s32 $0xFFFFFF00  }
0x78: {  	[tilespmem:s13], [sflag:$0x1] =	stream.indirect.gather [hbm4b:s6+s7], $0x80, s7, s7, $0xb8;
	[tilespmem:$0x1FC00] =	vst v63  }
0x79: {  	_ =	swait.ge [sflag:s20], $0x4000  }
0x7a: {  	[sflag:s20] =	ssyncset.done $0x0  }
0x7b: {  	[sflag:s20] =	ssyncadd.s32 $0xFFFFC000  }
0x7c: {  	[spmem:s2] =	stream.indirect.scatter.add.f32 [tilespmem:s10], [sflag:$0x4], $0x80, s8, s7, $0xb8;
	[tilespmem:$0x1FC00] =	vst v63  }
0x7d: {  	_ =	swait.ge [sflag:s5], $0x4000  }
0x7e: {  	[sflag:s5] =	ssyncset.done $0x0  }
0x7f: {  	s31 =	sadd.s32 $0x1400, s24;
	[sflag:s5] =	ssyncadd.s32 $0xFFFFC000  }
0x80: {  	[tilespmem:s8], [sflag:$0x4] =	stream.linear.gather [hbm4b:s31+s4], $0x100, $0x38;
	[tilespmem:$0x1FC00] =	vst v63  }
0x81: {  	_ =	swait.ge [sflag:s5], $0x100  }
0x82: {  	[sflag:s5] =	ssyncset.done $0x0  }
0x83: {  	[sflag:s5] =	ssyncadd.s32 $0xFFFFFF00  }
0x84: {  	[tilespmem:s10], [sflag:$0x2] =	stream.indirect.gather [hbm4b:s6+s7], $0x80, s9, s7, $0xb8;
	[tilespmem:$0x1FC00] =	vst v63  }
0x85: {  	_ =	swait.ge [sflag:s23], $0x4000  }
0x86: {  	[sflag:s23] =	ssyncset.done $0x0  }
0x87: {  	[sflag:s23] =	ssyncadd.s32 $0xFFFFC000  }
0x88: {  	[spmem:s2] =	stream.indirect.scatter.add.f32 [tilespmem:s17], [sflag:$0x4], $0x80, s12, s7, $0xb8;
	[tilespmem:$0x1FC00] =	vst v63  }
0x89: {  	_ =	swait.ge [sflag:s5], $0x4000  }
0x8a: {  	s18 =	simm.s32 $0x0;
	[sflag:s5] =	ssyncset.done $0x0  }
0x8b: {  	s19 =	simm.s32 $0x200;
	s20 =	simm.s32 $0x4;
	[sflag:s5] =	ssyncadd.s32 $0xFFFFC000  }
0x8c: {  	[tilespmem:s19], [sflag:$0x4] =	stream.linear.gather [hbm4b:s22+s18], $0x100, $0x38;
	[tilespmem:$0x1FC00] =	vst v63  }
0x8d: {  	_ =	swait.ge [sflag:s20], $0x100  }
0x8e: {  	s24 =	simm.s32 $0x1;
	s21 =	simm.s32 $0x80;
	[sflag:s20] =	ssyncset.done $0x0  }
0x8f: {  	s23 =	simm.s32 $0x8300;
	s22 =	simm.s32 $0x280;
	[sflag:s20] =	ssyncadd.s32 $0xFFFFFF00  }
0x90: {  	[tilespmem:s23], [sflag:$0x3] =	stream.indirect.gather [hbm4b:s6+s21], $0x80, s22, s21, $0xb8;
	[tilespmem:$0x1FC00] =	vst v63  }
0x91: {  	_ =	swait.ge [sflag:s24], $0x4000  }
0x92: {  	[sflag:s24] =	ssyncset.done $0x0  }
0x93: {  	s25 =	simm.s32 $0x300;
	[sflag:s24] =	ssyncadd.s32 $0xFFFFC000  }
0x94: {  	[spmem:s2] =	stream.indirect.scatter.add.f32 [tilespmem:s25], [sflag:$0x4], $0x80, s18, s21, $0xb8;
	[tilespmem:$0x1FC00] =	vst v63  }
0x95: {  	_ =	swait.ge [sflag:s20], $0x4000  }
0x96: {  	[sflag:s20] =	ssyncset.done $0x0  }
0x97: {  	s26 =	simm.s32 $0x2;
	[sflag:s20] =	ssyncadd.s32 $0xFFFFC000  }
0x98: {  	_ =	swait.ge [sflag:s26], $0x4000  }
0x99: {  	[sflag:s26] =	ssyncset.done $0x0  }
0x9a: {  	s28 =	simm.s32 $0x100;
	s29 =	simm.s32 $0x4300;
	[sflag:s26] =	ssyncadd.s32 $0xFFFFC000  }
0x9b: {  	[spmem:s2] =	stream.indirect.scatter.add.f32 [tilespmem:s29], [sflag:$0x4], $0x80, s28, s21, $0xb8;
	[tilespmem:$0x1FC00] =	vst v63  }
0x9c: {  	_ =	swait.ge [sflag:s20], $0x4000  }
0x9d: {  	[sflag:s20] =	ssyncset.done $0x0  }
0x9e: {  	s30 =	simm.s32 $0x3;
	[sflag:s20] =	ssyncadd.s32 $0xFFFFC000  }
0x9f: {  	_ =	swait.ge [sflag:s30], $0x4000  }
0xa0: {  	[sflag:s30] =	ssyncset.done $0x0  }
0xa1: {  	[sflag:s30] =	ssyncadd.s32 $0xFFFFC000  }
0xa2: {  	[spmem:s2] =	stream.indirect.scatter.add.f32 [tilespmem:s23], [sflag:$0x4], $0x80, s19, s21, $0xb8;
	[tilespmem:$0x1FC00] =	vst v63  }
0xa3: {  	_ =	swait.ge [sflag:s20], $0x4000  }
0xa4: {  	[sflag:s20] =	ssyncset.done $0x0  }
0xa5: {  	[sflag:s20] =	ssyncadd.s32 $0xFFFFC000  }
0xa6: {  	s31 =	sshrl.u32 s16, $0x3;
	[bflag:$0x0] =	sbarrier.arrive $0xFFFF  }
0xa7: {  	[hbm:s14], [sflag:s3] =	dma.local [spmem:s31], $0x2700  }
0xa8: {  	_ =	swait.ge [sflag:s20], $0x2700  }
0xa9: {  	p0 =	sne.s32 s1, $0xF;
	[sflag:s20] =	ssyncset.done $0x0  }
0xaa: {  	s2 =	sshrl.u32 @!p0 s15, $0x3;
	[sflag:s20] =	ssyncadd.s32 $0xFFFFD900  }
0xab: {  	[hbm:s11], [sflag:s3] =	dma.local @!p0 [spmem:s2], $0x100  }
0xac: {  	s2 =	simm.s32 @!p0 $0x4  }
0xad: {  	_ =	swait.ge @!p0 [sflag:s2], $0x100  }
0xae: {  	[sflag:s2] =	ssyncset.done @!p0 $0x0  }
0xaf: {  	[sflag:s2] =	ssyncadd.s32 @!p0 $0xFFFFFF00  }
.LBB2_4:
0xb0: {  	_ =	sfence.sel $0x180000  }
0xb1: {  	[bflag:$0x0] =	sbarrier.arrive $0xFFFF  }
0xb2: {  	p0 =	sne.s32 s1, $0x0;
	_ =	strace $0x90000050  }
0xb3: {  	s0 =	sadd.s32 @!p0 $0x100000, s0;
	[bflag:$0x2] =	sbarrier.arrive $0xFFFF  }
0xb4: {  	[sflag:s0] =	ssyncadd.tile.s32 @!p0 $0x1;
	_ =	shalt  }
.Lfunc_end2:
_tile_overlayer_lowered:
.L_overlay_start_2:
0xb5: {  	(tag) =	ssettag $0x2  }
0xb6: {  	s0 =	rddreg [dreg:$0x0];
	s2 =	stileid.u32  }
0xb7: {  	s1 =	rddreg [dreg:$0x1];
	p0 =	sne.s32 s2, $0x0  }
0xb8: {  	s3 =	rddreg [dreg:$0x2];
	[bflag:$0x3] =	sbarrier.arrive $0xFFFF;
	s2 =	simm.s32 @!p0 $0x1C04  }
0xb9: {  	[timem:s3], [sflag:s2] =	dma.local @!p0 [hbm:s0], s1  }
0xba: {  	s0 =	simm.s32 @!p0 $0x4  }
0xbb: {  	_ =	swait.ge @!p0 [sflag:s0], s1  }
0xbc: {  	s1 =	ssub.s32 @!p0 $0x0, s1;
	[sflag:s0] =	ssyncset.done @!p0 $0x0  }
0xbd: {  	[sflag:s0] =	ssyncadd.s32 @!p0 s1  }
0xbe: {  	[bflag:$0x3] =	sbarrier.arrive $0xFFFF  }
0xbf: {  	_ =	shalt  }

// kernel: kernel.22.cloned.1.call-start
scs
__scs_entry_jumppad:
0x0: {  	(pc) =	sbr.rel $0x88, $3  }
0x1: {  	(tag) =	ssettag $0x0;
	lr =	simm.s32 $0x1  }
0x2: {  	[smem:$0x3F9A] =	sst lr;
	_ =	strace $0xD0000000  }
0x3: {  	_ = 	snop  }
0x4: {  	_ = 	snop  }
0x5: {  	_ = 	snop  }
0x6: {  	_ = 	snop  }
0x7: {  	_ = 	snop  }
__scs_overlays_trampoline_lowered:
0x8: {  	[smem:$0x3FA9] =	sst s0  }
0x9: {  	[smem:$0x3FAA] =	sst s1  }
0xa: {  	[smem:$0x3FAB] =	sst s2  }
0xb: {  	[smem:$0x3FAC] =	sst s3  }
0xc: {  	[smem:$0x3FAD] =	sst s4  }
0xd: {  	[smem:$0x3FAE] =	sst s5  }
0xe: {  	[smem:$0x3FAF] =	sst s6  }
0xf: {  	[smem:$0x3FB0] =	sst s7  }
0x10: {  	[smem:$0x3FB1] =	sst s8  }
0x11: {  	[smem:$0x3FB2] =	sst s9;
	s0 =	simm.s32 @!p0 $0x0  }
0x12: {  	s1 =	sld [smem:$0x3F98];
	s0 =	simm.s32 @p0 $0x1  }
0x13: {  	[smem:$0x3FB3] =	sst s0;
	s0 =	simm.s32 @!p1 $0x0  }
0x14: {  	s2 =	sld [smem:$0x3F97];
	s0 =	simm.s32 @p1 $0x1  }
0x15: {  	[smem:$0x3FB4] =	sst s0;
	s0 =	simm.s32 @!p2 $0x0  }
0x16: {  	s3 =	sld [smem:$0x3FDB];
	s0 =	simm.s32 @p2 $0x1  }
0x17: {  	s4 =	simm.s32 $0x1BF5;
	[smem:$0x3FB6] =	sst s0  }
0x18: {  	s0 =	sld [smem:$0x3F99];
	_ =	swait.ge [sflag:s4], $0x0  }
0x19: {  	s7 =	sld [smem:$0x3F9A]  }
0x1a: {  	s8 =	sadd.s32 $0xFFFFE003, lr  }
0x1b: {  	s9 =	sadd.s32 $0xFFFFFEF7, lr;
	s5 =	simm.s32 $0xFFFFFFFF;
	p2 =	slt.u32 s8, $0xFFFFF086  }
0x1c: {  	p1 =	slt.u32 s9, $0xF7A;
	s5 =	simm.s32 @!p2 $0x0  }
0x1d: {  	s5 =	simm.s32 @p1 $0x1;
	p0 =	seq.s32 s7, s2  }
0x1e: {  	s7 =	smul.u32 @!p0 $0xF7A, s2;
	p2 =	seq.s32 @!p0 s5, $0x0  }
0x1f: {  	s9 =	smul.u32 $0xF7A, s1;
	s8 =	simm.s32 @!p0 $0x1BF5;
	p2 =	por !p2, p0  }
0x20: {  	[sflag:s8] =	ssyncset.s32 @!p0 $0xFFFFF086;
	s6 =	sadd.s32 @!p0 s3, s7;
	s7 =	simm.s32 @!p0 $0x108  }
0x21: {  	s3 =	sadd.s32 s3, s9;
	s6 =	sadd.s32 @!p0 $0x88, s6;
	s7 =	simm.s32 @p2 $0x1082  }
0x22: {  	[simem:s7], [sflag:s8] =	dma.local @!p0 [hbm:s6], $0xF7A  }
0x23: {  	s9 =	sor.u32 $0xD0000000, s2;
	s6 =	simm.s32 $0x108;
	_ =	swait.ge @!p0 [sflag:s8], $0x0  }
0x24: {  	s3 =	sadd.s32 $0x88, s3;
	s6 =	simm.s32 @!p1 $0x1082;
	[sflag:s4] =	ssyncset.s32 $0xFFFFF086  }
0x25: {  	[simem:s6], [sflag:s4] =	dma.local [hbm:s3], $0xF7A  }
0x26: {  	[smem:$0x3F9A] =	sst s1;
	(tag) =	ssettag s2;
	_ =	strace s9  }
0x27: {  	s1 =	sld [smem:$0x3FAA]  }
0x28: {  	s2 =	sld [smem:$0x3FAB]  }
0x29: {  	s4 =	sld [smem:$0x3FAD]  }
0x2a: {  	p0 =	seq.s32 s5, $0x0;
	s5 =	sld [smem:$0x3FAE]  }
0x2b: {  	s6 =	sld [smem:$0x3FAF]  }
0x2c: {  	s7 =	sld [smem:$0x3FB0]  }
0x2d: {  	s3 =	simm.s32 $0x108;
	s8 =	sld [smem:$0x3FB1]  }
0x2e: {  	s3 =	simm.s32 @!p0 $0x1082;
	s9 =	sld [smem:$0x3FB2]  }
0x2f: {  	lr =	sadd.s32 s0, s3;
	s0 =	sld [smem:$0x3FA9]  }
0x30: {  	s3 =	sld [smem:$0x3FAC]  }
0x31: {  	[smem:$0x3FB5] =	sst s10  }
0x32: {  	s10 =	sld [smem:$0x3FB3];
	_ =	sdelay $0x3  }
0x33: {  	p0 =	seq.s32 s10, $0x1;
	s10 =	sld [smem:$0x3FB5];
	_ =	sdelay $0x3  }
0x34: {  	[smem:$0x3FB5] =	sst s10  }
0x35: {  	s10 =	sld [smem:$0x3FB4];
	_ =	sdelay $0x3  }
0x36: {  	p1 =	seq.s32 s10, $0x1;
	s10 =	sld [smem:$0x3FB5];
	_ =	sdelay $0x3  }
0x37: {  	[smem:$0x3FB5] =	sst s10  }
0x38: {  	s10 =	sld [smem:$0x3FB6]  }
0x39: {  	_ = 	snop;
	(pc) =	sbr.ind lr, $3  }
0x3a: {  	_ = 	snop  }
0x3b: {  	_ = 	snop  }
0x3c: {  	p2 =	seq.s32 s10, $0x1;
	s10 =	sld [smem:$0x3FB5]  }
0x3d: {  	_ =	shalt  }
0x3e: {  	_ =	shalt  }
0x3f: {  	_ =	shalt  }
0x40: {  	_ =	shalt  }
0x41: {  	_ =	shalt  }
0x42: {  	_ =	shalt  }
0x43: {  	_ =	shalt  }
0x44: {  	_ =	shalt  }
0x45: {  	_ =	shalt  }
0x46: {  	_ =	shalt  }
0x47: {  	_ =	shalt  }
0x48: {  	_ =	shalt  }
0x49: {  	_ =	shalt  }
0x4a: {  	_ =	shalt  }
0x4b: {  	_ =	shalt  }
0x4c: {  	_ =	shalt  }
0x4d: {  	_ =	shalt  }
0x4e: {  	_ =	shalt  }
0x4f: {  	_ =	shalt  }
0x50: {  	_ =	shalt  }
0x51: {  	_ =	shalt  }
0x52: {  	_ =	shalt  }
0x53: {  	_ =	shalt  }
0x54: {  	_ =	shalt  }
0x55: {  	_ =	shalt  }
0x56: {  	_ =	shalt  }
0x57: {  	_ =	shalt  }
0x58: {  	_ =	shalt  }
0x59: {  	_ =	shalt  }
0x5a: {  	_ =	shalt  }
0x5b: {  	_ =	shalt  }
0x5c: {  	_ =	shalt  }
0x5d: {  	_ =	shalt  }
0x5e: {  	_ =	shalt  }
0x5f: {  	_ =	shalt  }
0x60: {  	_ =	shalt  }
0x61: {  	_ =	shalt  }
0x62: {  	_ =	shalt  }
0x63: {  	_ =	shalt  }
0x64: {  	_ =	shalt  }
0x65: {  	_ =	shalt  }
0x66: {  	_ =	shalt  }
0x67: {  	_ =	shalt  }
0x68: {  	_ =	shalt  }
0x69: {  	_ =	shalt  }
0x6a: {  	_ =	shalt  }
0x6b: {  	_ =	shalt  }
0x6c: {  	_ =	shalt  }
0x6d: {  	_ =	shalt  }
0x6e: {  	_ =	shalt  }
0x6f: {  	_ =	shalt  }
0x70: {  	_ =	shalt  }
0x71: {  	_ =	shalt  }
0x72: {  	_ =	shalt  }
0x73: {  	_ =	shalt  }
0x74: {  	_ =	shalt  }
0x75: {  	_ =	shalt  }
0x76: {  	_ =	shalt  }
0x77: {  	_ =	shalt  }
0x78: {  	_ =	shalt  }
0x79: {  	_ =	shalt  }
0x7a: {  	_ =	shalt  }
0x7b: {  	_ =	shalt  }
0x7c: {  	_ =	shalt  }
0x7d: {  	_ =	shalt  }
0x7e: {  	_ =	shalt  }
0x7f: {  	_ =	shalt  }
0x80: {  	_ =	shalt  }
0x81: {  	_ =	shalt  }
0x82: {  	_ =	shalt  }
0x83: {  	_ =	shalt  }
0x84: {  	_ =	shalt  }
0x85: {  	_ =	shalt  }
0x86: {  	_ =	shalt  }
0x87: {  	_ =	shalt  }
.Lfunc_end0:
.L_simem_size_0:
called_computation.4_lowered:
.L_overlay_start_0:
0x88: {  	s2 =	sld [smem:$0x3FD9]  }
0x89: {  	s3 =	sld [smem:$0x3FFE];
	_ =	sdelay $0x1  }
0x8a: {  	s1 =	srdreg.scid  }
0x8b: {  	s0 =	sand.u32 $0x1, s1  }
0x8c: {  	s17 =	sshll.u32 s0, $0xA;
	s2 =	sadd.s32 s3, s2  }
0x8d: {  	s2 =	sadd.s32 s2, s17  }
0x8e: {  	[smem:$0x3FC1] =	sst s2  }
0x8f: {  	_ = 	snop  }
0x90: {  	s18 =	sld [smem:$0x3FD0];
	(tm) =	ssettm $0x1  }
0x91: {  	s19 =	sld [smem:$0x3FFB];
	_ =	sdelay $0x3  }
0x92: {  	_ =	strace s19  }
0x93: {  	s2 =	sld [smem:$0x3FFC];
	_ =	sdelay $0x3  }
0x94: {  	_ =	strace s2  }
0x95: {  	s2 =	sld [smem:$0x3FFD];
	_ =	sdelay $0x3  }
0x96: {  	_ =	strace s2  }
0x97: {  	_ =	strace $0x8FFFFFFF  }
0x98: {  	s20 =	sld [smem:$0x3FDB];
	_ =	sdelay $0x1  }
0x99: {  	s4 =	simm.s32 $_scs_section_size  }
0x9a: {  	s5 =	simm.s32 $_size__tile_overlayer_lowered;
	s6 =	simm.s32 $_tile_overlayer_lowered  }
0x9b: {  	s7 =	simm.s32 $0x1BFF;
	s21 =	sshll.u32 s6, $0x1;
	s4 =	sadd.s32 s4, s20  }
0x9c: {  	s22 =	simm.s32 $0x0;
	s5 =	sshll.u32 s5, $0x1;
	s6 =	sadd.s32 s21, s4  }
0x9d: {  	[timem:s22], [sflag:s7] =	dma.local [hbm:s6], s5  }
0x9e: {  	_ =	swait.ge [sflag:s7], s5  }
0x9f: {  	s5 =	ssub.s32 $0x0, s5;
	[sflag:s7] =	ssyncset.done $0x0  }
0xa0: {  	[sflag:s7] =	ssyncadd.s32 s5;
	_ =	sdelay $0x1  }
0xa1: {  	s23 =	simm.s32 $0x1B8B  }
0xa2: {  	_ =	swait.ge [sflag:s23], $0x1  }
0xa3: {  	[sflag:s23] =	ssyncset.done $0x0  }
0xa4: {  	[sflag:s23] =	ssyncadd.s32 $0xFFFFFFFF  }
0xa5: {  	s5 =	sld [smem:$0x0]  }
0xa6: {  	s6 =	sand.u32 $0xFFFFFFFE, s1  }
0xa7: {  	p0 =	sne.s32 s1, s6  }
0xa8: {  	s6 =	sshll.u32 @p0 s6, $0xE  }
0xa9: {  	s6 =	sadd.s32 @p0 $0x11B8D, s6;
	s7 =	sshll.u32 @p0 s5, $0x11  }
0xaa: {  	s6 =	sor.u32 @p0 s7, s6  }
0xab: {  	[sflag:s6] =	ssyncadd.remote.s32 @p0 $0x1;
	_ =	sdelay $0x1  }
0xac: {  	s6 =	simm.s32 @p0 $0x1B8D  }
0xad: {  	_ =	swait.eq @p0 [sflag:s6], $0x1  }
0xae: {  	[sflag:s6] =	ssyncadd.s32 @p0 $0xFFFFFFFF  }
0xaf: {  	s7 =	sshll.u32 @!p0 s1, $0xE  }
0xb0: {  	s7 =	sor.u32 @!p0 $0x4000, s7;
	s6 =	simm.s32 @!p0 $0x1B8D  }
0xb1: {  	s5 =	sshll.u32 @!p0 s5, $0x11;
	s7 =	sadd.s32 @!p0 $0x11B8D, s7;
	_ =	swait.eq @!p0 [sflag:s6], $0x1  }
0xb2: {  	s5 =	sor.u32 @!p0 s5, s7;
	[sflag:s6] =	ssyncadd.s32 @!p0 $0xFFFFFFFF  }
0xb3: {  	s25 =	simm.s32 $0x1B8E;
	s24 =	sld [smem:$0x3FFE];
	[sflag:s5] =	ssyncadd.remote.s32 @!p0 $0x1  }
0xb4: {  	s26 =	simm.s32 $execute0_lowered;
	[smem:$0x3FD2] =	sst s25  }
0xb5: {  	s6 =	sshll.u32 s26, $0x1;
	_ =	strace $0x80000052;
	[dreg:$0x1] =	wrdreg $0xFFFFFFFF  }
0xb6: {  	s28 =	simm.s32 $_size_execute0_lowered;
	s4 =	sadd.s32 s4, s6;
	[dreg:$0x0] =	wrdreg $0x0  }
0xb7: {  	s6 =	sshll.u32 s28, $0x1;
	[dreg:$0x2] =	wrdreg s4  }
0xb8: {  	[dreg:$0x3] =	wrdreg s6  }
0xb9: {  	[dreg:$0x4] =	wrdreg $0xC0  }
0xba: {  	_ =	task [dreg:s22], $0x5FFFF  }
0xbb: {  	[dreg:$0x1] =	wrdreg $0xFFFFFFFF  }
0xbc: {  	[dreg:$0x0] =	wrdreg $0x60  }
0xbd: {  	[dreg:$0x2] =	wrdreg s24  }
0xbe: {  	[dreg:$0x3] =	wrdreg s18  }
0xbf: {  	[dreg:$0x4] =	wrdreg $0xC3000  }
0xc0: {  	[dreg:$0x5] =	wrdreg $0xA  }
0xc1: {  	_ =	task.clear_ibuf [dreg:s22], $0x6FFFF;
	_ =	strace $0x90000052  }
0xc2: {  	s29 =	simm.s32 $0xA;
	_ =	strace $0x80000054  }
0xc3: {  	_ =	swait.ge [sflag:s29], $0x1  }
0xc4: {  	[sflag:s29] =	ssyncadd.s32 $0xFFFFFFFF  }
0xc5: {  	_ =	strace $0x90000054  }
0xc6: {  	_ =	sfence  }
0xc7: {  	s30 =	sld [smem:$0x0];
	_ =	sdelay $0x2  }
0xc8: {  	s31 =	sshll.u32 s1, $0xD;
	s1 =	sshrl.u32 s1, $0x2  }
0xc9: {  	s4 =	sand.u32 $0x4000, s31;
	s1 =	sadd.s32 s1, s30  }
0xca: {  	s0 =	sor.u32 s4, s0;
	s1 =	sshll.u32 s1, $0x11  }
0xcb: {  	s0 =	sor.u32 s1, s0  }
0xcc: {  	s0 =	sadd.s32 $0x8F2B, s0  }
0xcd: {  	[sflag:s0] =	ssyncadd.remote.s32 $0x1  }
0xce: {  	_ =	sfence.sel $0xFFFF  }
0xcf: {  	[dreg:$0x0] =	wrdreg $0xFFFFFFFF;
	(pc) =	sbr.abs _section_cstart, $3  }
0xd0: {  	[dreg:$0x1] =	wrdreg $0xFFFFFFFF  }
0xd1: {  	_ =	task.clear_ibuf [dreg:s22], $0x2FFFF;
	_ =	strace $0x9FFFFFFF  }
0xd2: {  	(tm) =	ssettm $0x7FFFFFFF  }
0xd3: {  	_ =	shalt  }
tec
execute0_lowered:
.L_overlay_start_1:
0x0: {  	(tag) =	ssettag $0x1  }
0x1: {  	s0 =	rddreg [dreg:$0x0]  }
0x2: {  	s2 =	rddreg [dreg:$0x2];
	s3 =	simm.s32 $0x0;
	s6 =	srdreg.scid  }
0x3: {  	s1 =	stileid.u32;
	s11 =	simm.s32 $0xE4;
	s28 =	simm.s32 $0x1  }
0x4: {  	s29 =	simm.s32 $0x2;
	s30 =	simm.s32 $0x3;
	s7 =	smul.u32 $0x57, s1  }
0x5: {  	s31 =	simm.s32 $0x0;
	[smem:$0x7FF] =	sst s3;
	s10 =	smul.u32 $0xE4, s1  }
0x6: {  	s4 =	sadd.s32 $0x151600, s0;
	s5 =	sadd.s32 $0x103000, s0;
	s12 =	smul.u32 $0x4E400, s1  }
0x7: {  	s8 =	sand.u32 $0x1, s6;
	s0 =	sadd.s32 $0x178C00, s0;
	s15 =	smul.u32 $0x2700, s1  }
0x8: {  	s18 =	sshll.u32 s1, $0x6;
	s16 =	smul.u32 $0x4E000, s1;
	_ =	strace $0x80000053  }
0x9: {  	s6 =	ssub.s32 $0x2, s8;
	p0 =	seq.s32 s8, $0x0;
	s20 =	smul.u32 $0x27100, s8  }
0xa: {  	s23 =	smul.u32 $0x138800, s8;
	s9 =	sshrl.u32 s6, $0x1;
	s7 =	sadd.s32 $0xE40, s7  }
0xb: {  	s11 =	simm.s32 @!p0 $0x57;
	s17 =	sshrl.u32 s12, $0x2;
	s26 =	sshrl.u32 s16, $0x2  }
0xc: {  	s16 =	simm.s32 $0x4;
	s13 =	ssub.s32 s6, s9;
	s7 =	smov.u32 @p0 s10  }
0xd: {  	s19 =	smul.u32 $0xAB, s11;
	s14 =	sadd.s32 s17, s2;
	s6 =	sor.u32 $0x1C04, s18  }
0xe: {  	s24 =	sshrl.u32 s23, $0x3;
	s25 =	sadd.s32 s15, s20;
	s18 =	simm.s32 $0x300  }
0xf: {  	s20 =	simm.s32 $0x180;
	s23 =	simm.s32 $0x280;
	p0 =	sne.s32 s1, $0xF  }
0x10: {  	s21 =	sshll.u32 s7, $0x5;
	s11 =	sadd.s32 s7, s11;
	s10 =	sadd.s32 s0, s25  }
0x11: {  	s12 =	smax.u32 s13, $0x1;
	s15 =	sshrl.u32 s14, $0x3;
	s7 =	sadd.s32 s4, s21  }
0x12: {  	s22 =	sshll.u32 s11, $0x5;
	s17 =	sshrl.u32 s19, $0x9;
	s19 =	simm.s32 $0x100  }
0x13: {  	s21 =	simm.s32 $0x4300;
	s8 =	sadd.s32 $0x20, s7;
	s4 =	sadd.s32 s4, s22  }
0x14: {  	s13 =	sadd.s32 $0xFFFFFFFF, s17;
	s17 =	simm.s32 $0x80;
	s22 =	simm.s32 $0x200  }
0x15: {  	s9 =	sadd.s32 $0xFFFFFFE0, s4;
	s4 =	sadd.s32 s0, s24;
	s24 =	sadd.s32 s26, s2  }
0x16: {  	s0 =	sadd.s32 $0x80, s7;
	s11 =	sadd.s32 $0x27000, s4;
	s4 =	sadd.s32 $0x138000, s2  }
0x17: {  	s26 =	simm.s32 $0x8300;
	s24 =	sshrl.u32 s24, $0x3;
	s25 =	sshrl.u32 @!p0 s4, $0x3  }
.LBB2_1:
0x18: {  	s1 =	rddreg [dreg:$0x1]  }
0x19: {  	[spmem:s15], [sflag:s6] =	dma.local [hbm:s1], $0x2720  }
0x1a: {  	_ =	swait.ge [sflag:s16], $0x2720  }
0x1b: {  	[sflag:s16] =	ssyncset.done $0x0  }
0x1c: {  	[sflag:s16] =	ssyncadd.s32 $0xFFFFD8E0  }
0x1d: {  	[bflag:$0x0] =	sbarrier.arrive $0xFFFF  }
0x1e: {  	[tilespmem:s3], [sflag:$0x4] =	stream.linear.gather [hbm4b:s7+s3], $0x100, $0x38;
	[tilespmem:$0x1FC00] =	vst v63  }
0x1f: {  	_ =	swait.ge [sflag:s16], $0x100  }
0x20: {  	[sflag:s16] =	ssyncset.done $0x0  }
0x21: {  	[sflag:s16] =	ssyncadd.s32 $0xFFFFFF00  }
0x22: {  	[tilespmem:s18], [sflag:$0x1] =	stream.indirect.gather [hbm4b:s5+s17], $0x80, s17, s17, $0xb8;
	[tilespmem:$0x1FC00] =	vst v63  }
0x23: {  	p2 =	sne.s32 s13, $0x1  }
0x24: {  	[tilespmem:s19], [sflag:$0x4] =	stream.linear.gather [hbm4b:s8+s3], $0x100, $0x38;
	[tilespmem:$0x1FC00] =	vst v63  }
.Ltmp0:
0x25: {  	_ = 	snop;
	(pc) =	sbr.rel @!p2 .LBB2_4-.Ltmp0, $4  }
0x26: {  	_ =	swait.ge [sflag:s16], $0x100  }
0x27: {  	s4 =	sadd.s32 $0xFFFFFFFF, s13;
	[sflag:s16] =	ssyncset.done $0x0  }
0x28: {  	p1 =	por $0x0, $0x0;
	s14 =	smov.u32 s0;
	[sflag:s16] =	ssyncadd.s32 $0xFFFFFF00  }
0x29: {  	[tilespmem:s21], [sflag:$0x2] =	stream.indirect.gather [hbm4b:s5+s17], $0x80, s20, s17, $0xb8;
	[tilespmem:$0x1FC00] =	vst v63  }
0x2a: {  	s14 =	sadd.s32 $0xFFFFFFC0, s0  }
0x2b: {  	[tilespmem:s22], [sflag:$0x4] =	stream.linear.gather [hbm4b:s14+s3], $0x100, $0x38;
	[tilespmem:$0x1FC00] =	vst v63  }
0x2c: {  	_ =	swait.ge [sflag:s16], $0x100  }
0x2d: {  	[sflag:s16] =	ssyncset.done $0x0  }
0x2e: {  	[sflag:s16] =	ssyncadd.s32 $0xFFFFFF00  }
0x2f: {  	[tilespmem:s26], [sflag:$0x3] =	stream.indirect.gather [hbm4b:s5+s17], $0x80, s23, s17, $0xb8;
	[tilespmem:$0x1FC00] =	vst v63  }
0x30: {  	_ =	swait.ge [sflag:s28], $0x4000  }
0x31: {  	[sflag:s28] =	ssyncset.done $0x0  }
0x32: {  	[sflag:s28] =	ssyncadd.s32 $0xFFFFC000  }
0x33: {  	[spmem:s2] =	stream.indirect.scatter.add.f32 [tilespmem:s18], [sflag:$0x4], $0x80, s3, s17, $0xb8;
	[tilespmem:$0x1FC00] =	vst v63  }
0x34: {  	_ =	swait.ge [sflag:s16], $0x4000  }
0x35: {  	[sflag:s16] =	ssyncset.done $0x0  }
0x36: {  	s1 =	sadd.s32 $0xFFFFFFE0, s0;
	[sflag:s16] =	ssyncadd.s32 $0xFFFFC000  }
0x37: {  	[tilespmem:s3], [sflag:$0x4] =	stream.linear.gather [hbm4b:s1+s3], $0x100, $0x38;
	[tilespmem:$0x1FC00] =	vst v63  }
0x38: {  	_ =	swait.ge [sflag:s16], $0x100  }
0x39: {  	[sflag:s16] =	ssyncset.done $0x0  }
0x3a: {  	[sflag:s16] =	ssyncadd.s32 $0xFFFFFF00  }
0x3b: {  	[tilespmem:s18], [sflag:$0x1] =	stream.indirect.gather [hbm4b:s5+s17], $0x80, s17, s17, $0xb8;
	[tilespmem:$0x1FC00] =	vst v63  }
0x3c: {  	_ =	swait.ge [sflag:s29], $0x4000  }
0x3d: {  	[sflag:s29] =	ssyncset.done $0x0  }
0x3e: {  	[sflag:s29] =	ssyncadd.s32 $0xFFFFC000  }
0x3f: {  	[spmem:s2] =	stream.indirect.scatter.add.f32 [tilespmem:s21], [sflag:$0x4], $0x80, s19, s17, $0xb8;
	[tilespmem:$0x1FC00] =	vst v63  }
0x40: {  	_ =	swait.ge [sflag:s16], $0x4000  }
0x41: {  	[sflag:s16] =	ssyncset.done $0x0  }
0x42: {  	[sflag:s16] =	ssyncadd.s32 $0xFFFFC000  }
0x43: {  	[tilespmem:s19], [sflag:$0x4] =	stream.linear.gather [hbm4b:s0+s3], $0x100, $0x38;
	[tilespmem:$0x1FC00] =	vst v63  }
0x44: {  	_ =	swait.ge [sflag:s16], $0x100  }
0x45: {  	[sflag:s16] =	ssyncset.done $0x0  }
0x46: {  	[sflag:s16] =	ssyncadd.s32 $0xFFFFFF00  }
0x47: {  	[tilespmem:s21], [sflag:$0x2] =	stream.indirect.gather [hbm4b:s5+s17], $0x80, s20, s17, $0xb8;
	[tilespmem:$0x1FC00] =	vst v63  }
0x48: {  	p2 =	sne.s32 s4, $0x1;
	_ =	swait.ge [sflag:s30], $0x4000  }
.Ltmp1:
0x49: {  	[sflag:s30] =	ssyncset.done $0x0;
	(pc) =	sbr.rel @!p2 .LBB2_4-.Ltmp1, $4  }
0x4a: {  	[sflag:s30] =	ssyncadd.s32 $0xFFFFC000  }
0x4b: {  	[spmem:s2] =	stream.indirect.scatter.add.f32 [tilespmem:s26], [sflag:$0x4], $0x80, s22, s17, $0xb8;
	[tilespmem:$0x1FC00] =	vst v63  }
0x4c: {  	s4 =	sadd.s32 $0xFFFFFFFF, s4;
	_ =	swait.ge [sflag:s16], $0x4000  }
0x4d: {  	p1 =	por $0x1, $0x1;
	s14 =	sadd.s32 $0x60, s0;
	[sflag:s16] =	ssyncset.done $0x0  }
.LBB2_3:
0x4e: {  	p2 =	sne.s32 s4, $0x1;
	s1 =	sadd.s32 $0xFFFFFFC0, s14;
	[sflag:s16] =	ssyncadd.s32 $0xFFFFC000  }
0x4f: {  	[tilespmem:s22], [sflag:$0x4] =	stream.linear.gather [hbm4b:s1+s3], $0x100, $0x38;
	[tilespmem:$0x1FC00] =	vst v63  }
0x50: {  	s4 =	sadd.s32 $0xFFFFFFFF, s4;
	_ =	swait.ge [sflag:s16], $0x100  }
0x51: {  	[sflag:s16] =	ssyncset.done $0x0  }
0x52: {  	[sflag:s16] =	ssyncadd.s32 $0xFFFFFF00  }
0x53: {  	[tilespmem:s26], [sflag:$0x3] =	stream.indirect.gather [hbm4b:s5+s17], $0x80, s23, s17, $0xb8;
	[tilespmem:$0x1FC00] =	vst v63  }
0x54: {  	_ =	swait.ge [sflag:s28], $0x4000  }
0x55: {  	[sflag:s28] =	ssyncset.done $0x0  }
0x56: {  	[sflag:s28] =	ssyncadd.s32 $0xFFFFC000  }
0x57: {  	[spmem:s2] =	stream.indirect.scatter.add.f32 [tilespmem:s18], [sflag:$0x4], $0x80, s3, s17, $0xb8;
	[tilespmem:$0x1FC00] =	vst v63  }
0x58: {  	_ =	swait.ge [sflag:s16], $0x4000  }
0x59: {  	[sflag:s16] =	ssyncset.done $0x0  }
0x5a: {  	s1 =	sadd.s32 $0xFFFFFFE0, s14;
	[sflag:s16] =	ssyncadd.s32 $0xFFFFC000  }
0x5b: {  	[tilespmem:s3], [sflag:$0x4] =	stream.linear.gather [hbm4b:s1+s3], $0x100, $0x38;
	[tilespmem:$0x1FC00] =	vst v63  }
0x5c: {  	_ =	swait.ge [sflag:s16], $0x100  }
0x5d: {  	[sflag:s16] =	ssyncset.done $0x0  }
0x5e: {  	[sflag:s16] =	ssyncadd.s32 $0xFFFFFF00  }
0x5f: {  	[tilespmem:s18], [sflag:$0x1] =	stream.indirect.gather [hbm4b:s5+s17], $0x80, s17, s17, $0xb8;
	[tilespmem:$0x1FC00] =	vst v63  }
0x60: {  	_ =	swait.ge [sflag:s29], $0x4000  }
0x61: {  	[sflag:s29] =	ssyncset.done $0x0  }
0x62: {  	[sflag:s29] =	ssyncadd.s32 $0xFFFFC000  }
0x63: {  	[spmem:s2] =	stream.indirect.scatter.add.f32 [tilespmem:s21], [sflag:$0x4], $0x80, s19, s17, $0xb8;
	[tilespmem:$0x1FC00] =	vst v63  }
0x64: {  	_ =	swait.ge [sflag:s16], $0x4000  }
0x65: {  	[sflag:s16] =	ssyncset.done $0x0  }
0x66: {  	[sflag:s16] =	ssyncadd.s32 $0xFFFFC000  }
0x67: {  	[tilespmem:s19], [sflag:$0x4] =	stream.linear.gather [hbm4b:s14+s3], $0x100, $0x38;
	[tilespmem:$0x1FC00] =	vst v63  }
0x68: {  	_ =	swait.ge [sflag:s16], $0x100  }
0x69: {  	[sflag:s16] =	ssyncset.done $0x0  }
0x6a: {  	[sflag:s16] =	ssyncadd.s32 $0xFFFFFF00  }
0x6b: {  	[tilespmem:s21], [sflag:$0x2] =	stream.indirect.gather [hbm4b:s5+s17], $0x80, s20, s17, $0xb8;
	[tilespmem:$0x1FC00] =	vst v63  }
0x6c: {  	_ =	swait.ge [sflag:s30], $0x4000  }
.Ltmp2:
0x6d: {  	[sflag:s30] =	ssyncset.done $0x0;
	(pc) =	sbr.rel @p2 .LBB2_3-.Ltmp2, $4  }
0x6e: {  	[sflag:s30] =	ssyncadd.s32 $0xFFFFC000  }
0x6f: {  	[spmem:s2] =	stream.indirect.scatter.add.f32 [tilespmem:s26], [sflag:$0x4], $0x80, s22, s17, $0xb8;
	[tilespmem:$0x1FC00] =	vst v63  }
0x70: {  	_ =	swait.ge [sflag:s16], $0x4000  }
0x71: {  	s14 =	sadd.s32 $0x60, s14;
	[sflag:s16] =	ssyncset.done $0x0  }
.LBB2_4:
0x72: {  	s1 =	sadd.s32 $0xFFFFFFC0, s14;
	[sflag:s16] =	ssyncadd.s32 @p1 $0xFFFFC000  }
0x73: {  	[tilespmem:s22], [sflag:$0x4] =	stream.linear.gather [hbm4b:s1+s3], $0x100, $0x38;
	[tilespmem:$0x1FC00] =	vst v63  }
0x74: {  	_ =	swait.ge [sflag:s16], $0x100  }
0x75: {  	[sflag:s16] =	ssyncset.done $0x0  }
0x76: {  	[sflag:s16] =	ssyncadd.s32 $0xFFFFFF00  }
0x77: {  	[tilespmem:s26], [sflag:$0x3] =	stream.indirect.gather [hbm4b:s5+s17], $0x80, s23, s17, $0xb8;
	[tilespmem:$0x1FC00] =	vst v63  }
0x78: {  	_ =	swait.ge [sflag:s28], $0x4000  }
0x79: {  	[sflag:s28] =	ssyncset.done $0x0  }
0x7a: {  	[sflag:s28] =	ssyncadd.s32 $0xFFFFC000  }
0x7b: {  	[spmem:s2] =	stream.indirect.scatter.add.f32 [tilespmem:s18], [sflag:$0x4], $0x80, s3, s17, $0xb8;
	[tilespmem:$0x1FC00] =	vst v63  }
0x7c: {  	_ =	swait.ge [sflag:s16], $0x4000  }
0x7d: {  	[sflag:s16] =	ssyncset.done $0x0  }
0x7e: {  	s4 =	sadd.s32 $0xFFFFFFE0, s14;
	[sflag:s16] =	ssyncadd.s32 $0xFFFFC000  }
0x7f: {  	[tilespmem:s3], [sflag:$0x4] =	stream.linear.gather [hbm4b:s4+s3], $0x100, $0x38;
	[tilespmem:$0x1FC00] =	vst v63  }
0x80: {  	_ =	swait.ge [sflag:s16], $0x100  }
0x81: {  	[sflag:s16] =	ssyncset.done $0x0  }
0x82: {  	[sflag:s16] =	ssyncadd.s32 $0xFFFFFF00  }
0x83: {  	[tilespmem:s18], [sflag:$0x1] =	stream.indirect.gather [hbm4b:s5+s17], $0x80, s17, s17, $0xb8;
	[tilespmem:$0x1FC00] =	vst v63  }
0x84: {  	_ =	swait.ge [sflag:s29], $0x4000  }
0x85: {  	[sflag:s29] =	ssyncset.done $0x0  }
0x86: {  	[sflag:s29] =	ssyncadd.s32 $0xFFFFC000  }
0x87: {  	[spmem:s2] =	stream.indirect.scatter.add.f32 [tilespmem:s21], [sflag:$0x4], $0x80, s19, s17, $0xb8;
	[tilespmem:$0x1FC00] =	vst v63  }
0x88: {  	_ =	swait.ge [sflag:s16], $0x4000  }
0x89: {  	[sflag:s16] =	ssyncset.done $0x0  }
0x8a: {  	[sflag:s16] =	ssyncadd.s32 $0xFFFFC000  }
0x8b: {  	[tilespmem:s19], [sflag:$0x4] =	stream.linear.gather [hbm4b:s14+s3], $0x100, $0x38;
	[tilespmem:$0x1FC00] =	vst v63  }
0x8c: {  	_ =	swait.ge [sflag:s16], $0x100  }
0x8d: {  	[sflag:s16] =	ssyncset.done $0x0  }
0x8e: {  	[sflag:s16] =	ssyncadd.s32 $0xFFFFFF00  }
0x8f: {  	[tilespmem:s21], [sflag:$0x2] =	stream.indirect.gather [hbm4b:s5+s17], $0x80, s20, s17, $0xb8;
	[tilespmem:$0x1FC00] =	vst v63  }
0x90: {  	_ =	swait.ge [sflag:s30], $0x4000  }
0x91: {  	[sflag:s30] =	ssyncset.done $0x0  }
0x92: {  	[sflag:s30] =	ssyncadd.s32 $0xFFFFC000  }
0x93: {  	[spmem:s2] =	stream.indirect.scatter.add.f32 [tilespmem:s26], [sflag:$0x4], $0x80, s22, s17, $0xb8;
	[tilespmem:$0x1FC00] =	vst v63  }
0x94: {  	_ =	swait.ge [sflag:s16], $0x4000  }
0x95: {  	[sflag:s16] =	ssyncset.done $0x0  }
0x96: {  	[sflag:s16] =	ssyncadd.s32 $0xFFFFC000  }
0x97: {  	[tilespmem:s22], [sflag:$0x4] =	stream.linear.gather [hbm4b:s9+s3], $0x100, $0x38;
	[tilespmem:$0x1FC00] =	vst v63  }
0x98: {  	_ =	swait.ge [sflag:s16], $0x100  }
0x99: {  	[sflag:s16] =	ssyncset.done $0x0  }
0x9a: {  	[sflag:s16] =	ssyncadd.s32 $0xFFFFFF00  }
0x9b: {  	[tilespmem:s26], [sflag:$0x3] =	stream.indirect.gather [hbm4b:s5+s17], $0x80, s23, s17, $0xb8;
	[tilespmem:$0x1FC00] =	vst v63  }
0x9c: {  	_ =	swait.ge [sflag:s28], $0x4000  }
0x9d: {  	[sflag:s28] =	ssyncset.done $0x0  }
0x9e: {  	[sflag:s28] =	ssyncadd.s32 $0xFFFFC000  }
0x9f: {  	[spmem:s2] =	stream.indirect.scatter.add.f32 [tilespmem:s18], [sflag:$0x4], $0x80, s3, s17, $0xb8;
	[tilespmem:$0x1FC00] =	vst v63  }
0xa0: {  	_ =	swait.ge [sflag:s16], $0x4000  }
0xa1: {  	[sflag:s16] =	ssyncset.done $0x0  }
0xa2: {  	[sflag:s16] =	ssyncadd.s32 $0xFFFFC000  }
0xa3: {  	_ =	swait.ge [sflag:s29], $0x4000  }
0xa4: {  	[sflag:s29] =	ssyncset.done $0x0  }
0xa5: {  	[sflag:s29] =	ssyncadd.s32 $0xFFFFC000  }
0xa6: {  	[spmem:s2] =	stream.indirect.scatter.add.f32 [tilespmem:s21], [sflag:$0x4], $0x80, s19, s17, $0xb8;
	[tilespmem:$0x1FC00] =	vst v63  }
0xa7: {  	_ =	swait.ge [sflag:s16], $0x4000  }
0xa8: {  	[sflag:s16] =	ssyncset.done $0x0  }
0xa9: {  	[sflag:s16] =	ssyncadd.s32 $0xFFFFC000  }
0xaa: {  	_ =	swait.ge [sflag:s30], $0x4000  }
0xab: {  	[sflag:s30] =	ssyncset.done $0x0  }
0xac: {  	[sflag:s30] =	ssyncadd.s32 $0xFFFFC000  }
0xad: {  	[spmem:s2] =	stream.indirect.scatter.add.f32 [tilespmem:s26], [sflag:$0x4], $0x80, s22, s17, $0xb8;
	[tilespmem:$0x1FC00] =	vst v63  }
0xae: {  	_ =	swait.ge [sflag:s16], $0x4000  }
0xaf: {  	[sflag:s16] =	ssyncset.done $0x0  }
0xb0: {  	[sflag:s16] =	ssyncadd.s32 $0xFFFFC000  }
0xb1: {  	[bflag:$0x0] =	sbarrier.arrive $0xFFFF  }
0xb2: {  	[hbm:s10], [sflag:s6] =	dma.local [spmem:s24], $0x2700  }
0xb3: {  	s31 =	sadd.s32 $0x1, s31;
	_ =	swait.ge [sflag:s16], $0x2700  }
0xb4: {  	p1 =	sne.s32 s31, s12;
	[sflag:s16] =	ssyncset.done $0x0  }
.Ltmp3:
0xb5: {  	s1 =	simm.s32 @!p0 $0x4;
	[sflag:s16] =	ssyncadd.s32 $0xFFFFD900;
	(pc) =	sbr.rel @p1 .LBB2_1-.Ltmp3, $4  }
0xb6: {  	[hbm:s11], [sflag:s6] =	dma.local @!p0 [spmem:s25], $0x100  }
0xb7: {  	_ =	swait.ge @!p0 [sflag:s1], $0x100  }
0xb8: {  	[sflag:s1] =	ssyncset.done @!p0 $0x0  }
0xb9: {  	[sflag:s1] =	ssyncadd.s32 @!p0 $0xFFFFFF00  }
0xba: {  	_ =	sfence.sel $0x180000  }
0xbb: {  	[bflag:$0x0] =	sbarrier.arrive $0xFFFF  }
0xbc: {  	_ =	strace $0x90000053  }
0xbd: {  	s0 =	stileid.u32;
	[bflag:$0x2] =	sbarrier.arrive $0xFFFF  }
0xbe: {  	p0 =	sne.s32 s0, $0x0;
	s0 =	rddreg [dreg:$0x3]  }
0xbf: {  	s0 =	sadd.s32 @!p0 $0x100000, s0  }
0xc0: {  	[sflag:s0] =	ssyncadd.tile.s32 @!p0 $0x1;
	_ =	shalt  }
.Lfunc_end2:
_tile_overlayer_lowered:
.L_overlay_start_2:
0xc1: {  	(tag) =	ssettag $0x2  }
0xc2: {  	s0 =	rddreg [dreg:$0x0];
	s2 =	stileid.u32  }
0xc3: {  	s1 =	rddreg [dreg:$0x1];
	p0 =	sne.s32 s2, $0x0  }
0xc4: {  	s3 =	rddreg [dreg:$0x2];
	[bflag:$0x3] =	sbarrier.arrive $0xFFFF;
	s2 =	simm.s32 @!p0 $0x1C04  }
0xc5: {  	[timem:s3], [sflag:s2] =	dma.local @!p0 [hbm:s0], s1  }
0xc6: {  	s0 =	simm.s32 @!p0 $0x4  }
0xc7: {  	_ =	swait.ge @!p0 [sflag:s0], s1  }
0xc8: {  	s1 =	ssub.s32 @!p0 $0x0, s1;
	[sflag:s0] =	ssyncset.done @!p0 $0x0  }
0xc9: {  	[sflag:s0] =	ssyncadd.s32 @!p0 s1  }
0xca: {  	[bflag:$0x3] =	sbarrier.arrive $0xFFFF  }
0xcb: {  	_ =	shalt  }

</sc_bundles>
